<compile_context>
chip_gen: v7x
topology: tpu7x:2x2x1
jax: 0.10.2.dev20260603
libtpu: 0.0.44.dev20260713+nightly
codegen_flags: <defaults>
</compile_context>

<pallas_src>
import functools

import jax
import jax.numpy as jnp
import numpy as np
from jax import lax
from jax.experimental import pallas as pl
from jax.experimental.pallas import tpu as pltpu
from jax.experimental.pallas import tpu_sc as plsc

B, L = 16384, 50
JOBS, MACHINES, MAXOPS, D = 100000, 1000, 200, 64
N = B * L

NC, NS = 2, 16
NW = NC * NS
TPW = N // NW
T = 128
CHUNKS = TPW // T


def _project_job_table(job_table, W_proj):
    blk = 4000

    def body(jt, w, o):
        o[...] = jnp.dot(jt[...], w[0:D, :],
                         preferred_element_type=jnp.float32).astype(jnp.bfloat16)

    return pl.pallas_call(
        body,
        grid=(JOBS // blk,),
        in_specs=[
            pl.BlockSpec((blk, D), lambda i: (i, 0)),
            pl.BlockSpec((4 * D, D), lambda i: (0, 0)),
        ],
        out_specs=pl.BlockSpec((blk, D), lambda i: (i, 0)),
        out_shape=jax.ShapeDtypeStruct((JOBS, D), jnp.bfloat16),
    )(job_table, W_proj)


def _project_small_tables(machine_table, seq_table, W_perm, W_proj, W_time,
                          b_time, b_proj_perm):

    def body(mt, st, wp, w, wt, bt, bpp, pm_o, ps_o, v_o):
        c = jnp.dot(bt[...], wp[3 * D:4 * D, :],
                    preferred_element_type=jnp.float32) + bpp[...]
        pm_o[...] = (jnp.dot(mt[...], wp[D:2 * D, :],
                             preferred_element_type=jnp.float32)
                     + c).astype(jnp.bfloat16)
        ps_o[...] = jnp.dot(st[...], wp[2 * D:3 * D, :],
                            preferred_element_type=jnp.float32
                            ).astype(jnp.bfloat16)
        v_o[...] = jnp.dot(wt[...], w[3 * D:4 * D, :],
                           preferred_element_type=jnp.float32)

    return pl.pallas_call(
        body,
        out_shape=(
            jax.ShapeDtypeStruct((MACHINES, D), jnp.bfloat16),
            jax.ShapeDtypeStruct((MAXOPS, D), jnp.bfloat16),
            jax.ShapeDtypeStruct((1, D), jnp.float32),
        ),
    )(machine_table, seq_table, W_perm, W_proj, W_time,
      b_time.reshape(1, D), b_proj_perm.reshape(1, D))


def _sc_gather_combine(sidx, timef, pjob, pmach, pseq, vrow):
    mesh = plsc.VectorSubcoreMesh(core_axis_name="c", subcore_axis_name="s")
    GPW = TPW // 128
    NCHUNK = GPW // 2

    @functools.partial(
        pl.kernel,
        out_type=jax.ShapeDtypeStruct((N, D), jnp.float32),
        mesh=mesh,
        scratch_types=[
            pltpu.VMEM((3, 2, 128), jnp.int32),
            pltpu.VMEM((3, 2, 128), jnp.int32),
            pltpu.VMEM((2, 128), jnp.float32),
            pltpu.VMEM((2, 128), jnp.float32),
            pltpu.VMEM((256, D), jnp.bfloat16),
            pltpu.VMEM((256, D), jnp.bfloat16),
            pltpu.VMEM((256, D), jnp.bfloat16),
            pltpu.VMEM((256, D), jnp.bfloat16),
            pltpu.VMEM((256, D), jnp.bfloat16),
            pltpu.VMEM((256, D), jnp.bfloat16),
            pltpu.VMEM((256, D), jnp.float32),
            pltpu.VMEM((256, D), jnp.float32),
            pltpu.VMEM((D,), jnp.float32),
            pltpu.SemaphoreType.DMA,
            pltpu.SemaphoreType.DMA,
            pltpu.SemaphoreType.DMA,
            pltpu.SemaphoreType.DMA,
            pltpu.SemaphoreType.DMA,
            pltpu.SemaphoreType.DMA,
            pltpu.SemaphoreType.DMA,
            pltpu.SemaphoreType.DMA,
        ],
        compiler_params=pltpu.CompilerParams(use_tc_tiling_on_sc=False,
                                             needs_layout_passes=False),
    )
    def k(sidx_h, timef_h, pjob_h, pmach_h, pseq_h, vrow_h, out_h,
          idx0, idx1, tb0, tb1, bufj0, bufj1, bufm0, bufm1, bufs0, bufs1,
          ob0, ob1, vbuf, sem0, sem1, semo0, semo1, semi0, semi1, semt0, semt1):
        wid = lax.axis_index("s") * NC + lax.axis_index("c")
        pltpu.sync_copy(vrow_h, vbuf)
        vregs = [vbuf[pl.ds(r * 16, 16)] for r in range(D // 16)]
        idx = (idx0, idx1)
        tbuf = (tb0, tb1)
        bufj = (bufj0, bufj1)
        bufm = (bufm0, bufm1)
        bufs = (bufs0, bufs1)
        outb = (ob0, ob1)
        sems = (sem0, sem1)
        semo = (semo0, semo1)
        semi = (semi0, semi1)
        semt = (semt0, semt1)
        grp0 = wid * GPW

        def prefetch_idx(s, g):
            pltpu.async_copy(sidx_h.at[:, pl.ds(grp0 + g * 2, 2), :],
                             idx[s], semi[s])

        def prefetch_t(s, g):
            pltpu.async_copy(timef_h.at[pl.ds(grp0 + g * 2, 2)],
                             tbuf[s], semt[s])

        def fire(s, g):
            pltpu.make_async_copy(sidx_h.at[:, pl.ds(grp0 + g * 2, 2), :],
                                  idx[s], semi[s]).wait()
            for j in range(2):
                dst = pl.ds(j * 128, 128)
                pltpu.async_copy(pjob_h.at[idx[s].at[0, j]],
                                 bufj[s].at[dst], sems[s])
                pltpu.async_copy(pmach_h.at[idx[s].at[1, j]],
                                 bufm[s].at[dst], sems[s])
                pltpu.async_copy(pseq_h.at[idx[s].at[2, j]],
                                 bufs[s].at[dst], sems[s])

        def drain(s):
            for j in range(2):
                dst = pl.ds(j * 128, 128)
                pltpu.make_async_copy(pjob_h.at[idx[s].at[0, j]],
                                      bufj[s].at[dst], sems[s]).wait()
                pltpu.make_async_copy(pmach_h.at[idx[s].at[1, j]],
                                      bufm[s].at[dst], sems[s]).wait()
                pltpu.make_async_copy(pseq_h.at[idx[s].at[2, j]],
                                      bufs[s].at[dst], sems[s]).wait()

        def combine_store(s, g):
            pltpu.make_async_copy(timef_h.at[pl.ds(grp0 + g * 2, 2)],
                                  tbuf[s], semt[s]).wait()

            @pl.when(g >= 2)
            def _():
                pltpu.make_async_copy(
                    outb[s], out_h.at[pl.ds(0, 256)], semo[s]).wait()

            @pl.loop(0, 16)
            def grp(gg):
                tw = tbuf[s][gg // 8, pl.ds((gg % 8) * 16, 16)]
                for t in range(16):
                    tok = gg * 16 + t
                    st = lax.gather(
                        tw, jnp.full((16, 1), t, jnp.int32),
                        lax.GatherDimensionNumbers(
                            offset_dims=(), collapsed_slice_dims=(0,),
                            start_index_map=(0,)),
                        slice_sizes=(1,),
                        mode=lax.GatherScatterMode.PROMISE_IN_BOUNDS)
                    for q in range(2):
                        xj = bufj[s][tok, pl.ds(q * 32, 32)]
                        xm = bufm[s][tok, pl.ds(q * 32, 32)]
                        xs = bufs[s][tok, pl.ds(q * 32, 32)]
                        aj, bj = plsc.unpack(
                            xj, format=plsc.PackFormat.INTERLEAVED)
                        am, bm_ = plsc.unpack(
                            xm, format=plsc.PackFormat.INTERLEAVED)
                        as_, bs_ = plsc.unpack(
                            xs, format=plsc.PackFormat.INTERLEAVED)
                        outb[s][tok, pl.ds(q * 32, 16)] = (
                            aj + am + as_ + st * vregs[2 * q])
                        outb[s][tok, pl.ds(q * 32 + 16, 16)] = (
                            bj + bm_ + bs_ + st * vregs[2 * q + 1])

            pltpu.async_copy(
                outb[s], out_h.at[pl.ds(wid * TPW + g * 256, 256)], semo[s])

        prefetch_idx(0, 0)
        prefetch_t(0, 0)
        fire(0, 0)
        prefetch_idx(1, 1)
        prefetch_t(1, 1)

        @pl.loop(0, NCHUNK, step=2)
        def outer(g):
            drain(0)
            fire(1, g + 1)

            @pl.when(g + 2 < NCHUNK)
            def _():
                prefetch_idx(0, g + 2)
            combine_store(0, g)

            @pl.when(g + 2 < NCHUNK)
            def _():
                prefetch_t(0, g + 2)
            drain(1)

            @pl.when(g + 2 < NCHUNK)
            def _():
                fire(0, g + 2)

            @pl.when(g + 3 < NCHUNK)
            def _():
                prefetch_idx(1, g + 3)
            combine_store(1, g + 1)

            @pl.when(g + 3 < NCHUNK)
            def _():
                prefetch_t(1, g + 3)

        pltpu.make_async_copy(ob0, out_h.at[pl.ds(0, 256)], semo0).wait()
        pltpu.make_async_copy(ob1, out_h.at[pl.ds(0, 256)], semo1).wait()

    return k(sidx, timef, pjob, pmach, pseq, vrow)


def kernel(job, machine, sequence, time, job_table, machine_table, seq_table,
           W_time, b_time, W_proj, b_proj):
    perm = np.empty(D, np.int32)
    for q_ in range(2):
        for i_ in range(16):
            perm[q_ * 32 + 2 * i_] = q_ * 32 + i_
            perm[q_ * 32 + 2 * i_ + 1] = q_ * 32 + 16 + i_
    W_perm = W_proj[:, perm]
    pjob = _project_job_table(job_table, W_perm)
    pmach, pseq, vrow = _project_small_tables(
        machine_table, seq_table, W_perm, W_proj, W_time, b_time,
        b_proj[perm])
    sidx = jnp.stack([
        job.reshape(N).astype(jnp.int32),
        machine.reshape(N).astype(jnp.int32),
        sequence.reshape(N).astype(jnp.int32),
    ]).reshape(3, N // 128, 128)
    timef = time.reshape(N // 128, 128).astype(jnp.float32)
    out = _sc_gather_combine(sidx, timef, pjob, pmach, pseq, vrow.reshape(D))
    return out.reshape(B, L, D)

# --- scband reference (transcript-rebuilt; emitter-appended) ---
"""Pipeline reference for scband-jsspembedding-35485019799608 (READ-ONLY COPY).

The authoritative reference and input builder live on the scoring server;
editing this copy changes nothing except your own understanding.
"""

import jax, jax.numpy as jnp
import numpy as np

B, L = 16384, 50
JOBS, MACHINES, MAXOPS, D = 100000, 1000, 200, 64


def setup_inputs(seed: int = 0) -> dict:
    key = jax.random.key(seed)
    ks = jax.random.split(key, 11)
    return {
        "job": jax.random.randint(ks[0], (B, L), 0, JOBS, dtype=jnp.int64 if jax.config.jax_enable_x64 else jnp.int32),
        "machine": jax.random.randint(ks[1], (B, L), 0, MACHINES),
        "sequence": jax.random.randint(ks[2], (B, L), 0, MAXOPS),
        "time": jax.random.normal(ks[3], (B, L), dtype=jnp.float32),
        "job_table": jax.random.normal(ks[4], (JOBS, D), dtype=jnp.float32) * 0.02,
        "machine_table": jax.random.normal(ks[5], (MACHINES, D), dtype=jnp.float32) * 0.02,
        "seq_table": jax.random.normal(ks[6], (MAXOPS, D), dtype=jnp.float32) * 0.02,
        "W_time": jax.random.normal(ks[7], (1, D), dtype=jnp.float32) * 0.02,
        "b_time": jnp.zeros((D,), dtype=jnp.float32),
        "W_proj": jax.random.normal(ks[8], (4 * D, D), dtype=jnp.float32) * 0.02,
        "b_proj": jnp.zeros((D,), dtype=jnp.float32),
    }


def reference(job, machine, sequence, time, job_table, machine_table, seq_table, W_time, b_time, W_proj, b_proj):
    job_emb = jnp.take(job_table, job, axis=0)
    machine_emb = jnp.take(machine_table, machine, axis=0)
    sequence_emb = jnp.take(seq_table, sequence, axis=0)
    time_emb = time[..., None] @ W_time + b_time
    concat_emb = jnp.concatenate((job_emb, machine_emb, sequence_emb, time_emb), axis=-1)
    final_emb = concat_emb @ W_proj + b_proj
    return final_emb

if __name__ == "__main__":
    import jax
    _d = setup_inputs()
    print(jax.jit(kernel)(*tuple(_d.values())))

</pallas_src>

<mosaic_0001>
#map = affine_map<(d0, d1) -> (0, 0, 0)>
#map1 = affine_map<(d0, d1) -> (0, 0)>
#map2 = affine_map<(d0, d1) -> (0)>
module attributes {stable_mosaic.version = 14 : i64} {
  func.func @k(%arg0: i32, %arg1: i32, %arg2: memref<3x6400x128xi32, #tpu.memory_space<hbm>>, %arg3: memref<6400x128xf32, #tpu.memory_space<hbm>>, %arg4: memref<100000x64xbf16, #tpu.memory_space<hbm>>, %arg5: memref<1000x64xbf16, #tpu.memory_space<hbm>>, %arg6: memref<200x64xbf16, #tpu.memory_space<hbm>>, %arg7: memref<64xf32, #tpu.memory_space<hbm>>, %arg8: memref<819200x64xf32, #tpu.memory_space<hbm>>, %arg9: memref<3x2x128xi32, #tpu.memory_space<vmem>>, %arg10: memref<3x2x128xi32, #tpu.memory_space<vmem>>, %arg11: memref<2x128xf32, #tpu.memory_space<vmem>>, %arg12: memref<2x128xf32, #tpu.memory_space<vmem>>, %arg13: memref<256x64xbf16, #tpu.memory_space<vmem>>, %arg14: memref<256x64xbf16, #tpu.memory_space<vmem>>, %arg15: memref<256x64xbf16, #tpu.memory_space<vmem>>, %arg16: memref<256x64xbf16, #tpu.memory_space<vmem>>, %arg17: memref<256x64xbf16, #tpu.memory_space<vmem>>, %arg18: memref<256x64xbf16, #tpu.memory_space<vmem>>, %arg19: memref<256x64xf32, #tpu.memory_space<vmem>>, %arg20: memref<256x64xf32, #tpu.memory_space<vmem>>, %arg21: memref<64xf32, #tpu.memory_space<vmem>>, %arg22: memref<!tpu.dma_semaphore, #tpu.memory_space<semaphore_mem>>, %arg23: memref<!tpu.dma_semaphore, #tpu.memory_space<semaphore_mem>>, %arg24: memref<!tpu.dma_semaphore, #tpu.memory_space<semaphore_mem>>, %arg25: memref<!tpu.dma_semaphore, #tpu.memory_space<semaphore_mem>>, %arg26: memref<!tpu.dma_semaphore, #tpu.memory_space<semaphore_mem>>, %arg27: memref<!tpu.dma_semaphore, #tpu.memory_space<semaphore_mem>>, %arg28: memref<!tpu.dma_semaphore, #tpu.memory_space<semaphore_mem>>, %arg29: memref<!tpu.dma_semaphore, #tpu.memory_space<semaphore_mem>>) attributes {dimension_semantics = [#tpu.dimension_semantics<core_parallel>, #tpu.dimension_semantics<subcore_parallel>], iteration_bounds = array<i64: 2, 16>, scalar_prefetch = 0 : i64, scratch_operands = 21 : i64, tpu.core_type = #tpu.core_type<sc_vector_subcore>, window_params = [{transform_indices = #map}, {transform_indices = #map1}, {transform_indices = #map1}, {transform_indices = #map1}, {transform_indices = #map1}, {transform_indices = #map2}, {transform_indices = #map1}]} {
    %mul3A = arith.constant 2 : i32
    %mul3A_0 = arith.muli %arg1, %mul3A : i32
    %add3A = arith.addi %mul3A_0, %arg0 : i32
    "tpu.region"() ({
      %run_scoped3A = tpu.sem_alloc : memref<!tpu.dma_semaphore, #tpu.memory_space<semaphore_mem>>
      tpu.enqueue_dma source(%arg7 : memref<64xf32, #tpu.memory_space<hbm>>) target(%arg21 : memref<64xf32, #tpu.memory_space<vmem>>) target_semaphore(%run_scoped3A : memref<!tpu.dma_semaphore, #tpu.memory_space<semaphore_mem>>)
      tpu.wait_dma2 semaphore(%run_scoped3A : memref<!tpu.dma_semaphore, #tpu.memory_space<semaphore_mem>>) src(%arg7 : memref<64xf32, #tpu.memory_space<hbm>>) dst(%arg21 : memref<64xf32, #tpu.memory_space<vmem>>)
      tpu.yield
    }) : () -> ()
    %get3A = arith.constant 0 : index
    %get3A_1 = tpu.vector_load %arg21[%get3A] {strides = array<i32>} : memref<64xf32, #tpu.memory_space<vmem>>, vector<16xf32>,
    %get3A_2 = arith.constant 16 : index
    %get3A_3 = tpu.vector_load %arg21[%get3A_2] {strides = array<i32>} : memref<64xf32, #tpu.memory_space<vmem>>, vector<16xf32>,
    %get3A_4 = arith.constant 32 : index
    %get3A_5 = tpu.vector_load %arg21[%get3A_4] {strides = array<i32>} : memref<64xf32, #tpu.memory_space<vmem>>, vector<16xf32>,
    %get3A_6 = arith.constant 48 : index
    %get3A_7 = tpu.vector_load %arg21[%get3A_6] {strides = array<i32>} : memref<64xf32, #tpu.memory_space<vmem>>, vector<16xf32>,
    %mul3A_8 = arith.constant 200 : i32
    %mul3A_9 = arith.muli %add3A, %mul3A_8 : i32
    %add3A_10 = arith.constant 0 : i32
    %add3A_11 = arith.addi %mul3A_9, %add3A_10 : i32
    %dma_start3A = arith.constant 0 : i32
    %dma_start3A_12 = arith.constant 0 : i32
    %dma_start3A_13 = tpu.memref_slice %arg2[%dma_start3A, %add3A_11, %dma_start3A_12] : memref<3x6400x128xi32, #tpu.memory_space<hbm>> -> memref<3x2x128xi32, #tpu.memory_space<hbm>>
    %dma_start3A_14 = arith.constant 0 : i32
    %dma_start3A_15 = arith.constant 0 : i32
    %dma_start3A_16 = tpu.memref_slice %arg2[%dma_start3A_14, %add3A_11, %dma_start3A_15] : memref<3x6400x128xi32, #tpu.memory_space<hbm>> -> memref<3x2x128xi32, #tpu.memory_space<hbm>>
    tpu.enqueue_dma source(%dma_start3A_16 : memref<3x2x128xi32, #tpu.memory_space<hbm>>) target(%arg9 : memref<3x2x128xi32, #tpu.memory_space<vmem>>) target_semaphore(%arg26 : memref<!tpu.dma_semaphore, #tpu.memory_space<semaphore_mem>>)
    %add3A_17 = arith.constant 0 : i32
    %add3A_18 = arith.addi %mul3A_9, %add3A_17 : i32
    %dma_start3A_19 = arith.constant 0 : i32
    %dma_start3A_20 = tpu.memref_slice %arg3[%add3A_18, %dma_start3A_19] : memref<6400x128xf32, #tpu.memory_space<hbm>> -> memref<2x128xf32, #tpu.memory_space<hbm>>
    %dma_start3A_21 = arith.constant 0 : i32
    %dma_start3A_22 = tpu.memref_slice %arg3[%add3A_18, %dma_start3A_21] : memref<6400x128xf32, #tpu.memory_space<hbm>> -> memref<2x128xf32, #tpu.memory_space<hbm>>
    tpu.enqueue_dma source(%dma_start3A_22 : memref<2x128xf32, #tpu.memory_space<hbm>>) target(%arg11 : memref<2x128xf32, #tpu.memory_space<vmem>>) target_semaphore(%arg28 : memref<!tpu.dma_semaphore, #tpu.memory_space<semaphore_mem>>)
    %add3A_23 = arith.constant 0 : i32
    %add3A_24 = arith.addi %mul3A_9, %add3A_23 : i32
    %dma_wait3A = arith.constant 0 : i32
    %dma_wait3A_25 = arith.constant 0 : i32
    %dma_wait3A_26 = tpu.memref_slice %arg2[%dma_wait3A, %add3A_24, %dma_wait3A_25] : memref<3x6400x128xi32, #tpu.memory_space<hbm>> -> memref<3x2x128xi32, #tpu.memory_space<hbm>>
    %dma_wait3A_27 = arith.constant 0 : i32
    %dma_wait3A_28 = arith.constant 0 : i32
    %dma_wait3A_29 = tpu.memref_slice %arg2[%dma_wait3A_27, %add3A_24, %dma_wait3A_28] : memref<3x6400x128xi32, #tpu.memory_space<hbm>> -> memref<3x2x128xi32, #tpu.memory_space<hbm>>
    tpu.wait_dma2 semaphore(%arg26 : memref<!tpu.dma_semaphore, #tpu.memory_space<semaphore_mem>>) src(%dma_wait3A_29 : memref<3x2x128xi32, #tpu.memory_space<hbm>>) dst(%arg9 : memref<3x2x128xi32, #tpu.memory_space<vmem>>)
    %dma_start3A_30 = arith.constant 0 : i32
    %dma_start3A_31 = arith.constant 0 : i32
    %dma_start3A_32 = arith.constant 0 : i32
    %dma_start3A_33 = arith.constant 0 : i32
    %dma_start3A_34 = tpu.memref_slice %arg13[%dma_start3A_32, %dma_start3A_33] : memref<256x64xbf16, #tpu.memory_space<vmem>> -> memref<128x64xbf16, #tpu.memory_space<vmem>>
    %dma_start3A_35 = arith.constant 0 : i32
    %dma_start3A_36 = tpu.memref_slice %arg9[%dma_start3A_30, %dma_start3A_31, %dma_start3A_35] : memref<3x2x128xi32, #tpu.memory_space<vmem>> -> memref<1x1x128xi32, #tpu.memory_space<vmem>>
    %dma_start3A_37 = tpu.memref_squeeze %dma_start3A_36 : memref<1x1x128xi32, #tpu.memory_space<vmem>> -> memref<128xi32, #tpu.memory_space<vmem>>
    %dma_start3A_38 = arith.constant 0 : i32
    %dma_start3A_39 = arith.constant 0 : i32
    %dma_start3A_40 = tpu.memref_slice %arg4[%dma_start3A_38, %dma_start3A_39] : memref<100000x64xbf16, #tpu.memory_space<hbm>> -> memref<100000x64xbf16, #tpu.memory_space<hbm>>
    tpu.enqueue_indirect_dma source(%dma_start3A_40 : memref<100000x64xbf16, #tpu.memory_space<hbm>>) target(%dma_start3A_34 : memref<128x64xbf16, #tpu.memory_space<vmem>>) offsets(%dma_start3A_37 : memref<128xi32, #tpu.memory_space<vmem>>) semaphore(%arg22 : memref<!tpu.dma_semaphore, #tpu.memory_space<semaphore_mem>>)
    %dma_start3A_41 = arith.constant 1 : i32
    %dma_start3A_42 = arith.constant 0 : i32
    %dma_start3A_43 = arith.constant 0 : i32
    %dma_start3A_44 = arith.constant 0 : i32
    %dma_start3A_45 = tpu.memref_slice %arg15[%dma_start3A_43, %dma_start3A_44] : memref<256x64xbf16, #tpu.memory_space<vmem>> -> memref<128x64xbf16, #tpu.memory_space<vmem>>
    %dma_start3A_46 = arith.constant 0 : i32
    %dma_start3A_47 = tpu.memref_slice %arg9[%dma_start3A_41, %dma_start3A_42, %dma_start3A_46] : memref<3x2x128xi32, #tpu.memory_space<vmem>> -> memref<1x1x128xi32, #tpu.memory_space<vmem>>
    %dma_start3A_48 = tpu.memref_squeeze %dma_start3A_47 : memref<1x1x128xi32, #tpu.memory_space<vmem>> -> memref<128xi32, #tpu.memory_space<vmem>>
    %dma_start3A_49 = arith.constant 0 : i32
    %dma_start3A_50 = arith.constant 0 : i32
    %dma_start3A_51 = tpu.memref_slice %arg5[%dma_start3A_49, %dma_start3A_50] : memref<1000x64xbf16, #tpu.memory_space<hbm>> -> memref<1000x64xbf16, #tpu.memory_space<hbm>>
    tpu.enqueue_indirect_dma source(%dma_start3A_51 : memref<1000x64xbf16, #tpu.memory_space<hbm>>) target(%dma_start3A_45 : memref<128x64xbf16, #tpu.memory_space<vmem>>) offsets(%dma_start3A_48 : memref<128xi32, #tpu.memory_space<vmem>>) semaphore(%arg22 : memref<!tpu.dma_semaphore, #tpu.memory_space<semaphore_mem>>)
    %dma_start3A_52 = arith.constant 2 : i32
    %dma_start3A_53 = arith.constant 0 : i32
    %dma_start3A_54 = arith.constant 0 : i32
    %dma_start3A_55 = arith.constant 0 : i32
    %dma_start3A_56 = tpu.memref_slice %arg17[%dma_start3A_54, %dma_start3A_55] : memref<256x64xbf16, #tpu.memory_space<vmem>> -> memref<128x64xbf16, #tpu.memory_space<vmem>>
    %dma_start3A_57 = arith.constant 0 : i32
    %dma_start3A_58 = tpu.memref_slice %arg9[%dma_start3A_52, %dma_start3A_53, %dma_start3A_57] : memref<3x2x128xi32, #tpu.memory_space<vmem>> -> memref<1x1x128xi32, #tpu.memory_space<vmem>>
    %dma_start3A_59 = tpu.memref_squeeze %dma_start3A_58 : memref<1x1x128xi32, #tpu.memory_space<vmem>> -> memref<128xi32, #tpu.memory_space<vmem>>
    %dma_start3A_60 = arith.constant 0 : i32
    %dma_start3A_61 = arith.constant 0 : i32
    %dma_start3A_62 = tpu.memref_slice %arg6[%dma_start3A_60, %dma_start3A_61] : memref<200x64xbf16, #tpu.memory_space<hbm>> -> memref<200x64xbf16, #tpu.memory_space<hbm>>
    tpu.enqueue_indirect_dma source(%dma_start3A_62 : memref<200x64xbf16, #tpu.memory_space<hbm>>) target(%dma_start3A_56 : memref<128x64xbf16, #tpu.memory_space<vmem>>) offsets(%dma_start3A_59 : memref<128xi32, #tpu.memory_space<vmem>>) semaphore(%arg22 : memref<!tpu.dma_semaphore, #tpu.memory_space<semaphore_mem>>)
    %dma_start3A_63 = arith.constant 0 : i32
    %dma_start3A_64 = arith.constant 1 : i32
    %dma_start3A_65 = arith.constant 128 : i32
    %dma_start3A_66 = arith.constant 0 : i32
    %dma_start3A_67 = tpu.memref_slice %arg13[%dma_start3A_65, %dma_start3A_66] : memref<256x64xbf16, #tpu.memory_space<vmem>> -> memref<128x64xbf16, #tpu.memory_space<vmem>>
    %dma_start3A_68 = arith.constant 0 : i32
    %dma_start3A_69 = tpu.memref_slice %arg9[%dma_start3A_63, %dma_start3A_64, %dma_start3A_68] : memref<3x2x128xi32, #tpu.memory_space<vmem>> -> memref<1x1x128xi32, #tpu.memory_space<vmem>>
    %dma_start3A_70 = tpu.memref_squeeze %dma_start3A_69 : memref<1x1x128xi32, #tpu.memory_space<vmem>> -> memref<128xi32, #tpu.memory_space<vmem>>
    %dma_start3A_71 = arith.constant 0 : i32
    %dma_start3A_72 = arith.constant 0 : i32
    %dma_start3A_73 = tpu.memref_slice %arg4[%dma_start3A_71, %dma_start3A_72] : memref<100000x64xbf16, #tpu.memory_space<hbm>> -> memref<100000x64xbf16, #tpu.memory_space<hbm>>
    tpu.enqueue_indirect_dma source(%dma_start3A_73 : memref<100000x64xbf16, #tpu.memory_space<hbm>>) target(%dma_start3A_67 : memref<128x64xbf16, #tpu.memory_space<vmem>>) offsets(%dma_start3A_70 : memref<128xi32, #tpu.memory_space<vmem>>) semaphore(%arg22 : memref<!tpu.dma_semaphore, #tpu.memory_space<semaphore_mem>>)
    %dma_start3A_74 = arith.constant 1 : i32
    %dma_start3A_75 = arith.constant 1 : i32
    %dma_start3A_76 = arith.constant 128 : i32
    %dma_start3A_77 = arith.constant 0 : i32
    %dma_start3A_78 = tpu.memref_slice %arg15[%dma_start3A_76, %dma_start3A_77] : memref<256x64xbf16, #tpu.memory_space<vmem>> -> memref<128x64xbf16, #tpu.memory_space<vmem>>
    %dma_start3A_79 = arith.constant 0 : i32
    %dma_start3A_80 = tpu.memref_slice %arg9[%dma_start3A_74, %dma_start3A_75, %dma_start3A_79] : memref<3x2x128xi32, #tpu.memory_space<vmem>> -> memref<1x1x128xi32, #tpu.memory_space<vmem>>
    %dma_start3A_81 = tpu.memref_squeeze %dma_start3A_80 : memref<1x1x128xi32, #tpu.memory_space<vmem>> -> memref<128xi32, #tpu.memory_space<vmem>>
    %dma_start3A_82 = arith.constant 0 : i32
    %dma_start3A_83 = arith.constant 0 : i32
    %dma_start3A_84 = tpu.memref_slice %arg5[%dma_start3A_82, %dma_start3A_83] : memref<1000x64xbf16, #tpu.memory_space<hbm>> -> memref<1000x64xbf16, #tpu.memory_space<hbm>>
    tpu.enqueue_indirect_dma source(%dma_start3A_84 : memref<1000x64xbf16, #tpu.memory_space<hbm>>) target(%dma_start3A_78 : memref<128x64xbf16, #tpu.memory_space<vmem>>) offsets(%dma_start3A_81 : memref<128xi32, #tpu.memory_space<vmem>>) semaphore(%arg22 : memref<!tpu.dma_semaphore, #tpu.memory_space<semaphore_mem>>)
    %dma_start3A_85 = arith.constant 2 : i32
    %dma_start3A_86 = arith.constant 1 : i32
    %dma_start3A_87 = arith.constant 128 : i32
    %dma_start3A_88 = arith.constant 0 : i32
    %dma_start3A_89 = tpu.memref_slice %arg17[%dma_start3A_87, %dma_start3A_88] : memref<256x64xbf16, #tpu.memory_space<vmem>> -> memref<128x64xbf16, #tpu.memory_space<vmem>>
    %dma_start3A_90 = arith.constant 0 : i32
    %dma_start3A_91 = tpu.memref_slice %arg9[%dma_start3A_85, %dma_start3A_86, %dma_start3A_90] : memref<3x2x128xi32, #tpu.memory_space<vmem>> -> memref<1x1x128xi32, #tpu.memory_space<vmem>>
    %dma_start3A_92 = tpu.memref_squeeze %dma_start3A_91 : memref<1x1x128xi32, #tpu.memory_space<vmem>> -> memref<128xi32, #tpu.memory_space<vmem>>
    %dma_start3A_93 = arith.constant 0 : i32
    %dma_start3A_94 = arith.constant 0 : i32
    %dma_start3A_95 = tpu.memref_slice %arg6[%dma_start3A_93, %dma_start3A_94] : memref<200x64xbf16, #tpu.memory_space<hbm>> -> memref<200x64xbf16, #tpu.memory_space<hbm>>
    tpu.enqueue_indirect_dma source(%dma_start3A_95 : memref<200x64xbf16, #tpu.memory_space<hbm>>) target(%dma_start3A_89 : memref<128x64xbf16, #tpu.memory_space<vmem>>) offsets(%dma_start3A_92 : memref<128xi32, #tpu.memory_space<vmem>>) semaphore(%arg22 : memref<!tpu.dma_semaphore, #tpu.memory_space<semaphore_mem>>)
    %add3A_96 = arith.constant 2 : i32
    %add3A_97 = arith.addi %mul3A_9, %add3A_96 : i32
    %dma_start3A_98 = arith.constant 0 : i32
    %dma_start3A_99 = arith.constant 0 : i32
    %dma_start3A_100 = tpu.memref_slice %arg2[%dma_start3A_98, %add3A_97, %dma_start3A_99] : memref<3x6400x128xi32, #tpu.memory_space<hbm>> -> memref<3x2x128xi32, #tpu.memory_space<hbm>>
    %dma_start3A_101 = arith.constant 0 : i32
    %dma_start3A_102 = arith.constant 0 : i32
    %dma_start3A_103 = tpu.memref_slice %arg2[%dma_start3A_101, %add3A_97, %dma_start3A_102] : memref<3x6400x128xi32, #tpu.memory_space<hbm>> -> memref<3x2x128xi32, #tpu.memory_space<hbm>>
    tpu.enqueue_dma source(%dma_start3A_103 : memref<3x2x128xi32, #tpu.memory_space<hbm>>) target(%arg10 : memref<3x2x128xi32, #tpu.memory_space<vmem>>) target_semaphore(%arg27 : memref<!tpu.dma_semaphore, #tpu.memory_space<semaphore_mem>>)
    %add3A_104 = arith.constant 2 : i32
    %add3A_105 = arith.addi %mul3A_9, %add3A_104 : i32
    %dma_start3A_106 = arith.constant 0 : i32
    %dma_start3A_107 = tpu.memref_slice %arg3[%add3A_105, %dma_start3A_106] : memref<6400x128xf32, #tpu.memory_space<hbm>> -> memref<2x128xf32, #tpu.memory_space<hbm>>
    %dma_start3A_108 = arith.constant 0 : i32
    %dma_start3A_109 = tpu.memref_slice %arg3[%add3A_105, %dma_start3A_108] : memref<6400x128xf32, #tpu.memory_space<hbm>> -> memref<2x128xf32, #tpu.memory_space<hbm>>
    tpu.enqueue_dma source(%dma_start3A_109 : memref<2x128xf32, #tpu.memory_space<hbm>>) target(%arg12 : memref<2x128xf32, #tpu.memory_space<vmem>>) target_semaphore(%arg29 : memref<!tpu.dma_semaphore, #tpu.memory_space<semaphore_mem>>)
    %scan3A = arith.constant 0 : i32
    %scan3A_110 = arith.constant 50 : i32
    %scan3A_111 = arith.addi %scan3A, %scan3A_110 : i32
    %scan3A_112 = arith.constant 1 : i32
    scf.for %scan3A_126 = %scan3A to %scan3A_111 step %scan3A_112  : i32 {
      %mul3A_127 = arith.constant 2 : i32
      %mul3A_128 = arith.muli %scan3A_126, %mul3A_127 : i32
      %add3A_129 = arith.constant 0 : i32
      %add3A_130 = arith.addi %add3A_129, %mul3A_128 : i32
      %dma_wait3A_131 = arith.constant 0 : i32
      %dma_wait3A_132 = arith.constant 0 : i32
      %dma_wait3A_133 = arith.constant 0 : i32
      %dma_wait3A_134 = arith.constant 0 : i32
      %dma_wait3A_135 = tpu.memref_slice %arg13[%dma_wait3A_133, %dma_wait3A_134] : memref<256x64xbf16, #tpu.memory_space<vmem>> -> memref<128x64xbf16, #tpu.memory_space<vmem>>
      %dma_wait3A_136 = arith.constant 0 : i32
      %dma_wait3A_137 = tpu.memref_slice %arg9[%dma_wait3A_131, %dma_wait3A_132, %dma_wait3A_136] : memref<3x2x128xi32, #tpu.memory_space<vmem>> -> memref<1x1x128xi32, #tpu.memory_space<vmem>>
      %dma_wait3A_138 = tpu.memref_squeeze %dma_wait3A_137 : memref<1x1x128xi32, #tpu.memory_space<vmem>> -> memref<128xi32, #tpu.memory_space<vmem>>
      %dma_wait3A_139 = arith.constant 0 : i32
      %dma_wait3A_140 = arith.constant 0 : i32
      %dma_wait3A_141 = tpu.memref_slice %arg4[%dma_wait3A_139, %dma_wait3A_140] : memref<100000x64xbf16, #tpu.memory_space<hbm>> -> memref<100000x64xbf16, #tpu.memory_space<hbm>>
      tpu.wait_indirect_dma semaphore(%arg22 : memref<!tpu.dma_semaphore, #tpu.memory_space<semaphore_mem>>) src(%dma_wait3A_141 : memref<100000x64xbf16, #tpu.memory_space<hbm>>) dst(%dma_wait3A_135 : memref<128x64xbf16, #tpu.memory_space<vmem>>)
      %dma_wait3A_142 = arith.constant 1 : i32
      %dma_wait3A_143 = arith.constant 0 : i32
      %dma_wait3A_144 = arith.constant 0 : i32
      %dma_wait3A_145 = arith.constant 0 : i32
      %dma_wait3A_146 = tpu.memref_slice %arg15[%dma_wait3A_144, %dma_wait3A_145] : memref<256x64xbf16, #tpu.memory_space<vmem>> -> memref<128x64xbf16, #tpu.memory_space<vmem>>
      %dma_wait3A_147 = arith.constant 0 : i32
      %dma_wait3A_148 = tpu.memref_slice %arg9[%dma_wait3A_142, %dma_wait3A_143, %dma_wait3A_147] : memref<3x2x128xi32, #tpu.memory_space<vmem>> -> memref<1x1x128xi32, #tpu.memory_space<vmem>>
      %dma_wait3A_149 = tpu.memref_squeeze %dma_wait3A_148 : memref<1x1x128xi32, #tpu.memory_space<vmem>> -> memref<128xi32, #tpu.memory_space<vmem>>
      %dma_wait3A_150 = arith.constant 0 : i32
      %dma_wait3A_151 = arith.constant 0 : i32
      %dma_wait3A_152 = tpu.memref_slice %arg5[%dma_wait3A_150, %dma_wait3A_151] : memref<1000x64xbf16, #tpu.memory_space<hbm>> -> memref<1000x64xbf16, #tpu.memory_space<hbm>>
      tpu.wait_indirect_dma semaphore(%arg22 : memref<!tpu.dma_semaphore, #tpu.memory_space<semaphore_mem>>) src(%dma_wait3A_152 : memref<1000x64xbf16, #tpu.memory_space<hbm>>) dst(%dma_wait3A_146 : memref<128x64xbf16, #tpu.memory_space<vmem>>)
      %dma_wait3A_153 = arith.constant 2 : i32
      %dma_wait3A_154 = arith.constant 0 : i32
      %dma_wait3A_155 = arith.constant 0 : i32
      %dma_wait3A_156 = arith.constant 0 : i32
      %dma_wait3A_157 = tpu.memref_slice %arg17[%dma_wait3A_155, %dma_wait3A_156] : memref<256x64xbf16, #tpu.memory_space<vmem>> -> memref<128x64xbf16, #tpu.memory_space<vmem>>
      %dma_wait3A_158 = arith.constant 0 : i32
      %dma_wait3A_159 = tpu.memref_slice %arg9[%dma_wait3A_153, %dma_wait3A_154, %dma_wait3A_158] : memref<3x2x128xi32, #tpu.memory_space<vmem>> -> memref<1x1x128xi32, #tpu.memory_space<vmem>>
      %dma_wait3A_160 = tpu.memref_squeeze %dma_wait3A_159 : memref<1x1x128xi32, #tpu.memory_space<vmem>> -> memref<128xi32, #tpu.memory_space<vmem>>
      %dma_wait3A_161 = arith.constant 0 : i32
      %dma_wait3A_162 = arith.constant 0 : i32
      %dma_wait3A_163 = tpu.memref_slice %arg6[%dma_wait3A_161, %dma_wait3A_162] : memref<200x64xbf16, #tpu.memory_space<hbm>> -> memref<200x64xbf16, #tpu.memory_space<hbm>>
      tpu.wait_indirect_dma semaphore(%arg22 : memref<!tpu.dma_semaphore, #tpu.memory_space<semaphore_mem>>) src(%dma_wait3A_163 : memref<200x64xbf16, #tpu.memory_space<hbm>>) dst(%dma_wait3A_157 : memref<128x64xbf16, #tpu.memory_space<vmem>>)
      %dma_wait3A_164 = arith.constant 0 : i32
      %dma_wait3A_165 = arith.constant 1 : i32
      %dma_wait3A_166 = arith.constant 128 : i32
      %dma_wait3A_167 = arith.constant 0 : i32
      %dma_wait3A_168 = tpu.memref_slice %arg13[%dma_wait3A_166, %dma_wait3A_167] : memref<256x64xbf16, #tpu.memory_space<vmem>> -> memref<128x64xbf16, #tpu.memory_space<vmem>>
      %dma_wait3A_169 = arith.constant 0 : i32
      %dma_wait3A_170 = tpu.memref_slice %arg9[%dma_wait3A_164, %dma_wait3A_165, %dma_wait3A_169] : memref<3x2x128xi32, #tpu.memory_space<vmem>> -> memref<1x1x128xi32, #tpu.memory_space<vmem>>
      %dma_wait3A_171 = tpu.memref_squeeze %dma_wait3A_170 : memref<1x1x128xi32, #tpu.memory_space<vmem>> -> memref<128xi32, #tpu.memory_space<vmem>>
      %dma_wait3A_172 = arith.constant 0 : i32
      %dma_wait3A_173 = arith.constant 0 : i32
      %dma_wait3A_174 = tpu.memref_slice %arg4[%dma_wait3A_172, %dma_wait3A_173] : memref<100000x64xbf16, #tpu.memory_space<hbm>> -> memref<100000x64xbf16, #tpu.memory_space<hbm>>
      tpu.wait_indirect_dma semaphore(%arg22 : memref<!tpu.dma_semaphore, #tpu.memory_space<semaphore_mem>>) src(%dma_wait3A_174 : memref<100000x64xbf16, #tpu.memory_space<hbm>>) dst(%dma_wait3A_168 : memref<128x64xbf16, #tpu.memory_space<vmem>>)
      %dma_wait3A_175 = arith.constant 1 : i32
      %dma_wait3A_176 = arith.constant 1 : i32
      %dma_wait3A_177 = arith.constant 128 : i32
      %dma_wait3A_178 = arith.constant 0 : i32
      %dma_wait3A_179 = tpu.memref_slice %arg15[%dma_wait3A_177, %dma_wait3A_178] : memref<256x64xbf16, #tpu.memory_space<vmem>> -> memref<128x64xbf16, #tpu.memory_space<vmem>>
      %dma_wait3A_180 = arith.constant 0 : i32
      %dma_wait3A_181 = tpu.memref_slice %arg9[%dma_wait3A_175, %dma_wait3A_176, %dma_wait3A_180] : memref<3x2x128xi32, #tpu.memory_space<vmem>> -> memref<1x1x128xi32, #tpu.memory_space<vmem>>
      %dma_wait3A_182 = tpu.memref_squeeze %dma_wait3A_181 : memref<1x1x128xi32, #tpu.memory_space<vmem>> -> memref<128xi32, #tpu.memory_space<vmem>>
      %dma_wait3A_183 = arith.constant 0 : i32
      %dma_wait3A_184 = arith.constant 0 : i32
      %dma_wait3A_185 = tpu.memref_slice %arg5[%dma_wait3A_183, %dma_wait3A_184] : memref<1000x64xbf16, #tpu.memory_space<hbm>> -> memref<1000x64xbf16, #tpu.memory_space<hbm>>
      tpu.wait_indirect_dma semaphore(%arg22 : memref<!tpu.dma_semaphore, #tpu.memory_space<semaphore_mem>>) src(%dma_wait3A_185 : memref<1000x64xbf16, #tpu.memory_space<hbm>>) dst(%dma_wait3A_179 : memref<128x64xbf16, #tpu.memory_space<vmem>>)
      %dma_wait3A_186 = arith.constant 2 : i32
      %dma_wait3A_187 = arith.constant 1 : i32
      %dma_wait3A_188 = arith.constant 128 : i32
      %dma_wait3A_189 = arith.constant 0 : i32
      %dma_wait3A_190 = tpu.memref_slice %arg17[%dma_wait3A_188, %dma_wait3A_189] : memref<256x64xbf16, #tpu.memory_space<vmem>> -> memref<128x64xbf16, #tpu.memory_space<vmem>>
      %dma_wait3A_191 = arith.constant 0 : i32
      %dma_wait3A_192 = tpu.memref_slice %arg9[%dma_wait3A_186, %dma_wait3A_187, %dma_wait3A_191] : memref<3x2x128xi32, #tpu.memory_space<vmem>> -> memref<1x1x128xi32, #tpu.memory_space<vmem>>
      %dma_wait3A_193 = tpu.memref_squeeze %dma_wait3A_192 : memref<1x1x128xi32, #tpu.memory_space<vmem>> -> memref<128xi32, #tpu.memory_space<vmem>>
      %dma_wait3A_194 = arith.constant 0 : i32
      %dma_wait3A_195 = arith.constant 0 : i32
      %dma_wait3A_196 = tpu.memref_slice %arg6[%dma_wait3A_194, %dma_wait3A_195] : memref<200x64xbf16, #tpu.memory_space<hbm>> -> memref<200x64xbf16, #tpu.memory_space<hbm>>
      tpu.wait_indirect_dma semaphore(%arg22 : memref<!tpu.dma_semaphore, #tpu.memory_space<semaphore_mem>>) src(%dma_wait3A_196 : memref<200x64xbf16, #tpu.memory_space<hbm>>) dst(%dma_wait3A_190 : memref<128x64xbf16, #tpu.memory_space<vmem>>)
      %add3A_197 = arith.constant 1 : i32
      %add3A_198 = arith.addi %add3A_130, %add3A_197 : i32
      %mul3A_199 = arith.constant 2 : i32
      %mul3A_200 = arith.muli %add3A_198, %mul3A_199 : i32
      %add3A_201 = arith.addi %mul3A_9, %mul3A_200 : i32
      %dma_wait3A_202 = arith.constant 0 : i32
      %dma_wait3A_203 = arith.constant 0 : i32
      %dma_wait3A_204 = tpu.memref_slice %arg2[%dma_wait3A_202, %add3A_201, %dma_wait3A_203] : memref<3x6400x128xi32, #tpu.memory_space<hbm>> -> memref<3x2x128xi32, #tpu.memory_space<hbm>>
      %dma_wait3A_205 = arith.constant 0 : i32
      %dma_wait3A_206 = arith.constant 0 : i32
      %dma_wait3A_207 = tpu.memref_slice %arg2[%dma_wait3A_205, %add3A_201, %dma_wait3A_206] : memref<3x6400x128xi32, #tpu.memory_space<hbm>> -> memref<3x2x128xi32, #tpu.memory_space<hbm>>
      tpu.wait_dma2 semaphore(%arg27 : memref<!tpu.dma_semaphore, #tpu.memory_space<semaphore_mem>>) src(%dma_wait3A_207 : memref<3x2x128xi32, #tpu.memory_space<hbm>>) dst(%arg10 : memref<3x2x128xi32, #tpu.memory_space<vmem>>)
      %dma_start3A_208 = arith.constant 0 : i32
      %dma_start3A_209 = arith.constant 0 : i32
      %dma_start3A_210 = arith.constant 0 : i32
      %dma_start3A_211 = arith.constant 0 : i32
      %dma_start3A_212 = tpu.memref_slice %arg14[%dma_start3A_210, %dma_start3A_211] : memref<256x64xbf16, #tpu.memory_space<vmem>> -> memref<128x64xbf16, #tpu.memory_space<vmem>>
      %dma_start3A_213 = arith.constant 0 : i32
      %dma_start3A_214 = tpu.memref_slice %arg10[%dma_start3A_208, %dma_start3A_209, %dma_start3A_213] : memref<3x2x128xi32, #tpu.memory_space<vmem>> -> memref<1x1x128xi32, #tpu.memory_space<vmem>>
      %dma_start3A_215 = tpu.memref_squeeze %dma_start3A_214 : memref<1x1x128xi32, #tpu.memory_space<vmem>> -> memref<128xi32, #tpu.memory_space<vmem>>
      %dma_start3A_216 = arith.constant 0 : i32
      %dma_start3A_217 = arith.constant 0 : i32
      %dma_start3A_218 = tpu.memref_slice %arg4[%dma_start3A_216, %dma_start3A_217] : memref<100000x64xbf16, #tpu.memory_space<hbm>> -> memref<100000x64xbf16, #tpu.memory_space<hbm>>
      tpu.enqueue_indirect_dma source(%dma_start3A_218 : memref<100000x64xbf16, #tpu.memory_space<hbm>>) target(%dma_start3A_212 : memref<128x64xbf16, #tpu.memory_space<vmem>>) offsets(%dma_start3A_215 : memref<128xi32, #tpu.memory_space<vmem>>) semaphore(%arg23 : memref<!tpu.dma_semaphore, #tpu.memory_space<semaphore_mem>>)
      %dma_start3A_219 = arith.constant 1 : i32
      %dma_start3A_220 = arith.constant 0 : i32
      %dma_start3A_221 = arith.constant 0 : i32
      %dma_start3A_222 = arith.constant 0 : i32
      %dma_start3A_223 = tpu.memref_slice %arg16[%dma_start3A_221, %dma_start3A_222] : memref<256x64xbf16, #tpu.memory_space<vmem>> -> memref<128x64xbf16, #tpu.memory_space<vmem>>
      %dma_start3A_224 = arith.constant 0 : i32
      %dma_start3A_225 = tpu.memref_slice %arg10[%dma_start3A_219, %dma_start3A_220, %dma_start3A_224] : memref<3x2x128xi32, #tpu.memory_space<vmem>> -> memref<1x1x128xi32, #tpu.memory_space<vmem>>
      %dma_start3A_226 = tpu.memref_squeeze %dma_start3A_225 : memref<1x1x128xi32, #tpu.memory_space<vmem>> -> memref<128xi32, #tpu.memory_space<vmem>>
      %dma_start3A_227 = arith.constant 0 : i32
      %dma_start3A_228 = arith.constant 0 : i32
      %dma_start3A_229 = tpu.memref_slice %arg5[%dma_start3A_227, %dma_start3A_228] : memref<1000x64xbf16, #tpu.memory_space<hbm>> -> memref<1000x64xbf16, #tpu.memory_space<hbm>>
      tpu.enqueue_indirect_dma source(%dma_start3A_229 : memref<1000x64xbf16, #tpu.memory_space<hbm>>) target(%dma_start3A_223 : memref<128x64xbf16, #tpu.memory_space<vmem>>) offsets(%dma_start3A_226 : memref<128xi32, #tpu.memory_space<vmem>>) semaphore(%arg23 : memref<!tpu.dma_semaphore, #tpu.memory_space<semaphore_mem>>)
      %dma_start3A_230 = arith.constant 2 : i32
      %dma_start3A_231 = arith.constant 0 : i32
      %dma_start3A_232 = arith.constant 0 : i32
      %dma_start3A_233 = arith.constant 0 : i32
      %dma_start3A_234 = tpu.memref_slice %arg18[%dma_start3A_232, %dma_start3A_233] : memref<256x64xbf16, #tpu.memory_space<vmem>> -> memref<128x64xbf16, #tpu.memory_space<vmem>>
      %dma_start3A_235 = arith.constant 0 : i32
      %dma_start3A_236 = tpu.memref_slice %arg10[%dma_start3A_230, %dma_start3A_231, %dma_start3A_235] : memref<3x2x128xi32, #tpu.memory_space<vmem>> -> memref<1x1x128xi32, #tpu.memory_space<vmem>>
      %dma_start3A_237 = tpu.memref_squeeze %dma_start3A_236 : memref<1x1x128xi32, #tpu.memory_space<vmem>> -> memref<128xi32, #tpu.memory_space<vmem>>
      %dma_start3A_238 = arith.constant 0 : i32
      %dma_start3A_239 = arith.constant 0 : i32
      %dma_start3A_240 = tpu.memref_slice %arg6[%dma_start3A_238, %dma_start3A_239] : memref<200x64xbf16, #tpu.memory_space<hbm>> -> memref<200x64xbf16, #tpu.memory_space<hbm>>
      tpu.enqueue_indirect_dma source(%dma_start3A_240 : memref<200x64xbf16, #tpu.memory_space<hbm>>) target(%dma_start3A_234 : memref<128x64xbf16, #tpu.memory_space<vmem>>) offsets(%dma_start3A_237 : memref<128xi32, #tpu.memory_space<vmem>>) semaphore(%arg23 : memref<!tpu.dma_semaphore, #tpu.memory_space<semaphore_mem>>)
      %dma_start3A_241 = arith.constant 0 : i32
      %dma_start3A_242 = arith.constant 1 : i32
      %dma_start3A_243 = arith.constant 128 : i32
      %dma_start3A_244 = arith.constant 0 : i32
      %dma_start3A_245 = tpu.memref_slice %arg14[%dma_start3A_243, %dma_start3A_244] : memref<256x64xbf16, #tpu.memory_space<vmem>> -> memref<128x64xbf16, #tpu.memory_space<vmem>>
      %dma_start3A_246 = arith.constant 0 : i32
      %dma_start3A_247 = tpu.memref_slice %arg10[%dma_start3A_241, %dma_start3A_242, %dma_start3A_246] : memref<3x2x128xi32, #tpu.memory_space<vmem>> -> memref<1x1x128xi32, #tpu.memory_space<vmem>>
      %dma_start3A_248 = tpu.memref_squeeze %dma_start3A_247 : memref<1x1x128xi32, #tpu.memory_space<vmem>> -> memref<128xi32, #tpu.memory_space<vmem>>
      %dma_start3A_249 = arith.constant 0 : i32
      %dma_start3A_250 = arith.constant 0 : i32
      %dma_start3A_251 = tpu.memref_slice %arg4[%dma_start3A_249, %dma_start3A_250] : memref<100000x64xbf16, #tpu.memory_space<hbm>> -> memref<100000x64xbf16, #tpu.memory_space<hbm>>
      tpu.enqueue_indirect_dma source(%dma_start3A_251 : memref<100000x64xbf16, #tpu.memory_space<hbm>>) target(%dma_start3A_245 : memref<128x64xbf16, #tpu.memory_space<vmem>>) offsets(%dma_start3A_248 : memref<128xi32, #tpu.memory_space<vmem>>) semaphore(%arg23 : memref<!tpu.dma_semaphore, #tpu.memory_space<semaphore_mem>>)
      %dma_start3A_252 = arith.constant 1 : i32
      %dma_start3A_253 = arith.constant 1 : i32
      %dma_start3A_254 = arith.constant 128 : i32
      %dma_start3A_255 = arith.constant 0 : i32
      %dma_start3A_256 = tpu.memref_slice %arg16[%dma_start3A_254, %dma_start3A_255] : memref<256x64xbf16, #tpu.memory_space<vmem>> -> memref<128x64xbf16, #tpu.memory_space<vmem>>
      %dma_start3A_257 = arith.constant 0 : i32
      %dma_start3A_258 = tpu.memref_slice %arg10[%dma_start3A_252, %dma_start3A_253, %dma_start3A_257] : memref<3x2x128xi32, #tpu.memory_space<vmem>> -> memref<1x1x128xi32, #tpu.memory_space<vmem>>
      %dma_start3A_259 = tpu.memref_squeeze %dma_start3A_258 : memref<1x1x128xi32, #tpu.memory_space<vmem>> -> memref<128xi32, #tpu.memory_space<vmem>>
      %dma_start3A_260 = arith.constant 0 : i32
      %dma_start3A_261 = arith.constant 0 : i32
      %dma_start3A_262 = tpu.memref_slice %arg5[%dma_start3A_260, %dma_start3A_261] : memref<1000x64xbf16, #tpu.memory_space<hbm>> -> memref<1000x64xbf16, #tpu.memory_space<hbm>>
      tpu.enqueue_indirect_dma source(%dma_start3A_262 : memref<1000x64xbf16, #tpu.memory_space<hbm>>) target(%dma_start3A_256 : memref<128x64xbf16, #tpu.memory_space<vmem>>) offsets(%dma_start3A_259 : memref<128xi32, #tpu.memory_space<vmem>>) semaphore(%arg23 : memref<!tpu.dma_semaphore, #tpu.memory_space<semaphore_mem>>)
      %dma_start3A_263 = arith.constant 2 : i32
      %dma_start3A_264 = arith.constant 1 : i32
      %dma_start3A_265 = arith.constant 128 : i32
      %dma_start3A_266 = arith.constant 0 : i32
      %dma_start3A_267 = tpu.memref_slice %arg18[%dma_start3A_265, %dma_start3A_266] : memref<256x64xbf16, #tpu.memory_space<vmem>> -> memref<128x64xbf16, #tpu.memory_space<vmem>>
      %dma_start3A_268 = arith.constant 0 : i32
      %dma_start3A_269 = tpu.memref_slice %arg10[%dma_start3A_263, %dma_start3A_264, %dma_start3A_268] : memref<3x2x128xi32, #tpu.memory_space<vmem>> -> memref<1x1x128xi32, #tpu.memory_space<vmem>>
      %dma_start3A_270 = tpu.memref_squeeze %dma_start3A_269 : memref<1x1x128xi32, #tpu.memory_space<vmem>> -> memref<128xi32, #tpu.memory_space<vmem>>
      %dma_start3A_271 = arith.constant 0 : i32
      %dma_start3A_272 = arith.constant 0 : i32
      %dma_start3A_273 = tpu.memref_slice %arg6[%dma_start3A_271, %dma_start3A_272] : memref<200x64xbf16, #tpu.memory_space<hbm>> -> memref<200x64xbf16, #tpu.memory_space<hbm>>
      tpu.enqueue_indirect_dma source(%dma_start3A_273 : memref<200x64xbf16, #tpu.memory_space<hbm>>) target(%dma_start3A_267 : memref<128x64xbf16, #tpu.memory_space<vmem>>) offsets(%dma_start3A_270 : memref<128xi32, #tpu.memory_space<vmem>>) semaphore(%arg23 : memref<!tpu.dma_semaphore, #tpu.memory_space<semaphore_mem>>)
      %add3A_274 = arith.constant 2 : i32
      %add3A_275 = arith.addi %add3A_130, %add3A_274 : i32
      %lt3A = arith.constant 100 : i32
      %lt3A_276 = arith.cmpi slt, %add3A_275, %lt3A : i32
      %convert_element_type3A = arith.extui %lt3A_276 : i1 to i32
      %cond3A = arith.constant 0 : i32
      %cond3A_277 = arith.cmpi ne, %convert_element_type3A, %cond3A : i32
      scf.if %cond3A_277 {
        %add3A_425 = arith.constant 2 : i32
        %add3A_426 = arith.addi %add3A_130, %add3A_425 : i32
        %mul3A_427 = arith.constant 2 : i32
        %mul3A_428 = arith.muli %add3A_426, %mul3A_427 : i32
        %add3A_429 = arith.addi %mul3A_9, %mul3A_428 : i32
        %dma_start3A_430 = arith.constant 0 : i32
        %dma_start3A_431 = arith.constant 0 : i32
        %dma_start3A_432 = tpu.memref_slice %arg2[%dma_start3A_430, %add3A_429, %dma_start3A_431] : memref<3x6400x128xi32, #tpu.memory_space<hbm>> -> memref<3x2x128xi32, #tpu.memory_space<hbm>>
        %dma_start3A_433 = arith.constant 0 : i32
        %dma_start3A_434 = arith.constant 0 : i32
        %dma_start3A_435 = tpu.memref_slice %arg2[%dma_start3A_433, %add3A_429, %dma_start3A_434] : memref<3x6400x128xi32, #tpu.memory_space<hbm>> -> memref<3x2x128xi32, #tpu.memory_space<hbm>>
        tpu.enqueue_dma source(%dma_start3A_435 : memref<3x2x128xi32, #tpu.memory_space<hbm>>) target(%arg9 : memref<3x2x128xi32, #tpu.memory_space<vmem>>) target_semaphore(%arg26 : memref<!tpu.dma_semaphore, #tpu.memory_space<semaphore_mem>>)
      } else {
      }
      %mul3A_278 = arith.constant 2 : i32
      %mul3A_279 = arith.muli %add3A_130, %mul3A_278 : i32
      %add3A_280 = arith.addi %mul3A_9, %mul3A_279 : i32
      %dma_wait3A_281 = arith.constant 0 : i32
      %dma_wait3A_282 = tpu.memref_slice %arg3[%add3A_280, %dma_wait3A_281] : memref<6400x128xf32, #tpu.memory_space<hbm>> -> memref<2x128xf32, #tpu.memory_space<hbm>>
      %dma_wait3A_283 = arith.constant 0 : i32
      %dma_wait3A_284 = tpu.memref_slice %arg3[%add3A_280, %dma_wait3A_283] : memref<6400x128xf32, #tpu.memory_space<hbm>> -> memref<2x128xf32, #tpu.memory_space<hbm>>
      tpu.wait_dma2 semaphore(%arg28 : memref<!tpu.dma_semaphore, #tpu.memory_space<semaphore_mem>>) src(%dma_wait3A_284 : memref<2x128xf32, #tpu.memory_space<hbm>>) dst(%arg11 : memref<2x128xf32, #tpu.memory_space<vmem>>)
      %ge3A = arith.constant 2 : i32
      %ge3A_285 = arith.cmpi sge, %add3A_130, %ge3A : i32
      %convert_element_type3A_286 = arith.extui %ge3A_285 : i1 to i32
      %cond3A_287 = arith.constant 0 : i32
      %cond3A_288 = arith.cmpi ne, %convert_element_type3A_286, %cond3A_287 : i32
      scf.if %cond3A_288 {
        %dma_wait3A_425 = arith.constant 0 : i32
        %dma_wait3A_426 = arith.constant 0 : i32
        %dma_wait3A_427 = tpu.memref_slice %arg8[%dma_wait3A_425, %dma_wait3A_426] : memref<819200x64xf32, #tpu.memory_space<hbm>> -> memref<256x64xf32, #tpu.memory_space<hbm>>
        %dma_wait3A_428 = arith.constant 0 : i32
        %dma_wait3A_429 = arith.constant 0 : i32
        %dma_wait3A_430 = tpu.memref_slice %arg8[%dma_wait3A_428, %dma_wait3A_429] : memref<819200x64xf32, #tpu.memory_space<hbm>> -> memref<256x64xf32, #tpu.memory_space<hbm>>
        tpu.wait_dma2 semaphore(%arg24 : memref<!tpu.dma_semaphore, #tpu.memory_space<semaphore_mem>>) src(%arg19 : memref<256x64xf32, #tpu.memory_space<vmem>>) dst(%dma_wait3A_430 : memref<256x64xf32, #tpu.memory_space<hbm>>)
      } else {
      }
      %scan3A_289 = arith.constant 0 : i32
      %scan3A_290 = arith.constant 16 : i32
      %scan3A_291 = arith.addi %scan3A_289, %scan3A_290 : i32
      %scan3A_292 = arith.constant 1 : i32
      scf.for %scan3A_425 = %scan3A_289 to %scan3A_291 step %scan3A_292  : i32 {
        %mul3A_426 = arith.constant 1 : i32
        %mul3A_427 = arith.muli %scan3A_425, %mul3A_426 : i32
        %add3A_428 = arith.constant 0 : i32
        %add3A_429 = arith.addi %add3A_428, %mul3A_427 : i32
        %jit3A = arith.constant 8 : i32
        %div3A = arith.divsi %add3A_429, %jit3A : i32
        %sign3A = arith.constant 0 : i32
        %sign3A_430 = arith.cmpi sgt, %add3A_429, %sign3A : i32
        %sign3A_431 = arith.extui %sign3A_430 : i1 to i32
        %sign3A_432 = arith.constant 0 : i32
        %sign3A_433 = arith.cmpi slt, %add3A_429, %sign3A_432 : i32
        %sign3A_434 = arith.extui %sign3A_433 : i1 to i32
        %sign3A_435 = arith.subi %sign3A_431, %sign3A_434 : i32
        %sign3A_436 = arith.constant 0 : i32
        %sign3A_437 = arith.cmpi sgt, %jit3A, %sign3A_436 : i32
        %sign3A_438 = arith.extui %sign3A_437 : i1 to i32
        %sign3A_439 = arith.constant 0 : i32
        %sign3A_440 = arith.cmpi slt, %jit3A, %sign3A_439 : i32
        %sign3A_441 = arith.extui %sign3A_440 : i1 to i32
        %sign3A_442 = arith.subi %sign3A_438, %sign3A_441 : i32
        %ne3A = arith.cmpi ne, %sign3A_435, %sign3A_442 : i32
        %rem3A = arith.remsi %add3A_429, %jit3A : i32
        %ne3A_443 = arith.constant 0 : i32
        %ne3A_444 = arith.cmpi ne, %rem3A, %ne3A_443 : i32
        %and3A = arith.andi %ne3A, %ne3A_444 : i1
        %sub3A = arith.constant 1 : i32
        %sub3A_445 = arith.subi %div3A, %sub3A : i32
        %select_n3A = arith.select %and3A, %sub3A_445, %div3A : i32
        %jit3A_446 = arith.constant 8 : i32
        %eq3A = arith.constant 0 : i32
        %eq3A_447 = arith.cmpi eq, %jit3A_446, %eq3A : i32
        %jit3A_448 = arith.constant 1 : i32
        %select_n3A_449 = arith.select %eq3A_447, %jit3A_448, %jit3A_446 : i32
        %rem3A_450 = arith.remsi %add3A_429, %select_n3A_449 : i32
        %ne3A_451 = arith.constant 0 : i32
        %ne3A_452 = arith.cmpi ne, %rem3A_450, %ne3A_451 : i32
        %lt3A_453 = arith.constant 0 : i32
        %lt3A_454 = arith.cmpi slt, %rem3A_450, %lt3A_453 : i32
        %lt3A_455 = arith.constant 0 : i32
        %lt3A_456 = arith.cmpi slt, %select_n3A_449, %lt3A_455 : i32
        %ne3A_457 = arith.xori %lt3A_454, %lt3A_456 : i1
        %and3A_458 = arith.andi %ne3A_457, %ne3A_452 : i1
        %add3A_459 = arith.addi %rem3A_450, %select_n3A_449 : i32
        %select_n3A_460 = arith.select %and3A_458, %add3A_459, %rem3A_450 : i32
        %mul3A_461 = arith.constant 16 : i32
        %mul3A_462 = arith.muli %select_n3A_460, %mul3A_461 : i32
        %get3A_463 = arith.index_cast %select_n3A : i32 to index
        %get3A_464 = arith.index_cast %mul3A_462 : i32 to index
        %get3A_465 = tpu.vector_load %arg11[%get3A_463, %get3A_464] {strides = array<i32>} : memref<2x128xf32, #tpu.memory_space<vmem>>, vector<16xf32>,
        %mul3A_466 = arith.constant 16 : i32
        %mul3A_467 = arith.muli %add3A_429, %mul3A_466 : i32
        %add3A_468 = arith.constant 0 : i32
        %add3A_469 = arith.addi %mul3A_467, %add3A_468 : i32
        %broadcast_in_dim3A = arith.constant 0 : i32
        %broadcast_in_dim3A_470 = vector.broadcast %broadcast_in_dim3A : i32 to vector<16x1xi32>
        %gather3A = vector.shape_cast %broadcast_in_dim3A_470 : vector<16x1xi32> to vector<16xi32>
        %gather3A_471 = tpu.dynamic_gather %get3A_465[%gather3A] in [0] : vector<16xf32>, vector<16xi32> -> vector<16xf32>
        %get3A_472 = arith.index_cast %add3A_469 : i32 to index
        %get3A_473 = arith.constant 0 : index
        %get3A_474 = tpu.vector_load %arg13[%get3A_472, %get3A_473] {strides = array<i32>} : memref<256x64xbf16, #tpu.memory_space<vmem>>, vector<32xbf16>,
        %get3A_475 = arith.index_cast %add3A_469 : i32 to index
        %get3A_476 = arith.constant 0 : index
        %get3A_477 = tpu.vector_load %arg15[%get3A_475, %get3A_476] {strides = array<i32>} : memref<256x64xbf16, #tpu.memory_space<vmem>>, vector<32xbf16>,
        %get3A_478 = arith.index_cast %add3A_469 : i32 to index
        %get3A_479 = arith.constant 0 : index
        %get3A_480 = tpu.vector_load %arg17[%get3A_478, %get3A_479] {strides = array<i32>} : memref<256x64xbf16, #tpu.memory_space<vmem>>, vector<32xbf16>,
        %unpack3A = tpu.unpack_subelements %get3A_474, 0 {pack_format = #tpu.pack_format<interleaved>} : vector<32xbf16> -> vector<16xf32>
        %unpack3A_481 = tpu.unpack_subelements %get3A_474, 1 {pack_format = #tpu.pack_format<interleaved>} : vector<32xbf16> -> vector<16xf32>
        %unpack3A_482 = tpu.unpack_subelements %get3A_477, 0 {pack_format = #tpu.pack_format<interleaved>} : vector<32xbf16> -> vector<16xf32>
        %unpack3A_483 = tpu.unpack_subelements %get3A_477, 1 {pack_format = #tpu.pack_format<interleaved>} : vector<32xbf16> -> vector<16xf32>
        %unpack3A_484 = tpu.unpack_subelements %get3A_480, 0 {pack_format = #tpu.pack_format<interleaved>} : vector<32xbf16> -> vector<16xf32>
        %unpack3A_485 = tpu.unpack_subelements %get3A_480, 1 {pack_format = #tpu.pack_format<interleaved>} : vector<32xbf16> -> vector<16xf32>
        %add3A_486 = arith.addf %unpack3A, %unpack3A_482 : vector<16xf32>
        %add3A_487 = arith.addf %add3A_486, %unpack3A_484 : vector<16xf32>
        %mul3A_488 = arith.mulf %gather3A_471, %get3A_1 : vector<16xf32>
        %add3A_489 = arith.addf %add3A_487, %mul3A_488 : vector<16xf32>
        %swap3A = arith.index_cast %add3A_469 : i32 to index
        %swap3A_490 = arith.constant 0 : index
        %swap3A_491 = tpu.vector_load %arg19[%swap3A, %swap3A_490] {strides = array<i32>} : memref<256x64xf32, #tpu.memory_space<vmem>>, vector<16xf32>,
        tpu.vector_store %arg19[%swap3A, %swap3A_490], %add3A_489 {strides = array<i32>} : memref<256x64xf32, #tpu.memory_space<vmem>>, vector<16xf32>,
        %add3A_492 = arith.addf %unpack3A_481, %unpack3A_483 : vector<16xf32>
        %add3A_493 = arith.addf %add3A_492, %unpack3A_485 : vector<16xf32>
        %mul3A_494 = arith.mulf %gather3A_471, %get3A_3 : vector<16xf32>
        %add3A_495 = arith.addf %add3A_493, %mul3A_494 : vector<16xf32>
        %swap3A_496 = arith.index_cast %add3A_469 : i32 to index
        %swap3A_497 = arith.constant 16 : index
        %swap3A_498 = tpu.vector_load %arg19[%swap3A_496, %swap3A_497] {strides = array<i32>} : memref<256x64xf32, #tpu.memory_space<vmem>>, vector<16xf32>,
        tpu.vector_store %arg19[%swap3A_496, %swap3A_497], %add3A_495 {strides = array<i32>} : memref<256x64xf32, #tpu.memory_space<vmem>>, vector<16xf32>,
        %get3A_499 = arith.index_cast %add3A_469 : i32 to index
        %get3A_500 = arith.constant 32 : index
        %get3A_501 = tpu.vector_load %arg13[%get3A_499, %get3A_500] {strides = array<i32>} : memref<256x64xbf16, #tpu.memory_space<vmem>>, vector<32xbf16>,
        %get3A_502 = arith.index_cast %add3A_469 : i32 to index
        %get3A_503 = arith.constant 32 : index
        %get3A_504 = tpu.vector_load %arg15[%get3A_502, %get3A_503] {strides = array<i32>} : memref<256x64xbf16, #tpu.memory_space<vmem>>, vector<32xbf16>,
        %get3A_505 = arith.index_cast %add3A_469 : i32 to index
        %get3A_506 = arith.constant 32 : index
        %get3A_507 = tpu.vector_load %arg17[%get3A_505, %get3A_506] {strides = array<i32>} : memref<256x64xbf16, #tpu.memory_space<vmem>>, vector<32xbf16>,
        %unpack3A_508 = tpu.unpack_subelements %get3A_501, 0 {pack_format = #tpu.pack_format<interleaved>} : vector<32xbf16> -> vector<16xf32>
        %unpack3A_509 = tpu.unpack_subelements %get3A_501, 1 {pack_format = #tpu.pack_format<interleaved>} : vector<32xbf16> -> vector<16xf32>
        %unpack3A_510 = tpu.unpack_subelements %get3A_504, 0 {pack_format = #tpu.pack_format<interleaved>} : vector<32xbf16> -> vector<16xf32>
        %unpack3A_511 = tpu.unpack_subelements %get3A_504, 1 {pack_format = #tpu.pack_format<interleaved>} : vector<32xbf16> -> vector<16xf32>
        %unpack3A_512 = tpu.unpack_subelements %get3A_507, 0 {pack_format = #tpu.pack_format<interleaved>} : vector<32xbf16> -> vector<16xf32>
        %unpack3A_513 = tpu.unpack_subelements %get3A_507, 1 {pack_format = #tpu.pack_format<interleaved>} : vector<32xbf16> -> vector<16xf32>
        %add3A_514 = arith.addf %unpack3A_508, %unpack3A_510 : vector<16xf32>
        %add3A_515 = arith.addf %add3A_514, %unpack3A_512 : vector<16xf32>
        %mul3A_516 = arith.mulf %gather3A_471, %get3A_5 : vector<16xf32>
        %add3A_517 = arith.addf %add3A_515, %mul3A_516 : vector<16xf32>
        %swap3A_518 = arith.index_cast %add3A_469 : i32 to index
        %swap3A_519 = arith.constant 32 : index
        %swap3A_520 = tpu.vector_load %arg19[%swap3A_518, %swap3A_519] {strides = array<i32>} : memref<256x64xf32, #tpu.memory_space<vmem>>, vector<16xf32>,
        tpu.vector_store %arg19[%swap3A_518, %swap3A_519], %add3A_517 {strides = array<i32>} : memref<256x64xf32, #tpu.memory_space<vmem>>, vector<16xf32>,
        %add3A_521 = arith.addf %unpack3A_509, %unpack3A_511 : vector<16xf32>
        %add3A_522 = arith.addf %add3A_521, %unpack3A_513 : vector<16xf32>
        %mul3A_523 = arith.mulf %gather3A_471, %get3A_7 : vector<16xf32>
        %add3A_524 = arith.addf %add3A_522, %mul3A_523 : vector<16xf32>
        %swap3A_525 = arith.index_cast %add3A_469 : i32 to index
        %swap3A_526 = arith.constant 48 : index
        %swap3A_527 = tpu.vector_load %arg19[%swap3A_525, %swap3A_526] {strides = array<i32>} : memref<256x64xf32, #tpu.memory_space<vmem>>, vector<16xf32>,
        tpu.vector_store %arg19[%swap3A_525, %swap3A_526], %add3A_524 {strides = array<i32>} : memref<256x64xf32, #tpu.memory_space<vmem>>, vector<16xf32>,
        %mul3A_528 = arith.constant 16 : i32
        %mul3A_529 = arith.muli %add3A_429, %mul3A_528 : i32
        %add3A_530 = arith.constant 1 : i32
        %add3A_531 = arith.addi %mul3A_529, %add3A_530 : i32
        %broadcast_in_dim3A_532 = arith.constant 1 : i32
        %broadcast_in_dim3A_533 = vector.broadcast %broadcast_in_dim3A_532 : i32 to vector<16x1xi32>
        %gather3A_534 = vector.shape_cast %broadcast_in_dim3A_533 : vector<16x1xi32> to vector<16xi32>
        %gather3A_535 = tpu.dynamic_gather %get3A_465[%gather3A_534] in [0] : vector<16xf32>, vector<16xi32> -> vector<16xf32>
        %get3A_536 = arith.index_cast %add3A_531 : i32 to index
        %get3A_537 = arith.constant 0 : index
        %get3A_538 = tpu.vector_load %arg13[%get3A_536, %get3A_537] {strides = array<i32>} : memref<256x64xbf16, #tpu.memory_space<vmem>>, vector<32xbf16>,
        %get3A_539 = arith.index_cast %add3A_531 : i32 to index
        %get3A_540 = arith.constant 0 : index
        %get3A_541 = tpu.vector_load %arg15[%get3A_539, %get3A_540] {strides = array<i32>} : memref<256x64xbf16, #tpu.memory_space<vmem>>, vector<32xbf16>,
        %get3A_542 = arith.index_cast %add3A_531 : i32 to index
        %get3A_543 = arith.constant 0 : index
        %get3A_544 = tpu.vector_load %arg17[%get3A_542, %get3A_543] {strides = array<i32>} : memref<256x64xbf16, #tpu.memory_space<vmem>>, vector<32xbf16>,
        %unpack3A_545 = tpu.unpack_subelements %get3A_538, 0 {pack_format = #tpu.pack_format<interleaved>} : vector<32xbf16> -> vector<16xf32>
        %unpack3A_546 = tpu.unpack_subelements %get3A_538, 1 {pack_format = #tpu.pack_format<interleaved>} : vector<32xbf16> -> vector<16xf32>
        %unpack3A_547 = tpu.unpack_subelements %get3A_541, 0 {pack_format = #tpu.pack_format<interleaved>} : vector<32xbf16> -> vector<16xf32>
        %unpack3A_548 = tpu.unpack_subelements %get3A_541, 1 {pack_format = #tpu.pack_format<interleaved>} : vector<32xbf16> -> vector<16xf32>
        %unpack3A_549 = tpu.unpack_subelements %get3A_544, 0 {pack_format = #tpu.pack_format<interleaved>} : vector<32xbf16> -> vector<16xf32>
        %unpack3A_550 = tpu.unpack_subelements %get3A_544, 1 {pack_format = #tpu.pack_format<interleaved>} : vector<32xbf16> -> vector<16xf32>
        %add3A_551 = arith.addf %unpack3A_545, %unpack3A_547 : vector<16xf32>
        %add3A_552 = arith.addf %add3A_551, %unpack3A_549 : vector<16xf32>
        %mul3A_553 = arith.mulf %gather3A_535, %get3A_1 : vector<16xf32>
        %add3A_554 = arith.addf %add3A_552, %mul3A_553 : vector<16xf32>
        %swap3A_555 = arith.index_cast %add3A_531 : i32 to index
        %swap3A_556 = arith.constant 0 : index
        %swap3A_557 = tpu.vector_load %arg19[%swap3A_555, %swap3A_556] {strides = array<i32>} : memref<256x64xf32, #tpu.memory_space<vmem>>, vector<16xf32>,
        tpu.vector_store %arg19[%swap3A_555, %swap3A_556], %add3A_554 {strides = array<i32>} : memref<256x64xf32, #tpu.memory_space<vmem>>, vector<16xf32>,
        %add3A_558 = arith.addf %unpack3A_546, %unpack3A_548 : vector<16xf32>
        %add3A_559 = arith.addf %add3A_558, %unpack3A_550 : vector<16xf32>
        %mul3A_560 = arith.mulf %gather3A_535, %get3A_3 : vector<16xf32>
        %add3A_561 = arith.addf %add3A_559, %mul3A_560 : vector<16xf32>
        %swap3A_562 = arith.index_cast %add3A_531 : i32 to index
        %swap3A_563 = arith.constant 16 : index
        %swap3A_564 = tpu.vector_load %arg19[%swap3A_562, %swap3A_563] {strides = array<i32>} : memref<256x64xf32, #tpu.memory_space<vmem>>, vector<16xf32>,
        tpu.vector_store %arg19[%swap3A_562, %swap3A_563], %add3A_561 {strides = array<i32>} : memref<256x64xf32, #tpu.memory_space<vmem>>, vector<16xf32>,
        %get3A_565 = arith.index_cast %add3A_531 : i32 to index
        %get3A_566 = arith.constant 32 : index
        %get3A_567 = tpu.vector_load %arg13[%get3A_565, %get3A_566] {strides = array<i32>} : memref<256x64xbf16, #tpu.memory_space<vmem>>, vector<32xbf16>,
        %get3A_568 = arith.index_cast %add3A_531 : i32 to index
        %get3A_569 = arith.constant 32 : index
        %get3A_570 = tpu.vector_load %arg15[%get3A_568, %get3A_569] {strides = array<i32>} : memref<256x64xbf16, #tpu.memory_space<vmem>>, vector<32xbf16>,
        %get3A_571 = arith.index_cast %add3A_531 : i32 to index
        %get3A_572 = arith.constant 32 : index
        %get3A_573 = tpu.vector_load %arg17[%get3A_571, %get3A_572] {strides = array<i32>} : memref<256x64xbf16, #tpu.memory_space<vmem>>, vector<32xbf16>,
        %unpack3A_574 = tpu.unpack_subelements %get3A_567, 0 {pack_format = #tpu.pack_format<interleaved>} : vector<32xbf16> -> vector<16xf32>
        %unpack3A_575 = tpu.unpack_subelements %get3A_567, 1 {pack_format = #tpu.pack_format<interleaved>} : vector<32xbf16> -> vector<16xf32>
        %unpack3A_576 = tpu.unpack_subelements %get3A_570, 0 {pack_format = #tpu.pack_format<interleaved>} : vector<32xbf16> -> vector<16xf32>
        %unpack3A_577 = tpu.unpack_subelements %get3A_570, 1 {pack_format = #tpu.pack_format<interleaved>} : vector<32xbf16> -> vector<16xf32>
        %unpack3A_578 = tpu.unpack_subelements %get3A_573, 0 {pack_format = #tpu.pack_format<interleaved>} : vector<32xbf16> -> vector<16xf32>
        %unpack3A_579 = tpu.unpack_subelements %get3A_573, 1 {pack_format = #tpu.pack_format<interleaved>} : vector<32xbf16> -> vector<16xf32>
        %add3A_580 = arith.addf %unpack3A_574, %unpack3A_576 : vector<16xf32>
        %add3A_581 = arith.addf %add3A_580, %unpack3A_578 : vector<16xf32>
        %mul3A_582 = arith.mulf %gather3A_535, %get3A_5 : vector<16xf32>
        %add3A_583 = arith.addf %add3A_581, %mul3A_582 : vector<16xf32>
        %swap3A_584 = arith.index_cast %add3A_531 : i32 to index
        %swap3A_585 = arith.constant 32 : index
        %swap3A_586 = tpu.vector_load %arg19[%swap3A_584, %swap3A_585] {strides = array<i32>} : memref<256x64xf32, #tpu.memory_space<vmem>>, vector<16xf32>,
        tpu.vector_store %arg19[%swap3A_584, %swap3A_585], %add3A_583 {strides = array<i32>} : memref<256x64xf32, #tpu.memory_space<vmem>>, vector<16xf32>,
        %add3A_587 = arith.addf %unpack3A_575, %unpack3A_577 : vector<16xf32>
        %add3A_588 = arith.addf %add3A_587, %unpack3A_579 : vector<16xf32>
        %mul3A_589 = arith.mulf %gather3A_535, %get3A_7 : vector<16xf32>
        %add3A_590 = arith.addf %add3A_588, %mul3A_589 : vector<16xf32>
        %swap3A_591 = arith.index_cast %add3A_531 : i32 to index
        %swap3A_592 = arith.constant 48 : index
        %swap3A_593 = tpu.vector_load %arg19[%swap3A_591, %swap3A_592] {strides = array<i32>} : memref<256x64xf32, #tpu.memory_space<vmem>>, vector<16xf32>,
        tpu.vector_store %arg19[%swap3A_591, %swap3A_592], %add3A_590 {strides = array<i32>} : memref<256x64xf32, #tpu.memory_space<vmem>>, vector<16xf32>,
        %mul3A_594 = arith.constant 16 : i32
        %mul3A_595 = arith.muli %add3A_429, %mul3A_594 : i32
        %add3A_596 = arith.constant 2 : i32
        %add3A_597 = arith.addi %mul3A_595, %add3A_596 : i32
        %broadcast_in_dim3A_598 = arith.constant 2 : i32
        %broadcast_in_dim3A_599 = vector.broadcast %broadcast_in_dim3A_598 : i32 to vector<16x1xi32>
        %gather3A_600 = vector.shape_cast %broadcast_in_dim3A_599 : vector<16x1xi32> to vector<16xi32>
        %gather3A_601 = tpu.dynamic_gather %get3A_465[%gather3A_600] in [0] : vector<16xf32>, vector<16xi32> -> vector<16xf32>
        %get3A_602 = arith.index_cast %add3A_597 : i32 to index
        %get3A_603 = arith.constant 0 : index
        %get3A_604 = tpu.vector_load %arg13[%get3A_602, %get3A_603] {strides = array<i32>} : memref<256x64xbf16, #tpu.memory_space<vmem>>, vector<32xbf16>,
        %get3A_605 = arith.index_cast %add3A_597 : i32 to index
        %get3A_606 = arith.constant 0 : index
        %get3A_607 = tpu.vector_load %arg15[%get3A_605, %get3A_606] {strides = array<i32>} : memref<256x64xbf16, #tpu.memory_space<vmem>>, vector<32xbf16>,
        %get3A_608 = arith.index_cast %add3A_597 : i32 to index
        %get3A_609 = arith.constant 0 : index
        %get3A_610 = tpu.vector_load %arg17[%get3A_608, %get3A_609] {strides = array<i32>} : memref<256x64xbf16, #tpu.memory_space<vmem>>, vector<32xbf16>,
        %unpack3A_611 = tpu.unpack_subelements %get3A_604, 0 {pack_format = #tpu.pack_format<interleaved>} : vector<32xbf16> -> vector<16xf32>
        %unpack3A_612 = tpu.unpack_subelements %get3A_604, 1 {pack_format = #tpu.pack_format<interleaved>} : vector<32xbf16> -> vector<16xf32>
        %unpack3A_613 = tpu.unpack_subelements %get3A_607, 0 {pack_format = #tpu.pack_format<interleaved>} : vector<32xbf16> -> vector<16xf32>
        %unpack3A_614 = tpu.unpack_subelements %get3A_607, 1 {pack_format = #tpu.pack_format<interleaved>} : vector<32xbf16> -> vector<16xf32>
        %unpack3A_615 = tpu.unpack_subelements %get3A_610, 0 {pack_format = #tpu.pack_format<interleaved>} : vector<32xbf16> -> vector<16xf32>
        %unpack3A_616 = tpu.unpack_subelements %get3A_610, 1 {pack_format = #tpu.pack_format<interleaved>} : vector<32xbf16> -> vector<16xf32>
        %add3A_617 = arith.addf %unpack3A_611, %unpack3A_613 : vector<16xf32>
        %add3A_618 = arith.addf %add3A_617, %unpack3A_615 : vector<16xf32>
        %mul3A_619 = arith.mulf %gather3A_601, %get3A_1 : vector<16xf32>
        %add3A_620 = arith.addf %add3A_618, %mul3A_619 : vector<16xf32>
        %swap3A_621 = arith.index_cast %add3A_597 : i32 to index
        %swap3A_622 = arith.constant 0 : index
        %swap3A_623 = tpu.vector_load %arg19[%swap3A_621, %swap3A_622] {strides = array<i32>} : memref<256x64xf32, #tpu.memory_space<vmem>>, vector<16xf32>,
        tpu.vector_store %arg19[%swap3A_621, %swap3A_622], %add3A_620 {strides = array<i32>} : memref<256x64xf32, #tpu.memory_space<vmem>>, vector<16xf32>,
        %add3A_624 = arith.addf %unpack3A_612, %unpack3A_614 : vector<16xf32>
        %add3A_625 = arith.addf %add3A_624, %unpack3A_616 : vector<16xf32>
        %mul3A_626 = arith.mulf %gather3A_601, %get3A_3 : vector<16xf32>
        %add3A_627 = arith.addf %add3A_625, %mul3A_626 : vector<16xf32>
        %swap3A_628 = arith.index_cast %add3A_597 : i32 to index
        %swap3A_629 = arith.constant 16 : index
        %swap3A_630 = tpu.vector_load %arg19[%swap3A_628, %swap3A_629] {strides = array<i32>} : memref<256x64xf32, #tpu.memory_space<vmem>>, vector<16xf32>,
        tpu.vector_store %arg19[%swap3A_628, %swap3A_629], %add3A_627 {strides = array<i32>} : memref<256x64xf32, #tpu.memory_space<vmem>>, vector<16xf32>,
        %get3A_631 = arith.index_cast %add3A_597 : i32 to index
        %get3A_632 = arith.constant 32 : index
        %get3A_633 = tpu.vector_load %arg13[%get3A_631, %get3A_632] {strides = array<i32>} : memref<256x64xbf16, #tpu.memory_space<vmem>>, vector<32xbf16>,
        %get3A_634 = arith.index_cast %add3A_597 : i32 to index
        %get3A_635 = arith.constant 32 : index
        %get3A_636 = tpu.vector_load %arg15[%get3A_634, %get3A_635] {strides = array<i32>} : memref<256x64xbf16, #tpu.memory_space<vmem>>, vector<32xbf16>,
        %get3A_637 = arith.index_cast %add3A_597 : i32 to index
        %get3A_638 = arith.constant 32 : index
        %get3A_639 = tpu.vector_load %arg17[%get3A_637, %get3A_638] {strides = array<i32>} : memref<256x64xbf16, #tpu.memory_space<vmem>>, vector<32xbf16>,
        %unpack3A_640 = tpu.unpack_subelements %get3A_633, 0 {pack_format = #tpu.pack_format<interleaved>} : vector<32xbf16> -> vector<16xf32>
        %unpack3A_641 = tpu.unpack_subelements %get3A_633, 1 {pack_format = #tpu.pack_format<interleaved>} : vector<32xbf16> -> vector<16xf32>
        %unpack3A_642 = tpu.unpack_subelements %get3A_636, 0 {pack_format = #tpu.pack_format<interleaved>} : vector<32xbf16> -> vector<16xf32>
        %unpack3A_643 = tpu.unpack_subelements %get3A_636, 1 {pack_format = #tpu.pack_format<interleaved>} : vector<32xbf16> -> vector<16xf32>
        %unpack3A_644 = tpu.unpack_subelements %get3A_639, 0 {pack_format = #tpu.pack_format<interleaved>} : vector<32xbf16> -> vector<16xf32>
        %unpack3A_645 = tpu.unpack_subelements %get3A_639, 1 {pack_format = #tpu.pack_format<interleaved>} : vector<32xbf16> -> vector<16xf32>
        %add3A_646 = arith.addf %unpack3A_640, %unpack3A_642 : vector<16xf32>
        %add3A_647 = arith.addf %add3A_646, %unpack3A_644 : vector<16xf32>
        %mul3A_648 = arith.mulf %gather3A_601, %get3A_5 : vector<16xf32>
        %add3A_649 = arith.addf %add3A_647, %mul3A_648 : vector<16xf32>
        %swap3A_650 = arith.index_cast %add3A_597 : i32 to index
        %swap3A_651 = arith.constant 32 : index
        %swap3A_652 = tpu.vector_load %arg19[%swap3A_650, %swap3A_651] {strides = array<i32>} : memref<256x64xf32, #tpu.memory_space<vmem>>, vector<16xf32>,
        tpu.vector_store %arg19[%swap3A_650, %swap3A_651], %add3A_649 {strides = array<i32>} : memref<256x64xf32, #tpu.memory_space<vmem>>, vector<16xf32>,
        %add3A_653 = arith.addf %unpack3A_641, %unpack3A_643 : vector<16xf32>
        %add3A_654 = arith.addf %add3A_653, %unpack3A_645 : vector<16xf32>
        %mul3A_655 = arith.mulf %gather3A_601, %get3A_7 : vector<16xf32>
        %add3A_656 = arith.addf %add3A_654, %mul3A_655 : vector<16xf32>
        %swap3A_657 = arith.index_cast %add3A_597 : i32 to index
        %swap3A_658 = arith.constant 48 : index
        %swap3A_659 = tpu.vector_load %arg19[%swap3A_657, %swap3A_658] {strides = array<i32>} : memref<256x64xf32, #tpu.memory_space<vmem>>, vector<16xf32>,
        tpu.vector_store %arg19[%swap3A_657, %swap3A_658], %add3A_656 {strides = array<i32>} : memref<256x64xf32, #tpu.memory_space<vmem>>, vector<16xf32>,
        %mul3A_660 = arith.constant 16 : i32
        %mul3A_661 = arith.muli %add3A_429, %mul3A_660 : i32
        %add3A_662 = arith.constant 3 : i32
        %add3A_663 = arith.addi %mul3A_661, %add3A_662 : i32
        %broadcast_in_dim3A_664 = arith.constant 3 : i32
        %broadcast_in_dim3A_665 = vector.broadcast %broadcast_in_dim3A_664 : i32 to vector<16x1xi32>
        %gather3A_666 = vector.shape_cast %broadcast_in_dim3A_665 : vector<16x1xi32> to vector<16xi32>
        %gather3A_667 = tpu.dynamic_gather %get3A_465[%gather3A_666] in [0] : vector<16xf32>, vector<16xi32> -> vector<16xf32>
        %get3A_668 = arith.index_cast %add3A_663 : i32 to index
        %get3A_669 = arith.constant 0 : index
        %get3A_670 = tpu.vector_load %arg13[%get3A_668, %get3A_669] {strides = array<i32>} : memref<256x64xbf16, #tpu.memory_space<vmem>>, vector<32xbf16>,
        %get3A_671 = arith.index_cast %add3A_663 : i32 to index
        %get3A_672 = arith.constant 0 : index
        %get3A_673 = tpu.vector_load %arg15[%get3A_671, %get3A_672] {strides = array<i32>} : memref<256x64xbf16, #tpu.memory_space<vmem>>, vector<32xbf16>,
        %get3A_674 = arith.index_cast %add3A_663 : i32 to index
        %get3A_675 = arith.constant 0 : index
        %get3A_676 = tpu.vector_load %arg17[%get3A_674, %get3A_675] {strides = array<i32>} : memref<256x64xbf16, #tpu.memory_space<vmem>>, vector<32xbf16>,
        %unpack3A_677 = tpu.unpack_subelements %get3A_670, 0 {pack_format = #tpu.pack_format<interleaved>} : vector<32xbf16> -> vector<16xf32>
        %unpack3A_678 = tpu.unpack_subelements %get3A_670, 1 {pack_format = #tpu.pack_format<interleaved>} : vector<32xbf16> -> vector<16xf32>
        %unpack3A_679 = tpu.unpack_subelements %get3A_673, 0 {pack_format = #tpu.pack_format<interleaved>} : vector<32xbf16> -> vector<16xf32>
        %unpack3A_680 = tpu.unpack_subelements %get3A_673, 1 {pack_format = #tpu.pack_format<interleaved>} : vector<32xbf16> -> vector<16xf32>
        %unpack3A_681 = tpu.unpack_subelements %get3A_676, 0 {pack_format = #tpu.pack_format<interleaved>} : vector<32xbf16> -> vector<16xf32>
        %unpack3A_682 = tpu.unpack_subelements %get3A_676, 1 {pack_format = #tpu.pack_format<interleaved>} : vector<32xbf16> -> vector<16xf32>
        %add3A_683 = arith.addf %unpack3A_677, %unpack3A_679 : vector<16xf32>
        %add3A_684 = arith.addf %add3A_683, %unpack3A_681 : vector<16xf32>
        %mul3A_685 = arith.mulf %gather3A_667, %get3A_1 : vector<16xf32>
        %add3A_686 = arith.addf %add3A_684, %mul3A_685 : vector<16xf32>
        %swap3A_687 = arith.index_cast %add3A_663 : i32 to index
        %swap3A_688 = arith.constant 0 : index
        %swap3A_689 = tpu.vector_load %arg19[%swap3A_687, %swap3A_688] {strides = array<i32>} : memref<256x64xf32, #tpu.memory_space<vmem>>, vector<16xf32>,
        tpu.vector_store %arg19[%swap3A_687, %swap3A_688], %add3A_686 {strides = array<i32>} : memref<256x64xf32, #tpu.memory_space<vmem>>, vector<16xf32>,
        %add3A_690 = arith.addf %unpack3A_678, %unpack3A_680 : vector<16xf32>
        %add3A_691 = arith.addf %add3A_690, %unpack3A_682 : vector<16xf32>
        %mul3A_692 = arith.mulf %gather3A_667, %get3A_3 : vector<16xf32>
        %add3A_693 = arith.addf %add3A_691, %mul3A_692 : vector<16xf32>
        %swap3A_694 = arith.index_cast %add3A_663 : i32 to index
        %swap3A_695 = arith.constant 16 : index
        %swap3A_696 = tpu.vector_load %arg19[%swap3A_694, %swap3A_695] {strides = array<i32>} : memref<256x64xf32, #tpu.memory_space<vmem>>, vector<16xf32>,
        tpu.vector_store %arg19[%swap3A_694, %swap3A_695], %add3A_693 {strides = array<i32>} : memref<256x64xf32, #tpu.memory_space<vmem>>, vector<16xf32>,
        %get3A_697 = arith.index_cast %add3A_663 : i32 to index
        %get3A_698 = arith.constant 32 : index
        %get3A_699 = tpu.vector_load %arg13[%get3A_697, %get3A_698] {strides = array<i32>} : memref<256x64xbf16, #tpu.memory_space<vmem>>, vector<32xbf16>,
        %get3A_700 = arith.index_cast %add3A_663 : i32 to index
        %get3A_701 = arith.constant 32 : index
        %get3A_702 = tpu.vector_load %arg15[%get3A_700, %get3A_701] {strides = array<i32>} : memref<256x64xbf16, #tpu.memory_space<vmem>>, vector<32xbf16>,
        %get3A_703 = arith.index_cast %add3A_663 : i32 to index
        %get3A_704 = arith.constant 32 : index
        %get3A_705 = tpu.vector_load %arg17[%get3A_703, %get3A_704] {strides = array<i32>} : memref<256x64xbf16, #tpu.memory_space<vmem>>, vector<32xbf16>,
        %unpack3A_706 = tpu.unpack_subelements %get3A_699, 0 {pack_format = #tpu.pack_format<interleaved>} : vector<32xbf16> -> vector<16xf32>
        %unpack3A_707 = tpu.unpack_subelements %get3A_699, 1 {pack_format = #tpu.pack_format<interleaved>} : vector<32xbf16> -> vector<16xf32>
        %unpack3A_708 = tpu.unpack_subelements %get3A_702, 0 {pack_format = #tpu.pack_format<interleaved>} : vector<32xbf16> -> vector<16xf32>
        %unpack3A_709 = tpu.unpack_subelements %get3A_702, 1 {pack_format = #tpu.pack_format<interleaved>} : vector<32xbf16> -> vector<16xf32>
        %unpack3A_710 = tpu.unpack_subelements %get3A_705, 0 {pack_format = #tpu.pack_format<interleaved>} : vector<32xbf16> -> vector<16xf32>
        %unpack3A_711 = tpu.unpack_subelements %get3A_705, 1 {pack_format = #tpu.pack_format<interleaved>} : vector<32xbf16> -> vector<16xf32>
        %add3A_712 = arith.addf %unpack3A_706, %unpack3A_708 : vector<16xf32>
        %add3A_713 = arith.addf %add3A_712, %unpack3A_710 : vector<16xf32>
        %mul3A_714 = arith.mulf %gather3A_667, %get3A_5 : vector<16xf32>
        %add3A_715 = arith.addf %add3A_713, %mul3A_714 : vector<16xf32>
        %swap3A_716 = arith.index_cast %add3A_663 : i32 to index
        %swap3A_717 = arith.constant 32 : index
        %swap3A_718 = tpu.vector_load %arg19[%swap3A_716, %swap3A_717] {strides = array<i32>} : memref<256x64xf32, #tpu.memory_space<vmem>>, vector<16xf32>,
        tpu.vector_store %arg19[%swap3A_716, %swap3A_717], %add3A_715 {strides = array<i32>} : memref<256x64xf32, #tpu.memory_space<vmem>>, vector<16xf32>,
        %add3A_719 = arith.addf %unpack3A_707, %unpack3A_709 : vector<16xf32>
        %add3A_720 = arith.addf %add3A_719, %unpack3A_711 : vector<16xf32>
        %mul3A_721 = arith.mulf %gather3A_667, %get3A_7 : vector<16xf32>
        %add3A_722 = arith.addf %add3A_720, %mul3A_721 : vector<16xf32>
        %swap3A_723 = arith.index_cast %add3A_663 : i32 to index
        %swap3A_724 = arith.constant 48 : index
        %swap3A_725 = tpu.vector_load %arg19[%swap3A_723, %swap3A_724] {strides = array<i32>} : memref<256x64xf32, #tpu.memory_space<vmem>>, vector<16xf32>,
        tpu.vector_store %arg19[%swap3A_723, %swap3A_724], %add3A_722 {strides = array<i32>} : memref<256x64xf32, #tpu.memory_space<vmem>>, vector<16xf32>,
        %mul3A_726 = arith.constant 16 : i32
        %mul3A_727 = arith.muli %add3A_429, %mul3A_726 : i32
        %add3A_728 = arith.constant 4 : i32
        %add3A_729 = arith.addi %mul3A_727, %add3A_728 : i32
        %broadcast_in_dim3A_730 = arith.constant 4 : i32
        %broadcast_in_dim3A_731 = vector.broadcast %broadcast_in_dim3A_730 : i32 to vector<16x1xi32>
        %gather3A_732 = vector.shape_cast %broadcast_in_dim3A_731 : vector<16x1xi32> to vector<16xi32>
        %gather3A_733 = tpu.dynamic_gather %get3A_465[%gather3A_732] in [0] : vector<16xf32>, vector<16xi32> -> vector<16xf32>
        %get3A_734 = arith.index_cast %add3A_729 : i32 to index
        %get3A_735 = arith.constant 0 : index
        %get3A_736 = tpu.vector_load %arg13[%get3A_734, %get3A_735] {strides = array<i32>} : memref<256x64xbf16, #tpu.memory_space<vmem>>, vector<32xbf16>,
        %get3A_737 = arith.index_cast %add3A_729 : i32 to index
        %get3A_738 = arith.constant 0 : index
        %get3A_739 = tpu.vector_load %arg15[%get3A_737, %get3A_738] {strides = array<i32>} : memref<256x64xbf16, #tpu.memory_space<vmem>>, vector<32xbf16>,
        %get3A_740 = arith.index_cast %add3A_729 : i32 to index
        %get3A_741 = arith.constant 0 : index
        %get3A_742 = tpu.vector_load %arg17[%get3A_740, %get3A_741] {strides = array<i32>} : memref<256x64xbf16, #tpu.memory_space<vmem>>, vector<32xbf16>,
        %unpack3A_743 = tpu.unpack_subelements %get3A_736, 0 {pack_format = #tpu.pack_format<interleaved>} : vector<32xbf16> -> vector<16xf32>
        %unpack3A_744 = tpu.unpack_subelements %get3A_736, 1 {pack_format = #tpu.pack_format<interleaved>} : vector<32xbf16> -> vector<16xf32>
        %unpack3A_745 = tpu.unpack_subelements %get3A_739, 0 {pack_format = #tpu.pack_format<interleaved>} : vector<32xbf16> -> vector<16xf32>
        %unpack3A_746 = tpu.unpack_subelements %get3A_739, 1 {pack_format = #tpu.pack_format<interleaved>} : vector<32xbf16> -> vector<16xf32>
        %unpack3A_747 = tpu.unpack_subelements %get3A_742, 0 {pack_format = #tpu.pack_format<interleaved>} : vector<32xbf16> -> vector<16xf32>
        %unpack3A_748 = tpu.unpack_subelements %get3A_742, 1 {pack_format = #tpu.pack_format<interleaved>} : vector<32xbf16> -> vector<16xf32>
        %add3A_749 = arith.addf %unpack3A_743, %unpack3A_745 : vector<16xf32>
        %add3A_750 = arith.addf %add3A_749, %unpack3A_747 : vector<16xf32>
        %mul3A_751 = arith.mulf %gather3A_733, %get3A_1 : vector<16xf32>
        %add3A_752 = arith.addf %add3A_750, %mul3A_751 : vector<16xf32>
        %swap3A_753 = arith.index_cast %add3A_729 : i32 to index
        %swap3A_754 = arith.constant 0 : index
        %swap3A_755 = tpu.vector_load %arg19[%swap3A_753, %swap3A_754] {strides = array<i32>} : memref<256x64xf32, #tpu.memory_space<vmem>>, vector<16xf32>,
        tpu.vector_store %arg19[%swap3A_753, %swap3A_754], %add3A_752 {strides = array<i32>} : memref<256x64xf32, #tpu.memory_space<vmem>>, vector<16xf32>,
        %add3A_756 = arith.addf %unpack3A_744, %unpack3A_746 : vector<16xf32>
        %add3A_757 = arith.addf %add3A_756, %unpack3A_748 : vector<16xf32>
        %mul3A_758 = arith.mulf %gather3A_733, %get3A_3 : vector<16xf32>
        %add3A_759 = arith.addf %add3A_757, %mul3A_758 : vector<16xf32>
        %swap3A_760 = arith.index_cast %add3A_729 : i32 to index
        %swap3A_761 = arith.constant 16 : index
        %swap3A_762 = tpu.vector_load %arg19[%swap3A_760, %swap3A_761] {strides = array<i32>} : memref<256x64xf32, #tpu.memory_space<vmem>>, vector<16xf32>,
        tpu.vector_store %arg19[%swap3A_760, %swap3A_761], %add3A_759 {strides = array<i32>} : memref<256x64xf32, #tpu.memory_space<vmem>>, vector<16xf32>,
        %get3A_763 = arith.index_cast %add3A_729 : i32 to index
        %get3A_764 = arith.constant 32 : index
        %get3A_765 = tpu.vector_load %arg13[%get3A_763, %get3A_764] {strides = array<i32>} : memref<256x64xbf16, #tpu.memory_space<vmem>>, vector<32xbf16>,
        %get3A_766 = arith.index_cast %add3A_729 : i32 to index
        %get3A_767 = arith.constant 32 : index
        %get3A_768 = tpu.vector_load %arg15[%get3A_766, %get3A_767] {strides = array<i32>} : memref<256x64xbf16, #tpu.memory_space<vmem>>, vector<32xbf16>,
        %get3A_769 = arith.index_cast %add3A_729 : i32 to index
        %get3A_770 = arith.constant 32 : index
        %get3A_771 = tpu.vector_load %arg17[%get3A_769, %get3A_770] {strides = array<i32>} : memref<256x64xbf16, #tpu.memory_space<vmem>>, vector<32xbf16>,
        %unpack3A_772 = tpu.unpack_subelements %get3A_765, 0 {pack_format = #tpu.pack_format<interleaved>} : vector<32xbf16> -> vector<16xf32>
        %unpack3A_773 = tpu.unpack_subelements %get3A_765, 1 {pack_format = #tpu.pack_format<interleaved>} : vector<32xbf16> -> vector<16xf32>
        %unpack3A_774 = tpu.unpack_subelements %get3A_768, 0 {pack_format = #tpu.pack_format<interleaved>} : vector<32xbf16> -> vector<16xf32>
        %unpack3A_775 = tpu.unpack_subelements %get3A_768, 1 {pack_format = #tpu.pack_format<interleaved>} : vector<32xbf16> -> vector<16xf32>
        %unpack3A_776 = tpu.unpack_subelements %get3A_771, 0 {pack_format = #tpu.pack_format<interleaved>} : vector<32xbf16> -> vector<16xf32>
        %unpack3A_777 = tpu.unpack_subelements %get3A_771, 1 {pack_format = #tpu.pack_format<interleaved>} : vector<32xbf16> -> vector<16xf32>
        %add3A_778 = arith.addf %unpack3A_772, %unpack3A_774 : vector<16xf32>
        %add3A_779 = arith.addf %add3A_778, %unpack3A_776 : vector<16xf32>
        %mul3A_780 = arith.mulf %gather3A_733, %get3A_5 : vector<16xf32>
        %add3A_781 = arith.addf %add3A_779, %mul3A_780 : vector<16xf32>
        %swap3A_782 = arith.index_cast %add3A_729 : i32 to index
        %swap3A_783 = arith.constant 32 : index
        %swap3A_784 = tpu.vector_load %arg19[%swap3A_782, %swap3A_783] {strides = array<i32>} : memref<256x64xf32, #tpu.memory_space<vmem>>, vector<16xf32>,
        tpu.vector_store %arg19[%swap3A_782, %swap3A_783], %add3A_781 {strides = array<i32>} : memref<256x64xf32, #tpu.memory_space<vmem>>, vector<16xf32>,
        %add3A_785 = arith.addf %unpack3A_773, %unpack3A_775 : vector<16xf32>
        %add3A_786 = arith.addf %add3A_785, %unpack3A_777 : vector<16xf32>
        %mul3A_787 = arith.mulf %gather3A_733, %get3A_7 : vector<16xf32>
        %add3A_788 = arith.addf %add3A_786, %mul3A_787 : vector<16xf32>
        %swap3A_789 = arith.index_cast %add3A_729 : i32 to index
        %swap3A_790 = arith.constant 48 : index
        %swap3A_791 = tpu.vector_load %arg19[%swap3A_789, %swap3A_790] {strides = array<i32>} : memref<256x64xf32, #tpu.memory_space<vmem>>, vector<16xf32>,
        tpu.vector_store %arg19[%swap3A_789, %swap3A_790], %add3A_788 {strides = array<i32>} : memref<256x64xf32, #tpu.memory_space<vmem>>, vector<16xf32>,
        %mul3A_792 = arith.constant 16 : i32
        %mul3A_793 = arith.muli %add3A_429, %mul3A_792 : i32
        %add3A_794 = arith.constant 5 : i32
        %add3A_795 = arith.addi %mul3A_793, %add3A_794 : i32
        %broadcast_in_dim3A_796 = arith.constant 5 : i32
        %broadcast_in_dim3A_797 = vector.broadcast %broadcast_in_dim3A_796 : i32 to vector<16x1xi32>
        %gather3A_798 = vector.shape_cast %broadcast_in_dim3A_797 : vector<16x1xi32> to vector<16xi32>
        %gather3A_799 = tpu.dynamic_gather %get3A_465[%gather3A_798] in [0] : vector<16xf32>, vector<16xi32> -> vector<16xf32>
        %get3A_800 = arith.index_cast %add3A_795 : i32 to index
        %get3A_801 = arith.constant 0 : index
        %get3A_802 = tpu.vector_load %arg13[%get3A_800, %get3A_801] {strides = array<i32>} : memref<256x64xbf16, #tpu.memory_space<vmem>>, vector<32xbf16>,
        %get3A_803 = arith.index_cast %add3A_795 : i32 to index
        %get3A_804 = arith.constant 0 : index
        %get3A_805 = tpu.vector_load %arg15[%get3A_803, %get3A_804] {strides = array<i32>} : memref<256x64xbf16, #tpu.memory_space<vmem>>, vector<32xbf16>,
        %get3A_806 = arith.index_cast %add3A_795 : i32 to index
        %get3A_807 = arith.constant 0 : index
        %get3A_808 = tpu.vector_load %arg17[%get3A_806, %get3A_807] {strides = array<i32>} : memref<256x64xbf16, #tpu.memory_space<vmem>>, vector<32xbf16>,
        %unpack3A_809 = tpu.unpack_subelements %get3A_802, 0 {pack_format = #tpu.pack_format<interleaved>} : vector<32xbf16> -> vector<16xf32>
        %unpack3A_810 = tpu.unpack_subelements %get3A_802, 1 {pack_format = #tpu.pack_format<interleaved>} : vector<32xbf16> -> vector<16xf32>
        %unpack3A_811 = tpu.unpack_subelements %get3A_805, 0 {pack_format = #tpu.pack_format<interleaved>} : vector<32xbf16> -> vector<16xf32>
        %unpack3A_812 = tpu.unpack_subelements %get3A_805, 1 {pack_format = #tpu.pack_format<interleaved>} : vector<32xbf16> -> vector<16xf32>
        %unpack3A_813 = tpu.unpack_subelements %get3A_808, 0 {pack_format = #tpu.pack_format<interleaved>} : vector<32xbf16> -> vector<16xf32>
        %unpack3A_814 = tpu.unpack_subelements %get3A_808, 1 {pack_format = #tpu.pack_format<interleaved>} : vector<32xbf16> -> vector<16xf32>
        %add3A_815 = arith.addf %unpack3A_809, %unpack3A_811 : vector<16xf32>
        %add3A_816 = arith.addf %add3A_815, %unpack3A_813 : vector<16xf32>
        %mul3A_817 = arith.mulf %gather3A_799, %get3A_1 : vector<16xf32>
        %add3A_818 = arith.addf %add3A_816, %mul3A_817 : vector<16xf32>
        %swap3A_819 = arith.index_cast %add3A_795 : i32 to index
        %swap3A_820 = arith.constant 0 : index
        %swap3A_821 = tpu.vector_load %arg19[%swap3A_819, %swap3A_820] {strides = array<i32>} : memref<256x64xf32, #tpu.memory_space<vmem>>, vector<16xf32>,
        tpu.vector_store %arg19[%swap3A_819, %swap3A_820], %add3A_818 {strides = array<i32>} : memref<256x64xf32, #tpu.memory_space<vmem>>, vector<16xf32>,
        %add3A_822 = arith.addf %unpack3A_810, %unpack3A_812 : vector<16xf32>
        %add3A_823 = arith.addf %add3A_822, %unpack3A_814 : vector<16xf32>
        %mul3A_824 = arith.mulf %gather3A_799, %get3A_3 : vector<16xf32>
        %add3A_825 = arith.addf %add3A_823, %mul3A_824 : vector<16xf32>
        %swap3A_826 = arith.index_cast %add3A_795 : i32 to index
        %swap3A_827 = arith.constant 16 : index
        %swap3A_828 = tpu.vector_load %arg19[%swap3A_826, %swap3A_827] {strides = array<i32>} : memref<256x64xf32, #tpu.memory_space<vmem>>, vector<16xf32>,
        tpu.vector_store %arg19[%swap3A_826, %swap3A_827], %add3A_825 {strides = array<i32>} : memref<256x64xf32, #tpu.memory_space<vmem>>, vector<16xf32>,
        %get3A_829 = arith.index_cast %add3A_795 : i32 to index
        %get3A_830 = arith.constant 32 : index
        %get3A_831 = tpu.vector_load %arg13[%get3A_829, %get3A_830] {strides = array<i32>} : memref<256x64xbf16, #tpu.memory_space<vmem>>, vector<32xbf16>,
        %get3A_832 = arith.index_cast %add3A_795 : i32 to index
        %get3A_833 = arith.constant 32 : index
        %get3A_834 = tpu.vector_load %arg15[%get3A_832, %get3A_833] {strides = array<i32>} : memref<256x64xbf16, #tpu.memory_space<vmem>>, vector<32xbf16>,
        %get3A_835 = arith.index_cast %add3A_795 : i32 to index
        %get3A_836 = arith.constant 32 : index
        %get3A_837 = tpu.vector_load %arg17[%get3A_835, %get3A_836] {strides = array<i32>} : memref<256x64xbf16, #tpu.memory_space<vmem>>, vector<32xbf16>,
        %unpack3A_838 = tpu.unpack_subelements %get3A_831, 0 {pack_format = #tpu.pack_format<interleaved>} : vector<32xbf16> -> vector<16xf32>
        %unpack3A_839 = tpu.unpack_subelements %get3A_831, 1 {pack_format = #tpu.pack_format<interleaved>} : vector<32xbf16> -> vector<16xf32>
        %unpack3A_840 = tpu.unpack_subelements %get3A_834, 0 {pack_format = #tpu.pack_format<interleaved>} : vector<32xbf16> -> vector<16xf32>
        %unpack3A_841 = tpu.unpack_subelements %get3A_834, 1 {pack_format = #tpu.pack_format<interleaved>} : vector<32xbf16> -> vector<16xf32>
        %unpack3A_842 = tpu.unpack_subelements %get3A_837, 0 {pack_format = #tpu.pack_format<interleaved>} : vector<32xbf16> -> vector<16xf32>
        %unpack3A_843 = tpu.unpack_subelements %get3A_837, 1 {pack_format = #tpu.pack_format<interleaved>} : vector<32xbf16> -> vector<16xf32>
        %add3A_844 = arith.addf %unpack3A_838, %unpack3A_840 : vector<16xf32>
        %add3A_845 = arith.addf %add3A_844, %unpack3A_842 : vector<16xf32>
        %mul3A_846 = arith.mulf %gather3A_799, %get3A_5 : vector<16xf32>
        %add3A_847 = arith.addf %add3A_845, %mul3A_846 : vector<16xf32>
        %swap3A_848 = arith.index_cast %add3A_795 : i32 to index
        %swap3A_849 = arith.constant 32 : index
        %swap3A_850 = tpu.vector_load %arg19[%swap3A_848, %swap3A_849] {strides = array<i32>} : memref<256x64xf32, #tpu.memory_space<vmem>>, vector<16xf32>,
        tpu.vector_store %arg19[%swap3A_848, %swap3A_849], %add3A_847 {strides = array<i32>} : memref<256x64xf32, #tpu.memory_space<vmem>>, vector<16xf32>,
        %add3A_851 = arith.addf %unpack3A_839, %unpack3A_841 : vector<16xf32>
        %add3A_852 = arith.addf %add3A_851, %unpack3A_843 : vector<16xf32>
        %mul3A_853 = arith.mulf %gather3A_799, %get3A_7 : vector<16xf32>
        %add3A_854 = arith.addf %add3A_852, %mul3A_853 : vector<16xf32>
        %swap3A_855 = arith.index_cast %add3A_795 : i32 to index
        %swap3A_856 = arith.constant 48 : index
        %swap3A_857 = tpu.vector_load %arg19[%swap3A_855, %swap3A_856] {strides = array<i32>} : memref<256x64xf32, #tpu.memory_space<vmem>>, vector<16xf32>,
        tpu.vector_store %arg19[%swap3A_855, %swap3A_856], %add3A_854 {strides = array<i32>} : memref<256x64xf32, #tpu.memory_space<vmem>>, vector<16xf32>,
        %mul3A_858 = arith.constant 16 : i32
        %mul3A_859 = arith.muli %add3A_429, %mul3A_858 : i32
        %add3A_860 = arith.constant 6 : i32
        %add3A_861 = arith.addi %mul3A_859, %add3A_860 : i32
        %broadcast_in_dim3A_862 = arith.constant 6 : i32
        %broadcast_in_dim3A_863 = vector.broadcast %broadcast_in_dim3A_862 : i32 to vector<16x1xi32>
        %gather3A_864 = vector.shape_cast %broadcast_in_dim3A_863 : vector<16x1xi32> to vector<16xi32>
        %gather3A_865 = tpu.dynamic_gather %get3A_465[%gather3A_864] in [0] : vector<16xf32>, vector<16xi32> -> vector<16xf32>
        %get3A_866 = arith.index_cast %add3A_861 : i32 to index
        %get3A_867 = arith.constant 0 : index
        %get3A_868 = tpu.vector_load %arg13[%get3A_866, %get3A_867] {strides = array<i32>} : memref<256x64xbf16, #tpu.memory_space<vmem>>, vector<32xbf16>,
        %get3A_869 = arith.index_cast %add3A_861 : i32 to index
        %get3A_870 = arith.constant 0 : index
        %get3A_871 = tpu.vector_load %arg15[%get3A_869, %get3A_870] {strides = array<i32>} : memref<256x64xbf16, #tpu.memory_space<vmem>>, vector<32xbf16>,
        %get3A_872 = arith.index_cast %add3A_861 : i32 to index
        %get3A_873 = arith.constant 0 : index
        %get3A_874 = tpu.vector_load %arg17[%get3A_872, %get3A_873] {strides = array<i32>} : memref<256x64xbf16, #tpu.memory_space<vmem>>, vector<32xbf16>,
        %unpack3A_875 = tpu.unpack_subelements %get3A_868, 0 {pack_format = #tpu.pack_format<interleaved>} : vector<32xbf16> -> vector<16xf32>
        %unpack3A_876 = tpu.unpack_subelements %get3A_868, 1 {pack_format = #tpu.pack_format<interleaved>} : vector<32xbf16> -> vector<16xf32>
        %unpack3A_877 = tpu.unpack_subelements %get3A_871, 0 {pack_format = #tpu.pack_format<interleaved>} : vector<32xbf16> -> vector<16xf32>
        %unpack3A_878 = tpu.unpack_subelements %get3A_871, 1 {pack_format = #tpu.pack_format<interleaved>} : vector<32xbf16> -> vector<16xf32>
        %unpack3A_879 = tpu.unpack_subelements %get3A_874, 0 {pack_format = #tpu.pack_format<interleaved>} : vector<32xbf16> -> vector<16xf32>
        %unpack3A_880 = tpu.unpack_subelements %get3A_874, 1 {pack_format = #tpu.pack_format<interleaved>} : vector<32xbf16> -> vector<16xf32>
        %add3A_881 = arith.addf %unpack3A_875, %unpack3A_877 : vector<16xf32>
        %add3A_882 = arith.addf %add3A_881, %unpack3A_879 : vector<16xf32>
        %mul3A_883 = arith.mulf %gather3A_865, %get3A_1 : vector<16xf32>
        %add3A_884 = arith.addf %add3A_882, %mul3A_883 : vector<16xf32>
        %swap3A_885 = arith.index_cast %add3A_861 : i32 to index
        %swap3A_886 = arith.constant 0 : index
        %swap3A_887 = tpu.vector_load %arg19[%swap3A_885, %swap3A_886] {strides = array<i32>} : memref<256x64xf32, #tpu.memory_space<vmem>>, vector<16xf32>,
        tpu.vector_store %arg19[%swap3A_885, %swap3A_886], %add3A_884 {strides = array<i32>} : memref<256x64xf32, #tpu.memory_space<vmem>>, vector<16xf32>,
        %add3A_888 = arith.addf %unpack3A_876, %unpack3A_878 : vector<16xf32>
        %add3A_889 = arith.addf %add3A_888, %unpack3A_880 : vector<16xf32>
        %mul3A_890 = arith.mulf %gather3A_865, %get3A_3 : vector<16xf32>
        %add3A_891 = arith.addf %add3A_889, %mul3A_890 : vector<16xf32>
        %swap3A_892 = arith.index_cast %add3A_861 : i32 to index
        %swap3A_893 = arith.constant 16 : index
        %swap3A_894 = tpu.vector_load %arg19[%swap3A_892, %swap3A_893] {strides = array<i32>} : memref<256x64xf32, #tpu.memory_space<vmem>>, vector<16xf32>,
        tpu.vector_store %arg19[%swap3A_892, %swap3A_893], %add3A_891 {strides = array<i32>} : memref<256x64xf32, #tpu.memory_space<vmem>>, vector<16xf32>,
        %get3A_895 = arith.index_cast %add3A_861 : i32 to index
        %get3A_896 = arith.constant 32 : index
        %get3A_897 = tpu.vector_load %arg13[%get3A_895, %get3A_896] {strides = array<i32>} : memref<256x64xbf16, #tpu.memory_space<vmem>>, vector<32xbf16>,
        %get3A_898 = arith.index_cast %add3A_861 : i32 to index
        %get3A_899 = arith.constant 32 : index
        %get3A_900 = tpu.vector_load %arg15[%get3A_898, %get3A_899] {strides = array<i32>} : memref<256x64xbf16, #tpu.memory_space<vmem>>, vector<32xbf16>,
        %get3A_901 = arith.index_cast %add3A_861 : i32 to index
        %get3A_902 = arith.constant 32 : index
        %get3A_903 = tpu.vector_load %arg17[%get3A_901, %get3A_902] {strides = array<i32>} : memref<256x64xbf16, #tpu.memory_space<vmem>>, vector<32xbf16>,
        %unpack3A_904 = tpu.unpack_subelements %get3A_897, 0 {pack_format = #tpu.pack_format<interleaved>} : vector<32xbf16> -> vector<16xf32>
        %unpack3A_905 = tpu.unpack_subelements %get3A_897, 1 {pack_format = #tpu.pack_format<interleaved>} : vector<32xbf16> -> vector<16xf32>
        %unpack3A_906 = tpu.unpack_subelements %get3A_900, 0 {pack_format = #tpu.pack_format<interleaved>} : vector<32xbf16> -> vector<16xf32>
        %unpack3A_907 = tpu.unpack_subelements %get3A_900, 1 {pack_format = #tpu.pack_format<interleaved>} : vector<32xbf16> -> vector<16xf32>
        %unpack3A_908 = tpu.unpack_subelements %get3A_903, 0 {pack_format = #tpu.pack_format<interleaved>} : vector<32xbf16> -> vector<16xf32>
        %unpack3A_909 = tpu.unpack_subelements %get3A_903, 1 {pack_format = #tpu.pack_format<interleaved>} : vector<32xbf16> -> vector<16xf32>
        %add3A_910 = arith.addf %unpack3A_904, %unpack3A_906 : vector<16xf32>
        %add3A_911 = arith.addf %add3A_910, %unpack3A_908 : vector<16xf32>
        %mul3A_912 = arith.mulf %gather3A_865, %get3A_5 : vector<16xf32>
        %add3A_913 = arith.addf %add3A_911, %mul3A_912 : vector<16xf32>
        %swap3A_914 = arith.index_cast %add3A_861 : i32 to index
        %swap3A_915 = arith.constant 32 : index
        %swap3A_916 = tpu.vector_load %arg19[%swap3A_914, %swap3A_915] {strides = array<i32>} : memref<256x64xf32, #tpu.memory_space<vmem>>, vector<16xf32>,
        tpu.vector_store %arg19[%swap3A_914, %swap3A_915], %add3A_913 {strides = array<i32>} : memref<256x64xf32, #tpu.memory_space<vmem>>, vector<16xf32>,
        %add3A_917 = arith.addf %unpack3A_905, %unpack3A_907 : vector<16xf32>
        %add3A_918 = arith.addf %add3A_917, %unpack3A_909 : vector<16xf32>
        %mul3A_919 = arith.mulf %gather3A_865, %get3A_7 : vector<16xf32>
        %add3A_920 = arith.addf %add3A_918, %mul3A_919 : vector<16xf32>
        %swap3A_921 = arith.index_cast %add3A_861 : i32 to index
        %swap3A_922 = arith.constant 48 : index
        %swap3A_923 = tpu.vector_load %arg19[%swap3A_921, %swap3A_922] {strides = array<i32>} : memref<256x64xf32, #tpu.memory_space<vmem>>, vector<16xf32>,
        tpu.vector_store %arg19[%swap3A_921, %swap3A_922], %add3A_920 {strides = array<i32>} : memref<256x64xf32, #tpu.memory_space<vmem>>, vector<16xf32>,
        %mul3A_924 = arith.constant 16 : i32
        %mul3A_925 = arith.muli %add3A_429, %mul3A_924 : i32
        %add3A_926 = arith.constant 7 : i32
        %add3A_927 = arith.addi %mul3A_925, %add3A_926 : i32
        %broadcast_in_dim3A_928 = arith.constant 7 : i32
        %broadcast_in_dim3A_929 = vector.broadcast %broadcast_in_dim3A_928 : i32 to vector<16x1xi32>
        %gather3A_930 = vector.shape_cast %broadcast_in_dim3A_929 : vector<16x1xi32> to vector<16xi32>
        %gather3A_931 = tpu.dynamic_gather %get3A_465[%gather3A_930] in [0] : vector<16xf32>, vector<16xi32> -> vector<16xf32>
        %get3A_932 = arith.index_cast %add3A_927 : i32 to index
        %get3A_933 = arith.constant 0 : index
        %get3A_934 = tpu.vector_load %arg13[%get3A_932, %get3A_933] {strides = array<i32>} : memref<256x64xbf16, #tpu.memory_space<vmem>>, vector<32xbf16>,
        %get3A_935 = arith.index_cast %add3A_927 : i32 to index
        %get3A_936 = arith.constant 0 : index
        %get3A_937 = tpu.vector_load %arg15[%get3A_935, %get3A_936] {strides = array<i32>} : memref<256x64xbf16, #tpu.memory_space<vmem>>, vector<32xbf16>,
        %get3A_938 = arith.index_cast %add3A_927 : i32 to index
        %get3A_939 = arith.constant 0 : index
        %get3A_940 = tpu.vector_load %arg17[%get3A_938, %get3A_939] {strides = array<i32>} : memref<256x64xbf16, #tpu.memory_space<vmem>>, vector<32xbf16>,
        %unpack3A_941 = tpu.unpack_subelements %get3A_934, 0 {pack_format = #tpu.pack_format<interleaved>} : vector<32xbf16> -> vector<16xf32>
        %unpack3A_942 = tpu.unpack_subelements %get3A_934, 1 {pack_format = #tpu.pack_format<interleaved>} : vector<32xbf16> -> vector<16xf32>
        %unpack3A_943 = tpu.unpack_subelements %get3A_937, 0 {pack_format = #tpu.pack_format<interleaved>} : vector<32xbf16> -> vector<16xf32>
        %unpack3A_944 = tpu.unpack_subelements %get3A_937, 1 {pack_format = #tpu.pack_format<interleaved>} : vector<32xbf16> -> vector<16xf32>
        %unpack3A_945 = tpu.unpack_subelements %get3A_940, 0 {pack_format = #tpu.pack_format<interleaved>} : vector<32xbf16> -> vector<16xf32>
        %unpack3A_946 = tpu.unpack_subelements %get3A_940, 1 {pack_format = #tpu.pack_format<interleaved>} : vector<32xbf16> -> vector<16xf32>
        %add3A_947 = arith.addf %unpack3A_941, %unpack3A_943 : vector<16xf32>
        %add3A_948 = arith.addf %add3A_947, %unpack3A_945 : vector<16xf32>
        %mul3A_949 = arith.mulf %gather3A_931, %get3A_1 : vector<16xf32>
        %add3A_950 = arith.addf %add3A_948, %mul3A_949 : vector<16xf32>
        %swap3A_951 = arith.index_cast %add3A_927 : i32 to index
        %swap3A_952 = arith.constant 0 : index
        %swap3A_953 = tpu.vector_load %arg19[%swap3A_951, %swap3A_952] {strides = array<i32>} : memref<256x64xf32, #tpu.memory_space<vmem>>, vector<16xf32>,
        tpu.vector_store %arg19[%swap3A_951, %swap3A_952], %add3A_950 {strides = array<i32>} : memref<256x64xf32, #tpu.memory_space<vmem>>, vector<16xf32>,
        %add3A_954 = arith.addf %unpack3A_942, %unpack3A_944 : vector<16xf32>
        %add3A_955 = arith.addf %add3A_954, %unpack3A_946 : vector<16xf32>
        %mul3A_956 = arith.mulf %gather3A_931, %get3A_3 : vector<16xf32>
        %add3A_957 = arith.addf %add3A_955, %mul3A_956 : vector<16xf32>
        %swap3A_958 = arith.index_cast %add3A_927 : i32 to index
        %swap3A_959 = arith.constant 16 : index
        %swap3A_960 = tpu.vector_load %arg19[%swap3A_958, %swap3A_959] {strides = array<i32>} : memref<256x64xf32, #tpu.memory_space<vmem>>, vector<16xf32>,
        tpu.vector_store %arg19[%swap3A_958, %swap3A_959], %add3A_957 {strides = array<i32>} : memref<256x64xf32, #tpu.memory_space<vmem>>, vector<16xf32>,
        %get3A_961 = arith.index_cast %add3A_927 : i32 to index
        %get3A_962 = arith.constant 32 : index
        %get3A_963 = tpu.vector_load %arg13[%get3A_961, %get3A_962] {strides = array<i32>} : memref<256x64xbf16, #tpu.memory_space<vmem>>, vector<32xbf16>,
        %get3A_964 = arith.index_cast %add3A_927 : i32 to index
        %get3A_965 = arith.constant 32 : index
        %get3A_966 = tpu.vector_load %arg15[%get3A_964, %get3A_965] {strides = array<i32>} : memref<256x64xbf16, #tpu.memory_space<vmem>>, vector<32xbf16>,
        %get3A_967 = arith.index_cast %add3A_927 : i32 to index
        %get3A_968 = arith.constant 32 : index
        %get3A_969 = tpu.vector_load %arg17[%get3A_967, %get3A_968] {strides = array<i32>} : memref<256x64xbf16, #tpu.memory_space<vmem>>, vector<32xbf16>,
        %unpack3A_970 = tpu.unpack_subelements %get3A_963, 0 {pack_format = #tpu.pack_format<interleaved>} : vector<32xbf16> -> vector<16xf32>
        %unpack3A_971 = tpu.unpack_subelements %get3A_963, 1 {pack_format = #tpu.pack_format<interleaved>} : vector<32xbf16> -> vector<16xf32>
        %unpack3A_972 = tpu.unpack_subelements %get3A_966, 0 {pack_format = #tpu.pack_format<interleaved>} : vector<32xbf16> -> vector<16xf32>
        %unpack3A_973 = tpu.unpack_subelements %get3A_966, 1 {pack_format = #tpu.pack_format<interleaved>} : vector<32xbf16> -> vector<16xf32>
        %unpack3A_974 = tpu.unpack_subelements %get3A_969, 0 {pack_format = #tpu.pack_format<interleaved>} : vector<32xbf16> -> vector<16xf32>
        %unpack3A_975 = tpu.unpack_subelements %get3A_969, 1 {pack_format = #tpu.pack_format<interleaved>} : vector<32xbf16> -> vector<16xf32>
        %add3A_976 = arith.addf %unpack3A_970, %unpack3A_972 : vector<16xf32>
        %add3A_977 = arith.addf %add3A_976, %unpack3A_974 : vector<16xf32>
        %mul3A_978 = arith.mulf %gather3A_931, %get3A_5 : vector<16xf32>
        %add3A_979 = arith.addf %add3A_977, %mul3A_978 : vector<16xf32>
        %swap3A_980 = arith.index_cast %add3A_927 : i32 to index
        %swap3A_981 = arith.constant 32 : index
        %swap3A_982 = tpu.vector_load %arg19[%swap3A_980, %swap3A_981] {strides = array<i32>} : memref<256x64xf32, #tpu.memory_space<vmem>>, vector<16xf32>,
        tpu.vector_store %arg19[%swap3A_980, %swap3A_981], %add3A_979 {strides = array<i32>} : memref<256x64xf32, #tpu.memory_space<vmem>>, vector<16xf32>,
        %add3A_983 = arith.addf %unpack3A_971, %unpack3A_973 : vector<16xf32>
        %add3A_984 = arith.addf %add3A_983, %unpack3A_975 : vector<16xf32>
        %mul3A_985 = arith.mulf %gather3A_931, %get3A_7 : vector<16xf32>
        %add3A_986 = arith.addf %add3A_984, %mul3A_985 : vector<16xf32>
        %swap3A_987 = arith.index_cast %add3A_927 : i32 to index
        %swap3A_988 = arith.constant 48 : index
        %swap3A_989 = tpu.vector_load %arg19[%swap3A_987, %swap3A_988] {strides = array<i32>} : memref<256x64xf32, #tpu.memory_space<vmem>>, vector<16xf32>,
        tpu.vector_store %arg19[%swap3A_987, %swap3A_988], %add3A_986 {strides = array<i32>} : memref<256x64xf32, #tpu.memory_space<vmem>>, vector<16xf32>,
        %mul3A_990 = arith.constant 16 : i32
        %mul3A_991 = arith.muli %add3A_429, %mul3A_990 : i32
        %add3A_992 = arith.constant 8 : i32
        %add3A_993 = arith.addi %mul3A_991, %add3A_992 : i32
        %broadcast_in_dim3A_994 = arith.constant 8 : i32
        %broadcast_in_dim3A_995 = vector.broadcast %broadcast_in_dim3A_994 : i32 to vector<16x1xi32>
        %gather3A_996 = vector.shape_cast %broadcast_in_dim3A_995 : vector<16x1xi32> to vector<16xi32>
        %gather3A_997 = tpu.dynamic_gather %get3A_465[%gather3A_996] in [0] : vector<16xf32>, vector<16xi32> -> vector<16xf32>
        %get3A_998 = arith.index_cast %add3A_993 : i32 to index
        %get3A_999 = arith.constant 0 : index
        %get3A_1000 = tpu.vector_load %arg13[%get3A_998, %get3A_999] {strides = array<i32>} : memref<256x64xbf16, #tpu.memory_space<vmem>>, vector<32xbf16>,
        %get3A_1001 = arith.index_cast %add3A_993 : i32 to index
        %get3A_1002 = arith.constant 0 : index
        %get3A_1003 = tpu.vector_load %arg15[%get3A_1001, %get3A_1002] {strides = array<i32>} : memref<256x64xbf16, #tpu.memory_space<vmem>>, vector<32xbf16>,
        %get3A_1004 = arith.index_cast %add3A_993 : i32 to index
        %get3A_1005 = arith.constant 0 : index
        %get3A_1006 = tpu.vector_load %arg17[%get3A_1004, %get3A_1005] {strides = array<i32>} : memref<256x64xbf16, #tpu.memory_space<vmem>>, vector<32xbf16>,
        %unpack3A_1007 = tpu.unpack_subelements %get3A_1000, 0 {pack_format = #tpu.pack_format<interleaved>} : vector<32xbf16> -> vector<16xf32>
        %unpack3A_1008 = tpu.unpack_subelements %get3A_1000, 1 {pack_format = #tpu.pack_format<interleaved>} : vector<32xbf16> -> vector<16xf32>
        %unpack3A_1009 = tpu.unpack_subelements %get3A_1003, 0 {pack_format = #tpu.pack_format<interleaved>} : vector<32xbf16> -> vector<16xf32>
        %unpack3A_1010 = tpu.unpack_subelements %get3A_1003, 1 {pack_format = #tpu.pack_format<interleaved>} : vector<32xbf16> -> vector<16xf32>
        %unpack3A_1011 = tpu.unpack_subelements %get3A_1006, 0 {pack_format = #tpu.pack_format<interleaved>} : vector<32xbf16> -> vector<16xf32>
        %unpack3A_1012 = tpu.unpack_subelements %get3A_1006, 1 {pack_format = #tpu.pack_format<interleaved>} : vector<32xbf16> -> vector<16xf32>
        %add3A_1013 = arith.addf %unpack3A_1007, %unpack3A_1009 : vector<16xf32>
        %add3A_1014 = arith.addf %add3A_1013, %unpack3A_1011 : vector<16xf32>
        %mul3A_1015 = arith.mulf %gather3A_997, %get3A_1 : vector<16xf32>
        %add3A_1016 = arith.addf %add3A_1014, %mul3A_1015 : vector<16xf32>
        %swap3A_1017 = arith.index_cast %add3A_993 : i32 to index
        %swap3A_1018 = arith.constant 0 : index
        %swap3A_1019 = tpu.vector_load %arg19[%swap3A_1017, %swap3A_1018] {strides = array<i32>} : memref<256x64xf32, #tpu.memory_space<vmem>>, vector<16xf32>,
        tpu.vector_store %arg19[%swap3A_1017, %swap3A_1018], %add3A_1016 {strides = array<i32>} : memref<256x64xf32, #tpu.memory_space<vmem>>, vector<16xf32>,
        %add3A_1020 = arith.addf %unpack3A_1008, %unpack3A_1010 : vector<16xf32>
        %add3A_1021 = arith.addf %add3A_1020, %unpack3A_1012 : vector<16xf32>
        %mul3A_1022 = arith.mulf %gather3A_997, %get3A_3 : vector<16xf32>
        %add3A_1023 = arith.addf %add3A_1021, %mul3A_1022 : vector<16xf32>
        %swap3A_1024 = arith.index_cast %add3A_993 : i32 to index
        %swap3A_1025 = arith.constant 16 : index
        %swap3A_1026 = tpu.vector_load %arg19[%swap3A_1024, %swap3A_1025] {strides = array<i32>} : memref<256x64xf32, #tpu.memory_space<vmem>>, vector<16xf32>,
        tpu.vector_store %arg19[%swap3A_1024, %swap3A_1025], %add3A_1023 {strides = array<i32>} : memref<256x64xf32, #tpu.memory_space<vmem>>, vector<16xf32>,
        %get3A_1027 = arith.index_cast %add3A_993 : i32 to index
        %get3A_1028 = arith.constant 32 : index
        %get3A_1029 = tpu.vector_load %arg13[%get3A_1027, %get3A_1028] {strides = array<i32>} : memref<256x64xbf16, #tpu.memory_space<vmem>>, vector<32xbf16>,
        %get3A_1030 = arith.index_cast %add3A_993 : i32 to index
        %get3A_1031 = arith.constant 32 : index
        %get3A_1032 = tpu.vector_load %arg15[%get3A_1030, %get3A_1031] {strides = array<i32>} : memref<256x64xbf16, #tpu.memory_space<vmem>>, vector<32xbf16>,
        %get3A_1033 = arith.index_cast %add3A_993 : i32 to index
        %get3A_1034 = arith.constant 32 : index
        %get3A_1035 = tpu.vector_load %arg17[%get3A_1033, %get3A_1034] {strides = array<i32>} : memref<256x64xbf16, #tpu.memory_space<vmem>>, vector<32xbf16>,
        %unpack3A_1036 = tpu.unpack_subelements %get3A_1029, 0 {pack_format = #tpu.pack_format<interleaved>} : vector<32xbf16> -> vector<16xf32>
        %unpack3A_1037 = tpu.unpack_subelements %get3A_1029, 1 {pack_format = #tpu.pack_format<interleaved>} : vector<32xbf16> -> vector<16xf32>
        %unpack3A_1038 = tpu.unpack_subelements %get3A_1032, 0 {pack_format = #tpu.pack_format<interleaved>} : vector<32xbf16> -> vector<16xf32>
        %unpack3A_1039 = tpu.unpack_subelements %get3A_1032, 1 {pack_format = #tpu.pack_format<interleaved>} : vector<32xbf16> -> vector<16xf32>
        %unpack3A_1040 = tpu.unpack_subelements %get3A_1035, 0 {pack_format = #tpu.pack_format<interleaved>} : vector<32xbf16> -> vector<16xf32>
        %unpack3A_1041 = tpu.unpack_subelements %get3A_1035, 1 {pack_format = #tpu.pack_format<interleaved>} : vector<32xbf16> -> vector<16xf32>
        %add3A_1042 = arith.addf %unpack3A_1036, %unpack3A_1038 : vector<16xf32>
        %add3A_1043 = arith.addf %add3A_1042, %unpack3A_1040 : vector<16xf32>
        %mul3A_1044 = arith.mulf %gather3A_997, %get3A_5 : vector<16xf32>
        %add3A_1045 = arith.addf %add3A_1043, %mul3A_1044 : vector<16xf32>
        %swap3A_1046 = arith.index_cast %add3A_993 : i32 to index
        %swap3A_1047 = arith.constant 32 : index
        %swap3A_1048 = tpu.vector_load %arg19[%swap3A_1046, %swap3A_1047] {strides = array<i32>} : memref<256x64xf32, #tpu.memory_space<vmem>>, vector<16xf32>,
        tpu.vector_store %arg19[%swap3A_1046, %swap3A_1047], %add3A_1045 {strides = array<i32>} : memref<256x64xf32, #tpu.memory_space<vmem>>, vector<16xf32>,
        %add3A_1049 = arith.addf %unpack3A_1037, %unpack3A_1039 : vector<16xf32>
        %add3A_1050 = arith.addf %add3A_1049, %unpack3A_1041 : vector<16xf32>
        %mul3A_1051 = arith.mulf %gather3A_997, %get3A_7 : vector<16xf32>
        %add3A_1052 = arith.addf %add3A_1050, %mul3A_1051 : vector<16xf32>
        %swap3A_1053 = arith.index_cast %add3A_993 : i32 to index
        %swap3A_1054 = arith.constant 48 : index
        %swap3A_1055 = tpu.vector_load %arg19[%swap3A_1053, %swap3A_1054] {strides = array<i32>} : memref<256x64xf32, #tpu.memory_space<vmem>>, vector<16xf32>,
        tpu.vector_store %arg19[%swap3A_1053, %swap3A_1054], %add3A_1052 {strides = array<i32>} : memref<256x64xf32, #tpu.memory_space<vmem>>, vector<16xf32>,
        %mul3A_1056 = arith.constant 16 : i32
        %mul3A_1057 = arith.muli %add3A_429, %mul3A_1056 : i32
        %add3A_1058 = arith.constant 9 : i32
        %add3A_1059 = arith.addi %mul3A_1057, %add3A_1058 : i32
        %broadcast_in_dim3A_1060 = arith.constant 9 : i32
        %broadcast_in_dim3A_1061 = vector.broadcast %broadcast_in_dim3A_1060 : i32 to vector<16x1xi32>
        %gather3A_1062 = vector.shape_cast %broadcast_in_dim3A_1061 : vector<16x1xi32> to vector<16xi32>
        %gather3A_1063 = tpu.dynamic_gather %get3A_465[%gather3A_1062] in [0] : vector<16xf32>, vector<16xi32> -> vector<16xf32>
        %get3A_1064 = arith.index_cast %add3A_1059 : i32 to index
        %get3A_1065 = arith.constant 0 : index
        %get3A_1066 = tpu.vector_load %arg13[%get3A_1064, %get3A_1065] {strides = array<i32>} : memref<256x64xbf16, #tpu.memory_space<vmem>>, vector<32xbf16>,
        %get3A_1067 = arith.index_cast %add3A_1059 : i32 to index
        %get3A_1068 = arith.constant 0 : index
        %get3A_1069 = tpu.vector_load %arg15[%get3A_1067, %get3A_1068] {strides = array<i32>} : memref<256x64xbf16, #tpu.memory_space<vmem>>, vector<32xbf16>,
        %get3A_1070 = arith.index_cast %add3A_1059 : i32 to index
        %get3A_1071 = arith.constant 0 : index
        %get3A_1072 = tpu.vector_load %arg17[%get3A_1070, %get3A_1071] {strides = array<i32>} : memref<256x64xbf16, #tpu.memory_space<vmem>>, vector<32xbf16>,
        %unpack3A_1073 = tpu.unpack_subelements %get3A_1066, 0 {pack_format = #tpu.pack_format<interleaved>} : vector<32xbf16> -> vector<16xf32>
        %unpack3A_1074 = tpu.unpack_subelements %get3A_1066, 1 {pack_format = #tpu.pack_format<interleaved>} : vector<32xbf16> -> vector<16xf32>
        %unpack3A_1075 = tpu.unpack_subelements %get3A_1069, 0 {pack_format = #tpu.pack_format<interleaved>} : vector<32xbf16> -> vector<16xf32>
        %unpack3A_1076 = tpu.unpack_subelements %get3A_1069, 1 {pack_format = #tpu.pack_format<interleaved>} : vector<32xbf16> -> vector<16xf32>
        %unpack3A_1077 = tpu.unpack_subelements %get3A_1072, 0 {pack_format = #tpu.pack_format<interleaved>} : vector<32xbf16> -> vector<16xf32>
        %unpack3A_1078 = tpu.unpack_subelements %get3A_1072, 1 {pack_format = #tpu.pack_format<interleaved>} : vector<32xbf16> -> vector<16xf32>
        %add3A_1079 = arith.addf %unpack3A_1073, %unpack3A_1075 : vector<16xf32>
        %add3A_1080 = arith.addf %add3A_1079, %unpack3A_1077 : vector<16xf32>
        %mul3A_1081 = arith.mulf %gather3A_1063, %get3A_1 : vector<16xf32>
        %add3A_1082 = arith.addf %add3A_1080, %mul3A_1081 : vector<16xf32>
        %swap3A_1083 = arith.index_cast %add3A_1059 : i32 to index
        %swap3A_1084 = arith.constant 0 : index
        %swap3A_1085 = tpu.vector_load %arg19[%swap3A_1083, %swap3A_1084] {strides = array<i32>} : memref<256x64xf32, #tpu.memory_space<vmem>>, vector<16xf32>,
        tpu.vector_store %arg19[%swap3A_1083, %swap3A_1084], %add3A_1082 {strides = array<i32>} : memref<256x64xf32, #tpu.memory_space<vmem>>, vector<16xf32>,
        %add3A_1086 = arith.addf %unpack3A_1074, %unpack3A_1076 : vector<16xf32>
        %add3A_1087 = arith.addf %add3A_1086, %unpack3A_1078 : vector<16xf32>
        %mul3A_1088 = arith.mulf %gather3A_1063, %get3A_3 : vector<16xf32>
        %add3A_1089 = arith.addf %add3A_1087, %mul3A_1088 : vector<16xf32>
        %swap3A_1090 = arith.index_cast %add3A_1059 : i32 to index
        %swap3A_1091 = arith.constant 16 : index
        %swap3A_1092 = tpu.vector_load %arg19[%swap3A_1090, %swap3A_1091] {strides = array<i32>} : memref<256x64xf32, #tpu.memory_space<vmem>>, vector<16xf32>,
        tpu.vector_store %arg19[%swap3A_1090, %swap3A_1091], %add3A_1089 {strides = array<i32>} : memref<256x64xf32, #tpu.memory_space<vmem>>, vector<16xf32>,
        %get3A_1093 = arith.index_cast %add3A_1059 : i32 to index
        %get3A_1094 = arith.constant 32 : index
        %get3A_1095 = tpu.vector_load %arg13[%get3A_1093, %get3A_1094] {strides = array<i32>} : memref<256x64xbf16, #tpu.memory_space<vmem>>, vector<32xbf16>,
        %get3A_1096 = arith.index_cast %add3A_1059 : i32 to index
        %get3A_1097 = arith.constant 32 : index
        %get3A_1098 = tpu.vector_load %arg15[%get3A_1096, %get3A_1097] {strides = array<i32>} : memref<256x64xbf16, #tpu.memory_space<vmem>>, vector<32xbf16>,
        %get3A_1099 = arith.index_cast %add3A_1059 : i32 to index
        %get3A_1100 = arith.constant 32 : index
        %get3A_1101 = tpu.vector_load %arg17[%get3A_1099, %get3A_1100] {strides = array<i32>} : memref<256x64xbf16, #tpu.memory_space<vmem>>, vector<32xbf16>,
        %unpack3A_1102 = tpu.unpack_subelements %get3A_1095, 0 {pack_format = #tpu.pack_format<interleaved>} : vector<32xbf16> -> vector<16xf32>
        %unpack3A_1103 = tpu.unpack_subelements %get3A_1095, 1 {pack_format = #tpu.pack_format<interleaved>} : vector<32xbf16> -> vector<16xf32>
        %unpack3A_1104 = tpu.unpack_subelements %get3A_1098, 0 {pack_format = #tpu.pack_format<interleaved>} : vector<32xbf16> -> vector<16xf32>
        %unpack3A_1105 = tpu.unpack_subelements %get3A_1098, 1 {pack_format = #tpu.pack_format<interleaved>} : vector<32xbf16> -> vector<16xf32>
        %unpack3A_1106 = tpu.unpack_subelements %get3A_1101, 0 {pack_format = #tpu.pack_format<interleaved>} : vector<32xbf16> -> vector<16xf32>
        %unpack3A_1107 = tpu.unpack_subelements %get3A_1101, 1 {pack_format = #tpu.pack_format<interleaved>} : vector<32xbf16> -> vector<16xf32>
        %add3A_1108 = arith.addf %unpack3A_1102, %unpack3A_1104 : vector<16xf32>
        %add3A_1109 = arith.addf %add3A_1108, %unpack3A_1106 : vector<16xf32>
        %mul3A_1110 = arith.mulf %gather3A_1063, %get3A_5 : vector<16xf32>
        %add3A_1111 = arith.addf %add3A_1109, %mul3A_1110 : vector<16xf32>
        %swap3A_1112 = arith.index_cast %add3A_1059 : i32 to index
        %swap3A_1113 = arith.constant 32 : index
        %swap3A_1114 = tpu.vector_load %arg19[%swap3A_1112, %swap3A_1113] {strides = array<i32>} : memref<256x64xf32, #tpu.memory_space<vmem>>, vector<16xf32>,
        tpu.vector_store %arg19[%swap3A_1112, %swap3A_1113], %add3A_1111 {strides = array<i32>} : memref<256x64xf32, #tpu.memory_space<vmem>>, vector<16xf32>,
        %add3A_1115 = arith.addf %unpack3A_1103, %unpack3A_1105 : vector<16xf32>
        %add3A_1116 = arith.addf %add3A_1115, %unpack3A_1107 : vector<16xf32>
        %mul3A_1117 = arith.mulf %gather3A_1063, %get3A_7 : vector<16xf32>
        %add3A_1118 = arith.addf %add3A_1116, %mul3A_1117 : vector<16xf32>
        %swap3A_1119 = arith.index_cast %add3A_1059 : i32 to index
        %swap3A_1120 = arith.constant 48 : index
        %swap3A_1121 = tpu.vector_load %arg19[%swap3A_1119, %swap3A_1120] {strides = array<i32>} : memref<256x64xf32, #tpu.memory_space<vmem>>, vector<16xf32>,
        tpu.vector_store %arg19[%swap3A_1119, %swap3A_1120], %add3A_1118 {strides = array<i32>} : memref<256x64xf32, #tpu.memory_space<vmem>>, vector<16xf32>,
        %mul3A_1122 = arith.constant 16 : i32
        %mul3A_1123 = arith.muli %add3A_429, %mul3A_1122 : i32
        %add3A_1124 = arith.constant 10 : i32
        %add3A_1125 = arith.addi %mul3A_1123, %add3A_1124 : i32
        %broadcast_in_dim3A_1126 = arith.constant 10 : i32
        %broadcast_in_dim3A_1127 = vector.broadcast %broadcast_in_dim3A_1126 : i32 to vector<16x1xi32>
        %gather3A_1128 = vector.shape_cast %broadcast_in_dim3A_1127 : vector<16x1xi32> to vector<16xi32>
        %gather3A_1129 = tpu.dynamic_gather %get3A_465[%gather3A_1128] in [0] : vector<16xf32>, vector<16xi32> -> vector<16xf32>
        %get3A_1130 = arith.index_cast %add3A_1125 : i32 to index
        %get3A_1131 = arith.constant 0 : index
        %get3A_1132 = tpu.vector_load %arg13[%get3A_1130, %get3A_1131] {strides = array<i32>} : memref<256x64xbf16, #tpu.memory_space<vmem>>, vector<32xbf16>,
        %get3A_1133 = arith.index_cast %add3A_1125 : i32 to index
        %get3A_1134 = arith.constant 0 : index
        %get3A_1135 = tpu.vector_load %arg15[%get3A_1133, %get3A_1134] {strides = array<i32>} : memref<256x64xbf16, #tpu.memory_space<vmem>>, vector<32xbf16>,
        %get3A_1136 = arith.index_cast %add3A_1125 : i32 to index
        %get3A_1137 = arith.constant 0 : index
        %get3A_1138 = tpu.vector_load %arg17[%get3A_1136, %get3A_1137] {strides = array<i32>} : memref<256x64xbf16, #tpu.memory_space<vmem>>, vector<32xbf16>,
        %unpack3A_1139 = tpu.unpack_subelements %get3A_1132, 0 {pack_format = #tpu.pack_format<interleaved>} : vector<32xbf16> -> vector<16xf32>
        %unpack3A_1140 = tpu.unpack_subelements %get3A_1132, 1 {pack_format = #tpu.pack_format<interleaved>} : vector<32xbf16> -> vector<16xf32>
        %unpack3A_1141 = tpu.unpack_subelements %get3A_1135, 0 {pack_format = #tpu.pack_format<interleaved>} : vector<32xbf16> -> vector<16xf32>
        %unpack3A_1142 = tpu.unpack_subelements %get3A_1135, 1 {pack_format = #tpu.pack_format<interleaved>} : vector<32xbf16> -> vector<16xf32>
        %unpack3A_1143 = tpu.unpack_subelements %get3A_1138, 0 {pack_format = #tpu.pack_format<interleaved>} : vector<32xbf16> -> vector<16xf32>
        %unpack3A_1144 = tpu.unpack_subelements %get3A_1138, 1 {pack_format = #tpu.pack_format<interleaved>} : vector<32xbf16> -> vector<16xf32>
        %add3A_1145 = arith.addf %unpack3A_1139, %unpack3A_1141 : vector<16xf32>
        %add3A_1146 = arith.addf %add3A_1145, %unpack3A_1143 : vector<16xf32>
        %mul3A_1147 = arith.mulf %gather3A_1129, %get3A_1 : vector<16xf32>
        %add3A_1148 = arith.addf %add3A_1146, %mul3A_1147 : vector<16xf32>
        %swap3A_1149 = arith.index_cast %add3A_1125 : i32 to index
        %swap3A_1150 = arith.constant 0 : index
        %swap3A_1151 = tpu.vector_load %arg19[%swap3A_1149, %swap3A_1150] {strides = array<i32>} : memref<256x64xf32, #tpu.memory_space<vmem>>, vector<16xf32>,
        tpu.vector_store %arg19[%swap3A_1149, %swap3A_1150], %add3A_1148 {strides = array<i32>} : memref<256x64xf32, #tpu.memory_space<vmem>>, vector<16xf32>,
        %add3A_1152 = arith.addf %unpack3A_1140, %unpack3A_1142 : vector<16xf32>
        %add3A_1153 = arith.addf %add3A_1152, %unpack3A_1144 : vector<16xf32>
        %mul3A_1154 = arith.mulf %gather3A_1129, %get3A_3 : vector<16xf32>
        %add3A_1155 = arith.addf %add3A_1153, %mul3A_1154 : vector<16xf32>
        %swap3A_1156 = arith.index_cast %add3A_1125 : i32 to index
        %swap3A_1157 = arith.constant 16 : index
        %swap3A_1158 = tpu.vector_load %arg19[%swap3A_1156, %swap3A_1157] {strides = array<i32>} : memref<256x64xf32, #tpu.memory_space<vmem>>, vector<16xf32>,
        tpu.vector_store %arg19[%swap3A_1156, %swap3A_1157], %add3A_1155 {strides = array<i32>} : memref<256x64xf32, #tpu.memory_space<vmem>>, vector<16xf32>,
        %get3A_1159 = arith.index_cast %add3A_1125 : i32 to index
        %get3A_1160 = arith.constant 32 : index
        %get3A_1161 = tpu.vector_load %arg13[%get3A_1159, %get3A_1160] {strides = array<i32>} : memref<256x64xbf16, #tpu.memory_space<vmem>>, vector<32xbf16>,
        %get3A_1162 = arith.index_cast %add3A_1125 : i32 to index
        %get3A_1163 = arith.constant 32 : index
        %get3A_1164 = tpu.vector_load %arg15[%get3A_1162, %get3A_1163] {strides = array<i32>} : memref<256x64xbf16, #tpu.memory_space<vmem>>, vector<32xbf16>,
        %get3A_1165 = arith.index_cast %add3A_1125 : i32 to index
        %get3A_1166 = arith.constant 32 : index
        %get3A_1167 = tpu.vector_load %arg17[%get3A_1165, %get3A_1166] {strides = array<i32>} : memref<256x64xbf16, #tpu.memory_space<vmem>>, vector<32xbf16>,
        %unpack3A_1168 = tpu.unpack_subelements %get3A_1161, 0 {pack_format = #tpu.pack_format<interleaved>} : vector<32xbf16> -> vector<16xf32>
        %unpack3A_1169 = tpu.unpack_subelements %get3A_1161, 1 {pack_format = #tpu.pack_format<interleaved>} : vector<32xbf16> -> vector<16xf32>
        %unpack3A_1170 = tpu.unpack_subelements %get3A_1164, 0 {pack_format = #tpu.pack_format<interleaved>} : vector<32xbf16> -> vector<16xf32>
        %unpack3A_1171 = tpu.unpack_subelements %get3A_1164, 1 {pack_format = #tpu.pack_format<interleaved>} : vector<32xbf16> -> vector<16xf32>
        %unpack3A_1172 = tpu.unpack_subelements %get3A_1167, 0 {pack_format = #tpu.pack_format<interleaved>} : vector<32xbf16> -> vector<16xf32>
        %unpack3A_1173 = tpu.unpack_subelements %get3A_1167, 1 {pack_format = #tpu.pack_format<interleaved>} : vector<32xbf16> -> vector<16xf32>
        %add3A_1174 = arith.addf %unpack3A_1168, %unpack3A_1170 : vector<16xf32>
        %add3A_1175 = arith.addf %add3A_1174, %unpack3A_1172 : vector<16xf32>
        %mul3A_1176 = arith.mulf %gather3A_1129, %get3A_5 : vector<16xf32>
        %add3A_1177 = arith.addf %add3A_1175, %mul3A_1176 : vector<16xf32>
        %swap3A_1178 = arith.index_cast %add3A_1125 : i32 to index
        %swap3A_1179 = arith.constant 32 : index
        %swap3A_1180 = tpu.vector_load %arg19[%swap3A_1178, %swap3A_1179] {strides = array<i32>} : memref<256x64xf32, #tpu.memory_space<vmem>>, vector<16xf32>,
        tpu.vector_store %arg19[%swap3A_1178, %swap3A_1179], %add3A_1177 {strides = array<i32>} : memref<256x64xf32, #tpu.memory_space<vmem>>, vector<16xf32>,
        %add3A_1181 = arith.addf %unpack3A_1169, %unpack3A_1171 : vector<16xf32>
        %add3A_1182 = arith.addf %add3A_1181, %unpack3A_1173 : vector<16xf32>
        %mul3A_1183 = arith.mulf %gather3A_1129, %get3A_7 : vector<16xf32>
        %add3A_1184 = arith.addf %add3A_1182, %mul3A_1183 : vector<16xf32>
        %swap3A_1185 = arith.index_cast %add3A_1125 : i32 to index
        %swap3A_1186 = arith.constant 48 : index
        %swap3A_1187 = tpu.vector_load %arg19[%swap3A_1185, %swap3A_1186] {strides = array<i32>} : memref<256x64xf32, #tpu.memory_space<vmem>>, vector<16xf32>,
        tpu.vector_store %arg19[%swap3A_1185, %swap3A_1186], %add3A_1184 {strides = array<i32>} : memref<256x64xf32, #tpu.memory_space<vmem>>, vector<16xf32>,
        %mul3A_1188 = arith.constant 16 : i32
        %mul3A_1189 = arith.muli %add3A_429, %mul3A_1188 : i32
        %add3A_1190 = arith.constant 11 : i32
        %add3A_1191 = arith.addi %mul3A_1189, %add3A_1190 : i32
        %broadcast_in_dim3A_1192 = arith.constant 11 : i32
        %broadcast_in_dim3A_1193 = vector.broadcast %broadcast_in_dim3A_1192 : i32 to vector<16x1xi32>
        %gather3A_1194 = vector.shape_cast %broadcast_in_dim3A_1193 : vector<16x1xi32> to vector<16xi32>
        %gather3A_1195 = tpu.dynamic_gather %get3A_465[%gather3A_1194] in [0] : vector<16xf32>, vector<16xi32> -> vector<16xf32>
        %get3A_1196 = arith.index_cast %add3A_1191 : i32 to index
        %get3A_1197 = arith.constant 0 : index
        %get3A_1198 = tpu.vector_load %arg13[%get3A_1196, %get3A_1197] {strides = array<i32>} : memref<256x64xbf16, #tpu.memory_space<vmem>>, vector<32xbf16>,
        %get3A_1199 = arith.index_cast %add3A_1191 : i32 to index
        %get3A_1200 = arith.constant 0 : index
        %get3A_1201 = tpu.vector_load %arg15[%get3A_1199, %get3A_1200] {strides = array<i32>} : memref<256x64xbf16, #tpu.memory_space<vmem>>, vector<32xbf16>,
        %get3A_1202 = arith.index_cast %add3A_1191 : i32 to index
        %get3A_1203 = arith.constant 0 : index
        %get3A_1204 = tpu.vector_load %arg17[%get3A_1202, %get3A_1203] {strides = array<i32>} : memref<256x64xbf16, #tpu.memory_space<vmem>>, vector<32xbf16>,
        %unpack3A_1205 = tpu.unpack_subelements %get3A_1198, 0 {pack_format = #tpu.pack_format<interleaved>} : vector<32xbf16> -> vector<16xf32>
        %unpack3A_1206 = tpu.unpack_subelements %get3A_1198, 1 {pack_format = #tpu.pack_format<interleaved>} : vector<32xbf16> -> vector<16xf32>
        %unpack3A_1207 = tpu.unpack_subelements %get3A_1201, 0 {pack_format = #tpu.pack_format<interleaved>} : vector<32xbf16> -> vector<16xf32>
        %unpack3A_1208 = tpu.unpack_subelements %get3A_1201, 1 {pack_format = #tpu.pack_format<interleaved>} : vector<32xbf16> -> vector<16xf32>
        %unpack3A_1209 = tpu.unpack_subelements %get3A_1204, 0 {pack_format = #tpu.pack_format<interleaved>} : vector<32xbf16> -> vector<16xf32>
        %unpack3A_1210 = tpu.unpack_subelements %get3A_1204, 1 {pack_format = #tpu.pack_format<interleaved>} : vector<32xbf16> -> vector<16xf32>
        %add3A_1211 = arith.addf %unpack3A_1205, %unpack3A_1207 : vector<16xf32>
        %add3A_1212 = arith.addf %add3A_1211, %unpack3A_1209 : vector<16xf32>
        %mul3A_1213 = arith.mulf %gather3A_1195, %get3A_1 : vector<16xf32>
        %add3A_1214 = arith.addf %add3A_1212, %mul3A_1213 : vector<16xf32>
        %swap3A_1215 = arith.index_cast %add3A_1191 : i32 to index
        %swap3A_1216 = arith.constant 0 : index
        %swap3A_1217 = tpu.vector_load %arg19[%swap3A_1215, %swap3A_1216] {strides = array<i32>} : memref<256x64xf32, #tpu.memory_space<vmem>>, vector<16xf32>,
        tpu.vector_store %arg19[%swap3A_1215, %swap3A_1216], %add3A_1214 {strides = array<i32>} : memref<256x64xf32, #tpu.memory_space<vmem>>, vector<16xf32>,
        %add3A_1218 = arith.addf %unpack3A_1206, %unpack3A_1208 : vector<16xf32>
        %add3A_1219 = arith.addf %add3A_1218, %unpack3A_1210 : vector<16xf32>
        %mul3A_1220 = arith.mulf %gather3A_1195, %get3A_3 : vector<16xf32>
        %add3A_1221 = arith.addf %add3A_1219, %mul3A_1220 : vector<16xf32>
        %swap3A_1222 = arith.index_cast %add3A_1191 : i32 to index
        %swap3A_1223 = arith.constant 16 : index
        %swap3A_1224 = tpu.vector_load %arg19[%swap3A_1222, %swap3A_1223] {strides = array<i32>} : memref<256x64xf32, #tpu.memory_space<vmem>>, vector<16xf32>,
        tpu.vector_store %arg19[%swap3A_1222, %swap3A_1223], %add3A_1221 {strides = array<i32>} : memref<256x64xf32, #tpu.memory_space<vmem>>, vector<16xf32>,
        %get3A_1225 = arith.index_cast %add3A_1191 : i32 to index
        %get3A_1226 = arith.constant 32 : index
        %get3A_1227 = tpu.vector_load %arg13[%get3A_1225, %get3A_1226] {strides = array<i32>} : memref<256x64xbf16, #tpu.memory_space<vmem>>, vector<32xbf16>,
        %get3A_1228 = arith.index_cast %add3A_1191 : i32 to index
        %get3A_1229 = arith.constant 32 : index
        %get3A_1230 = tpu.vector_load %arg15[%get3A_1228, %get3A_1229] {strides = array<i32>} : memref<256x64xbf16, #tpu.memory_space<vmem>>, vector<32xbf16>,
        %get3A_1231 = arith.index_cast %add3A_1191 : i32 to index
        %get3A_1232 = arith.constant 32 : index
        %get3A_1233 = tpu.vector_load %arg17[%get3A_1231, %get3A_1232] {strides = array<i32>} : memref<256x64xbf16, #tpu.memory_space<vmem>>, vector<32xbf16>,
        %unpack3A_1234 = tpu.unpack_subelements %get3A_1227, 0 {pack_format = #tpu.pack_format<interleaved>} : vector<32xbf16> -> vector<16xf32>
        %unpack3A_1235 = tpu.unpack_subelements %get3A_1227, 1 {pack_format = #tpu.pack_format<interleaved>} : vector<32xbf16> -> vector<16xf32>
        %unpack3A_1236 = tpu.unpack_subelements %get3A_1230, 0 {pack_format = #tpu.pack_format<interleaved>} : vector<32xbf16> -> vector<16xf32>
        %unpack3A_1237 = tpu.unpack_subelements %get3A_1230, 1 {pack_format = #tpu.pack_format<interleaved>} : vector<32xbf16> -> vector<16xf32>
        %unpack3A_1238 = tpu.unpack_subelements %get3A_1233, 0 {pack_format = #tpu.pack_format<interleaved>} : vector<32xbf16> -> vector<16xf32>
        %unpack3A_1239 = tpu.unpack_subelements %get3A_1233, 1 {pack_format = #tpu.pack_format<interleaved>} : vector<32xbf16> -> vector<16xf32>
        %add3A_1240 = arith.addf %unpack3A_1234, %unpack3A_1236 : vector<16xf32>
        %add3A_1241 = arith.addf %add3A_1240, %unpack3A_1238 : vector<16xf32>
        %mul3A_1242 = arith.mulf %gather3A_1195, %get3A_5 : vector<16xf32>
        %add3A_1243 = arith.addf %add3A_1241, %mul3A_1242 : vector<16xf32>
        %swap3A_1244 = arith.index_cast %add3A_1191 : i32 to index
        %swap3A_1245 = arith.constant 32 : index
        %swap3A_1246 = tpu.vector_load %arg19[%swap3A_1244, %swap3A_1245] {strides = array<i32>} : memref<256x64xf32, #tpu.memory_space<vmem>>, vector<16xf32>,
        tpu.vector_store %arg19[%swap3A_1244, %swap3A_1245], %add3A_1243 {strides = array<i32>} : memref<256x64xf32, #tpu.memory_space<vmem>>, vector<16xf32>,
        %add3A_1247 = arith.addf %unpack3A_1235, %unpack3A_1237 : vector<16xf32>
        %add3A_1248 = arith.addf %add3A_1247, %unpack3A_1239 : vector<16xf32>
        %mul3A_1249 = arith.mulf %gather3A_1195, %get3A_7 : vector<16xf32>
        %add3A_1250 = arith.addf %add3A_1248, %mul3A_1249 : vector<16xf32>
        %swap3A_1251 = arith.index_cast %add3A_1191 : i32 to index
        %swap3A_1252 = arith.constant 48 : index
        %swap3A_1253 = tpu.vector_load %arg19[%swap3A_1251, %swap3A_1252] {strides = array<i32>} : memref<256x64xf32, #tpu.memory_space<vmem>>, vector<16xf32>,
        tpu.vector_store %arg19[%swap3A_1251, %swap3A_1252], %add3A_1250 {strides = array<i32>} : memref<256x64xf32, #tpu.memory_space<vmem>>, vector<16xf32>,
        %mul3A_1254 = arith.constant 16 : i32
        %mul3A_1255 = arith.muli %add3A_429, %mul3A_1254 : i32
        %add3A_1256 = arith.constant 12 : i32
        %add3A_1257 = arith.addi %mul3A_1255, %add3A_1256 : i32
        %broadcast_in_dim3A_1258 = arith.constant 12 : i32
        %broadcast_in_dim3A_1259 = vector.broadcast %broadcast_in_dim3A_1258 : i32 to vector<16x1xi32>
        %gather3A_1260 = vector.shape_cast %broadcast_in_dim3A_1259 : vector<16x1xi32> to vector<16xi32>
        %gather3A_1261 = tpu.dynamic_gather %get3A_465[%gather3A_1260] in [0] : vector<16xf32>, vector<16xi32> -> vector<16xf32>
        %get3A_1262 = arith.index_cast %add3A_1257 : i32 to index
        %get3A_1263 = arith.constant 0 : index
        %get3A_1264 = tpu.vector_load %arg13[%get3A_1262, %get3A_1263] {strides = array<i32>} : memref<256x64xbf16, #tpu.memory_space<vmem>>, vector<32xbf16>,
        %get3A_1265 = arith.index_cast %add3A_1257 : i32 to index
        %get3A_1266 = arith.constant 0 : index
        %get3A_1267 = tpu.vector_load %arg15[%get3A_1265, %get3A_1266] {strides = array<i32>} : memref<256x64xbf16, #tpu.memory_space<vmem>>, vector<32xbf16>,
        %get3A_1268 = arith.index_cast %add3A_1257 : i32 to index
        %get3A_1269 = arith.constant 0 : index
        %get3A_1270 = tpu.vector_load %arg17[%get3A_1268, %get3A_1269] {strides = array<i32>} : memref<256x64xbf16, #tpu.memory_space<vmem>>, vector<32xbf16>,
        %unpack3A_1271 = tpu.unpack_subelements %get3A_1264, 0 {pack_format = #tpu.pack_format<interleaved>} : vector<32xbf16> -> vector<16xf32>
        %unpack3A_1272 = tpu.unpack_subelements %get3A_1264, 1 {pack_format = #tpu.pack_format<interleaved>} : vector<32xbf16> -> vector<16xf32>
        %unpack3A_1273 = tpu.unpack_subelements %get3A_1267, 0 {pack_format = #tpu.pack_format<interleaved>} : vector<32xbf16> -> vector<16xf32>
        %unpack3A_1274 = tpu.unpack_subelements %get3A_1267, 1 {pack_format = #tpu.pack_format<interleaved>} : vector<32xbf16> -> vector<16xf32>
        %unpack3A_1275 = tpu.unpack_subelements %get3A_1270, 0 {pack_format = #tpu.pack_format<interleaved>} : vector<32xbf16> -> vector<16xf32>
        %unpack3A_1276 = tpu.unpack_subelements %get3A_1270, 1 {pack_format = #tpu.pack_format<interleaved>} : vector<32xbf16> -> vector<16xf32>
        %add3A_1277 = arith.addf %unpack3A_1271, %unpack3A_1273 : vector<16xf32>
        %add3A_1278 = arith.addf %add3A_1277, %unpack3A_1275 : vector<16xf32>
        %mul3A_1279 = arith.mulf %gather3A_1261, %get3A_1 : vector<16xf32>
        %add3A_1280 = arith.addf %add3A_1278, %mul3A_1279 : vector<16xf32>
        %swap3A_1281 = arith.index_cast %add3A_1257 : i32 to index
        %swap3A_1282 = arith.constant 0 : index
        %swap3A_1283 = tpu.vector_load %arg19[%swap3A_1281, %swap3A_1282] {strides = array<i32>} : memref<256x64xf32, #tpu.memory_space<vmem>>, vector<16xf32>,
        tpu.vector_store %arg19[%swap3A_1281, %swap3A_1282], %add3A_1280 {strides = array<i32>} : memref<256x64xf32, #tpu.memory_space<vmem>>, vector<16xf32>,
        %add3A_1284 = arith.addf %unpack3A_1272, %unpack3A_1274 : vector<16xf32>
        %add3A_1285 = arith.addf %add3A_1284, %unpack3A_1276 : vector<16xf32>
        %mul3A_1286 = arith.mulf %gather3A_1261, %get3A_3 : vector<16xf32>
        %add3A_1287 = arith.addf %add3A_1285, %mul3A_1286 : vector<16xf32>
        %swap3A_1288 = arith.index_cast %add3A_1257 : i32 to index
        %swap3A_1289 = arith.constant 16 : index
        %swap3A_1290 = tpu.vector_load %arg19[%swap3A_1288, %swap3A_1289] {strides = array<i32>} : memref<256x64xf32, #tpu.memory_space<vmem>>, vector<16xf32>,
        tpu.vector_store %arg19[%swap3A_1288, %swap3A_1289], %add3A_1287 {strides = array<i32>} : memref<256x64xf32, #tpu.memory_space<vmem>>, vector<16xf32>,
        %get3A_1291 = arith.index_cast %add3A_1257 : i32 to index
        %get3A_1292 = arith.constant 32 : index
        %get3A_1293 = tpu.vector_load %arg13[%get3A_1291, %get3A_1292] {strides = array<i32>} : memref<256x64xbf16, #tpu.memory_space<vmem>>, vector<32xbf16>,
        %get3A_1294 = arith.index_cast %add3A_1257 : i32 to index
        %get3A_1295 = arith.constant 32 : index
        %get3A_1296 = tpu.vector_load %arg15[%get3A_1294, %get3A_1295] {strides = array<i32>} : memref<256x64xbf16, #tpu.memory_space<vmem>>, vector<32xbf16>,
        %get3A_1297 = arith.index_cast %add3A_1257 : i32 to index
        %get3A_1298 = arith.constant 32 : index
        %get3A_1299 = tpu.vector_load %arg17[%get3A_1297, %get3A_1298] {strides = array<i32>} : memref<256x64xbf16, #tpu.memory_space<vmem>>, vector<32xbf16>,
        %unpack3A_1300 = tpu.unpack_subelements %get3A_1293, 0 {pack_format = #tpu.pack_format<interleaved>} : vector<32xbf16> -> vector<16xf32>
        %unpack3A_1301 = tpu.unpack_subelements %get3A_1293, 1 {pack_format = #tpu.pack_format<interleaved>} : vector<32xbf16> -> vector<16xf32>
        %unpack3A_1302 = tpu.unpack_subelements %get3A_1296, 0 {pack_format = #tpu.pack_format<interleaved>} : vector<32xbf16> -> vector<16xf32>
        %unpack3A_1303 = tpu.unpack_subelements %get3A_1296, 1 {pack_format = #tpu.pack_format<interleaved>} : vector<32xbf16> -> vector<16xf32>
        %unpack3A_1304 = tpu.unpack_subelements %get3A_1299, 0 {pack_format = #tpu.pack_format<interleaved>} : vector<32xbf16> -> vector<16xf32>
        %unpack3A_1305 = tpu.unpack_subelements %get3A_1299, 1 {pack_format = #tpu.pack_format<interleaved>} : vector<32xbf16> -> vector<16xf32>
        %add3A_1306 = arith.addf %unpack3A_1300, %unpack3A_1302 : vector<16xf32>
        %add3A_1307 = arith.addf %add3A_1306, %unpack3A_1304 : vector<16xf32>
        %mul3A_1308 = arith.mulf %gather3A_1261, %get3A_5 : vector<16xf32>
        %add3A_1309 = arith.addf %add3A_1307, %mul3A_1308 : vector<16xf32>
        %swap3A_1310 = arith.index_cast %add3A_1257 : i32 to index
        %swap3A_1311 = arith.constant 32 : index
        %swap3A_1312 = tpu.vector_load %arg19[%swap3A_1310, %swap3A_1311] {strides = array<i32>} : memref<256x64xf32, #tpu.memory_space<vmem>>, vector<16xf32>,
        tpu.vector_store %arg19[%swap3A_1310, %swap3A_1311], %add3A_1309 {strides = array<i32>} : memref<256x64xf32, #tpu.memory_space<vmem>>, vector<16xf32>,
        %add3A_1313 = arith.addf %unpack3A_1301, %unpack3A_1303 : vector<16xf32>
        %add3A_1314 = arith.addf %add3A_1313, %unpack3A_1305 : vector<16xf32>
        %mul3A_1315 = arith.mulf %gather3A_1261, %get3A_7 : vector<16xf32>
        %add3A_1316 = arith.addf %add3A_1314, %mul3A_1315 : vector<16xf32>
        %swap3A_1317 = arith.index_cast %add3A_1257 : i32 to index
        %swap3A_1318 = arith.constant 48 : index
        %swap3A_1319 = tpu.vector_load %arg19[%swap3A_1317, %swap3A_1318] {strides = array<i32>} : memref<256x64xf32, #tpu.memory_space<vmem>>, vector<16xf32>,
        tpu.vector_store %arg19[%swap3A_1317, %swap3A_1318], %add3A_1316 {strides = array<i32>} : memref<256x64xf32, #tpu.memory_space<vmem>>, vector<16xf32>,
        %mul3A_1320 = arith.constant 16 : i32
        %mul3A_1321 = arith.muli %add3A_429, %mul3A_1320 : i32
        %add3A_1322 = arith.constant 13 : i32
        %add3A_1323 = arith.addi %mul3A_1321, %add3A_1322 : i32
        %broadcast_in_dim3A_1324 = arith.constant 13 : i32
        %broadcast_in_dim3A_1325 = vector.broadcast %broadcast_in_dim3A_1324 : i32 to vector<16x1xi32>
        %gather3A_1326 = vector.shape_cast %broadcast_in_dim3A_1325 : vector<16x1xi32> to vector<16xi32>
        %gather3A_1327 = tpu.dynamic_gather %get3A_465[%gather3A_1326] in [0] : vector<16xf32>, vector<16xi32> -> vector<16xf32>
        %get3A_1328 = arith.index_cast %add3A_1323 : i32 to index
        %get3A_1329 = arith.constant 0 : index
        %get3A_1330 = tpu.vector_load %arg13[%get3A_1328, %get3A_1329] {strides = array<i32>} : memref<256x64xbf16, #tpu.memory_space<vmem>>, vector<32xbf16>,
        %get3A_1331 = arith.index_cast %add3A_1323 : i32 to index
        %get3A_1332 = arith.constant 0 : index
        %get3A_1333 = tpu.vector_load %arg15[%get3A_1331, %get3A_1332] {strides = array<i32>} : memref<256x64xbf16, #tpu.memory_space<vmem>>, vector<32xbf16>,
        %get3A_1334 = arith.index_cast %add3A_1323 : i32 to index
        %get3A_1335 = arith.constant 0 : index
        %get3A_1336 = tpu.vector_load %arg17[%get3A_1334, %get3A_1335] {strides = array<i32>} : memref<256x64xbf16, #tpu.memory_space<vmem>>, vector<32xbf16>,
        %unpack3A_1337 = tpu.unpack_subelements %get3A_1330, 0 {pack_format = #tpu.pack_format<interleaved>} : vector<32xbf16> -> vector<16xf32>
        %unpack3A_1338 = tpu.unpack_subelements %get3A_1330, 1 {pack_format = #tpu.pack_format<interleaved>} : vector<32xbf16> -> vector<16xf32>
        %unpack3A_1339 = tpu.unpack_subelements %get3A_1333, 0 {pack_format = #tpu.pack_format<interleaved>} : vector<32xbf16> -> vector<16xf32>
        %unpack3A_1340 = tpu.unpack_subelements %get3A_1333, 1 {pack_format = #tpu.pack_format<interleaved>} : vector<32xbf16> -> vector<16xf32>
        %unpack3A_1341 = tpu.unpack_subelements %get3A_1336, 0 {pack_format = #tpu.pack_format<interleaved>} : vector<32xbf16> -> vector<16xf32>
        %unpack3A_1342 = tpu.unpack_subelements %get3A_1336, 1 {pack_format = #tpu.pack_format<interleaved>} : vector<32xbf16> -> vector<16xf32>
        %add3A_1343 = arith.addf %unpack3A_1337, %unpack3A_1339 : vector<16xf32>
        %add3A_1344 = arith.addf %add3A_1343, %unpack3A_1341 : vector<16xf32>
        %mul3A_1345 = arith.mulf %gather3A_1327, %get3A_1 : vector<16xf32>
        %add3A_1346 = arith.addf %add3A_1344, %mul3A_1345 : vector<16xf32>
        %swap3A_1347 = arith.index_cast %add3A_1323 : i32 to index
        %swap3A_1348 = arith.constant 0 : index
        %swap3A_1349 = tpu.vector_load %arg19[%swap3A_1347, %swap3A_1348] {strides = array<i32>} : memref<256x64xf32, #tpu.memory_space<vmem>>, vector<16xf32>,
        tpu.vector_store %arg19[%swap3A_1347, %swap3A_1348], %add3A_1346 {strides = array<i32>} : memref<256x64xf32, #tpu.memory_space<vmem>>, vector<16xf32>,
        %add3A_1350 = arith.addf %unpack3A_1338, %unpack3A_1340 : vector<16xf32>
        %add3A_1351 = arith.addf %add3A_1350, %unpack3A_1342 : vector<16xf32>
        %mul3A_1352 = arith.mulf %gather3A_1327, %get3A_3 : vector<16xf32>
        %add3A_1353 = arith.addf %add3A_1351, %mul3A_1352 : vector<16xf32>
        %swap3A_1354 = arith.index_cast %add3A_1323 : i32 to index
        %swap3A_1355 = arith.constant 16 : index
        %swap3A_1356 = tpu.vector_load %arg19[%swap3A_1354, %swap3A_1355] {strides = array<i32>} : memref<256x64xf32, #tpu.memory_space<vmem>>, vector<16xf32>,
        tpu.vector_store %arg19[%swap3A_1354, %swap3A_1355], %add3A_1353 {strides = array<i32>} : memref<256x64xf32, #tpu.memory_space<vmem>>, vector<16xf32>,
        %get3A_1357 = arith.index_cast %add3A_1323 : i32 to index
        %get3A_1358 = arith.constant 32 : index
        %get3A_1359 = tpu.vector_load %arg13[%get3A_1357, %get3A_1358] {strides = array<i32>} : memref<256x64xbf16, #tpu.memory_space<vmem>>, vector<32xbf16>,
        %get3A_1360 = arith.index_cast %add3A_1323 : i32 to index
        %get3A_1361 = arith.constant 32 : index
        %get3A_1362 = tpu.vector_load %arg15[%get3A_1360, %get3A_1361] {strides = array<i32>} : memref<256x64xbf16, #tpu.memory_space<vmem>>, vector<32xbf16>,
        %get3A_1363 = arith.index_cast %add3A_1323 : i32 to index
        %get3A_1364 = arith.constant 32 : index
        %get3A_1365 = tpu.vector_load %arg17[%get3A_1363, %get3A_1364] {strides = array<i32>} : memref<256x64xbf16, #tpu.memory_space<vmem>>, vector<32xbf16>,
        %unpack3A_1366 = tpu.unpack_subelements %get3A_1359, 0 {pack_format = #tpu.pack_format<interleaved>} : vector<32xbf16> -> vector<16xf32>
        %unpack3A_1367 = tpu.unpack_subelements %get3A_1359, 1 {pack_format = #tpu.pack_format<interleaved>} : vector<32xbf16> -> vector<16xf32>
        %unpack3A_1368 = tpu.unpack_subelements %get3A_1362, 0 {pack_format = #tpu.pack_format<interleaved>} : vector<32xbf16> -> vector<16xf32>
        %unpack3A_1369 = tpu.unpack_subelements %get3A_1362, 1 {pack_format = #tpu.pack_format<interleaved>} : vector<32xbf16> -> vector<16xf32>
        %unpack3A_1370 = tpu.unpack_subelements %get3A_1365, 0 {pack_format = #tpu.pack_format<interleaved>} : vector<32xbf16> -> vector<16xf32>
        %unpack3A_1371 = tpu.unpack_subelements %get3A_1365, 1 {pack_format = #tpu.pack_format<interleaved>} : vector<32xbf16> -> vector<16xf32>
        %add3A_1372 = arith.addf %unpack3A_1366, %unpack3A_1368 : vector<16xf32>
        %add3A_1373 = arith.addf %add3A_1372, %unpack3A_1370 : vector<16xf32>
        %mul3A_1374 = arith.mulf %gather3A_1327, %get3A_5 : vector<16xf32>
        %add3A_1375 = arith.addf %add3A_1373, %mul3A_1374 : vector<16xf32>
        %swap3A_1376 = arith.index_cast %add3A_1323 : i32 to index
        %swap3A_1377 = arith.constant 32 : index
        %swap3A_1378 = tpu.vector_load %arg19[%swap3A_1376, %swap3A_1377] {strides = array<i32>} : memref<256x64xf32, #tpu.memory_space<vmem>>, vector<16xf32>,
        tpu.vector_store %arg19[%swap3A_1376, %swap3A_1377], %add3A_1375 {strides = array<i32>} : memref<256x64xf32, #tpu.memory_space<vmem>>, vector<16xf32>,
        %add3A_1379 = arith.addf %unpack3A_1367, %unpack3A_1369 : vector<16xf32>
        %add3A_1380 = arith.addf %add3A_1379, %unpack3A_1371 : vector<16xf32>
        %mul3A_1381 = arith.mulf %gather3A_1327, %get3A_7 : vector<16xf32>
        %add3A_1382 = arith.addf %add3A_1380, %mul3A_1381 : vector<16xf32>
        %swap3A_1383 = arith.index_cast %add3A_1323 : i32 to index
        %swap3A_1384 = arith.constant 48 : index
        %swap3A_1385 = tpu.vector_load %arg19[%swap3A_1383, %swap3A_1384] {strides = array<i32>} : memref<256x64xf32, #tpu.memory_space<vmem>>, vector<16xf32>,
        tpu.vector_store %arg19[%swap3A_1383, %swap3A_1384], %add3A_1382 {strides = array<i32>} : memref<256x64xf32, #tpu.memory_space<vmem>>, vector<16xf32>,
        %mul3A_1386 = arith.constant 16 : i32
        %mul3A_1387 = arith.muli %add3A_429, %mul3A_1386 : i32
        %add3A_1388 = arith.constant 14 : i32
        %add3A_1389 = arith.addi %mul3A_1387, %add3A_1388 : i32
        %broadcast_in_dim3A_1390 = arith.constant 14 : i32
        %broadcast_in_dim3A_1391 = vector.broadcast %broadcast_in_dim3A_1390 : i32 to vector<16x1xi32>
        %gather3A_1392 = vector.shape_cast %broadcast_in_dim3A_1391 : vector<16x1xi32> to vector<16xi32>
        %gather3A_1393 = tpu.dynamic_gather %get3A_465[%gather3A_1392] in [0] : vector<16xf32>, vector<16xi32> -> vector<16xf32>
        %get3A_1394 = arith.index_cast %add3A_1389 : i32 to index
        %get3A_1395 = arith.constant 0 : index
        %get3A_1396 = tpu.vector_load %arg13[%get3A_1394, %get3A_1395] {strides = array<i32>} : memref<256x64xbf16, #tpu.memory_space<vmem>>, vector<32xbf16>,
        %get3A_1397 = arith.index_cast %add3A_1389 : i32 to index
        %get3A_1398 = arith.constant 0 : index
        %get3A_1399 = tpu.vector_load %arg15[%get3A_1397, %get3A_1398] {strides = array<i32>} : memref<256x64xbf16, #tpu.memory_space<vmem>>, vector<32xbf16>,
        %get3A_1400 = arith.index_cast %add3A_1389 : i32 to index
        %get3A_1401 = arith.constant 0 : index
        %get3A_1402 = tpu.vector_load %arg17[%get3A_1400, %get3A_1401] {strides = array<i32>} : memref<256x64xbf16, #tpu.memory_space<vmem>>, vector<32xbf16>,
        %unpack3A_1403 = tpu.unpack_subelements %get3A_1396, 0 {pack_format = #tpu.pack_format<interleaved>} : vector<32xbf16> -> vector<16xf32>
        %unpack3A_1404 = tpu.unpack_subelements %get3A_1396, 1 {pack_format = #tpu.pack_format<interleaved>} : vector<32xbf16> -> vector<16xf32>
        %unpack3A_1405 = tpu.unpack_subelements %get3A_1399, 0 {pack_format = #tpu.pack_format<interleaved>} : vector<32xbf16> -> vector<16xf32>
        %unpack3A_1406 = tpu.unpack_subelements %get3A_1399, 1 {pack_format = #tpu.pack_format<interleaved>} : vector<32xbf16> -> vector<16xf32>
        %unpack3A_1407 = tpu.unpack_subelements %get3A_1402, 0 {pack_format = #tpu.pack_format<interleaved>} : vector<32xbf16> -> vector<16xf32>
        %unpack3A_1408 = tpu.unpack_subelements %get3A_1402, 1 {pack_format = #tpu.pack_format<interleaved>} : vector<32xbf16> -> vector<16xf32>
        %add3A_1409 = arith.addf %unpack3A_1403, %unpack3A_1405 : vector<16xf32>
        %add3A_1410 = arith.addf %add3A_1409, %unpack3A_1407 : vector<16xf32>
        %mul3A_1411 = arith.mulf %gather3A_1393, %get3A_1 : vector<16xf32>
        %add3A_1412 = arith.addf %add3A_1410, %mul3A_1411 : vector<16xf32>
        %swap3A_1413 = arith.index_cast %add3A_1389 : i32 to index
        %swap3A_1414 = arith.constant 0 : index
        %swap3A_1415 = tpu.vector_load %arg19[%swap3A_1413, %swap3A_1414] {strides = array<i32>} : memref<256x64xf32, #tpu.memory_space<vmem>>, vector<16xf32>,
        tpu.vector_store %arg19[%swap3A_1413, %swap3A_1414], %add3A_1412 {strides = array<i32>} : memref<256x64xf32, #tpu.memory_space<vmem>>, vector<16xf32>,
        %add3A_1416 = arith.addf %unpack3A_1404, %unpack3A_1406 : vector<16xf32>
        %add3A_1417 = arith.addf %add3A_1416, %unpack3A_1408 : vector<16xf32>
        %mul3A_1418 = arith.mulf %gather3A_1393, %get3A_3 : vector<16xf32>
        %add3A_1419 = arith.addf %add3A_1417, %mul3A_1418 : vector<16xf32>
        %swap3A_1420 = arith.index_cast %add3A_1389 : i32 to index
        %swap3A_1421 = arith.constant 16 : index
        %swap3A_1422 = tpu.vector_load %arg19[%swap3A_1420, %swap3A_1421] {strides = array<i32>} : memref<256x64xf32, #tpu.memory_space<vmem>>, vector<16xf32>,
        tpu.vector_store %arg19[%swap3A_1420, %swap3A_1421], %add3A_1419 {strides = array<i32>} : memref<256x64xf32, #tpu.memory_space<vmem>>, vector<16xf32>,
        %get3A_1423 = arith.index_cast %add3A_1389 : i32 to index
        %get3A_1424 = arith.constant 32 : index
        %get3A_1425 = tpu.vector_load %arg13[%get3A_1423, %get3A_1424] {strides = array<i32>} : memref<256x64xbf16, #tpu.memory_space<vmem>>, vector<32xbf16>,
        %get3A_1426 = arith.index_cast %add3A_1389 : i32 to index
        %get3A_1427 = arith.constant 32 : index
        %get3A_1428 = tpu.vector_load %arg15[%get3A_1426, %get3A_1427] {strides = array<i32>} : memref<256x64xbf16, #tpu.memory_space<vmem>>, vector<32xbf16>,
        %get3A_1429 = arith.index_cast %add3A_1389 : i32 to index
        %get3A_1430 = arith.constant 32 : index
        %get3A_1431 = tpu.vector_load %arg17[%get3A_1429, %get3A_1430] {strides = array<i32>} : memref<256x64xbf16, #tpu.memory_space<vmem>>, vector<32xbf16>,
        %unpack3A_1432 = tpu.unpack_subelements %get3A_1425, 0 {pack_format = #tpu.pack_format<interleaved>} : vector<32xbf16> -> vector<16xf32>
        %unpack3A_1433 = tpu.unpack_subelements %get3A_1425, 1 {pack_format = #tpu.pack_format<interleaved>} : vector<32xbf16> -> vector<16xf32>
        %unpack3A_1434 = tpu.unpack_subelements %get3A_1428, 0 {pack_format = #tpu.pack_format<interleaved>} : vector<32xbf16> -> vector<16xf32>
        %unpack3A_1435 = tpu.unpack_subelements %get3A_1428, 1 {pack_format = #tpu.pack_format<interleaved>} : vector<32xbf16> -> vector<16xf32>
        %unpack3A_1436 = tpu.unpack_subelements %get3A_1431, 0 {pack_format = #tpu.pack_format<interleaved>} : vector<32xbf16> -> vector<16xf32>
        %unpack3A_1437 = tpu.unpack_subelements %get3A_1431, 1 {pack_format = #tpu.pack_format<interleaved>} : vector<32xbf16> -> vector<16xf32>
        %add3A_1438 = arith.addf %unpack3A_1432, %unpack3A_1434 : vector<16xf32>
        %add3A_1439 = arith.addf %add3A_1438, %unpack3A_1436 : vector<16xf32>
        %mul3A_1440 = arith.mulf %gather3A_1393, %get3A_5 : vector<16xf32>
        %add3A_1441 = arith.addf %add3A_1439, %mul3A_1440 : vector<16xf32>
        %swap3A_1442 = arith.index_cast %add3A_1389 : i32 to index
        %swap3A_1443 = arith.constant 32 : index
        %swap3A_1444 = tpu.vector_load %arg19[%swap3A_1442, %swap3A_1443] {strides = array<i32>} : memref<256x64xf32, #tpu.memory_space<vmem>>, vector<16xf32>,
        tpu.vector_store %arg19[%swap3A_1442, %swap3A_1443], %add3A_1441 {strides = array<i32>} : memref<256x64xf32, #tpu.memory_space<vmem>>, vector<16xf32>,
        %add3A_1445 = arith.addf %unpack3A_1433, %unpack3A_1435 : vector<16xf32>
        %add3A_1446 = arith.addf %add3A_1445, %unpack3A_1437 : vector<16xf32>
        %mul3A_1447 = arith.mulf %gather3A_1393, %get3A_7 : vector<16xf32>
        %add3A_1448 = arith.addf %add3A_1446, %mul3A_1447 : vector<16xf32>
        %swap3A_1449 = arith.index_cast %add3A_1389 : i32 to index
        %swap3A_1450 = arith.constant 48 : index
        %swap3A_1451 = tpu.vector_load %arg19[%swap3A_1449, %swap3A_1450] {strides = array<i32>} : memref<256x64xf32, #tpu.memory_space<vmem>>, vector<16xf32>,
        tpu.vector_store %arg19[%swap3A_1449, %swap3A_1450], %add3A_1448 {strides = array<i32>} : memref<256x64xf32, #tpu.memory_space<vmem>>, vector<16xf32>,
        %mul3A_1452 = arith.constant 16 : i32
        %mul3A_1453 = arith.muli %add3A_429, %mul3A_1452 : i32
        %add3A_1454 = arith.constant 15 : i32
        %add3A_1455 = arith.addi %mul3A_1453, %add3A_1454 : i32
        %broadcast_in_dim3A_1456 = arith.constant 15 : i32
        %broadcast_in_dim3A_1457 = vector.broadcast %broadcast_in_dim3A_1456 : i32 to vector<16x1xi32>
        %gather3A_1458 = vector.shape_cast %broadcast_in_dim3A_1457 : vector<16x1xi32> to vector<16xi32>
        %gather3A_1459 = tpu.dynamic_gather %get3A_465[%gather3A_1458] in [0] : vector<16xf32>, vector<16xi32> -> vector<16xf32>
        %get3A_1460 = arith.index_cast %add3A_1455 : i32 to index
        %get3A_1461 = arith.constant 0 : index
        %get3A_1462 = tpu.vector_load %arg13[%get3A_1460, %get3A_1461] {strides = array<i32>} : memref<256x64xbf16, #tpu.memory_space<vmem>>, vector<32xbf16>,
        %get3A_1463 = arith.index_cast %add3A_1455 : i32 to index
        %get3A_1464 = arith.constant 0 : index
        %get3A_1465 = tpu.vector_load %arg15[%get3A_1463, %get3A_1464] {strides = array<i32>} : memref<256x64xbf16, #tpu.memory_space<vmem>>, vector<32xbf16>,
        %get3A_1466 = arith.index_cast %add3A_1455 : i32 to index
        %get3A_1467 = arith.constant 0 : index
        %get3A_1468 = tpu.vector_load %arg17[%get3A_1466, %get3A_1467] {strides = array<i32>} : memref<256x64xbf16, #tpu.memory_space<vmem>>, vector<32xbf16>,
        %unpack3A_1469 = tpu.unpack_subelements %get3A_1462, 0 {pack_format = #tpu.pack_format<interleaved>} : vector<32xbf16> -> vector<16xf32>
        %unpack3A_1470 = tpu.unpack_subelements %get3A_1462, 1 {pack_format = #tpu.pack_format<interleaved>} : vector<32xbf16> -> vector<16xf32>
        %unpack3A_1471 = tpu.unpack_subelements %get3A_1465, 0 {pack_format = #tpu.pack_format<interleaved>} : vector<32xbf16> -> vector<16xf32>
        %unpack3A_1472 = tpu.unpack_subelements %get3A_1465, 1 {pack_format = #tpu.pack_format<interleaved>} : vector<32xbf16> -> vector<16xf32>
        %unpack3A_1473 = tpu.unpack_subelements %get3A_1468, 0 {pack_format = #tpu.pack_format<interleaved>} : vector<32xbf16> -> vector<16xf32>
        %unpack3A_1474 = tpu.unpack_subelements %get3A_1468, 1 {pack_format = #tpu.pack_format<interleaved>} : vector<32xbf16> -> vector<16xf32>
        %add3A_1475 = arith.addf %unpack3A_1469, %unpack3A_1471 : vector<16xf32>
        %add3A_1476 = arith.addf %add3A_1475, %unpack3A_1473 : vector<16xf32>
        %mul3A_1477 = arith.mulf %gather3A_1459, %get3A_1 : vector<16xf32>
        %add3A_1478 = arith.addf %add3A_1476, %mul3A_1477 : vector<16xf32>
        %swap3A_1479 = arith.index_cast %add3A_1455 : i32 to index
        %swap3A_1480 = arith.constant 0 : index
        %swap3A_1481 = tpu.vector_load %arg19[%swap3A_1479, %swap3A_1480] {strides = array<i32>} : memref<256x64xf32, #tpu.memory_space<vmem>>, vector<16xf32>,
        tpu.vector_store %arg19[%swap3A_1479, %swap3A_1480], %add3A_1478 {strides = array<i32>} : memref<256x64xf32, #tpu.memory_space<vmem>>, vector<16xf32>,
        %add3A_1482 = arith.addf %unpack3A_1470, %unpack3A_1472 : vector<16xf32>
        %add3A_1483 = arith.addf %add3A_1482, %unpack3A_1474 : vector<16xf32>
        %mul3A_1484 = arith.mulf %gather3A_1459, %get3A_3 : vector<16xf32>
        %add3A_1485 = arith.addf %add3A_1483, %mul3A_1484 : vector<16xf32>
        %swap3A_1486 = arith.index_cast %add3A_1455 : i32 to index
        %swap3A_1487 = arith.constant 16 : index
        %swap3A_1488 = tpu.vector_load %arg19[%swap3A_1486, %swap3A_1487] {strides = array<i32>} : memref<256x64xf32, #tpu.memory_space<vmem>>, vector<16xf32>,
        tpu.vector_store %arg19[%swap3A_1486, %swap3A_1487], %add3A_1485 {strides = array<i32>} : memref<256x64xf32, #tpu.memory_space<vmem>>, vector<16xf32>,
        %get3A_1489 = arith.index_cast %add3A_1455 : i32 to index
        %get3A_1490 = arith.constant 32 : index
        %get3A_1491 = tpu.vector_load %arg13[%get3A_1489, %get3A_1490] {strides = array<i32>} : memref<256x64xbf16, #tpu.memory_space<vmem>>, vector<32xbf16>,
        %get3A_1492 = arith.index_cast %add3A_1455 : i32 to index
        %get3A_1493 = arith.constant 32 : index
        %get3A_1494 = tpu.vector_load %arg15[%get3A_1492, %get3A_1493] {strides = array<i32>} : memref<256x64xbf16, #tpu.memory_space<vmem>>, vector<32xbf16>,
        %get3A_1495 = arith.index_cast %add3A_1455 : i32 to index
        %get3A_1496 = arith.constant 32 : index
        %get3A_1497 = tpu.vector_load %arg17[%get3A_1495, %get3A_1496] {strides = array<i32>} : memref<256x64xbf16, #tpu.memory_space<vmem>>, vector<32xbf16>,
        %unpack3A_1498 = tpu.unpack_subelements %get3A_1491, 0 {pack_format = #tpu.pack_format<interleaved>} : vector<32xbf16> -> vector<16xf32>
        %unpack3A_1499 = tpu.unpack_subelements %get3A_1491, 1 {pack_format = #tpu.pack_format<interleaved>} : vector<32xbf16> -> vector<16xf32>
        %unpack3A_1500 = tpu.unpack_subelements %get3A_1494, 0 {pack_format = #tpu.pack_format<interleaved>} : vector<32xbf16> -> vector<16xf32>
        %unpack3A_1501 = tpu.unpack_subelements %get3A_1494, 1 {pack_format = #tpu.pack_format<interleaved>} : vector<32xbf16> -> vector<16xf32>
        %unpack3A_1502 = tpu.unpack_subelements %get3A_1497, 0 {pack_format = #tpu.pack_format<interleaved>} : vector<32xbf16> -> vector<16xf32>
        %unpack3A_1503 = tpu.unpack_subelements %get3A_1497, 1 {pack_format = #tpu.pack_format<interleaved>} : vector<32xbf16> -> vector<16xf32>
        %add3A_1504 = arith.addf %unpack3A_1498, %unpack3A_1500 : vector<16xf32>
        %add3A_1505 = arith.addf %add3A_1504, %unpack3A_1502 : vector<16xf32>
        %mul3A_1506 = arith.mulf %gather3A_1459, %get3A_5 : vector<16xf32>
        %add3A_1507 = arith.addf %add3A_1505, %mul3A_1506 : vector<16xf32>
        %swap3A_1508 = arith.index_cast %add3A_1455 : i32 to index
        %swap3A_1509 = arith.constant 32 : index
        %swap3A_1510 = tpu.vector_load %arg19[%swap3A_1508, %swap3A_1509] {strides = array<i32>} : memref<256x64xf32, #tpu.memory_space<vmem>>, vector<16xf32>,
        tpu.vector_store %arg19[%swap3A_1508, %swap3A_1509], %add3A_1507 {strides = array<i32>} : memref<256x64xf32, #tpu.memory_space<vmem>>, vector<16xf32>,
        %add3A_1511 = arith.addf %unpack3A_1499, %unpack3A_1501 : vector<16xf32>
        %add3A_1512 = arith.addf %add3A_1511, %unpack3A_1503 : vector<16xf32>
        %mul3A_1513 = arith.mulf %gather3A_1459, %get3A_7 : vector<16xf32>
        %add3A_1514 = arith.addf %add3A_1512, %mul3A_1513 : vector<16xf32>
        %swap3A_1515 = arith.index_cast %add3A_1455 : i32 to index
        %swap3A_1516 = arith.constant 48 : index
        %swap3A_1517 = tpu.vector_load %arg19[%swap3A_1515, %swap3A_1516] {strides = array<i32>} : memref<256x64xf32, #tpu.memory_space<vmem>>, vector<16xf32>,
        tpu.vector_store %arg19[%swap3A_1515, %swap3A_1516], %add3A_1514 {strides = array<i32>} : memref<256x64xf32, #tpu.memory_space<vmem>>, vector<16xf32>,
      }
      %scan3A_293 = arith.constant 16 : i32
      %mul3A_294 = arith.constant 25600 : i32
      %mul3A_295 = arith.muli %add3A, %mul3A_294 : i32
      %mul3A_296 = arith.constant 256 : i32
      %mul3A_297 = arith.muli %add3A_130, %mul3A_296 : i32
      %add3A_298 = arith.addi %mul3A_295, %mul3A_297 : i32
      %dma_start3A_299 = arith.constant 0 : i32
      %dma_start3A_300 = tpu.memref_slice %arg8[%add3A_298, %dma_start3A_299] : memref<819200x64xf32, #tpu.memory_space<hbm>> -> memref<256x64xf32, #tpu.memory_space<hbm>>
      %dma_start3A_301 = arith.constant 0 : i32
      %dma_start3A_302 = tpu.memref_slice %arg8[%add3A_298, %dma_start3A_301] : memref<819200x64xf32, #tpu.memory_space<hbm>> -> memref<256x64xf32, #tpu.memory_space<hbm>>
      tpu.enqueue_dma source(%arg19 : memref<256x64xf32, #tpu.memory_space<vmem>>) target(%dma_start3A_302 : memref<256x64xf32, #tpu.memory_space<hbm>>) target_semaphore(%arg24 : memref<!tpu.dma_semaphore, #tpu.memory_space<semaphore_mem>>)
      %add3A_303 = arith.constant 2 : i32
      %add3A_304 = arith.addi %add3A_130, %add3A_303 : i32
      %lt3A_305 = arith.constant 100 : i32
      %lt3A_306 = arith.cmpi slt, %add3A_304, %lt3A_305 : i32
      %convert_element_type3A_307 = arith.extui %lt3A_306 : i1 to i32
      %cond3A_308 = arith.constant 0 : i32
      %cond3A_309 = arith.cmpi ne, %convert_element_type3A_307, %cond3A_308 : i32
      scf.if %cond3A_309 {
        %add3A_425 = arith.constant 2 : i32
        %add3A_426 = arith.addi %add3A_130, %add3A_425 : i32
        %mul3A_427 = arith.constant 2 : i32
        %mul3A_428 = arith.muli %add3A_426, %mul3A_427 : i32
        %add3A_429 = arith.addi %mul3A_9, %mul3A_428 : i32
        %dma_start3A_430 = arith.constant 0 : i32
        %dma_start3A_431 = tpu.memref_slice %arg3[%add3A_429, %dma_start3A_430] : memref<6400x128xf32, #tpu.memory_space<hbm>> -> memref<2x128xf32, #tpu.memory_space<hbm>>
        %dma_start3A_432 = arith.constant 0 : i32
        %dma_start3A_433 = tpu.memref_slice %arg3[%add3A_429, %dma_start3A_432] : memref<6400x128xf32, #tpu.memory_space<hbm>> -> memref<2x128xf32, #tpu.memory_space<hbm>>
        tpu.enqueue_dma source(%dma_start3A_433 : memref<2x128xf32, #tpu.memory_space<hbm>>) target(%arg11 : memref<2x128xf32, #tpu.memory_space<vmem>>) target_semaphore(%arg28 : memref<!tpu.dma_semaphore, #tpu.memory_space<semaphore_mem>>)
      } else {
      }
      %dma_wait3A_310 = arith.constant 0 : i32
      %dma_wait3A_311 = arith.constant 0 : i32
      %dma_wait3A_312 = arith.constant 0 : i32
      %dma_wait3A_313 = arith.constant 0 : i32
      %dma_wait3A_314 = tpu.memref_slice %arg14[%dma_wait3A_312, %dma_wait3A_313] : memref<256x64xbf16, #tpu.memory_space<vmem>> -> memref<128x64xbf16, #tpu.memory_space<vmem>>
      %dma_wait3A_315 = arith.constant 0 : i32
      %dma_wait3A_316 = tpu.memref_slice %arg10[%dma_wait3A_310, %dma_wait3A_311, %dma_wait3A_315] : memref<3x2x128xi32, #tpu.memory_space<vmem>> -> memref<1x1x128xi32, #tpu.memory_space<vmem>>
      %dma_wait3A_317 = tpu.memref_squeeze %dma_wait3A_316 : memref<1x1x128xi32, #tpu.memory_space<vmem>> -> memref<128xi32, #tpu.memory_space<vmem>>
      %dma_wait3A_318 = arith.constant 0 : i32
      %dma_wait3A_319 = arith.constant 0 : i32
      %dma_wait3A_320 = tpu.memref_slice %arg4[%dma_wait3A_318, %dma_wait3A_319] : memref<100000x64xbf16, #tpu.memory_space<hbm>> -> memref<100000x64xbf16, #tpu.memory_space<hbm>>
      tpu.wait_indirect_dma semaphore(%arg23 : memref<!tpu.dma_semaphore, #tpu.memory_space<semaphore_mem>>) src(%dma_wait3A_320 : memref<100000x64xbf16, #tpu.memory_space<hbm>>) dst(%dma_wait3A_314 : memref<128x64xbf16, #tpu.memory_space<vmem>>)
      %dma_wait3A_321 = arith.constant 1 : i32
      %dma_wait3A_322 = arith.constant 0 : i32
      %dma_wait3A_323 = arith.constant 0 : i32
      %dma_wait3A_324 = arith.constant 0 : i32
      %dma_wait3A_325 = tpu.memref_slice %arg16[%dma_wait3A_323, %dma_wait3A_324] : memref<256x64xbf16, #tpu.memory_space<vmem>> -> memref<128x64xbf16, #tpu.memory_space<vmem>>
      %dma_wait3A_326 = arith.constant 0 : i32
      %dma_wait3A_327 = tpu.memref_slice %arg10[%dma_wait3A_321, %dma_wait3A_322, %dma_wait3A_326] : memref<3x2x128xi32, #tpu.memory_space<vmem>> -> memref<1x1x128xi32, #tpu.memory_space<vmem>>
      %dma_wait3A_328 = tpu.memref_squeeze %dma_wait3A_327 : memref<1x1x128xi32, #tpu.memory_space<vmem>> -> memref<128xi32, #tpu.memory_space<vmem>>
      %dma_wait3A_329 = arith.constant 0 : i32
      %dma_wait3A_330 = arith.constant 0 : i32
      %dma_wait3A_331 = tpu.memref_slice %arg5[%dma_wait3A_329, %dma_wait3A_330] : memref<1000x64xbf16, #tpu.memory_space<hbm>> -> memref<1000x64xbf16, #tpu.memory_space<hbm>>
      tpu.wait_indirect_dma semaphore(%arg23 : memref<!tpu.dma_semaphore, #tpu.memory_space<semaphore_mem>>) src(%dma_wait3A_331 : memref<1000x64xbf16, #tpu.memory_space<hbm>>) dst(%dma_wait3A_325 : memref<128x64xbf16, #tpu.memory_space<vmem>>)
      %dma_wait3A_332 = arith.constant 2 : i32
      %dma_wait3A_333 = arith.constant 0 : i32
      %dma_wait3A_334 = arith.constant 0 : i32
      %dma_wait3A_335 = arith.constant 0 : i32
      %dma_wait3A_336 = tpu.memref_slice %arg18[%dma_wait3A_334, %dma_wait3A_335] : memref<256x64xbf16, #tpu.memory_space<vmem>> -> memref<128x64xbf16, #tpu.memory_space<vmem>>
      %dma_wait3A_337 = arith.constant 0 : i32
      %dma_wait3A_338 = tpu.memref_slice %arg10[%dma_wait3A_332, %dma_wait3A_333, %dma_wait3A_337] : memref<3x2x128xi32, #tpu.memory_space<vmem>> -> memref<1x1x128xi32, #tpu.memory_space<vmem>>
      %dma_wait3A_339 = tpu.memref_squeeze %dma_wait3A_338 : memref<1x1x128xi32, #tpu.memory_space<vmem>> -> memref<128xi32, #tpu.memory_space<vmem>>
      %dma_wait3A_340 = arith.constant 0 : i32
      %dma_wait3A_341 = arith.constant 0 : i32
      %dma_wait3A_342 = tpu.memref_slice %arg6[%dma_wait3A_340, %dma_wait3A_341] : memref<200x64xbf16, #tpu.memory_space<hbm>> -> memref<200x64xbf16, #tpu.memory_space<hbm>>
      tpu.wait_indirect_dma semaphore(%arg23 : memref<!tpu.dma_semaphore, #tpu.memory_space<semaphore_mem>>) src(%dma_wait3A_342 : memref<200x64xbf16, #tpu.memory_space<hbm>>) dst(%dma_wait3A_336 : memref<128x64xbf16, #tpu.memory_space<vmem>>)
      %dma_wait3A_343 = arith.constant 0 : i32
      %dma_wait3A_344 = arith.constant 1 : i32
      %dma_wait3A_345 = arith.constant 128 : i32
      %dma_wait3A_346 = arith.constant 0 : i32
      %dma_wait3A_347 = tpu.memref_slice %arg14[%dma_wait3A_345, %dma_wait3A_346] : memref<256x64xbf16, #tpu.memory_space<vmem>> -> memref<128x64xbf16, #tpu.memory_space<vmem>>
      %dma_wait3A_348 = arith.constant 0 : i32
      %dma_wait3A_349 = tpu.memref_slice %arg10[%dma_wait3A_343, %dma_wait3A_344, %dma_wait3A_348] : memref<3x2x128xi32, #tpu.memory_space<vmem>> -> memref<1x1x128xi32, #tpu.memory_space<vmem>>
      %dma_wait3A_350 = tpu.memref_squeeze %dma_wait3A_349 : memref<1x1x128xi32, #tpu.memory_space<vmem>> -> memref<128xi32, #tpu.memory_space<vmem>>
      %dma_wait3A_351 = arith.constant 0 : i32
      %dma_wait3A_352 = arith.constant 0 : i32
      %dma_wait3A_353 = tpu.memref_slice %arg4[%dma_wait3A_351, %dma_wait3A_352] : memref<100000x64xbf16, #tpu.memory_space<hbm>> -> memref<100000x64xbf16, #tpu.memory_space<hbm>>
      tpu.wait_indirect_dma semaphore(%arg23 : memref<!tpu.dma_semaphore, #tpu.memory_space<semaphore_mem>>) src(%dma_wait3A_353 : memref<100000x64xbf16, #tpu.memory_space<hbm>>) dst(%dma_wait3A_347 : memref<128x64xbf16, #tpu.memory_space<vmem>>)
      %dma_wait3A_354 = arith.constant 1 : i32
      %dma_wait3A_355 = arith.constant 1 : i32
      %dma_wait3A_356 = arith.constant 128 : i32
      %dma_wait3A_357 = arith.constant 0 : i32
      %dma_wait3A_358 = tpu.memref_slice %arg16[%dma_wait3A_356, %dma_wait3A_357] : memref<256x64xbf16, #tpu.memory_space<vmem>> -> memref<128x64xbf16, #tpu.memory_space<vmem>>
      %dma_wait3A_359 = arith.constant 0 : i32
      %dma_wait3A_360 = tpu.memref_slice %arg10[%dma_wait3A_354, %dma_wait3A_355, %dma_wait3A_359] : memref<3x2x128xi32, #tpu.memory_space<vmem>> -> memref<1x1x128xi32, #tpu.memory_space<vmem>>
      %dma_wait3A_361 = tpu.memref_squeeze %dma_wait3A_360 : memref<1x1x128xi32, #tpu.memory_space<vmem>> -> memref<128xi32, #tpu.memory_space<vmem>>
      %dma_wait3A_362 = arith.constant 0 : i32
      %dma_wait3A_363 = arith.constant 0 : i32
      %dma_wait3A_364 = tpu.memref_slice %arg5[%dma_wait3A_362, %dma_wait3A_363] : memref<1000x64xbf16, #tpu.memory_space<hbm>> -> memref<1000x64xbf16, #tpu.memory_space<hbm>>
      tpu.wait_indirect_dma semaphore(%arg23 : memref<!tpu.dma_semaphore, #tpu.memory_space<semaphore_mem>>) src(%dma_wait3A_364 : memref<1000x64xbf16, #tpu.memory_space<hbm>>) dst(%dma_wait3A_358 : memref<128x64xbf16, #tpu.memory_space<vmem>>)
      %dma_wait3A_365 = arith.constant 2 : i32
      %dma_wait3A_366 = arith.constant 1 : i32
      %dma_wait3A_367 = arith.constant 128 : i32
      %dma_wait3A_368 = arith.constant 0 : i32
      %dma_wait3A_369 = tpu.memref_slice %arg18[%dma_wait3A_367, %dma_wait3A_368] : memref<256x64xbf16, #tpu.memory_space<vmem>> -> memref<128x64xbf16, #tpu.memory_space<vmem>>
      %dma_wait3A_370 = arith.constant 0 : i32
      %dma_wait3A_371 = tpu.memref_slice %arg10[%dma_wait3A_365, %dma_wait3A_366, %dma_wait3A_370] : memref<3x2x128xi32, #tpu.memory_space<vmem>> -> memref<1x1x128xi32, #tpu.memory_space<vmem>>
      %dma_wait3A_372 = tpu.memref_squeeze %dma_wait3A_371 : memref<1x1x128xi32, #tpu.memory_space<vmem>> -> memref<128xi32, #tpu.memory_space<vmem>>
      %dma_wait3A_373 = arith.constant 0 : i32
      %dma_wait3A_374 = arith.constant 0 : i32
      %dma_wait3A_375 = tpu.memref_slice %arg6[%dma_wait3A_373, %dma_wait3A_374] : memref<200x64xbf16, #tpu.memory_space<hbm>> -> memref<200x64xbf16, #tpu.memory_space<hbm>>
      tpu.wait_indirect_dma semaphore(%arg23 : memref<!tpu.dma_semaphore, #tpu.memory_space<semaphore_mem>>) src(%dma_wait3A_375 : memref<200x64xbf16, #tpu.memory_space<hbm>>) dst(%dma_wait3A_369 : memref<128x64xbf16, #tpu.memory_space<vmem>>)
      %add3A_376 = arith.constant 2 : i32
      %add3A_377 = arith.addi %add3A_130, %add3A_376 : i32
      %lt3A_378 = arith.constant 100 : i32
      %lt3A_379 = arith.cmpi slt, %add3A_377, %lt3A_378 : i32
      %convert_element_type3A_380 = arith.extui %lt3A_379 : i1 to i32
      %cond3A_381 = arith.constant 0 : i32
      %cond3A_382 = arith.cmpi ne, %convert_element_type3A_380, %cond3A_381 : i32
      scf.if %cond3A_382 {
        %add3A_425 = arith.constant 2 : i32
        %add3A_426 = arith.addi %add3A_130, %add3A_425 : i32
        %mul3A_427 = arith.constant 2 : i32
        %mul3A_428 = arith.muli %add3A_426, %mul3A_427 : i32
        %add3A_429 = arith.addi %mul3A_9, %mul3A_428 : i32
        %dma_wait3A_430 = arith.constant 0 : i32
        %dma_wait3A_431 = arith.constant 0 : i32
        %dma_wait3A_432 = tpu.memref_slice %arg2[%dma_wait3A_430, %add3A_429, %dma_wait3A_431] : memref<3x6400x128xi32, #tpu.memory_space<hbm>> -> memref<3x2x128xi32, #tpu.memory_space<hbm>>
        %dma_wait3A_433 = arith.constant 0 : i32
        %dma_wait3A_434 = arith.constant 0 : i32
        %dma_wait3A_435 = tpu.memref_slice %arg2[%dma_wait3A_433, %add3A_429, %dma_wait3A_434] : memref<3x6400x128xi32, #tpu.memory_space<hbm>> -> memref<3x2x128xi32, #tpu.memory_space<hbm>>
        tpu.wait_dma2 semaphore(%arg26 : memref<!tpu.dma_semaphore, #tpu.memory_space<semaphore_mem>>) src(%dma_wait3A_435 : memref<3x2x128xi32, #tpu.memory_space<hbm>>) dst(%arg9 : memref<3x2x128xi32, #tpu.memory_space<vmem>>)
        %dma_start3A_436 = arith.constant 0 : i32
        %dma_start3A_437 = arith.constant 0 : i32
        %dma_start3A_438 = arith.constant 0 : i32
        %dma_start3A_439 = arith.constant 0 : i32
        %dma_start3A_440 = tpu.memref_slice %arg13[%dma_start3A_438, %dma_start3A_439] : memref<256x64xbf16, #tpu.memory_space<vmem>> -> memref<128x64xbf16, #tpu.memory_space<vmem>>
        %dma_start3A_441 = arith.constant 0 : i32
        %dma_start3A_442 = tpu.memref_slice %arg9[%dma_start3A_436, %dma_start3A_437, %dma_start3A_441] : memref<3x2x128xi32, #tpu.memory_space<vmem>> -> memref<1x1x128xi32, #tpu.memory_space<vmem>>
        %dma_start3A_443 = tpu.memref_squeeze %dma_start3A_442 : memref<1x1x128xi32, #tpu.memory_space<vmem>> -> memref<128xi32, #tpu.memory_space<vmem>>
        %dma_start3A_444 = arith.constant 0 : i32
        %dma_start3A_445 = arith.constant 0 : i32
        %dma_start3A_446 = tpu.memref_slice %arg4[%dma_start3A_444, %dma_start3A_445] : memref<100000x64xbf16, #tpu.memory_space<hbm>> -> memref<100000x64xbf16, #tpu.memory_space<hbm>>
        tpu.enqueue_indirect_dma source(%dma_start3A_446 : memref<100000x64xbf16, #tpu.memory_space<hbm>>) target(%dma_start3A_440 : memref<128x64xbf16, #tpu.memory_space<vmem>>) offsets(%dma_start3A_443 : memref<128xi32, #tpu.memory_space<vmem>>) semaphore(%arg22 : memref<!tpu.dma_semaphore, #tpu.memory_space<semaphore_mem>>)
        %dma_start3A_447 = arith.constant 1 : i32
        %dma_start3A_448 = arith.constant 0 : i32
        %dma_start3A_449 = arith.constant 0 : i32
        %dma_start3A_450 = arith.constant 0 : i32
        %dma_start3A_451 = tpu.memref_slice %arg15[%dma_start3A_449, %dma_start3A_450] : memref<256x64xbf16, #tpu.memory_space<vmem>> -> memref<128x64xbf16, #tpu.memory_space<vmem>>
        %dma_start3A_452 = arith.constant 0 : i32
        %dma_start3A_453 = tpu.memref_slice %arg9[%dma_start3A_447, %dma_start3A_448, %dma_start3A_452] : memref<3x2x128xi32, #tpu.memory_space<vmem>> -> memref<1x1x128xi32, #tpu.memory_space<vmem>>
        %dma_start3A_454 = tpu.memref_squeeze %dma_start3A_453 : memref<1x1x128xi32, #tpu.memory_space<vmem>> -> memref<128xi32, #tpu.memory_space<vmem>>
        %dma_start3A_455 = arith.constant 0 : i32
        %dma_start3A_456 = arith.constant 0 : i32
        %dma_start3A_457 = tpu.memref_slice %arg5[%dma_start3A_455, %dma_start3A_456] : memref<1000x64xbf16, #tpu.memory_space<hbm>> -> memref<1000x64xbf16, #tpu.memory_space<hbm>>
        tpu.enqueue_indirect_dma source(%dma_start3A_457 : memref<1000x64xbf16, #tpu.memory_space<hbm>>) target(%dma_start3A_451 : memref<128x64xbf16, #tpu.memory_space<vmem>>) offsets(%dma_start3A_454 : memref<128xi32, #tpu.memory_space<vmem>>) semaphore(%arg22 : memref<!tpu.dma_semaphore, #tpu.memory_space<semaphore_mem>>)
        %dma_start3A_458 = arith.constant 2 : i32
        %dma_start3A_459 = arith.constant 0 : i32
        %dma_start3A_460 = arith.constant 0 : i32
        %dma_start3A_461 = arith.constant 0 : i32
        %dma_start3A_462 = tpu.memref_slice %arg17[%dma_start3A_460, %dma_start3A_461] : memref<256x64xbf16, #tpu.memory_space<vmem>> -> memref<128x64xbf16, #tpu.memory_space<vmem>>
        %dma_start3A_463 = arith.constant 0 : i32
        %dma_start3A_464 = tpu.memref_slice %arg9[%dma_start3A_458, %dma_start3A_459, %dma_start3A_463] : memref<3x2x128xi32, #tpu.memory_space<vmem>> -> memref<1x1x128xi32, #tpu.memory_space<vmem>>
        %dma_start3A_465 = tpu.memref_squeeze %dma_start3A_464 : memref<1x1x128xi32, #tpu.memory_space<vmem>> -> memref<128xi32, #tpu.memory_space<vmem>>
        %dma_start3A_466 = arith.constant 0 : i32
        %dma_start3A_467 = arith.constant 0 : i32
        %dma_start3A_468 = tpu.memref_slice %arg6[%dma_start3A_466, %dma_start3A_467] : memref<200x64xbf16, #tpu.memory_space<hbm>> -> memref<200x64xbf16, #tpu.memory_space<hbm>>
        tpu.enqueue_indirect_dma source(%dma_start3A_468 : memref<200x64xbf16, #tpu.memory_space<hbm>>) target(%dma_start3A_462 : memref<128x64xbf16, #tpu.memory_space<vmem>>) offsets(%dma_start3A_465 : memref<128xi32, #tpu.memory_space<vmem>>) semaphore(%arg22 : memref<!tpu.dma_semaphore, #tpu.memory_space<semaphore_mem>>)
        %dma_start3A_469 = arith.constant 0 : i32
        %dma_start3A_470 = arith.constant 1 : i32
        %dma_start3A_471 = arith.constant 128 : i32
        %dma_start3A_472 = arith.constant 0 : i32
        %dma_start3A_473 = tpu.memref_slice %arg13[%dma_start3A_471, %dma_start3A_472] : memref<256x64xbf16, #tpu.memory_space<vmem>> -> memref<128x64xbf16, #tpu.memory_space<vmem>>
        %dma_start3A_474 = arith.constant 0 : i32
        %dma_start3A_475 = tpu.memref_slice %arg9[%dma_start3A_469, %dma_start3A_470, %dma_start3A_474] : memref<3x2x128xi32, #tpu.memory_space<vmem>> -> memref<1x1x128xi32, #tpu.memory_space<vmem>>
        %dma_start3A_476 = tpu.memref_squeeze %dma_start3A_475 : memref<1x1x128xi32, #tpu.memory_space<vmem>> -> memref<128xi32, #tpu.memory_space<vmem>>
        %dma_start3A_477 = arith.constant 0 : i32
        %dma_start3A_478 = arith.constant 0 : i32
        %dma_start3A_479 = tpu.memref_slice %arg4[%dma_start3A_477, %dma_start3A_478] : memref<100000x64xbf16, #tpu.memory_space<hbm>> -> memref<100000x64xbf16, #tpu.memory_space<hbm>>
        tpu.enqueue_indirect_dma source(%dma_start3A_479 : memref<100000x64xbf16, #tpu.memory_space<hbm>>) target(%dma_start3A_473 : memref<128x64xbf16, #tpu.memory_space<vmem>>) offsets(%dma_start3A_476 : memref<128xi32, #tpu.memory_space<vmem>>) semaphore(%arg22 : memref<!tpu.dma_semaphore, #tpu.memory_space<semaphore_mem>>)
        %dma_start3A_480 = arith.constant 1 : i32
        %dma_start3A_481 = arith.constant 1 : i32
        %dma_start3A_482 = arith.constant 128 : i32
        %dma_start3A_483 = arith.constant 0 : i32
        %dma_start3A_484 = tpu.memref_slice %arg15[%dma_start3A_482, %dma_start3A_483] : memref<256x64xbf16, #tpu.memory_space<vmem>> -> memref<128x64xbf16, #tpu.memory_space<vmem>>
        %dma_start3A_485 = arith.constant 0 : i32
        %dma_start3A_486 = tpu.memref_slice %arg9[%dma_start3A_480, %dma_start3A_481, %dma_start3A_485] : memref<3x2x128xi32, #tpu.memory_space<vmem>> -> memref<1x1x128xi32, #tpu.memory_space<vmem>>
        %dma_start3A_487 = tpu.memref_squeeze %dma_start3A_486 : memref<1x1x128xi32, #tpu.memory_space<vmem>> -> memref<128xi32, #tpu.memory_space<vmem>>
        %dma_start3A_488 = arith.constant 0 : i32
        %dma_start3A_489 = arith.constant 0 : i32
        %dma_start3A_490 = tpu.memref_slice %arg5[%dma_start3A_488, %dma_start3A_489] : memref<1000x64xbf16, #tpu.memory_space<hbm>> -> memref<1000x64xbf16, #tpu.memory_space<hbm>>
        tpu.enqueue_indirect_dma source(%dma_start3A_490 : memref<1000x64xbf16, #tpu.memory_space<hbm>>) target(%dma_start3A_484 : memref<128x64xbf16, #tpu.memory_space<vmem>>) offsets(%dma_start3A_487 : memref<128xi32, #tpu.memory_space<vmem>>) semaphore(%arg22 : memref<!tpu.dma_semaphore, #tpu.memory_space<semaphore_mem>>)
        %dma_start3A_491 = arith.constant 2 : i32
        %dma_start3A_492 = arith.constant 1 : i32
        %dma_start3A_493 = arith.constant 128 : i32
        %dma_start3A_494 = arith.constant 0 : i32
        %dma_start3A_495 = tpu.memref_slice %arg17[%dma_start3A_493, %dma_start3A_494] : memref<256x64xbf16, #tpu.memory_space<vmem>> -> memref<128x64xbf16, #tpu.memory_space<vmem>>
        %dma_start3A_496 = arith.constant 0 : i32
        %dma_start3A_497 = tpu.memref_slice %arg9[%dma_start3A_491, %dma_start3A_492, %dma_start3A_496] : memref<3x2x128xi32, #tpu.memory_space<vmem>> -> memref<1x1x128xi32, #tpu.memory_space<vmem>>
        %dma_start3A_498 = tpu.memref_squeeze %dma_start3A_497 : memref<1x1x128xi32, #tpu.memory_space<vmem>> -> memref<128xi32, #tpu.memory_space<vmem>>
        %dma_start3A_499 = arith.constant 0 : i32
        %dma_start3A_500 = arith.constant 0 : i32
        %dma_start3A_501 = tpu.memref_slice %arg6[%dma_start3A_499, %dma_start3A_500] : memref<200x64xbf16, #tpu.memory_space<hbm>> -> memref<200x64xbf16, #tpu.memory_space<hbm>>
        tpu.enqueue_indirect_dma source(%dma_start3A_501 : memref<200x64xbf16, #tpu.memory_space<hbm>>) target(%dma_start3A_495 : memref<128x64xbf16, #tpu.memory_space<vmem>>) offsets(%dma_start3A_498 : memref<128xi32, #tpu.memory_space<vmem>>) semaphore(%arg22 : memref<!tpu.dma_semaphore, #tpu.memory_space<semaphore_mem>>)
      } else {
      }
      %add3A_383 = arith.constant 3 : i32
      %add3A_384 = arith.addi %add3A_130, %add3A_383 : i32
      %lt3A_385 = arith.constant 100 : i32
      %lt3A_386 = arith.cmpi slt, %add3A_384, %lt3A_385 : i32
      %convert_element_type3A_387 = arith.extui %lt3A_386 : i1 to i32
      %cond3A_388 = arith.constant 0 : i32
      %cond3A_389 = arith.cmpi ne, %convert_element_type3A_387, %cond3A_388 : i32
      scf.if %cond3A_389 {
        %add3A_425 = arith.constant 3 : i32
        %add3A_426 = arith.addi %add3A_130, %add3A_425 : i32
        %mul3A_427 = arith.constant 2 : i32
        %mul3A_428 = arith.muli %add3A_426, %mul3A_427 : i32
        %add3A_429 = arith.addi %mul3A_9, %mul3A_428 : i32
        %dma_start3A_430 = arith.constant 0 : i32
        %dma_start3A_431 = arith.constant 0 : i32
        %dma_start3A_432 = tpu.memref_slice %arg2[%dma_start3A_430, %add3A_429, %dma_start3A_431] : memref<3x6400x128xi32, #tpu.memory_space<hbm>> -> memref<3x2x128xi32, #tpu.memory_space<hbm>>
        %dma_start3A_433 = arith.constant 0 : i32
        %dma_start3A_434 = arith.constant 0 : i32
        %dma_start3A_435 = tpu.memref_slice %arg2[%dma_start3A_433, %add3A_429, %dma_start3A_434] : memref<3x6400x128xi32, #tpu.memory_space<hbm>> -> memref<3x2x128xi32, #tpu.memory_space<hbm>>
        tpu.enqueue_dma source(%dma_start3A_435 : memref<3x2x128xi32, #tpu.memory_space<hbm>>) target(%arg10 : memref<3x2x128xi32, #tpu.memory_space<vmem>>) target_semaphore(%arg27 : memref<!tpu.dma_semaphore, #tpu.memory_space<semaphore_mem>>)
      } else {
      }
      %add3A_390 = arith.constant 1 : i32
      %add3A_391 = arith.addi %add3A_130, %add3A_390 : i32
      %mul3A_392 = arith.constant 2 : i32
      %mul3A_393 = arith.muli %add3A_391, %mul3A_392 : i32
      %add3A_394 = arith.addi %mul3A_9, %mul3A_393 : i32
      %dma_wait3A_395 = arith.constant 0 : i32
      %dma_wait3A_396 = tpu.memref_slice %arg3[%add3A_394, %dma_wait3A_395] : memref<6400x128xf32, #tpu.memory_space<hbm>> -> memref<2x128xf32, #tpu.memory_space<hbm>>
      %dma_wait3A_397 = arith.constant 0 : i32
      %dma_wait3A_398 = tpu.memref_slice %arg3[%add3A_394, %dma_wait3A_397] : memref<6400x128xf32, #tpu.memory_space<hbm>> -> memref<2x128xf32, #tpu.memory_space<hbm>>
      tpu.wait_dma2 semaphore(%arg29 : memref<!tpu.dma_semaphore, #tpu.memory_space<semaphore_mem>>) src(%dma_wait3A_398 : memref<2x128xf32, #tpu.memory_space<hbm>>) dst(%arg12 : memref<2x128xf32, #tpu.memory_space<vmem>>)
      %ge3A_399 = arith.constant 2 : i32
      %ge3A_400 = arith.cmpi sge, %add3A_391, %ge3A_399 : i32
      %convert_element_type3A_401 = arith.extui %ge3A_400 : i1 to i32
      %cond3A_402 = arith.constant 0 : i32
      %cond3A_403 = arith.cmpi ne, %convert_element_type3A_401, %cond3A_402 : i32
      scf.if %cond3A_403 {
        %dma_wait3A_425 = arith.constant 0 : i32
        %dma_wait3A_426 = arith.constant 0 : i32
        %dma_wait3A_427 = tpu.memref_slice %arg8[%dma_wait3A_425, %dma_wait3A_426] : memref<819200x64xf32, #tpu.memory_space<hbm>> -> memref<256x64xf32, #tpu.memory_space<hbm>>
        %dma_wait3A_428 = arith.constant 0 : i32
        %dma_wait3A_429 = arith.constant 0 : i32
        %dma_wait3A_430 = tpu.memref_slice %arg8[%dma_wait3A_428, %dma_wait3A_429] : memref<819200x64xf32, #tpu.memory_space<hbm>> -> memref<256x64xf32, #tpu.memory_space<hbm>>
        tpu.wait_dma2 semaphore(%arg25 : memref<!tpu.dma_semaphore, #tpu.memory_space<semaphore_mem>>) src(%arg20 : memref<256x64xf32, #tpu.memory_space<vmem>>) dst(%dma_wait3A_430 : memref<256x64xf32, #tpu.memory_space<hbm>>)
      } else {
      }
      %scan3A_404 = arith.constant 0 : i32
      %scan3A_405 = arith.constant 16 : i32
      %scan3A_406 = arith.addi %scan3A_404, %scan3A_405 : i32
      %scan3A_407 = arith.constant 1 : i32
      scf.for %scan3A_425 = %scan3A_404 to %scan3A_406 step %scan3A_407  : i32 {
        %mul3A_426 = arith.constant 1 : i32
        %mul3A_427 = arith.muli %scan3A_425, %mul3A_426 : i32
        %add3A_428 = arith.constant 0 : i32
        %add3A_429 = arith.addi %add3A_428, %mul3A_427 : i32
        %jit3A = arith.constant 8 : i32
        %div3A = arith.divsi %add3A_429, %jit3A : i32
        %sign3A = arith.constant 0 : i32
        %sign3A_430 = arith.cmpi sgt, %add3A_429, %sign3A : i32
        %sign3A_431 = arith.extui %sign3A_430 : i1 to i32
        %sign3A_432 = arith.constant 0 : i32
        %sign3A_433 = arith.cmpi slt, %add3A_429, %sign3A_432 : i32
        %sign3A_434 = arith.extui %sign3A_433 : i1 to i32
        %sign3A_435 = arith.subi %sign3A_431, %sign3A_434 : i32
        %sign3A_436 = arith.constant 0 : i32
        %sign3A_437 = arith.cmpi sgt, %jit3A, %sign3A_436 : i32
        %sign3A_438 = arith.extui %sign3A_437 : i1 to i32
        %sign3A_439 = arith.constant 0 : i32
        %sign3A_440 = arith.cmpi slt, %jit3A, %sign3A_439 : i32
        %sign3A_441 = arith.extui %sign3A_440 : i1 to i32
        %sign3A_442 = arith.subi %sign3A_438, %sign3A_441 : i32
        %ne3A = arith.cmpi ne, %sign3A_435, %sign3A_442 : i32
        %rem3A = arith.remsi %add3A_429, %jit3A : i32
        %ne3A_443 = arith.constant 0 : i32
        %ne3A_444 = arith.cmpi ne, %rem3A, %ne3A_443 : i32
        %and3A = arith.andi %ne3A, %ne3A_444 : i1
        %sub3A = arith.constant 1 : i32
        %sub3A_445 = arith.subi %div3A, %sub3A : i32
        %select_n3A = arith.select %and3A, %sub3A_445, %div3A : i32
        %jit3A_446 = arith.constant 8 : i32
        %eq3A = arith.constant 0 : i32
        %eq3A_447 = arith.cmpi eq, %jit3A_446, %eq3A : i32
        %jit3A_448 = arith.constant 1 : i32
        %select_n3A_449 = arith.select %eq3A_447, %jit3A_448, %jit3A_446 : i32
        %rem3A_450 = arith.remsi %add3A_429, %select_n3A_449 : i32
        %ne3A_451 = arith.constant 0 : i32
        %ne3A_452 = arith.cmpi ne, %rem3A_450, %ne3A_451 : i32
        %lt3A_453 = arith.constant 0 : i32
        %lt3A_454 = arith.cmpi slt, %rem3A_450, %lt3A_453 : i32
        %lt3A_455 = arith.constant 0 : i32
        %lt3A_456 = arith.cmpi slt, %select_n3A_449, %lt3A_455 : i32
        %ne3A_457 = arith.xori %lt3A_454, %lt3A_456 : i1
        %and3A_458 = arith.andi %ne3A_457, %ne3A_452 : i1
        %add3A_459 = arith.addi %rem3A_450, %select_n3A_449 : i32
        %select_n3A_460 = arith.select %and3A_458, %add3A_459, %rem3A_450 : i32
        %mul3A_461 = arith.constant 16 : i32
        %mul3A_462 = arith.muli %select_n3A_460, %mul3A_461 : i32
        %get3A_463 = arith.index_cast %select_n3A : i32 to index
        %get3A_464 = arith.index_cast %mul3A_462 : i32 to index
        %get3A_465 = tpu.vector_load %arg12[%get3A_463, %get3A_464] {strides = array<i32>} : memref<2x128xf32, #tpu.memory_space<vmem>>, vector<16xf32>,
        %mul3A_466 = arith.constant 16 : i32
        %mul3A_467 = arith.muli %add3A_429, %mul3A_466 : i32
        %add3A_468 = arith.constant 0 : i32
        %add3A_469 = arith.addi %mul3A_467, %add3A_468 : i32
        %broadcast_in_dim3A = arith.constant 0 : i32
        %broadcast_in_dim3A_470 = vector.broadcast %broadcast_in_dim3A : i32 to vector<16x1xi32>
        %gather3A = vector.shape_cast %broadcast_in_dim3A_470 : vector<16x1xi32> to vector<16xi32>
        %gather3A_471 = tpu.dynamic_gather %get3A_465[%gather3A] in [0] : vector<16xf32>, vector<16xi32> -> vector<16xf32>
        %get3A_472 = arith.index_cast %add3A_469 : i32 to index
        %get3A_473 = arith.constant 0 : index
        %get3A_474 = tpu.vector_load %arg14[%get3A_472, %get3A_473] {strides = array<i32>} : memref<256x64xbf16, #tpu.memory_space<vmem>>, vector<32xbf16>,
        %get3A_475 = arith.index_cast %add3A_469 : i32 to index
        %get3A_476 = arith.constant 0 : index
        %get3A_477 = tpu.vector_load %arg16[%get3A_475, %get3A_476] {strides = array<i32>} : memref<256x64xbf16, #tpu.memory_space<vmem>>, vector<32xbf16>,
        %get3A_478 = arith.index_cast %add3A_469 : i32 to index
        %get3A_479 = arith.constant 0 : index
        %get3A_480 = tpu.vector_load %arg18[%get3A_478, %get3A_479] {strides = array<i32>} : memref<256x64xbf16, #tpu.memory_space<vmem>>, vector<32xbf16>,
        %unpack3A = tpu.unpack_subelements %get3A_474, 0 {pack_format = #tpu.pack_format<interleaved>} : vector<32xbf16> -> vector<16xf32>
        %unpack3A_481 = tpu.unpack_subelements %get3A_474, 1 {pack_format = #tpu.pack_format<interleaved>} : vector<32xbf16> -> vector<16xf32>
        %unpack3A_482 = tpu.unpack_subelements %get3A_477, 0 {pack_format = #tpu.pack_format<interleaved>} : vector<32xbf16> -> vector<16xf32>
        %unpack3A_483 = tpu.unpack_subelements %get3A_477, 1 {pack_format = #tpu.pack_format<interleaved>} : vector<32xbf16> -> vector<16xf32>
        %unpack3A_484 = tpu.unpack_subelements %get3A_480, 0 {pack_format = #tpu.pack_format<interleaved>} : vector<32xbf16> -> vector<16xf32>
        %unpack3A_485 = tpu.unpack_subelements %get3A_480, 1 {pack_format = #tpu.pack_format<interleaved>} : vector<32xbf16> -> vector<16xf32>
        %add3A_486 = arith.addf %unpack3A, %unpack3A_482 : vector<16xf32>
        %add3A_487 = arith.addf %add3A_486, %unpack3A_484 : vector<16xf32>
        %mul3A_488 = arith.mulf %gather3A_471, %get3A_1 : vector<16xf32>
        %add3A_489 = arith.addf %add3A_487, %mul3A_488 : vector<16xf32>
        %swap3A = arith.index_cast %add3A_469 : i32 to index
        %swap3A_490 = arith.constant 0 : index
        %swap3A_491 = tpu.vector_load %arg20[%swap3A, %swap3A_490] {strides = array<i32>} : memref<256x64xf32, #tpu.memory_space<vmem>>, vector<16xf32>,
        tpu.vector_store %arg20[%swap3A, %swap3A_490], %add3A_489 {strides = array<i32>} : memref<256x64xf32, #tpu.memory_space<vmem>>, vector<16xf32>,
        %add3A_492 = arith.addf %unpack3A_481, %unpack3A_483 : vector<16xf32>
        %add3A_493 = arith.addf %add3A_492, %unpack3A_485 : vector<16xf32>
        %mul3A_494 = arith.mulf %gather3A_471, %get3A_3 : vector<16xf32>
        %add3A_495 = arith.addf %add3A_493, %mul3A_494 : vector<16xf32>
        %swap3A_496 = arith.index_cast %add3A_469 : i32 to index
        %swap3A_497 = arith.constant 16 : index
        %swap3A_498 = tpu.vector_load %arg20[%swap3A_496, %swap3A_497] {strides = array<i32>} : memref<256x64xf32, #tpu.memory_space<vmem>>, vector<16xf32>,
        tpu.vector_store %arg20[%swap3A_496, %swap3A_497], %add3A_495 {strides = array<i32>} : memref<256x64xf32, #tpu.memory_space<vmem>>, vector<16xf32>,
        %get3A_499 = arith.index_cast %add3A_469 : i32 to index
        %get3A_500 = arith.constant 32 : index
        %get3A_501 = tpu.vector_load %arg14[%get3A_499, %get3A_500] {strides = array<i32>} : memref<256x64xbf16, #tpu.memory_space<vmem>>, vector<32xbf16>,
        %get3A_502 = arith.index_cast %add3A_469 : i32 to index
        %get3A_503 = arith.constant 32 : index
        %get3A_504 = tpu.vector_load %arg16[%get3A_502, %get3A_503] {strides = array<i32>} : memref<256x64xbf16, #tpu.memory_space<vmem>>, vector<32xbf16>,
        %get3A_505 = arith.index_cast %add3A_469 : i32 to index
        %get3A_506 = arith.constant 32 : index
        %get3A_507 = tpu.vector_load %arg18[%get3A_505, %get3A_506] {strides = array<i32>} : memref<256x64xbf16, #tpu.memory_space<vmem>>, vector<32xbf16>,
        %unpack3A_508 = tpu.unpack_subelements %get3A_501, 0 {pack_format = #tpu.pack_format<interleaved>} : vector<32xbf16> -> vector<16xf32>
        %unpack3A_509 = tpu.unpack_subelements %get3A_501, 1 {pack_format = #tpu.pack_format<interleaved>} : vector<32xbf16> -> vector<16xf32>
        %unpack3A_510 = tpu.unpack_subelements %get3A_504, 0 {pack_format = #tpu.pack_format<interleaved>} : vector<32xbf16> -> vector<16xf32>
        %unpack3A_511 = tpu.unpack_subelements %get3A_504, 1 {pack_format = #tpu.pack_format<interleaved>} : vector<32xbf16> -> vector<16xf32>
        %unpack3A_512 = tpu.unpack_subelements %get3A_507, 0 {pack_format = #tpu.pack_format<interleaved>} : vector<32xbf16> -> vector<16xf32>
        %unpack3A_513 = tpu.unpack_subelements %get3A_507, 1 {pack_format = #tpu.pack_format<interleaved>} : vector<32xbf16> -> vector<16xf32>
        %add3A_514 = arith.addf %unpack3A_508, %unpack3A_510 : vector<16xf32>
        %add3A_515 = arith.addf %add3A_514, %unpack3A_512 : vector<16xf32>
        %mul3A_516 = arith.mulf %gather3A_471, %get3A_5 : vector<16xf32>
        %add3A_517 = arith.addf %add3A_515, %mul3A_516 : vector<16xf32>
        %swap3A_518 = arith.index_cast %add3A_469 : i32 to index
        %swap3A_519 = arith.constant 32 : index
        %swap3A_520 = tpu.vector_load %arg20[%swap3A_518, %swap3A_519] {strides = array<i32>} : memref<256x64xf32, #tpu.memory_space<vmem>>, vector<16xf32>,
        tpu.vector_store %arg20[%swap3A_518, %swap3A_519], %add3A_517 {strides = array<i32>} : memref<256x64xf32, #tpu.memory_space<vmem>>, vector<16xf32>,
        %add3A_521 = arith.addf %unpack3A_509, %unpack3A_511 : vector<16xf32>
        %add3A_522 = arith.addf %add3A_521, %unpack3A_513 : vector<16xf32>
        %mul3A_523 = arith.mulf %gather3A_471, %get3A_7 : vector<16xf32>
        %add3A_524 = arith.addf %add3A_522, %mul3A_523 : vector<16xf32>
        %swap3A_525 = arith.index_cast %add3A_469 : i32 to index
        %swap3A_526 = arith.constant 48 : index
        %swap3A_527 = tpu.vector_load %arg20[%swap3A_525, %swap3A_526] {strides = array<i32>} : memref<256x64xf32, #tpu.memory_space<vmem>>, vector<16xf32>,
        tpu.vector_store %arg20[%swap3A_525, %swap3A_526], %add3A_524 {strides = array<i32>} : memref<256x64xf32, #tpu.memory_space<vmem>>, vector<16xf32>,
        %mul3A_528 = arith.constant 16 : i32
        %mul3A_529 = arith.muli %add3A_429, %mul3A_528 : i32
        %add3A_530 = arith.constant 1 : i32
        %add3A_531 = arith.addi %mul3A_529, %add3A_530 : i32
        %broadcast_in_dim3A_532 = arith.constant 1 : i32
        %broadcast_in_dim3A_533 = vector.broadcast %broadcast_in_dim3A_532 : i32 to vector<16x1xi32>
        %gather3A_534 = vector.shape_cast %broadcast_in_dim3A_533 : vector<16x1xi32> to vector<16xi32>
        %gather3A_535 = tpu.dynamic_gather %get3A_465[%gather3A_534] in [0] : vector<16xf32>, vector<16xi32> -> vector<16xf32>
        %get3A_536 = arith.index_cast %add3A_531 : i32 to index
        %get3A_537 = arith.constant 0 : index
        %get3A_538 = tpu.vector_load %arg14[%get3A_536, %get3A_537] {strides = array<i32>} : memref<256x64xbf16, #tpu.memory_space<vmem>>, vector<32xbf16>,
        %get3A_539 = arith.index_cast %add3A_531 : i32 to index
        %get3A_540 = arith.constant 0 : index
        %get3A_541 = tpu.vector_load %arg16[%get3A_539, %get3A_540] {strides = array<i32>} : memref<256x64xbf16, #tpu.memory_space<vmem>>, vector<32xbf16>,
        %get3A_542 = arith.index_cast %add3A_531 : i32 to index
        %get3A_543 = arith.constant 0 : index
        %get3A_544 = tpu.vector_load %arg18[%get3A_542, %get3A_543] {strides = array<i32>} : memref<256x64xbf16, #tpu.memory_space<vmem>>, vector<32xbf16>,
        %unpack3A_545 = tpu.unpack_subelements %get3A_538, 0 {pack_format = #tpu.pack_format<interleaved>} : vector<32xbf16> -> vector<16xf32>
        %unpack3A_546 = tpu.unpack_subelements %get3A_538, 1 {pack_format = #tpu.pack_format<interleaved>} : vector<32xbf16> -> vector<16xf32>
        %unpack3A_547 = tpu.unpack_subelements %get3A_541, 0 {pack_format = #tpu.pack_format<interleaved>} : vector<32xbf16> -> vector<16xf32>
        %unpack3A_548 = tpu.unpack_subelements %get3A_541, 1 {pack_format = #tpu.pack_format<interleaved>} : vector<32xbf16> -> vector<16xf32>
        %unpack3A_549 = tpu.unpack_subelements %get3A_544, 0 {pack_format = #tpu.pack_format<interleaved>} : vector<32xbf16> -> vector<16xf32>
        %unpack3A_550 = tpu.unpack_subelements %get3A_544, 1 {pack_format = #tpu.pack_format<interleaved>} : vector<32xbf16> -> vector<16xf32>
        %add3A_551 = arith.addf %unpack3A_545, %unpack3A_547 : vector<16xf32>
        %add3A_552 = arith.addf %add3A_551, %unpack3A_549 : vector<16xf32>
        %mul3A_553 = arith.mulf %gather3A_535, %get3A_1 : vector<16xf32>
        %add3A_554 = arith.addf %add3A_552, %mul3A_553 : vector<16xf32>
        %swap3A_555 = arith.index_cast %add3A_531 : i32 to index
        %swap3A_556 = arith.constant 0 : index
        %swap3A_557 = tpu.vector_load %arg20[%swap3A_555, %swap3A_556] {strides = array<i32>} : memref<256x64xf32, #tpu.memory_space<vmem>>, vector<16xf32>,
        tpu.vector_store %arg20[%swap3A_555, %swap3A_556], %add3A_554 {strides = array<i32>} : memref<256x64xf32, #tpu.memory_space<vmem>>, vector<16xf32>,
        %add3A_558 = arith.addf %unpack3A_546, %unpack3A_548 : vector<16xf32>
        %add3A_559 = arith.addf %add3A_558, %unpack3A_550 : vector<16xf32>
        %mul3A_560 = arith.mulf %gather3A_535, %get3A_3 : vector<16xf32>
        %add3A_561 = arith.addf %add3A_559, %mul3A_560 : vector<16xf32>
        %swap3A_562 = arith.index_cast %add3A_531 : i32 to index
        %swap3A_563 = arith.constant 16 : index
        %swap3A_564 = tpu.vector_load %arg20[%swap3A_562, %swap3A_563] {strides = array<i32>} : memref<256x64xf32, #tpu.memory_space<vmem>>, vector<16xf32>,
        tpu.vector_store %arg20[%swap3A_562, %swap3A_563], %add3A_561 {strides = array<i32>} : memref<256x64xf32, #tpu.memory_space<vmem>>, vector<16xf32>,
        %get3A_565 = arith.index_cast %add3A_531 : i32 to index
        %get3A_566 = arith.constant 32 : index
        %get3A_567 = tpu.vector_load %arg14[%get3A_565, %get3A_566] {strides = array<i32>} : memref<256x64xbf16, #tpu.memory_space<vmem>>, vector<32xbf16>,
        %get3A_568 = arith.index_cast %add3A_531 : i32 to index
        %get3A_569 = arith.constant 32 : index
        %get3A_570 = tpu.vector_load %arg16[%get3A_568, %get3A_569] {strides = array<i32>} : memref<256x64xbf16, #tpu.memory_space<vmem>>, vector<32xbf16>,
        %get3A_571 = arith.index_cast %add3A_531 : i32 to index
        %get3A_572 = arith.constant 32 : index
        %get3A_573 = tpu.vector_load %arg18[%get3A_571, %get3A_572] {strides = array<i32>} : memref<256x64xbf16, #tpu.memory_space<vmem>>, vector<32xbf16>,
        %unpack3A_574 = tpu.unpack_subelements %get3A_567, 0 {pack_format = #tpu.pack_format<interleaved>} : vector<32xbf16> -> vector<16xf32>
        %unpack3A_575 = tpu.unpack_subelements %get3A_567, 1 {pack_format = #tpu.pack_format<interleaved>} : vector<32xbf16> -> vector<16xf32>
        %unpack3A_576 = tpu.unpack_subelements %get3A_570, 0 {pack_format = #tpu.pack_format<interleaved>} : vector<32xbf16> -> vector<16xf32>
        %unpack3A_577 = tpu.unpack_subelements %get3A_570, 1 {pack_format = #tpu.pack_format<interleaved>} : vector<32xbf16> -> vector<16xf32>
        %unpack3A_578 = tpu.unpack_subelements %get3A_573, 0 {pack_format = #tpu.pack_format<interleaved>} : vector<32xbf16> -> vector<16xf32>
        %unpack3A_579 = tpu.unpack_subelements %get3A_573, 1 {pack_format = #tpu.pack_format<interleaved>} : vector<32xbf16> -> vector<16xf32>
        %add3A_580 = arith.addf %unpack3A_574, %unpack3A_576 : vector<16xf32>
        %add3A_581 = arith.addf %add3A_580, %unpack3A_578 : vector<16xf32>
        %mul3A_582 = arith.mulf %gather3A_535, %get3A_5 : vector<16xf32>
        %add3A_583 = arith.addf %add3A_581, %mul3A_582 : vector<16xf32>
        %swap3A_584 = arith.index_cast %add3A_531 : i32 to index
        %swap3A_585 = arith.constant 32 : index
        %swap3A_586 = tpu.vector_load %arg20[%swap3A_584, %swap3A_585] {strides = array<i32>} : memref<256x64xf32, #tpu.memory_space<vmem>>, vector<16xf32>,
        tpu.vector_store %arg20[%swap3A_584, %swap3A_585], %add3A_583 {strides = array<i32>} : memref<256x64xf32, #tpu.memory_space<vmem>>, vector<16xf32>,
        %add3A_587 = arith.addf %unpack3A_575, %unpack3A_577 : vector<16xf32>
        %add3A_588 = arith.addf %add3A_587, %unpack3A_579 : vector<16xf32>
        %mul3A_589 = arith.mulf %gather3A_535, %get3A_7 : vector<16xf32>
        %add3A_590 = arith.addf %add3A_588, %mul3A_589 : vector<16xf32>
        %swap3A_591 = arith.index_cast %add3A_531 : i32 to index
        %swap3A_592 = arith.constant 48 : index
        %swap3A_593 = tpu.vector_load %arg20[%swap3A_591, %swap3A_592] {strides = array<i32>} : memref<256x64xf32, #tpu.memory_space<vmem>>, vector<16xf32>,
        tpu.vector_store %arg20[%swap3A_591, %swap3A_592], %add3A_590 {strides = array<i32>} : memref<256x64xf32, #tpu.memory_space<vmem>>, vector<16xf32>,
        %mul3A_594 = arith.constant 16 : i32
        %mul3A_595 = arith.muli %add3A_429, %mul3A_594 : i32
        %add3A_596 = arith.constant 2 : i32
        %add3A_597 = arith.addi %mul3A_595, %add3A_596 : i32
        %broadcast_in_dim3A_598 = arith.constant 2 : i32
        %broadcast_in_dim3A_599 = vector.broadcast %broadcast_in_dim3A_598 : i32 to vector<16x1xi32>
        %gather3A_600 = vector.shape_cast %broadcast_in_dim3A_599 : vector<16x1xi32> to vector<16xi32>
        %gather3A_601 = tpu.dynamic_gather %get3A_465[%gather3A_600] in [0] : vector<16xf32>, vector<16xi32> -> vector<16xf32>
        %get3A_602 = arith.index_cast %add3A_597 : i32 to index
        %get3A_603 = arith.constant 0 : index
        %get3A_604 = tpu.vector_load %arg14[%get3A_602, %get3A_603] {strides = array<i32>} : memref<256x64xbf16, #tpu.memory_space<vmem>>, vector<32xbf16>,
        %get3A_605 = arith.index_cast %add3A_597 : i32 to index
        %get3A_606 = arith.constant 0 : index
        %get3A_607 = tpu.vector_load %arg16[%get3A_605, %get3A_606] {strides = array<i32>} : memref<256x64xbf16, #tpu.memory_space<vmem>>, vector<32xbf16>,
        %get3A_608 = arith.index_cast %add3A_597 : i32 to index
        %get3A_609 = arith.constant 0 : index
        %get3A_610 = tpu.vector_load %arg18[%get3A_608, %get3A_609] {strides = array<i32>} : memref<256x64xbf16, #tpu.memory_space<vmem>>, vector<32xbf16>,
        %unpack3A_611 = tpu.unpack_subelements %get3A_604, 0 {pack_format = #tpu.pack_format<interleaved>} : vector<32xbf16> -> vector<16xf32>
        %unpack3A_612 = tpu.unpack_subelements %get3A_604, 1 {pack_format = #tpu.pack_format<interleaved>} : vector<32xbf16> -> vector<16xf32>
        %unpack3A_613 = tpu.unpack_subelements %get3A_607, 0 {pack_format = #tpu.pack_format<interleaved>} : vector<32xbf16> -> vector<16xf32>
        %unpack3A_614 = tpu.unpack_subelements %get3A_607, 1 {pack_format = #tpu.pack_format<interleaved>} : vector<32xbf16> -> vector<16xf32>
        %unpack3A_615 = tpu.unpack_subelements %get3A_610, 0 {pack_format = #tpu.pack_format<interleaved>} : vector<32xbf16> -> vector<16xf32>
        %unpack3A_616 = tpu.unpack_subelements %get3A_610, 1 {pack_format = #tpu.pack_format<interleaved>} : vector<32xbf16> -> vector<16xf32>
        %add3A_617 = arith.addf %unpack3A_611, %unpack3A_613 : vector<16xf32>
        %add3A_618 = arith.addf %add3A_617, %unpack3A_615 : vector<16xf32>
        %mul3A_619 = arith.mulf %gather3A_601, %get3A_1 : vector<16xf32>
        %add3A_620 = arith.addf %add3A_618, %mul3A_619 : vector<16xf32>
        %swap3A_621 = arith.index_cast %add3A_597 : i32 to index
        %swap3A_622 = arith.constant 0 : index
        %swap3A_623 = tpu.vector_load %arg20[%swap3A_621, %swap3A_622] {strides = array<i32>} : memref<256x64xf32, #tpu.memory_space<vmem>>, vector<16xf32>,
        tpu.vector_store %arg20[%swap3A_621, %swap3A_622], %add3A_620 {strides = array<i32>} : memref<256x64xf32, #tpu.memory_space<vmem>>, vector<16xf32>,
        %add3A_624 = arith.addf %unpack3A_612, %unpack3A_614 : vector<16xf32>
        %add3A_625 = arith.addf %add3A_624, %unpack3A_616 : vector<16xf32>
        %mul3A_626 = arith.mulf %gather3A_601, %get3A_3 : vector<16xf32>
        %add3A_627 = arith.addf %add3A_625, %mul3A_626 : vector<16xf32>
        %swap3A_628 = arith.index_cast %add3A_597 : i32 to index
        %swap3A_629 = arith.constant 16 : index
        %swap3A_630 = tpu.vector_load %arg20[%swap3A_628, %swap3A_629] {strides = array<i32>} : memref<256x64xf32, #tpu.memory_space<vmem>>, vector<16xf32>,
        tpu.vector_store %arg20[%swap3A_628, %swap3A_629], %add3A_627 {strides = array<i32>} : memref<256x64xf32, #tpu.memory_space<vmem>>, vector<16xf32>,
        %get3A_631 = arith.index_cast %add3A_597 : i32 to index
        %get3A_632 = arith.constant 32 : index
        %get3A_633 = tpu.vector_load %arg14[%get3A_631, %get3A_632] {strides = array<i32>} : memref<256x64xbf16, #tpu.memory_space<vmem>>, vector<32xbf16>,
        %get3A_634 = arith.index_cast %add3A_597 : i32 to index
        %get3A_635 = arith.constant 32 : index
        %get3A_636 = tpu.vector_load %arg16[%get3A_634, %get3A_635] {strides = array<i32>} : memref<256x64xbf16, #tpu.memory_space<vmem>>, vector<32xbf16>,
        %get3A_637 = arith.index_cast %add3A_597 : i32 to index
        %get3A_638 = arith.constant 32 : index
        %get3A_639 = tpu.vector_load %arg18[%get3A_637, %get3A_638] {strides = array<i32>} : memref<256x64xbf16, #tpu.memory_space<vmem>>, vector<32xbf16>,
        %unpack3A_640 = tpu.unpack_subelements %get3A_633, 0 {pack_format = #tpu.pack_format<interleaved>} : vector<32xbf16> -> vector<16xf32>
        %unpack3A_641 = tpu.unpack_subelements %get3A_633, 1 {pack_format = #tpu.pack_format<interleaved>} : vector<32xbf16> -> vector<16xf32>
        %unpack3A_642 = tpu.unpack_subelements %get3A_636, 0 {pack_format = #tpu.pack_format<interleaved>} : vector<32xbf16> -> vector<16xf32>
        %unpack3A_643 = tpu.unpack_subelements %get3A_636, 1 {pack_format = #tpu.pack_format<interleaved>} : vector<32xbf16> -> vector<16xf32>
        %unpack3A_644 = tpu.unpack_subelements %get3A_639, 0 {pack_format = #tpu.pack_format<interleaved>} : vector<32xbf16> -> vector<16xf32>
        %unpack3A_645 = tpu.unpack_subelements %get3A_639, 1 {pack_format = #tpu.pack_format<interleaved>} : vector<32xbf16> -> vector<16xf32>
        %add3A_646 = arith.addf %unpack3A_640, %unpack3A_642 : vector<16xf32>
        %add3A_647 = arith.addf %add3A_646, %unpack3A_644 : vector<16xf32>
        %mul3A_648 = arith.mulf %gather3A_601, %get3A_5 : vector<16xf32>
        %add3A_649 = arith.addf %add3A_647, %mul3A_648 : vector<16xf32>
        %swap3A_650 = arith.index_cast %add3A_597 : i32 to index
        %swap3A_651 = arith.constant 32 : index
        %swap3A_652 = tpu.vector_load %arg20[%swap3A_650, %swap3A_651] {strides = array<i32>} : memref<256x64xf32, #tpu.memory_space<vmem>>, vector<16xf32>,
        tpu.vector_store %arg20[%swap3A_650, %swap3A_651], %add3A_649 {strides = array<i32>} : memref<256x64xf32, #tpu.memory_space<vmem>>, vector<16xf32>,
        %add3A_653 = arith.addf %unpack3A_641, %unpack3A_643 : vector<16xf32>
        %add3A_654 = arith.addf %add3A_653, %unpack3A_645 : vector<16xf32>
        %mul3A_655 = arith.mulf %gather3A_601, %get3A_7 : vector<16xf32>
        %add3A_656 = arith.addf %add3A_654, %mul3A_655 : vector<16xf32>
        %swap3A_657 = arith.index_cast %add3A_597 : i32 to index
        %swap3A_658 = arith.constant 48 : index
        %swap3A_659 = tpu.vector_load %arg20[%swap3A_657, %swap3A_658] {strides = array<i32>} : memref<256x64xf32, #tpu.memory_space<vmem>>, vector<16xf32>,
        tpu.vector_store %arg20[%swap3A_657, %swap3A_658], %add3A_656 {strides = array<i32>} : memref<256x64xf32, #tpu.memory_space<vmem>>, vector<16xf32>,
        %mul3A_660 = arith.constant 16 : i32
        %mul3A_661 = arith.muli %add3A_429, %mul3A_660 : i32
        %add3A_662 = arith.constant 3 : i32
        %add3A_663 = arith.addi %mul3A_661, %add3A_662 : i32
        %broadcast_in_dim3A_664 = arith.constant 3 : i32
        %broadcast_in_dim3A_665 = vector.broadcast %broadcast_in_dim3A_664 : i32 to vector<16x1xi32>
        %gather3A_666 = vector.shape_cast %broadcast_in_dim3A_665 : vector<16x1xi32> to vector<16xi32>
        %gather3A_667 = tpu.dynamic_gather %get3A_465[%gather3A_666] in [0] : vector<16xf32>, vector<16xi32> -> vector<16xf32>
        %get3A_668 = arith.index_cast %add3A_663 : i32 to index
        %get3A_669 = arith.constant 0 : index
        %get3A_670 = tpu.vector_load %arg14[%get3A_668, %get3A_669] {strides = array<i32>} : memref<256x64xbf16, #tpu.memory_space<vmem>>, vector<32xbf16>,
        %get3A_671 = arith.index_cast %add3A_663 : i32 to index
        %get3A_672 = arith.constant 0 : index
        %get3A_673 = tpu.vector_load %arg16[%get3A_671, %get3A_672] {strides = array<i32>} : memref<256x64xbf16, #tpu.memory_space<vmem>>, vector<32xbf16>,
        %get3A_674 = arith.index_cast %add3A_663 : i32 to index
        %get3A_675 = arith.constant 0 : index
        %get3A_676 = tpu.vector_load %arg18[%get3A_674, %get3A_675] {strides = array<i32>} : memref<256x64xbf16, #tpu.memory_space<vmem>>, vector<32xbf16>,
        %unpack3A_677 = tpu.unpack_subelements %get3A_670, 0 {pack_format = #tpu.pack_format<interleaved>} : vector<32xbf16> -> vector<16xf32>
        %unpack3A_678 = tpu.unpack_subelements %get3A_670, 1 {pack_format = #tpu.pack_format<interleaved>} : vector<32xbf16> -> vector<16xf32>
        %unpack3A_679 = tpu.unpack_subelements %get3A_673, 0 {pack_format = #tpu.pack_format<interleaved>} : vector<32xbf16> -> vector<16xf32>
        %unpack3A_680 = tpu.unpack_subelements %get3A_673, 1 {pack_format = #tpu.pack_format<interleaved>} : vector<32xbf16> -> vector<16xf32>
        %unpack3A_681 = tpu.unpack_subelements %get3A_676, 0 {pack_format = #tpu.pack_format<interleaved>} : vector<32xbf16> -> vector<16xf32>
        %unpack3A_682 = tpu.unpack_subelements %get3A_676, 1 {pack_format = #tpu.pack_format<interleaved>} : vector<32xbf16> -> vector<16xf32>
        %add3A_683 = arith.addf %unpack3A_677, %unpack3A_679 : vector<16xf32>
        %add3A_684 = arith.addf %add3A_683, %unpack3A_681 : vector<16xf32>
        %mul3A_685 = arith.mulf %gather3A_667, %get3A_1 : vector<16xf32>
        %add3A_686 = arith.addf %add3A_684, %mul3A_685 : vector<16xf32>
        %swap3A_687 = arith.index_cast %add3A_663 : i32 to index
        %swap3A_688 = arith.constant 0 : index
        %swap3A_689 = tpu.vector_load %arg20[%swap3A_687, %swap3A_688] {strides = array<i32>} : memref<256x64xf32, #tpu.memory_space<vmem>>, vector<16xf32>,
        tpu.vector_store %arg20[%swap3A_687, %swap3A_688], %add3A_686 {strides = array<i32>} : memref<256x64xf32, #tpu.memory_space<vmem>>, vector<16xf32>,
        %add3A_690 = arith.addf %unpack3A_678, %unpack3A_680 : vector<16xf32>
        %add3A_691 = arith.addf %add3A_690, %unpack3A_682 : vector<16xf32>
        %mul3A_692 = arith.mulf %gather3A_667, %get3A_3 : vector<16xf32>
        %add3A_693 = arith.addf %add3A_691, %mul3A_692 : vector<16xf32>
        %swap3A_694 = arith.index_cast %add3A_663 : i32 to index
        %swap3A_695 = arith.constant 16 : index
        %swap3A_696 = tpu.vector_load %arg20[%swap3A_694, %swap3A_695] {strides = array<i32>} : memref<256x64xf32, #tpu.memory_space<vmem>>, vector<16xf32>,
        tpu.vector_store %arg20[%swap3A_694, %swap3A_695], %add3A_693 {strides = array<i32>} : memref<256x64xf32, #tpu.memory_space<vmem>>, vector<16xf32>,
        %get3A_697 = arith.index_cast %add3A_663 : i32 to index
        %get3A_698 = arith.constant 32 : index
        %get3A_699 = tpu.vector_load %arg14[%get3A_697, %get3A_698] {strides = array<i32>} : memref<256x64xbf16, #tpu.memory_space<vmem>>, vector<32xbf16>,
        %get3A_700 = arith.index_cast %add3A_663 : i32 to index
        %get3A_701 = arith.constant 32 : index
        %get3A_702 = tpu.vector_load %arg16[%get3A_700, %get3A_701] {strides = array<i32>} : memref<256x64xbf16, #tpu.memory_space<vmem>>, vector<32xbf16>,
        %get3A_703 = arith.index_cast %add3A_663 : i32 to index
        %get3A_704 = arith.constant 32 : index
        %get3A_705 = tpu.vector_load %arg18[%get3A_703, %get3A_704] {strides = array<i32>} : memref<256x64xbf16, #tpu.memory_space<vmem>>, vector<32xbf16>,
        %unpack3A_706 = tpu.unpack_subelements %get3A_699, 0 {pack_format = #tpu.pack_format<interleaved>} : vector<32xbf16> -> vector<16xf32>
        %unpack3A_707 = tpu.unpack_subelements %get3A_699, 1 {pack_format = #tpu.pack_format<interleaved>} : vector<32xbf16> -> vector<16xf32>
        %unpack3A_708 = tpu.unpack_subelements %get3A_702, 0 {pack_format = #tpu.pack_format<interleaved>} : vector<32xbf16> -> vector<16xf32>
        %unpack3A_709 = tpu.unpack_subelements %get3A_702, 1 {pack_format = #tpu.pack_format<interleaved>} : vector<32xbf16> -> vector<16xf32>
        %unpack3A_710 = tpu.unpack_subelements %get3A_705, 0 {pack_format = #tpu.pack_format<interleaved>} : vector<32xbf16> -> vector<16xf32>
        %unpack3A_711 = tpu.unpack_subelements %get3A_705, 1 {pack_format = #tpu.pack_format<interleaved>} : vector<32xbf16> -> vector<16xf32>
        %add3A_712 = arith.addf %unpack3A_706, %unpack3A_708 : vector<16xf32>
        %add3A_713 = arith.addf %add3A_712, %unpack3A_710 : vector<16xf32>
        %mul3A_714 = arith.mulf %gather3A_667, %get3A_5 : vector<16xf32>
        %add3A_715 = arith.addf %add3A_713, %mul3A_714 : vector<16xf32>
        %swap3A_716 = arith.index_cast %add3A_663 : i32 to index
        %swap3A_717 = arith.constant 32 : index
        %swap3A_718 = tpu.vector_load %arg20[%swap3A_716, %swap3A_717] {strides = array<i32>} : memref<256x64xf32, #tpu.memory_space<vmem>>, vector<16xf32>,
        tpu.vector_store %arg20[%swap3A_716, %swap3A_717], %add3A_715 {strides = array<i32>} : memref<256x64xf32, #tpu.memory_space<vmem>>, vector<16xf32>,
        %add3A_719 = arith.addf %unpack3A_707, %unpack3A_709 : vector<16xf32>
        %add3A_720 = arith.addf %add3A_719, %unpack3A_711 : vector<16xf32>
        %mul3A_721 = arith.mulf %gather3A_667, %get3A_7 : vector<16xf32>
        %add3A_722 = arith.addf %add3A_720, %mul3A_721 : vector<16xf32>
        %swap3A_723 = arith.index_cast %add3A_663 : i32 to index
        %swap3A_724 = arith.constant 48 : index
        %swap3A_725 = tpu.vector_load %arg20[%swap3A_723, %swap3A_724] {strides = array<i32>} : memref<256x64xf32, #tpu.memory_space<vmem>>, vector<16xf32>,
        tpu.vector_store %arg20[%swap3A_723, %swap3A_724], %add3A_722 {strides = array<i32>} : memref<256x64xf32, #tpu.memory_space<vmem>>, vector<16xf32>,
        %mul3A_726 = arith.constant 16 : i32
        %mul3A_727 = arith.muli %add3A_429, %mul3A_726 : i32
        %add3A_728 = arith.constant 4 : i32
        %add3A_729 = arith.addi %mul3A_727, %add3A_728 : i32
        %broadcast_in_dim3A_730 = arith.constant 4 : i32
        %broadcast_in_dim3A_731 = vector.broadcast %broadcast_in_dim3A_730 : i32 to vector<16x1xi32>
        %gather3A_732 = vector.shape_cast %broadcast_in_dim3A_731 : vector<16x1xi32> to vector<16xi32>
        %gather3A_733 = tpu.dynamic_gather %get3A_465[%gather3A_732] in [0] : vector<16xf32>, vector<16xi32> -> vector<16xf32>
        %get3A_734 = arith.index_cast %add3A_729 : i32 to index
        %get3A_735 = arith.constant 0 : index
        %get3A_736 = tpu.vector_load %arg14[%get3A_734, %get3A_735] {strides = array<i32>} : memref<256x64xbf16, #tpu.memory_space<vmem>>, vector<32xbf16>,
        %get3A_737 = arith.index_cast %add3A_729 : i32 to index
        %get3A_738 = arith.constant 0 : index
        %get3A_739 = tpu.vector_load %arg16[%get3A_737, %get3A_738] {strides = array<i32>} : memref<256x64xbf16, #tpu.memory_space<vmem>>, vector<32xbf16>,
        %get3A_740 = arith.index_cast %add3A_729 : i32 to index
        %get3A_741 = arith.constant 0 : index
        %get3A_742 = tpu.vector_load %arg18[%get3A_740, %get3A_741] {strides = array<i32>} : memref<256x64xbf16, #tpu.memory_space<vmem>>, vector<32xbf16>,
        %unpack3A_743 = tpu.unpack_subelements %get3A_736, 0 {pack_format = #tpu.pack_format<interleaved>} : vector<32xbf16> -> vector<16xf32>
        %unpack3A_744 = tpu.unpack_subelements %get3A_736, 1 {pack_format = #tpu.pack_format<interleaved>} : vector<32xbf16> -> vector<16xf32>
        %unpack3A_745 = tpu.unpack_subelements %get3A_739, 0 {pack_format = #tpu.pack_format<interleaved>} : vector<32xbf16> -> vector<16xf32>
        %unpack3A_746 = tpu.unpack_subelements %get3A_739, 1 {pack_format = #tpu.pack_format<interleaved>} : vector<32xbf16> -> vector<16xf32>
        %unpack3A_747 = tpu.unpack_subelements %get3A_742, 0 {pack_format = #tpu.pack_format<interleaved>} : vector<32xbf16> -> vector<16xf32>
        %unpack3A_748 = tpu.unpack_subelements %get3A_742, 1 {pack_format = #tpu.pack_format<interleaved>} : vector<32xbf16> -> vector<16xf32>
        %add3A_749 = arith.addf %unpack3A_743, %unpack3A_745 : vector<16xf32>
        %add3A_750 = arith.addf %add3A_749, %unpack3A_747 : vector<16xf32>
        %mul3A_751 = arith.mulf %gather3A_733, %get3A_1 : vector<16xf32>
        %add3A_752 = arith.addf %add3A_750, %mul3A_751 : vector<16xf32>
        %swap3A_753 = arith.index_cast %add3A_729 : i32 to index
        %swap3A_754 = arith.constant 0 : index
        %swap3A_755 = tpu.vector_load %arg20[%swap3A_753, %swap3A_754] {strides = array<i32>} : memref<256x64xf32, #tpu.memory_space<vmem>>, vector<16xf32>,
        tpu.vector_store %arg20[%swap3A_753, %swap3A_754], %add3A_752 {strides = array<i32>} : memref<256x64xf32, #tpu.memory_space<vmem>>, vector<16xf32>,
        %add3A_756 = arith.addf %unpack3A_744, %unpack3A_746 : vector<16xf32>
        %add3A_757 = arith.addf %add3A_756, %unpack3A_748 : vector<16xf32>
        %mul3A_758 = arith.mulf %gather3A_733, %get3A_3 : vector<16xf32>
        %add3A_759 = arith.addf %add3A_757, %mul3A_758 : vector<16xf32>
        %swap3A_760 = arith.index_cast %add3A_729 : i32 to index
        %swap3A_761 = arith.constant 16 : index
        %swap3A_762 = tpu.vector_load %arg20[%swap3A_760, %swap3A_761] {strides = array<i32>} : memref<256x64xf32, #tpu.memory_space<vmem>>, vector<16xf32>,
        tpu.vector_store %arg20[%swap3A_760, %swap3A_761], %add3A_759 {strides = array<i32>} : memref<256x64xf32, #tpu.memory_space<vmem>>, vector<16xf32>,
        %get3A_763 = arith.index_cast %add3A_729 : i32 to index
        %get3A_764 = arith.constant 32 : index
        %get3A_765 = tpu.vector_load %arg14[%get3A_763, %get3A_764] {strides = array<i32>} : memref<256x64xbf16, #tpu.memory_space<vmem>>, vector<32xbf16>,
        %get3A_766 = arith.index_cast %add3A_729 : i32 to index
        %get3A_767 = arith.constant 32 : index
        %get3A_768 = tpu.vector_load %arg16[%get3A_766, %get3A_767] {strides = array<i32>} : memref<256x64xbf16, #tpu.memory_space<vmem>>, vector<32xbf16>,
        %get3A_769 = arith.index_cast %add3A_729 : i32 to index
        %get3A_770 = arith.constant 32 : index
        %get3A_771 = tpu.vector_load %arg18[%get3A_769, %get3A_770] {strides = array<i32>} : memref<256x64xbf16, #tpu.memory_space<vmem>>, vector<32xbf16>,
        %unpack3A_772 = tpu.unpack_subelements %get3A_765, 0 {pack_format = #tpu.pack_format<interleaved>} : vector<32xbf16> -> vector<16xf32>
        %unpack3A_773 = tpu.unpack_subelements %get3A_765, 1 {pack_format = #tpu.pack_format<interleaved>} : vector<32xbf16> -> vector<16xf32>
        %unpack3A_774 = tpu.unpack_subelements %get3A_768, 0 {pack_format = #tpu.pack_format<interleaved>} : vector<32xbf16> -> vector<16xf32>
        %unpack3A_775 = tpu.unpack_subelements %get3A_768, 1 {pack_format = #tpu.pack_format<interleaved>} : vector<32xbf16> -> vector<16xf32>
        %unpack3A_776 = tpu.unpack_subelements %get3A_771, 0 {pack_format = #tpu.pack_format<interleaved>} : vector<32xbf16> -> vector<16xf32>
        %unpack3A_777 = tpu.unpack_subelements %get3A_771, 1 {pack_format = #tpu.pack_format<interleaved>} : vector<32xbf16> -> vector<16xf32>
        %add3A_778 = arith.addf %unpack3A_772, %unpack3A_774 : vector<16xf32>
        %add3A_779 = arith.addf %add3A_778, %unpack3A_776 : vector<16xf32>
        %mul3A_780 = arith.mulf %gather3A_733, %get3A_5 : vector<16xf32>
        %add3A_781 = arith.addf %add3A_779, %mul3A_780 : vector<16xf32>
        %swap3A_782 = arith.index_cast %add3A_729 : i32 to index
        %swap3A_783 = arith.constant 32 : index
        %swap3A_784 = tpu.vector_load %arg20[%swap3A_782, %swap3A_783] {strides = array<i32>} : memref<256x64xf32, #tpu.memory_space<vmem>>, vector<16xf32>,
        tpu.vector_store %arg20[%swap3A_782, %swap3A_783], %add3A_781 {strides = array<i32>} : memref<256x64xf32, #tpu.memory_space<vmem>>, vector<16xf32>,
        %add3A_785 = arith.addf %unpack3A_773, %unpack3A_775 : vector<16xf32>
        %add3A_786 = arith.addf %add3A_785, %unpack3A_777 : vector<16xf32>
        %mul3A_787 = arith.mulf %gather3A_733, %get3A_7 : vector<16xf32>
        %add3A_788 = arith.addf %add3A_786, %mul3A_787 : vector<16xf32>
        %swap3A_789 = arith.index_cast %add3A_729 : i32 to index
        %swap3A_790 = arith.constant 48 : index
        %swap3A_791 = tpu.vector_load %arg20[%swap3A_789, %swap3A_790] {strides = array<i32>} : memref<256x64xf32, #tpu.memory_space<vmem>>, vector<16xf32>,
        tpu.vector_store %arg20[%swap3A_789, %swap3A_790], %add3A_788 {strides = array<i32>} : memref<256x64xf32, #tpu.memory_space<vmem>>, vector<16xf32>,
        %mul3A_792 = arith.constant 16 : i32
        %mul3A_793 = arith.muli %add3A_429, %mul3A_792 : i32
        %add3A_794 = arith.constant 5 : i32
        %add3A_795 = arith.addi %mul3A_793, %add3A_794 : i32
        %broadcast_in_dim3A_796 = arith.constant 5 : i32
        %broadcast_in_dim3A_797 = vector.broadcast %broadcast_in_dim3A_796 : i32 to vector<16x1xi32>
        %gather3A_798 = vector.shape_cast %broadcast_in_dim3A_797 : vector<16x1xi32> to vector<16xi32>
        %gather3A_799 = tpu.dynamic_gather %get3A_465[%gather3A_798] in [0] : vector<16xf32>, vector<16xi32> -> vector<16xf32>
        %get3A_800 = arith.index_cast %add3A_795 : i32 to index
        %get3A_801 = arith.constant 0 : index
        %get3A_802 = tpu.vector_load %arg14[%get3A_800, %get3A_801] {strides = array<i32>} : memref<256x64xbf16, #tpu.memory_space<vmem>>, vector<32xbf16>,
        %get3A_803 = arith.index_cast %add3A_795 : i32 to index
        %get3A_804 = arith.constant 0 : index
        %get3A_805 = tpu.vector_load %arg16[%get3A_803, %get3A_804] {strides = array<i32>} : memref<256x64xbf16, #tpu.memory_space<vmem>>, vector<32xbf16>,
        %get3A_806 = arith.index_cast %add3A_795 : i32 to index
        %get3A_807 = arith.constant 0 : index
        %get3A_808 = tpu.vector_load %arg18[%get3A_806, %get3A_807] {strides = array<i32>} : memref<256x64xbf16, #tpu.memory_space<vmem>>, vector<32xbf16>,
        %unpack3A_809 = tpu.unpack_subelements %get3A_802, 0 {pack_format = #tpu.pack_format<interleaved>} : vector<32xbf16> -> vector<16xf32>
        %unpack3A_810 = tpu.unpack_subelements %get3A_802, 1 {pack_format = #tpu.pack_format<interleaved>} : vector<32xbf16> -> vector<16xf32>
        %unpack3A_811 = tpu.unpack_subelements %get3A_805, 0 {pack_format = #tpu.pack_format<interleaved>} : vector<32xbf16> -> vector<16xf32>
        %unpack3A_812 = tpu.unpack_subelements %get3A_805, 1 {pack_format = #tpu.pack_format<interleaved>} : vector<32xbf16> -> vector<16xf32>
        %unpack3A_813 = tpu.unpack_subelements %get3A_808, 0 {pack_format = #tpu.pack_format<interleaved>} : vector<32xbf16> -> vector<16xf32>
        %unpack3A_814 = tpu.unpack_subelements %get3A_808, 1 {pack_format = #tpu.pack_format<interleaved>} : vector<32xbf16> -> vector<16xf32>
        %add3A_815 = arith.addf %unpack3A_809, %unpack3A_811 : vector<16xf32>
        %add3A_816 = arith.addf %add3A_815, %unpack3A_813 : vector<16xf32>
        %mul3A_817 = arith.mulf %gather3A_799, %get3A_1 : vector<16xf32>
        %add3A_818 = arith.addf %add3A_816, %mul3A_817 : vector<16xf32>
        %swap3A_819 = arith.index_cast %add3A_795 : i32 to index
        %swap3A_820 = arith.constant 0 : index
        %swap3A_821 = tpu.vector_load %arg20[%swap3A_819, %swap3A_820] {strides = array<i32>} : memref<256x64xf32, #tpu.memory_space<vmem>>, vector<16xf32>,
        tpu.vector_store %arg20[%swap3A_819, %swap3A_820], %add3A_818 {strides = array<i32>} : memref<256x64xf32, #tpu.memory_space<vmem>>, vector<16xf32>,
        %add3A_822 = arith.addf %unpack3A_810, %unpack3A_812 : vector<16xf32>
        %add3A_823 = arith.addf %add3A_822, %unpack3A_814 : vector<16xf32>
        %mul3A_824 = arith.mulf %gather3A_799, %get3A_3 : vector<16xf32>
        %add3A_825 = arith.addf %add3A_823, %mul3A_824 : vector<16xf32>
        %swap3A_826 = arith.index_cast %add3A_795 : i32 to index
        %swap3A_827 = arith.constant 16 : index
        %swap3A_828 = tpu.vector_load %arg20[%swap3A_826, %swap3A_827] {strides = array<i32>} : memref<256x64xf32, #tpu.memory_space<vmem>>, vector<16xf32>,
        tpu.vector_store %arg20[%swap3A_826, %swap3A_827], %add3A_825 {strides = array<i32>} : memref<256x64xf32, #tpu.memory_space<vmem>>, vector<16xf32>,
        %get3A_829 = arith.index_cast %add3A_795 : i32 to index
        %get3A_830 = arith.constant 32 : index
        %get3A_831 = tpu.vector_load %arg14[%get3A_829, %get3A_830] {strides = array<i32>} : memref<256x64xbf16, #tpu.memory_space<vmem>>, vector<32xbf16>,
        %get3A_832 = arith.index_cast %add3A_795 : i32 to index
        %get3A_833 = arith.constant 32 : index
        %get3A_834 = tpu.vector_load %arg16[%get3A_832, %get3A_833] {strides = array<i32>} : memref<256x64xbf16, #tpu.memory_space<vmem>>, vector<32xbf16>,
        %get3A_835 = arith.index_cast %add3A_795 : i32 to index
        %get3A_836 = arith.constant 32 : index
        %get3A_837 = tpu.vector_load %arg18[%get3A_835, %get3A_836] {strides = array<i32>} : memref<256x64xbf16, #tpu.memory_space<vmem>>, vector<32xbf16>,
        %unpack3A_838 = tpu.unpack_subelements %get3A_831, 0 {pack_format = #tpu.pack_format<interleaved>} : vector<32xbf16> -> vector<16xf32>
        %unpack3A_839 = tpu.unpack_subelements %get3A_831, 1 {pack_format = #tpu.pack_format<interleaved>} : vector<32xbf16> -> vector<16xf32>
        %unpack3A_840 = tpu.unpack_subelements %get3A_834, 0 {pack_format = #tpu.pack_format<interleaved>} : vector<32xbf16> -> vector<16xf32>
        %unpack3A_841 = tpu.unpack_subelements %get3A_834, 1 {pack_format = #tpu.pack_format<interleaved>} : vector<32xbf16> -> vector<16xf32>
        %unpack3A_842 = tpu.unpack_subelements %get3A_837, 0 {pack_format = #tpu.pack_format<interleaved>} : vector<32xbf16> -> vector<16xf32>
        %unpack3A_843 = tpu.unpack_subelements %get3A_837, 1 {pack_format = #tpu.pack_format<interleaved>} : vector<32xbf16> -> vector<16xf32>
        %add3A_844 = arith.addf %unpack3A_838, %unpack3A_840 : vector<16xf32>
        %add3A_845 = arith.addf %add3A_844, %unpack3A_842 : vector<16xf32>
        %mul3A_846 = arith.mulf %gather3A_799, %get3A_5 : vector<16xf32>
        %add3A_847 = arith.addf %add3A_845, %mul3A_846 : vector<16xf32>
        %swap3A_848 = arith.index_cast %add3A_795 : i32 to index
        %swap3A_849 = arith.constant 32 : index
        %swap3A_850 = tpu.vector_load %arg20[%swap3A_848, %swap3A_849] {strides = array<i32>} : memref<256x64xf32, #tpu.memory_space<vmem>>, vector<16xf32>,
        tpu.vector_store %arg20[%swap3A_848, %swap3A_849], %add3A_847 {strides = array<i32>} : memref<256x64xf32, #tpu.memory_space<vmem>>, vector<16xf32>,
        %add3A_851 = arith.addf %unpack3A_839, %unpack3A_841 : vector<16xf32>
        %add3A_852 = arith.addf %add3A_851, %unpack3A_843 : vector<16xf32>
        %mul3A_853 = arith.mulf %gather3A_799, %get3A_7 : vector<16xf32>
        %add3A_854 = arith.addf %add3A_852, %mul3A_853 : vector<16xf32>
        %swap3A_855 = arith.index_cast %add3A_795 : i32 to index
        %swap3A_856 = arith.constant 48 : index
        %swap3A_857 = tpu.vector_load %arg20[%swap3A_855, %swap3A_856] {strides = array<i32>} : memref<256x64xf32, #tpu.memory_space<vmem>>, vector<16xf32>,
        tpu.vector_store %arg20[%swap3A_855, %swap3A_856], %add3A_854 {strides = array<i32>} : memref<256x64xf32, #tpu.memory_space<vmem>>, vector<16xf32>,
        %mul3A_858 = arith.constant 16 : i32
        %mul3A_859 = arith.muli %add3A_429, %mul3A_858 : i32
        %add3A_860 = arith.constant 6 : i32
        %add3A_861 = arith.addi %mul3A_859, %add3A_860 : i32
        %broadcast_in_dim3A_862 = arith.constant 6 : i32
        %broadcast_in_dim3A_863 = vector.broadcast %broadcast_in_dim3A_862 : i32 to vector<16x1xi32>
        %gather3A_864 = vector.shape_cast %broadcast_in_dim3A_863 : vector<16x1xi32> to vector<16xi32>
        %gather3A_865 = tpu.dynamic_gather %get3A_465[%gather3A_864] in [0] : vector<16xf32>, vector<16xi32> -> vector<16xf32>
        %get3A_866 = arith.index_cast %add3A_861 : i32 to index
        %get3A_867 = arith.constant 0 : index
        %get3A_868 = tpu.vector_load %arg14[%get3A_866, %get3A_867] {strides = array<i32>} : memref<256x64xbf16, #tpu.memory_space<vmem>>, vector<32xbf16>,
        %get3A_869 = arith.index_cast %add3A_861 : i32 to index
        %get3A_870 = arith.constant 0 : index
        %get3A_871 = tpu.vector_load %arg16[%get3A_869, %get3A_870] {strides = array<i32>} : memref<256x64xbf16, #tpu.memory_space<vmem>>, vector<32xbf16>,
        %get3A_872 = arith.index_cast %add3A_861 : i32 to index
        %get3A_873 = arith.constant 0 : index
        %get3A_874 = tpu.vector_load %arg18[%get3A_872, %get3A_873] {strides = array<i32>} : memref<256x64xbf16, #tpu.memory_space<vmem>>, vector<32xbf16>,
        %unpack3A_875 = tpu.unpack_subelements %get3A_868, 0 {pack_format = #tpu.pack_format<interleaved>} : vector<32xbf16> -> vector<16xf32>
        %unpack3A_876 = tpu.unpack_subelements %get3A_868, 1 {pack_format = #tpu.pack_format<interleaved>} : vector<32xbf16> -> vector<16xf32>
        %unpack3A_877 = tpu.unpack_subelements %get3A_871, 0 {pack_format = #tpu.pack_format<interleaved>} : vector<32xbf16> -> vector<16xf32>
        %unpack3A_878 = tpu.unpack_subelements %get3A_871, 1 {pack_format = #tpu.pack_format<interleaved>} : vector<32xbf16> -> vector<16xf32>
        %unpack3A_879 = tpu.unpack_subelements %get3A_874, 0 {pack_format = #tpu.pack_format<interleaved>} : vector<32xbf16> -> vector<16xf32>
        %unpack3A_880 = tpu.unpack_subelements %get3A_874, 1 {pack_format = #tpu.pack_format<interleaved>} : vector<32xbf16> -> vector<16xf32>
        %add3A_881 = arith.addf %unpack3A_875, %unpack3A_877 : vector<16xf32>
        %add3A_882 = arith.addf %add3A_881, %unpack3A_879 : vector<16xf32>
        %mul3A_883 = arith.mulf %gather3A_865, %get3A_1 : vector<16xf32>
        %add3A_884 = arith.addf %add3A_882, %mul3A_883 : vector<16xf32>
        %swap3A_885 = arith.index_cast %add3A_861 : i32 to index
        %swap3A_886 = arith.constant 0 : index
        %swap3A_887 = tpu.vector_load %arg20[%swap3A_885, %swap3A_886] {strides = array<i32>} : memref<256x64xf32, #tpu.memory_space<vmem>>, vector<16xf32>,
        tpu.vector_store %arg20[%swap3A_885, %swap3A_886], %add3A_884 {strides = array<i32>} : memref<256x64xf32, #tpu.memory_space<vmem>>, vector<16xf32>,
        %add3A_888 = arith.addf %unpack3A_876, %unpack3A_878 : vector<16xf32>
        %add3A_889 = arith.addf %add3A_888, %unpack3A_880 : vector<16xf32>
        %mul3A_890 = arith.mulf %gather3A_865, %get3A_3 : vector<16xf32>
        %add3A_891 = arith.addf %add3A_889, %mul3A_890 : vector<16xf32>
        %swap3A_892 = arith.index_cast %add3A_861 : i32 to index
        %swap3A_893 = arith.constant 16 : index
        %swap3A_894 = tpu.vector_load %arg20[%swap3A_892, %swap3A_893] {strides = array<i32>} : memref<256x64xf32, #tpu.memory_space<vmem>>, vector<16xf32>,
        tpu.vector_store %arg20[%swap3A_892, %swap3A_893], %add3A_891 {strides = array<i32>} : memref<256x64xf32, #tpu.memory_space<vmem>>, vector<16xf32>,
        %get3A_895 = arith.index_cast %add3A_861 : i32 to index
        %get3A_896 = arith.constant 32 : index
        %get3A_897 = tpu.vector_load %arg14[%get3A_895, %get3A_896] {strides = array<i32>} : memref<256x64xbf16, #tpu.memory_space<vmem>>, vector<32xbf16>,
        %get3A_898 = arith.index_cast %add3A_861 : i32 to index
        %get3A_899 = arith.constant 32 : index
        %get3A_900 = tpu.vector_load %arg16[%get3A_898, %get3A_899] {strides = array<i32>} : memref<256x64xbf16, #tpu.memory_space<vmem>>, vector<32xbf16>,
        %get3A_901 = arith.index_cast %add3A_861 : i32 to index
        %get3A_902 = arith.constant 32 : index
        %get3A_903 = tpu.vector_load %arg18[%get3A_901, %get3A_902] {strides = array<i32>} : memref<256x64xbf16, #tpu.memory_space<vmem>>, vector<32xbf16>,
        %unpack3A_904 = tpu.unpack_subelements %get3A_897, 0 {pack_format = #tpu.pack_format<interleaved>} : vector<32xbf16> -> vector<16xf32>
        %unpack3A_905 = tpu.unpack_subelements %get3A_897, 1 {pack_format = #tpu.pack_format<interleaved>} : vector<32xbf16> -> vector<16xf32>
        %unpack3A_906 = tpu.unpack_subelements %get3A_900, 0 {pack_format = #tpu.pack_format<interleaved>} : vector<32xbf16> -> vector<16xf32>
        %unpack3A_907 = tpu.unpack_subelements %get3A_900, 1 {pack_format = #tpu.pack_format<interleaved>} : vector<32xbf16> -> vector<16xf32>
        %unpack3A_908 = tpu.unpack_subelements %get3A_903, 0 {pack_format = #tpu.pack_format<interleaved>} : vector<32xbf16> -> vector<16xf32>
        %unpack3A_909 = tpu.unpack_subelements %get3A_903, 1 {pack_format = #tpu.pack_format<interleaved>} : vector<32xbf16> -> vector<16xf32>
        %add3A_910 = arith.addf %unpack3A_904, %unpack3A_906 : vector<16xf32>
        %add3A_911 = arith.addf %add3A_910, %unpack3A_908 : vector<16xf32>
        %mul3A_912 = arith.mulf %gather3A_865, %get3A_5 : vector<16xf32>
        %add3A_913 = arith.addf %add3A_911, %mul3A_912 : vector<16xf32>
        %swap3A_914 = arith.index_cast %add3A_861 : i32 to index
        %swap3A_915 = arith.constant 32 : index
        %swap3A_916 = tpu.vector_load %arg20[%swap3A_914, %swap3A_915] {strides = array<i32>} : memref<256x64xf32, #tpu.memory_space<vmem>>, vector<16xf32>,
        tpu.vector_store %arg20[%swap3A_914, %swap3A_915], %add3A_913 {strides = array<i32>} : memref<256x64xf32, #tpu.memory_space<vmem>>, vector<16xf32>,
        %add3A_917 = arith.addf %unpack3A_905, %unpack3A_907 : vector<16xf32>
        %add3A_918 = arith.addf %add3A_917, %unpack3A_909 : vector<16xf32>
        %mul3A_919 = arith.mulf %gather3A_865, %get3A_7 : vector<16xf32>
        %add3A_920 = arith.addf %add3A_918, %mul3A_919 : vector<16xf32>
        %swap3A_921 = arith.index_cast %add3A_861 : i32 to index
        %swap3A_922 = arith.constant 48 : index
        %swap3A_923 = tpu.vector_load %arg20[%swap3A_921, %swap3A_922] {strides = array<i32>} : memref<256x64xf32, #tpu.memory_space<vmem>>, vector<16xf32>,
        tpu.vector_store %arg20[%swap3A_921, %swap3A_922], %add3A_920 {strides = array<i32>} : memref<256x64xf32, #tpu.memory_space<vmem>>, vector<16xf32>,
        %mul3A_924 = arith.constant 16 : i32
        %mul3A_925 = arith.muli %add3A_429, %mul3A_924 : i32
        %add3A_926 = arith.constant 7 : i32
        %add3A_927 = arith.addi %mul3A_925, %add3A_926 : i32
        %broadcast_in_dim3A_928 = arith.constant 7 : i32
        %broadcast_in_dim3A_929 = vector.broadcast %broadcast_in_dim3A_928 : i32 to vector<16x1xi32>
        %gather3A_930 = vector.shape_cast %broadcast_in_dim3A_929 : vector<16x1xi32> to vector<16xi32>
        %gather3A_931 = tpu.dynamic_gather %get3A_465[%gather3A_930] in [0] : vector<16xf32>, vector<16xi32> -> vector<16xf32>
        %get3A_932 = arith.index_cast %add3A_927 : i32 to index
        %get3A_933 = arith.constant 0 : index
        %get3A_934 = tpu.vector_load %arg14[%get3A_932, %get3A_933] {strides = array<i32>} : memref<256x64xbf16, #tpu.memory_space<vmem>>, vector<32xbf16>,
        %get3A_935 = arith.index_cast %add3A_927 : i32 to index
        %get3A_936 = arith.constant 0 : index
        %get3A_937 = tpu.vector_load %arg16[%get3A_935, %get3A_936] {strides = array<i32>} : memref<256x64xbf16, #tpu.memory_space<vmem>>, vector<32xbf16>,
        %get3A_938 = arith.index_cast %add3A_927 : i32 to index
        %get3A_939 = arith.constant 0 : index
        %get3A_940 = tpu.vector_load %arg18[%get3A_938, %get3A_939] {strides = array<i32>} : memref<256x64xbf16, #tpu.memory_space<vmem>>, vector<32xbf16>,
        %unpack3A_941 = tpu.unpack_subelements %get3A_934, 0 {pack_format = #tpu.pack_format<interleaved>} : vector<32xbf16> -> vector<16xf32>
        %unpack3A_942 = tpu.unpack_subelements %get3A_934, 1 {pack_format = #tpu.pack_format<interleaved>} : vector<32xbf16> -> vector<16xf32>
        %unpack3A_943 = tpu.unpack_subelements %get3A_937, 0 {pack_format = #tpu.pack_format<interleaved>} : vector<32xbf16> -> vector<16xf32>
        %unpack3A_944 = tpu.unpack_subelements %get3A_937, 1 {pack_format = #tpu.pack_format<interleaved>} : vector<32xbf16> -> vector<16xf32>
        %unpack3A_945 = tpu.unpack_subelements %get3A_940, 0 {pack_format = #tpu.pack_format<interleaved>} : vector<32xbf16> -> vector<16xf32>
        %unpack3A_946 = tpu.unpack_subelements %get3A_940, 1 {pack_format = #tpu.pack_format<interleaved>} : vector<32xbf16> -> vector<16xf32>
        %add3A_947 = arith.addf %unpack3A_941, %unpack3A_943 : vector<16xf32>
        %add3A_948 = arith.addf %add3A_947, %unpack3A_945 : vector<16xf32>
        %mul3A_949 = arith.mulf %gather3A_931, %get3A_1 : vector<16xf32>
        %add3A_950 = arith.addf %add3A_948, %mul3A_949 : vector<16xf32>
        %swap3A_951 = arith.index_cast %add3A_927 : i32 to index
        %swap3A_952 = arith.constant 0 : index
        %swap3A_953 = tpu.vector_load %arg20[%swap3A_951, %swap3A_952] {strides = array<i32>} : memref<256x64xf32, #tpu.memory_space<vmem>>, vector<16xf32>,
        tpu.vector_store %arg20[%swap3A_951, %swap3A_952], %add3A_950 {strides = array<i32>} : memref<256x64xf32, #tpu.memory_space<vmem>>, vector<16xf32>,
        %add3A_954 = arith.addf %unpack3A_942, %unpack3A_944 : vector<16xf32>
        %add3A_955 = arith.addf %add3A_954, %unpack3A_946 : vector<16xf32>
        %mul3A_956 = arith.mulf %gather3A_931, %get3A_3 : vector<16xf32>
        %add3A_957 = arith.addf %add3A_955, %mul3A_956 : vector<16xf32>
        %swap3A_958 = arith.index_cast %add3A_927 : i32 to index
        %swap3A_959 = arith.constant 16 : index
        %swap3A_960 = tpu.vector_load %arg20[%swap3A_958, %swap3A_959] {strides = array<i32>} : memref<256x64xf32, #tpu.memory_space<vmem>>, vector<16xf32>,
        tpu.vector_store %arg20[%swap3A_958, %swap3A_959], %add3A_957 {strides = array<i32>} : memref<256x64xf32, #tpu.memory_space<vmem>>, vector<16xf32>,
        %get3A_961 = arith.index_cast %add3A_927 : i32 to index
        %get3A_962 = arith.constant 32 : index
        %get3A_963 = tpu.vector_load %arg14[%get3A_961, %get3A_962] {strides = array<i32>} : memref<256x64xbf16, #tpu.memory_space<vmem>>, vector<32xbf16>,
        %get3A_964 = arith.index_cast %add3A_927 : i32 to index
        %get3A_965 = arith.constant 32 : index
        %get3A_966 = tpu.vector_load %arg16[%get3A_964, %get3A_965] {strides = array<i32>} : memref<256x64xbf16, #tpu.memory_space<vmem>>, vector<32xbf16>,
        %get3A_967 = arith.index_cast %add3A_927 : i32 to index
        %get3A_968 = arith.constant 32 : index
        %get3A_969 = tpu.vector_load %arg18[%get3A_967, %get3A_968] {strides = array<i32>} : memref<256x64xbf16, #tpu.memory_space<vmem>>, vector<32xbf16>,
        %unpack3A_970 = tpu.unpack_subelements %get3A_963, 0 {pack_format = #tpu.pack_format<interleaved>} : vector<32xbf16> -> vector<16xf32>
        %unpack3A_971 = tpu.unpack_subelements %get3A_963, 1 {pack_format = #tpu.pack_format<interleaved>} : vector<32xbf16> -> vector<16xf32>
        %unpack3A_972 = tpu.unpack_subelements %get3A_966, 0 {pack_format = #tpu.pack_format<interleaved>} : vector<32xbf16> -> vector<16xf32>
        %unpack3A_973 = tpu.unpack_subelements %get3A_966, 1 {pack_format = #tpu.pack_format<interleaved>} : vector<32xbf16> -> vector<16xf32>
        %unpack3A_974 = tpu.unpack_subelements %get3A_969, 0 {pack_format = #tpu.pack_format<interleaved>} : vector<32xbf16> -> vector<16xf32>
        %unpack3A_975 = tpu.unpack_subelements %get3A_969, 1 {pack_format = #tpu.pack_format<interleaved>} : vector<32xbf16> -> vector<16xf32>
        %add3A_976 = arith.addf %unpack3A_970, %unpack3A_972 : vector<16xf32>
        %add3A_977 = arith.addf %add3A_976, %unpack3A_974 : vector<16xf32>
        %mul3A_978 = arith.mulf %gather3A_931, %get3A_5 : vector<16xf32>
        %add3A_979 = arith.addf %add3A_977, %mul3A_978 : vector<16xf32>
        %swap3A_980 = arith.index_cast %add3A_927 : i32 to index
        %swap3A_981 = arith.constant 32 : index
        %swap3A_982 = tpu.vector_load %arg20[%swap3A_980, %swap3A_981] {strides = array<i32>} : memref<256x64xf32, #tpu.memory_space<vmem>>, vector<16xf32>,
        tpu.vector_store %arg20[%swap3A_980, %swap3A_981], %add3A_979 {strides = array<i32>} : memref<256x64xf32, #tpu.memory_space<vmem>>, vector<16xf32>,
        %add3A_983 = arith.addf %unpack3A_971, %unpack3A_973 : vector<16xf32>
        %add3A_984 = arith.addf %add3A_983, %unpack3A_975 : vector<16xf32>
        %mul3A_985 = arith.mulf %gather3A_931, %get3A_7 : vector<16xf32>
        %add3A_986 = arith.addf %add3A_984, %mul3A_985 : vector<16xf32>
        %swap3A_987 = arith.index_cast %add3A_927 : i32 to index
        %swap3A_988 = arith.constant 48 : index
        %swap3A_989 = tpu.vector_load %arg20[%swap3A_987, %swap3A_988] {strides = array<i32>} : memref<256x64xf32, #tpu.memory_space<vmem>>, vector<16xf32>,
        tpu.vector_store %arg20[%swap3A_987, %swap3A_988], %add3A_986 {strides = array<i32>} : memref<256x64xf32, #tpu.memory_space<vmem>>, vector<16xf32>,
        %mul3A_990 = arith.constant 16 : i32
        %mul3A_991 = arith.muli %add3A_429, %mul3A_990 : i32
        %add3A_992 = arith.constant 8 : i32
        %add3A_993 = arith.addi %mul3A_991, %add3A_992 : i32
        %broadcast_in_dim3A_994 = arith.constant 8 : i32
        %broadcast_in_dim3A_995 = vector.broadcast %broadcast_in_dim3A_994 : i32 to vector<16x1xi32>
        %gather3A_996 = vector.shape_cast %broadcast_in_dim3A_995 : vector<16x1xi32> to vector<16xi32>
        %gather3A_997 = tpu.dynamic_gather %get3A_465[%gather3A_996] in [0] : vector<16xf32>, vector<16xi32> -> vector<16xf32>
        %get3A_998 = arith.index_cast %add3A_993 : i32 to index
        %get3A_999 = arith.constant 0 : index
        %get3A_1000 = tpu.vector_load %arg14[%get3A_998, %get3A_999] {strides = array<i32>} : memref<256x64xbf16, #tpu.memory_space<vmem>>, vector<32xbf16>,
        %get3A_1001 = arith.index_cast %add3A_993 : i32 to index
        %get3A_1002 = arith.constant 0 : index
        %get3A_1003 = tpu.vector_load %arg16[%get3A_1001, %get3A_1002] {strides = array<i32>} : memref<256x64xbf16, #tpu.memory_space<vmem>>, vector<32xbf16>,
        %get3A_1004 = arith.index_cast %add3A_993 : i32 to index
        %get3A_1005 = arith.constant 0 : index
        %get3A_1006 = tpu.vector_load %arg18[%get3A_1004, %get3A_1005] {strides = array<i32>} : memref<256x64xbf16, #tpu.memory_space<vmem>>, vector<32xbf16>,
        %unpack3A_1007 = tpu.unpack_subelements %get3A_1000, 0 {pack_format = #tpu.pack_format<interleaved>} : vector<32xbf16> -> vector<16xf32>
        %unpack3A_1008 = tpu.unpack_subelements %get3A_1000, 1 {pack_format = #tpu.pack_format<interleaved>} : vector<32xbf16> -> vector<16xf32>
        %unpack3A_1009 = tpu.unpack_subelements %get3A_1003, 0 {pack_format = #tpu.pack_format<interleaved>} : vector<32xbf16> -> vector<16xf32>
        %unpack3A_1010 = tpu.unpack_subelements %get3A_1003, 1 {pack_format = #tpu.pack_format<interleaved>} : vector<32xbf16> -> vector<16xf32>
        %unpack3A_1011 = tpu.unpack_subelements %get3A_1006, 0 {pack_format = #tpu.pack_format<interleaved>} : vector<32xbf16> -> vector<16xf32>
        %unpack3A_1012 = tpu.unpack_subelements %get3A_1006, 1 {pack_format = #tpu.pack_format<interleaved>} : vector<32xbf16> -> vector<16xf32>
        %add3A_1013 = arith.addf %unpack3A_1007, %unpack3A_1009 : vector<16xf32>
        %add3A_1014 = arith.addf %add3A_1013, %unpack3A_1011 : vector<16xf32>
        %mul3A_1015 = arith.mulf %gather3A_997, %get3A_1 : vector<16xf32>
        %add3A_1016 = arith.addf %add3A_1014, %mul3A_1015 : vector<16xf32>
        %swap3A_1017 = arith.index_cast %add3A_993 : i32 to index
        %swap3A_1018 = arith.constant 0 : index
        %swap3A_1019 = tpu.vector_load %arg20[%swap3A_1017, %swap3A_1018] {strides = array<i32>} : memref<256x64xf32, #tpu.memory_space<vmem>>, vector<16xf32>,
        tpu.vector_store %arg20[%swap3A_1017, %swap3A_1018], %add3A_1016 {strides = array<i32>} : memref<256x64xf32, #tpu.memory_space<vmem>>, vector<16xf32>,
        %add3A_1020 = arith.addf %unpack3A_1008, %unpack3A_1010 : vector<16xf32>
        %add3A_1021 = arith.addf %add3A_1020, %unpack3A_1012 : vector<16xf32>
        %mul3A_1022 = arith.mulf %gather3A_997, %get3A_3 : vector<16xf32>
        %add3A_1023 = arith.addf %add3A_1021, %mul3A_1022 : vector<16xf32>
        %swap3A_1024 = arith.index_cast %add3A_993 : i32 to index
        %swap3A_1025 = arith.constant 16 : index
        %swap3A_1026 = tpu.vector_load %arg20[%swap3A_1024, %swap3A_1025] {strides = array<i32>} : memref<256x64xf32, #tpu.memory_space<vmem>>, vector<16xf32>,
        tpu.vector_store %arg20[%swap3A_1024, %swap3A_1025], %add3A_1023 {strides = array<i32>} : memref<256x64xf32, #tpu.memory_space<vmem>>, vector<16xf32>,
        %get3A_1027 = arith.index_cast %add3A_993 : i32 to index
        %get3A_1028 = arith.constant 32 : index
        %get3A_1029 = tpu.vector_load %arg14[%get3A_1027, %get3A_1028] {strides = array<i32>} : memref<256x64xbf16, #tpu.memory_space<vmem>>, vector<32xbf16>,
        %get3A_1030 = arith.index_cast %add3A_993 : i32 to index
        %get3A_1031 = arith.constant 32 : index
        %get3A_1032 = tpu.vector_load %arg16[%get3A_1030, %get3A_1031] {strides = array<i32>} : memref<256x64xbf16, #tpu.memory_space<vmem>>, vector<32xbf16>,
        %get3A_1033 = arith.index_cast %add3A_993 : i32 to index
        %get3A_1034 = arith.constant 32 : index
        %get3A_1035 = tpu.vector_load %arg18[%get3A_1033, %get3A_1034] {strides = array<i32>} : memref<256x64xbf16, #tpu.memory_space<vmem>>, vector<32xbf16>,
        %unpack3A_1036 = tpu.unpack_subelements %get3A_1029, 0 {pack_format = #tpu.pack_format<interleaved>} : vector<32xbf16> -> vector<16xf32>
        %unpack3A_1037 = tpu.unpack_subelements %get3A_1029, 1 {pack_format = #tpu.pack_format<interleaved>} : vector<32xbf16> -> vector<16xf32>
        %unpack3A_1038 = tpu.unpack_subelements %get3A_1032, 0 {pack_format = #tpu.pack_format<interleaved>} : vector<32xbf16> -> vector<16xf32>
        %unpack3A_1039 = tpu.unpack_subelements %get3A_1032, 1 {pack_format = #tpu.pack_format<interleaved>} : vector<32xbf16> -> vector<16xf32>
        %unpack3A_1040 = tpu.unpack_subelements %get3A_1035, 0 {pack_format = #tpu.pack_format<interleaved>} : vector<32xbf16> -> vector<16xf32>
        %unpack3A_1041 = tpu.unpack_subelements %get3A_1035, 1 {pack_format = #tpu.pack_format<interleaved>} : vector<32xbf16> -> vector<16xf32>
        %add3A_1042 = arith.addf %unpack3A_1036, %unpack3A_1038 : vector<16xf32>
        %add3A_1043 = arith.addf %add3A_1042, %unpack3A_1040 : vector<16xf32>
        %mul3A_1044 = arith.mulf %gather3A_997, %get3A_5 : vector<16xf32>
        %add3A_1045 = arith.addf %add3A_1043, %mul3A_1044 : vector<16xf32>
        %swap3A_1046 = arith.index_cast %add3A_993 : i32 to index
        %swap3A_1047 = arith.constant 32 : index
        %swap3A_1048 = tpu.vector_load %arg20[%swap3A_1046, %swap3A_1047] {strides = array<i32>} : memref<256x64xf32, #tpu.memory_space<vmem>>, vector<16xf32>,
        tpu.vector_store %arg20[%swap3A_1046, %swap3A_1047], %add3A_1045 {strides = array<i32>} : memref<256x64xf32, #tpu.memory_space<vmem>>, vector<16xf32>,
        %add3A_1049 = arith.addf %unpack3A_1037, %unpack3A_1039 : vector<16xf32>
        %add3A_1050 = arith.addf %add3A_1049, %unpack3A_1041 : vector<16xf32>
        %mul3A_1051 = arith.mulf %gather3A_997, %get3A_7 : vector<16xf32>
        %add3A_1052 = arith.addf %add3A_1050, %mul3A_1051 : vector<16xf32>
        %swap3A_1053 = arith.index_cast %add3A_993 : i32 to index
        %swap3A_1054 = arith.constant 48 : index
        %swap3A_1055 = tpu.vector_load %arg20[%swap3A_1053, %swap3A_1054] {strides = array<i32>} : memref<256x64xf32, #tpu.memory_space<vmem>>, vector<16xf32>,
        tpu.vector_store %arg20[%swap3A_1053, %swap3A_1054], %add3A_1052 {strides = array<i32>} : memref<256x64xf32, #tpu.memory_space<vmem>>, vector<16xf32>,
        %mul3A_1056 = arith.constant 16 : i32
        %mul3A_1057 = arith.muli %add3A_429, %mul3A_1056 : i32
        %add3A_1058 = arith.constant 9 : i32
        %add3A_1059 = arith.addi %mul3A_1057, %add3A_1058 : i32
        %broadcast_in_dim3A_1060 = arith.constant 9 : i32
        %broadcast_in_dim3A_1061 = vector.broadcast %broadcast_in_dim3A_1060 : i32 to vector<16x1xi32>
        %gather3A_1062 = vector.shape_cast %broadcast_in_dim3A_1061 : vector<16x1xi32> to vector<16xi32>
        %gather3A_1063 = tpu.dynamic_gather %get3A_465[%gather3A_1062] in [0] : vector<16xf32>, vector<16xi32> -> vector<16xf32>
        %get3A_1064 = arith.index_cast %add3A_1059 : i32 to index
        %get3A_1065 = arith.constant 0 : index
        %get3A_1066 = tpu.vector_load %arg14[%get3A_1064, %get3A_1065] {strides = array<i32>} : memref<256x64xbf16, #tpu.memory_space<vmem>>, vector<32xbf16>,
        %get3A_1067 = arith.index_cast %add3A_1059 : i32 to index
        %get3A_1068 = arith.constant 0 : index
        %get3A_1069 = tpu.vector_load %arg16[%get3A_1067, %get3A_1068] {strides = array<i32>} : memref<256x64xbf16, #tpu.memory_space<vmem>>, vector<32xbf16>,
        %get3A_1070 = arith.index_cast %add3A_1059 : i32 to index
        %get3A_1071 = arith.constant 0 : index
        %get3A_1072 = tpu.vector_load %arg18[%get3A_1070, %get3A_1071] {strides = array<i32>} : memref<256x64xbf16, #tpu.memory_space<vmem>>, vector<32xbf16>,
        %unpack3A_1073 = tpu.unpack_subelements %get3A_1066, 0 {pack_format = #tpu.pack_format<interleaved>} : vector<32xbf16> -> vector<16xf32>
        %unpack3A_1074 = tpu.unpack_subelements %get3A_1066, 1 {pack_format = #tpu.pack_format<interleaved>} : vector<32xbf16> -> vector<16xf32>
        %unpack3A_1075 = tpu.unpack_subelements %get3A_1069, 0 {pack_format = #tpu.pack_format<interleaved>} : vector<32xbf16> -> vector<16xf32>
        %unpack3A_1076 = tpu.unpack_subelements %get3A_1069, 1 {pack_format = #tpu.pack_format<interleaved>} : vector<32xbf16> -> vector<16xf32>
        %unpack3A_1077 = tpu.unpack_subelements %get3A_1072, 0 {pack_format = #tpu.pack_format<interleaved>} : vector<32xbf16> -> vector<16xf32>
        %unpack3A_1078 = tpu.unpack_subelements %get3A_1072, 1 {pack_format = #tpu.pack_format<interleaved>} : vector<32xbf16> -> vector<16xf32>
        %add3A_1079 = arith.addf %unpack3A_1073, %unpack3A_1075 : vector<16xf32>
        %add3A_1080 = arith.addf %add3A_1079, %unpack3A_1077 : vector<16xf32>
        %mul3A_1081 = arith.mulf %gather3A_1063, %get3A_1 : vector<16xf32>
        %add3A_1082 = arith.addf %add3A_1080, %mul3A_1081 : vector<16xf32>
        %swap3A_1083 = arith.index_cast %add3A_1059 : i32 to index
        %swap3A_1084 = arith.constant 0 : index
        %swap3A_1085 = tpu.vector_load %arg20[%swap3A_1083, %swap3A_1084] {strides = array<i32>} : memref<256x64xf32, #tpu.memory_space<vmem>>, vector<16xf32>,
        tpu.vector_store %arg20[%swap3A_1083, %swap3A_1084], %add3A_1082 {strides = array<i32>} : memref<256x64xf32, #tpu.memory_space<vmem>>, vector<16xf32>,
        %add3A_1086 = arith.addf %unpack3A_1074, %unpack3A_1076 : vector<16xf32>
        %add3A_1087 = arith.addf %add3A_1086, %unpack3A_1078 : vector<16xf32>
        %mul3A_1088 = arith.mulf %gather3A_1063, %get3A_3 : vector<16xf32>
        %add3A_1089 = arith.addf %add3A_1087, %mul3A_1088 : vector<16xf32>
        %swap3A_1090 = arith.index_cast %add3A_1059 : i32 to index
        %swap3A_1091 = arith.constant 16 : index
        %swap3A_1092 = tpu.vector_load %arg20[%swap3A_1090, %swap3A_1091] {strides = array<i32>} : memref<256x64xf32, #tpu.memory_space<vmem>>, vector<16xf32>,
        tpu.vector_store %arg20[%swap3A_1090, %swap3A_1091], %add3A_1089 {strides = array<i32>} : memref<256x64xf32, #tpu.memory_space<vmem>>, vector<16xf32>,
        %get3A_1093 = arith.index_cast %add3A_1059 : i32 to index
        %get3A_1094 = arith.constant 32 : index
        %get3A_1095 = tpu.vector_load %arg14[%get3A_1093, %get3A_1094] {strides = array<i32>} : memref<256x64xbf16, #tpu.memory_space<vmem>>, vector<32xbf16>,
        %get3A_1096 = arith.index_cast %add3A_1059 : i32 to index
        %get3A_1097 = arith.constant 32 : index
        %get3A_1098 = tpu.vector_load %arg16[%get3A_1096, %get3A_1097] {strides = array<i32>} : memref<256x64xbf16, #tpu.memory_space<vmem>>, vector<32xbf16>,
        %get3A_1099 = arith.index_cast %add3A_1059 : i32 to index
        %get3A_1100 = arith.constant 32 : index
        %get3A_1101 = tpu.vector_load %arg18[%get3A_1099, %get3A_1100] {strides = array<i32>} : memref<256x64xbf16, #tpu.memory_space<vmem>>, vector<32xbf16>,
        %unpack3A_1102 = tpu.unpack_subelements %get3A_1095, 0 {pack_format = #tpu.pack_format<interleaved>} : vector<32xbf16> -> vector<16xf32>
        %unpack3A_1103 = tpu.unpack_subelements %get3A_1095, 1 {pack_format = #tpu.pack_format<interleaved>} : vector<32xbf16> -> vector<16xf32>
        %unpack3A_1104 = tpu.unpack_subelements %get3A_1098, 0 {pack_format = #tpu.pack_format<interleaved>} : vector<32xbf16> -> vector<16xf32>
        %unpack3A_1105 = tpu.unpack_subelements %get3A_1098, 1 {pack_format = #tpu.pack_format<interleaved>} : vector<32xbf16> -> vector<16xf32>
        %unpack3A_1106 = tpu.unpack_subelements %get3A_1101, 0 {pack_format = #tpu.pack_format<interleaved>} : vector<32xbf16> -> vector<16xf32>
        %unpack3A_1107 = tpu.unpack_subelements %get3A_1101, 1 {pack_format = #tpu.pack_format<interleaved>} : vector<32xbf16> -> vector<16xf32>
        %add3A_1108 = arith.addf %unpack3A_1102, %unpack3A_1104 : vector<16xf32>
        %add3A_1109 = arith.addf %add3A_1108, %unpack3A_1106 : vector<16xf32>
        %mul3A_1110 = arith.mulf %gather3A_1063, %get3A_5 : vector<16xf32>
        %add3A_1111 = arith.addf %add3A_1109, %mul3A_1110 : vector<16xf32>
        %swap3A_1112 = arith.index_cast %add3A_1059 : i32 to index
        %swap3A_1113 = arith.constant 32 : index
        %swap3A_1114 = tpu.vector_load %arg20[%swap3A_1112, %swap3A_1113] {strides = array<i32>} : memref<256x64xf32, #tpu.memory_space<vmem>>, vector<16xf32>,
        tpu.vector_store %arg20[%swap3A_1112, %swap3A_1113], %add3A_1111 {strides = array<i32>} : memref<256x64xf32, #tpu.memory_space<vmem>>, vector<16xf32>,
        %add3A_1115 = arith.addf %unpack3A_1103, %unpack3A_1105 : vector<16xf32>
        %add3A_1116 = arith.addf %add3A_1115, %unpack3A_1107 : vector<16xf32>
        %mul3A_1117 = arith.mulf %gather3A_1063, %get3A_7 : vector<16xf32>
        %add3A_1118 = arith.addf %add3A_1116, %mul3A_1117 : vector<16xf32>
        %swap3A_1119 = arith.index_cast %add3A_1059 : i32 to index
        %swap3A_1120 = arith.constant 48 : index
        %swap3A_1121 = tpu.vector_load %arg20[%swap3A_1119, %swap3A_1120] {strides = array<i32>} : memref<256x64xf32, #tpu.memory_space<vmem>>, vector<16xf32>,
        tpu.vector_store %arg20[%swap3A_1119, %swap3A_1120], %add3A_1118 {strides = array<i32>} : memref<256x64xf32, #tpu.memory_space<vmem>>, vector<16xf32>,
        %mul3A_1122 = arith.constant 16 : i32
        %mul3A_1123 = arith.muli %add3A_429, %mul3A_1122 : i32
        %add3A_1124 = arith.constant 10 : i32
        %add3A_1125 = arith.addi %mul3A_1123, %add3A_1124 : i32
        %broadcast_in_dim3A_1126 = arith.constant 10 : i32
        %broadcast_in_dim3A_1127 = vector.broadcast %broadcast_in_dim3A_1126 : i32 to vector<16x1xi32>
        %gather3A_1128 = vector.shape_cast %broadcast_in_dim3A_1127 : vector<16x1xi32> to vector<16xi32>
        %gather3A_1129 = tpu.dynamic_gather %get3A_465[%gather3A_1128] in [0] : vector<16xf32>, vector<16xi32> -> vector<16xf32>
        %get3A_1130 = arith.index_cast %add3A_1125 : i32 to index
        %get3A_1131 = arith.constant 0 : index
        %get3A_1132 = tpu.vector_load %arg14[%get3A_1130, %get3A_1131] {strides = array<i32>} : memref<256x64xbf16, #tpu.memory_space<vmem>>, vector<32xbf16>,
        %get3A_1133 = arith.index_cast %add3A_1125 : i32 to index
        %get3A_1134 = arith.constant 0 : index
        %get3A_1135 = tpu.vector_load %arg16[%get3A_1133, %get3A_1134] {strides = array<i32>} : memref<256x64xbf16, #tpu.memory_space<vmem>>, vector<32xbf16>,
        %get3A_1136 = arith.index_cast %add3A_1125 : i32 to index
        %get3A_1137 = arith.constant 0 : index
        %get3A_1138 = tpu.vector_load %arg18[%get3A_1136, %get3A_1137] {strides = array<i32>} : memref<256x64xbf16, #tpu.memory_space<vmem>>, vector<32xbf16>,
        %unpack3A_1139 = tpu.unpack_subelements %get3A_1132, 0 {pack_format = #tpu.pack_format<interleaved>} : vector<32xbf16> -> vector<16xf32>
        %unpack3A_1140 = tpu.unpack_subelements %get3A_1132, 1 {pack_format = #tpu.pack_format<interleaved>} : vector<32xbf16> -> vector<16xf32>
        %unpack3A_1141 = tpu.unpack_subelements %get3A_1135, 0 {pack_format = #tpu.pack_format<interleaved>} : vector<32xbf16> -> vector<16xf32>
        %unpack3A_1142 = tpu.unpack_subelements %get3A_1135, 1 {pack_format = #tpu.pack_format<interleaved>} : vector<32xbf16> -> vector<16xf32>
        %unpack3A_1143 = tpu.unpack_subelements %get3A_1138, 0 {pack_format = #tpu.pack_format<interleaved>} : vector<32xbf16> -> vector<16xf32>
        %unpack3A_1144 = tpu.unpack_subelements %get3A_1138, 1 {pack_format = #tpu.pack_format<interleaved>} : vector<32xbf16> -> vector<16xf32>
        %add3A_1145 = arith.addf %unpack3A_1139, %unpack3A_1141 : vector<16xf32>
        %add3A_1146 = arith.addf %add3A_1145, %unpack3A_1143 : vector<16xf32>
        %mul3A_1147 = arith.mulf %gather3A_1129, %get3A_1 : vector<16xf32>
        %add3A_1148 = arith.addf %add3A_1146, %mul3A_1147 : vector<16xf32>
        %swap3A_1149 = arith.index_cast %add3A_1125 : i32 to index
        %swap3A_1150 = arith.constant 0 : index
        %swap3A_1151 = tpu.vector_load %arg20[%swap3A_1149, %swap3A_1150] {strides = array<i32>} : memref<256x64xf32, #tpu.memory_space<vmem>>, vector<16xf32>,
        tpu.vector_store %arg20[%swap3A_1149, %swap3A_1150], %add3A_1148 {strides = array<i32>} : memref<256x64xf32, #tpu.memory_space<vmem>>, vector<16xf32>,
        %add3A_1152 = arith.addf %unpack3A_1140, %unpack3A_1142 : vector<16xf32>
        %add3A_1153 = arith.addf %add3A_1152, %unpack3A_1144 : vector<16xf32>
        %mul3A_1154 = arith.mulf %gather3A_1129, %get3A_3 : vector<16xf32>
        %add3A_1155 = arith.addf %add3A_1153, %mul3A_1154 : vector<16xf32>
        %swap3A_1156 = arith.index_cast %add3A_1125 : i32 to index
        %swap3A_1157 = arith.constant 16 : index
        %swap3A_1158 = tpu.vector_load %arg20[%swap3A_1156, %swap3A_1157] {strides = array<i32>} : memref<256x64xf32, #tpu.memory_space<vmem>>, vector<16xf32>,
        tpu.vector_store %arg20[%swap3A_1156, %swap3A_1157], %add3A_1155 {strides = array<i32>} : memref<256x64xf32, #tpu.memory_space<vmem>>, vector<16xf32>,
        %get3A_1159 = arith.index_cast %add3A_1125 : i32 to index
        %get3A_1160 = arith.constant 32 : index
        %get3A_1161 = tpu.vector_load %arg14[%get3A_1159, %get3A_1160] {strides = array<i32>} : memref<256x64xbf16, #tpu.memory_space<vmem>>, vector<32xbf16>,
        %get3A_1162 = arith.index_cast %add3A_1125 : i32 to index
        %get3A_1163 = arith.constant 32 : index
        %get3A_1164 = tpu.vector_load %arg16[%get3A_1162, %get3A_1163] {strides = array<i32>} : memref<256x64xbf16, #tpu.memory_space<vmem>>, vector<32xbf16>,
        %get3A_1165 = arith.index_cast %add3A_1125 : i32 to index
        %get3A_1166 = arith.constant 32 : index
        %get3A_1167 = tpu.vector_load %arg18[%get3A_1165, %get3A_1166] {strides = array<i32>} : memref<256x64xbf16, #tpu.memory_space<vmem>>, vector<32xbf16>,
        %unpack3A_1168 = tpu.unpack_subelements %get3A_1161, 0 {pack_format = #tpu.pack_format<interleaved>} : vector<32xbf16> -> vector<16xf32>
        %unpack3A_1169 = tpu.unpack_subelements %get3A_1161, 1 {pack_format = #tpu.pack_format<interleaved>} : vector<32xbf16> -> vector<16xf32>
        %unpack3A_1170 = tpu.unpack_subelements %get3A_1164, 0 {pack_format = #tpu.pack_format<interleaved>} : vector<32xbf16> -> vector<16xf32>
        %unpack3A_1171 = tpu.unpack_subelements %get3A_1164, 1 {pack_format = #tpu.pack_format<interleaved>} : vector<32xbf16> -> vector<16xf32>
        %unpack3A_1172 = tpu.unpack_subelements %get3A_1167, 0 {pack_format = #tpu.pack_format<interleaved>} : vector<32xbf16> -> vector<16xf32>
        %unpack3A_1173 = tpu.unpack_subelements %get3A_1167, 1 {pack_format = #tpu.pack_format<interleaved>} : vector<32xbf16> -> vector<16xf32>
        %add3A_1174 = arith.addf %unpack3A_1168, %unpack3A_1170 : vector<16xf32>
        %add3A_1175 = arith.addf %add3A_1174, %unpack3A_1172 : vector<16xf32>
        %mul3A_1176 = arith.mulf %gather3A_1129, %get3A_5 : vector<16xf32>
        %add3A_1177 = arith.addf %add3A_1175, %mul3A_1176 : vector<16xf32>
        %swap3A_1178 = arith.index_cast %add3A_1125 : i32 to index
        %swap3A_1179 = arith.constant 32 : index
        %swap3A_1180 = tpu.vector_load %arg20[%swap3A_1178, %swap3A_1179] {strides = array<i32>} : memref<256x64xf32, #tpu.memory_space<vmem>>, vector<16xf32>,
        tpu.vector_store %arg20[%swap3A_1178, %swap3A_1179], %add3A_1177 {strides = array<i32>} : memref<256x64xf32, #tpu.memory_space<vmem>>, vector<16xf32>,
        %add3A_1181 = arith.addf %unpack3A_1169, %unpack3A_1171 : vector<16xf32>
        %add3A_1182 = arith.addf %add3A_1181, %unpack3A_1173 : vector<16xf32>
        %mul3A_1183 = arith.mulf %gather3A_1129, %get3A_7 : vector<16xf32>
        %add3A_1184 = arith.addf %add3A_1182, %mul3A_1183 : vector<16xf32>
        %swap3A_1185 = arith.index_cast %add3A_1125 : i32 to index
        %swap3A_1186 = arith.constant 48 : index
        %swap3A_1187 = tpu.vector_load %arg20[%swap3A_1185, %swap3A_1186] {strides = array<i32>} : memref<256x64xf32, #tpu.memory_space<vmem>>, vector<16xf32>,
        tpu.vector_store %arg20[%swap3A_1185, %swap3A_1186], %add3A_1184 {strides = array<i32>} : memref<256x64xf32, #tpu.memory_space<vmem>>, vector<16xf32>,
        %mul3A_1188 = arith.constant 16 : i32
        %mul3A_1189 = arith.muli %add3A_429, %mul3A_1188 : i32
        %add3A_1190 = arith.constant 11 : i32
        %add3A_1191 = arith.addi %mul3A_1189, %add3A_1190 : i32
        %broadcast_in_dim3A_1192 = arith.constant 11 : i32
        %broadcast_in_dim3A_1193 = vector.broadcast %broadcast_in_dim3A_1192 : i32 to vector<16x1xi32>
        %gather3A_1194 = vector.shape_cast %broadcast_in_dim3A_1193 : vector<16x1xi32> to vector<16xi32>
        %gather3A_1195 = tpu.dynamic_gather %get3A_465[%gather3A_1194] in [0] : vector<16xf32>, vector<16xi32> -> vector<16xf32>
        %get3A_1196 = arith.index_cast %add3A_1191 : i32 to index
        %get3A_1197 = arith.constant 0 : index
        %get3A_1198 = tpu.vector_load %arg14[%get3A_1196, %get3A_1197] {strides = array<i32>} : memref<256x64xbf16, #tpu.memory_space<vmem>>, vector<32xbf16>,
        %get3A_1199 = arith.index_cast %add3A_1191 : i32 to index
        %get3A_1200 = arith.constant 0 : index
        %get3A_1201 = tpu.vector_load %arg16[%get3A_1199, %get3A_1200] {strides = array<i32>} : memref<256x64xbf16, #tpu.memory_space<vmem>>, vector<32xbf16>,
        %get3A_1202 = arith.index_cast %add3A_1191 : i32 to index
        %get3A_1203 = arith.constant 0 : index
        %get3A_1204 = tpu.vector_load %arg18[%get3A_1202, %get3A_1203] {strides = array<i32>} : memref<256x64xbf16, #tpu.memory_space<vmem>>, vector<32xbf16>,
        %unpack3A_1205 = tpu.unpack_subelements %get3A_1198, 0 {pack_format = #tpu.pack_format<interleaved>} : vector<32xbf16> -> vector<16xf32>
        %unpack3A_1206 = tpu.unpack_subelements %get3A_1198, 1 {pack_format = #tpu.pack_format<interleaved>} : vector<32xbf16> -> vector<16xf32>
        %unpack3A_1207 = tpu.unpack_subelements %get3A_1201, 0 {pack_format = #tpu.pack_format<interleaved>} : vector<32xbf16> -> vector<16xf32>
        %unpack3A_1208 = tpu.unpack_subelements %get3A_1201, 1 {pack_format = #tpu.pack_format<interleaved>} : vector<32xbf16> -> vector<16xf32>
        %unpack3A_1209 = tpu.unpack_subelements %get3A_1204, 0 {pack_format = #tpu.pack_format<interleaved>} : vector<32xbf16> -> vector<16xf32>
        %unpack3A_1210 = tpu.unpack_subelements %get3A_1204, 1 {pack_format = #tpu.pack_format<interleaved>} : vector<32xbf16> -> vector<16xf32>
        %add3A_1211 = arith.addf %unpack3A_1205, %unpack3A_1207 : vector<16xf32>
        %add3A_1212 = arith.addf %add3A_1211, %unpack3A_1209 : vector<16xf32>
        %mul3A_1213 = arith.mulf %gather3A_1195, %get3A_1 : vector<16xf32>
        %add3A_1214 = arith.addf %add3A_1212, %mul3A_1213 : vector<16xf32>
        %swap3A_1215 = arith.index_cast %add3A_1191 : i32 to index
        %swap3A_1216 = arith.constant 0 : index
        %swap3A_1217 = tpu.vector_load %arg20[%swap3A_1215, %swap3A_1216] {strides = array<i32>} : memref<256x64xf32, #tpu.memory_space<vmem>>, vector<16xf32>,
        tpu.vector_store %arg20[%swap3A_1215, %swap3A_1216], %add3A_1214 {strides = array<i32>} : memref<256x64xf32, #tpu.memory_space<vmem>>, vector<16xf32>,
        %add3A_1218 = arith.addf %unpack3A_1206, %unpack3A_1208 : vector<16xf32>
        %add3A_1219 = arith.addf %add3A_1218, %unpack3A_1210 : vector<16xf32>
        %mul3A_1220 = arith.mulf %gather3A_1195, %get3A_3 : vector<16xf32>
        %add3A_1221 = arith.addf %add3A_1219, %mul3A_1220 : vector<16xf32>
        %swap3A_1222 = arith.index_cast %add3A_1191 : i32 to index
        %swap3A_1223 = arith.constant 16 : index
        %swap3A_1224 = tpu.vector_load %arg20[%swap3A_1222, %swap3A_1223] {strides = array<i32>} : memref<256x64xf32, #tpu.memory_space<vmem>>, vector<16xf32>,
        tpu.vector_store %arg20[%swap3A_1222, %swap3A_1223], %add3A_1221 {strides = array<i32>} : memref<256x64xf32, #tpu.memory_space<vmem>>, vector<16xf32>,
        %get3A_1225 = arith.index_cast %add3A_1191 : i32 to index
        %get3A_1226 = arith.constant 32 : index
        %get3A_1227 = tpu.vector_load %arg14[%get3A_1225, %get3A_1226] {strides = array<i32>} : memref<256x64xbf16, #tpu.memory_space<vmem>>, vector<32xbf16>,
        %get3A_1228 = arith.index_cast %add3A_1191 : i32 to index
        %get3A_1229 = arith.constant 32 : index
        %get3A_1230 = tpu.vector_load %arg16[%get3A_1228, %get3A_1229] {strides = array<i32>} : memref<256x64xbf16, #tpu.memory_space<vmem>>, vector<32xbf16>,
        %get3A_1231 = arith.index_cast %add3A_1191 : i32 to index
        %get3A_1232 = arith.constant 32 : index
        %get3A_1233 = tpu.vector_load %arg18[%get3A_1231, %get3A_1232] {strides = array<i32>} : memref<256x64xbf16, #tpu.memory_space<vmem>>, vector<32xbf16>,
        %unpack3A_1234 = tpu.unpack_subelements %get3A_1227, 0 {pack_format = #tpu.pack_format<interleaved>} : vector<32xbf16> -> vector<16xf32>
        %unpack3A_1235 = tpu.unpack_subelements %get3A_1227, 1 {pack_format = #tpu.pack_format<interleaved>} : vector<32xbf16> -> vector<16xf32>
        %unpack3A_1236 = tpu.unpack_subelements %get3A_1230, 0 {pack_format = #tpu.pack_format<interleaved>} : vector<32xbf16> -> vector<16xf32>
        %unpack3A_1237 = tpu.unpack_subelements %get3A_1230, 1 {pack_format = #tpu.pack_format<interleaved>} : vector<32xbf16> -> vector<16xf32>
        %unpack3A_1238 = tpu.unpack_subelements %get3A_1233, 0 {pack_format = #tpu.pack_format<interleaved>} : vector<32xbf16> -> vector<16xf32>
        %unpack3A_1239 = tpu.unpack_subelements %get3A_1233, 1 {pack_format = #tpu.pack_format<interleaved>} : vector<32xbf16> -> vector<16xf32>
        %add3A_1240 = arith.addf %unpack3A_1234, %unpack3A_1236 : vector<16xf32>
        %add3A_1241 = arith.addf %add3A_1240, %unpack3A_1238 : vector<16xf32>
        %mul3A_1242 = arith.mulf %gather3A_1195, %get3A_5 : vector<16xf32>
        %add3A_1243 = arith.addf %add3A_1241, %mul3A_1242 : vector<16xf32>
        %swap3A_1244 = arith.index_cast %add3A_1191 : i32 to index
        %swap3A_1245 = arith.constant 32 : index
        %swap3A_1246 = tpu.vector_load %arg20[%swap3A_1244, %swap3A_1245] {strides = array<i32>} : memref<256x64xf32, #tpu.memory_space<vmem>>, vector<16xf32>,
        tpu.vector_store %arg20[%swap3A_1244, %swap3A_1245], %add3A_1243 {strides = array<i32>} : memref<256x64xf32, #tpu.memory_space<vmem>>, vector<16xf32>,
        %add3A_1247 = arith.addf %unpack3A_1235, %unpack3A_1237 : vector<16xf32>
        %add3A_1248 = arith.addf %add3A_1247, %unpack3A_1239 : vector<16xf32>
        %mul3A_1249 = arith.mulf %gather3A_1195, %get3A_7 : vector<16xf32>
        %add3A_1250 = arith.addf %add3A_1248, %mul3A_1249 : vector<16xf32>
        %swap3A_1251 = arith.index_cast %add3A_1191 : i32 to index
        %swap3A_1252 = arith.constant 48 : index
        %swap3A_1253 = tpu.vector_load %arg20[%swap3A_1251, %swap3A_1252] {strides = array<i32>} : memref<256x64xf32, #tpu.memory_space<vmem>>, vector<16xf32>,
        tpu.vector_store %arg20[%swap3A_1251, %swap3A_1252], %add3A_1250 {strides = array<i32>} : memref<256x64xf32, #tpu.memory_space<vmem>>, vector<16xf32>,
        %mul3A_1254 = arith.constant 16 : i32
        %mul3A_1255 = arith.muli %add3A_429, %mul3A_1254 : i32
        %add3A_1256 = arith.constant 12 : i32
        %add3A_1257 = arith.addi %mul3A_1255, %add3A_1256 : i32
        %broadcast_in_dim3A_1258 = arith.constant 12 : i32
        %broadcast_in_dim3A_1259 = vector.broadcast %broadcast_in_dim3A_1258 : i32 to vector<16x1xi32>
        %gather3A_1260 = vector.shape_cast %broadcast_in_dim3A_1259 : vector<16x1xi32> to vector<16xi32>
        %gather3A_1261 = tpu.dynamic_gather %get3A_465[%gather3A_1260] in [0] : vector<16xf32>, vector<16xi32> -> vector<16xf32>
        %get3A_1262 = arith.index_cast %add3A_1257 : i32 to index
        %get3A_1263 = arith.constant 0 : index
        %get3A_1264 = tpu.vector_load %arg14[%get3A_1262, %get3A_1263] {strides = array<i32>} : memref<256x64xbf16, #tpu.memory_space<vmem>>, vector<32xbf16>,
        %get3A_1265 = arith.index_cast %add3A_1257 : i32 to index
        %get3A_1266 = arith.constant 0 : index
        %get3A_1267 = tpu.vector_load %arg16[%get3A_1265, %get3A_1266] {strides = array<i32>} : memref<256x64xbf16, #tpu.memory_space<vmem>>, vector<32xbf16>,
        %get3A_1268 = arith.index_cast %add3A_1257 : i32 to index
        %get3A_1269 = arith.constant 0 : index
        %get3A_1270 = tpu.vector_load %arg18[%get3A_1268, %get3A_1269] {strides = array<i32>} : memref<256x64xbf16, #tpu.memory_space<vmem>>, vector<32xbf16>,
        %unpack3A_1271 = tpu.unpack_subelements %get3A_1264, 0 {pack_format = #tpu.pack_format<interleaved>} : vector<32xbf16> -> vector<16xf32>
        %unpack3A_1272 = tpu.unpack_subelements %get3A_1264, 1 {pack_format = #tpu.pack_format<interleaved>} : vector<32xbf16> -> vector<16xf32>
        %unpack3A_1273 = tpu.unpack_subelements %get3A_1267, 0 {pack_format = #tpu.pack_format<interleaved>} : vector<32xbf16> -> vector<16xf32>
        %unpack3A_1274 = tpu.unpack_subelements %get3A_1267, 1 {pack_format = #tpu.pack_format<interleaved>} : vector<32xbf16> -> vector<16xf32>
        %unpack3A_1275 = tpu.unpack_subelements %get3A_1270, 0 {pack_format = #tpu.pack_format<interleaved>} : vector<32xbf16> -> vector<16xf32>
        %unpack3A_1276 = tpu.unpack_subelements %get3A_1270, 1 {pack_format = #tpu.pack_format<interleaved>} : vector<32xbf16> -> vector<16xf32>
        %add3A_1277 = arith.addf %unpack3A_1271, %unpack3A_1273 : vector<16xf32>
        %add3A_1278 = arith.addf %add3A_1277, %unpack3A_1275 : vector<16xf32>
        %mul3A_1279 = arith.mulf %gather3A_1261, %get3A_1 : vector<16xf32>
        %add3A_1280 = arith.addf %add3A_1278, %mul3A_1279 : vector<16xf32>
        %swap3A_1281 = arith.index_cast %add3A_1257 : i32 to index
        %swap3A_1282 = arith.constant 0 : index
        %swap3A_1283 = tpu.vector_load %arg20[%swap3A_1281, %swap3A_1282] {strides = array<i32>} : memref<256x64xf32, #tpu.memory_space<vmem>>, vector<16xf32>,
        tpu.vector_store %arg20[%swap3A_1281, %swap3A_1282], %add3A_1280 {strides = array<i32>} : memref<256x64xf32, #tpu.memory_space<vmem>>, vector<16xf32>,
        %add3A_1284 = arith.addf %unpack3A_1272, %unpack3A_1274 : vector<16xf32>
        %add3A_1285 = arith.addf %add3A_1284, %unpack3A_1276 : vector<16xf32>
        %mul3A_1286 = arith.mulf %gather3A_1261, %get3A_3 : vector<16xf32>
        %add3A_1287 = arith.addf %add3A_1285, %mul3A_1286 : vector<16xf32>
        %swap3A_1288 = arith.index_cast %add3A_1257 : i32 to index
        %swap3A_1289 = arith.constant 16 : index
        %swap3A_1290 = tpu.vector_load %arg20[%swap3A_1288, %swap3A_1289] {strides = array<i32>} : memref<256x64xf32, #tpu.memory_space<vmem>>, vector<16xf32>,
        tpu.vector_store %arg20[%swap3A_1288, %swap3A_1289], %add3A_1287 {strides = array<i32>} : memref<256x64xf32, #tpu.memory_space<vmem>>, vector<16xf32>,
        %get3A_1291 = arith.index_cast %add3A_1257 : i32 to index
        %get3A_1292 = arith.constant 32 : index
        %get3A_1293 = tpu.vector_load %arg14[%get3A_1291, %get3A_1292] {strides = array<i32>} : memref<256x64xbf16, #tpu.memory_space<vmem>>, vector<32xbf16>,
        %get3A_1294 = arith.index_cast %add3A_1257 : i32 to index
        %get3A_1295 = arith.constant 32 : index
        %get3A_1296 = tpu.vector_load %arg16[%get3A_1294, %get3A_1295] {strides = array<i32>} : memref<256x64xbf16, #tpu.memory_space<vmem>>, vector<32xbf16>,
        %get3A_1297 = arith.index_cast %add3A_1257 : i32 to index
        %get3A_1298 = arith.constant 32 : index
        %get3A_1299 = tpu.vector_load %arg18[%get3A_1297, %get3A_1298] {strides = array<i32>} : memref<256x64xbf16, #tpu.memory_space<vmem>>, vector<32xbf16>,
        %unpack3A_1300 = tpu.unpack_subelements %get3A_1293, 0 {pack_format = #tpu.pack_format<interleaved>} : vector<32xbf16> -> vector<16xf32>
        %unpack3A_1301 = tpu.unpack_subelements %get3A_1293, 1 {pack_format = #tpu.pack_format<interleaved>} : vector<32xbf16> -> vector<16xf32>
        %unpack3A_1302 = tpu.unpack_subelements %get3A_1296, 0 {pack_format = #tpu.pack_format<interleaved>} : vector<32xbf16> -> vector<16xf32>
        %unpack3A_1303 = tpu.unpack_subelements %get3A_1296, 1 {pack_format = #tpu.pack_format<interleaved>} : vector<32xbf16> -> vector<16xf32>
        %unpack3A_1304 = tpu.unpack_subelements %get3A_1299, 0 {pack_format = #tpu.pack_format<interleaved>} : vector<32xbf16> -> vector<16xf32>
        %unpack3A_1305 = tpu.unpack_subelements %get3A_1299, 1 {pack_format = #tpu.pack_format<interleaved>} : vector<32xbf16> -> vector<16xf32>
        %add3A_1306 = arith.addf %unpack3A_1300, %unpack3A_1302 : vector<16xf32>
        %add3A_1307 = arith.addf %add3A_1306, %unpack3A_1304 : vector<16xf32>
        %mul3A_1308 = arith.mulf %gather3A_1261, %get3A_5 : vector<16xf32>
        %add3A_1309 = arith.addf %add3A_1307, %mul3A_1308 : vector<16xf32>
        %swap3A_1310 = arith.index_cast %add3A_1257 : i32 to index
        %swap3A_1311 = arith.constant 32 : index
        %swap3A_1312 = tpu.vector_load %arg20[%swap3A_1310, %swap3A_1311] {strides = array<i32>} : memref<256x64xf32, #tpu.memory_space<vmem>>, vector<16xf32>,
        tpu.vector_store %arg20[%swap3A_1310, %swap3A_1311], %add3A_1309 {strides = array<i32>} : memref<256x64xf32, #tpu.memory_space<vmem>>, vector<16xf32>,
        %add3A_1313 = arith.addf %unpack3A_1301, %unpack3A_1303 : vector<16xf32>
        %add3A_1314 = arith.addf %add3A_1313, %unpack3A_1305 : vector<16xf32>
        %mul3A_1315 = arith.mulf %gather3A_1261, %get3A_7 : vector<16xf32>
        %add3A_1316 = arith.addf %add3A_1314, %mul3A_1315 : vector<16xf32>
        %swap3A_1317 = arith.index_cast %add3A_1257 : i32 to index
        %swap3A_1318 = arith.constant 48 : index
        %swap3A_1319 = tpu.vector_load %arg20[%swap3A_1317, %swap3A_1318] {strides = array<i32>} : memref<256x64xf32, #tpu.memory_space<vmem>>, vector<16xf32>,
        tpu.vector_store %arg20[%swap3A_1317, %swap3A_1318], %add3A_1316 {strides = array<i32>} : memref<256x64xf32, #tpu.memory_space<vmem>>, vector<16xf32>,
        %mul3A_1320 = arith.constant 16 : i32
        %mul3A_1321 = arith.muli %add3A_429, %mul3A_1320 : i32
        %add3A_1322 = arith.constant 13 : i32
        %add3A_1323 = arith.addi %mul3A_1321, %add3A_1322 : i32
        %broadcast_in_dim3A_1324 = arith.constant 13 : i32
        %broadcast_in_dim3A_1325 = vector.broadcast %broadcast_in_dim3A_1324 : i32 to vector<16x1xi32>
        %gather3A_1326 = vector.shape_cast %broadcast_in_dim3A_1325 : vector<16x1xi32> to vector<16xi32>
        %gather3A_1327 = tpu.dynamic_gather %get3A_465[%gather3A_1326] in [0] : vector<16xf32>, vector<16xi32> -> vector<16xf32>
        %get3A_1328 = arith.index_cast %add3A_1323 : i32 to index
        %get3A_1329 = arith.constant 0 : index
        %get3A_1330 = tpu.vector_load %arg14[%get3A_1328, %get3A_1329] {strides = array<i32>} : memref<256x64xbf16, #tpu.memory_space<vmem>>, vector<32xbf16>,
        %get3A_1331 = arith.index_cast %add3A_1323 : i32 to index
        %get3A_1332 = arith.constant 0 : index
        %get3A_1333 = tpu.vector_load %arg16[%get3A_1331, %get3A_1332] {strides = array<i32>} : memref<256x64xbf16, #tpu.memory_space<vmem>>, vector<32xbf16>,
        %get3A_1334 = arith.index_cast %add3A_1323 : i32 to index
        %get3A_1335 = arith.constant 0 : index
        %get3A_1336 = tpu.vector_load %arg18[%get3A_1334, %get3A_1335] {strides = array<i32>} : memref<256x64xbf16, #tpu.memory_space<vmem>>, vector<32xbf16>,
        %unpack3A_1337 = tpu.unpack_subelements %get3A_1330, 0 {pack_format = #tpu.pack_format<interleaved>} : vector<32xbf16> -> vector<16xf32>
        %unpack3A_1338 = tpu.unpack_subelements %get3A_1330, 1 {pack_format = #tpu.pack_format<interleaved>} : vector<32xbf16> -> vector<16xf32>
        %unpack3A_1339 = tpu.unpack_subelements %get3A_1333, 0 {pack_format = #tpu.pack_format<interleaved>} : vector<32xbf16> -> vector<16xf32>
        %unpack3A_1340 = tpu.unpack_subelements %get3A_1333, 1 {pack_format = #tpu.pack_format<interleaved>} : vector<32xbf16> -> vector<16xf32>
        %unpack3A_1341 = tpu.unpack_subelements %get3A_1336, 0 {pack_format = #tpu.pack_format<interleaved>} : vector<32xbf16> -> vector<16xf32>
        %unpack3A_1342 = tpu.unpack_subelements %get3A_1336, 1 {pack_format = #tpu.pack_format<interleaved>} : vector<32xbf16> -> vector<16xf32>
        %add3A_1343 = arith.addf %unpack3A_1337, %unpack3A_1339 : vector<16xf32>
        %add3A_1344 = arith.addf %add3A_1343, %unpack3A_1341 : vector<16xf32>
        %mul3A_1345 = arith.mulf %gather3A_1327, %get3A_1 : vector<16xf32>
        %add3A_1346 = arith.addf %add3A_1344, %mul3A_1345 : vector<16xf32>
        %swap3A_1347 = arith.index_cast %add3A_1323 : i32 to index
        %swap3A_1348 = arith.constant 0 : index
        %swap3A_1349 = tpu.vector_load %arg20[%swap3A_1347, %swap3A_1348] {strides = array<i32>} : memref<256x64xf32, #tpu.memory_space<vmem>>, vector<16xf32>,
        tpu.vector_store %arg20[%swap3A_1347, %swap3A_1348], %add3A_1346 {strides = array<i32>} : memref<256x64xf32, #tpu.memory_space<vmem>>, vector<16xf32>,
        %add3A_1350 = arith.addf %unpack3A_1338, %unpack3A_1340 : vector<16xf32>
        %add3A_1351 = arith.addf %add3A_1350, %unpack3A_1342 : vector<16xf32>
        %mul3A_1352 = arith.mulf %gather3A_1327, %get3A_3 : vector<16xf32>
        %add3A_1353 = arith.addf %add3A_1351, %mul3A_1352 : vector<16xf32>
        %swap3A_1354 = arith.index_cast %add3A_1323 : i32 to index
        %swap3A_1355 = arith.constant 16 : index
        %swap3A_1356 = tpu.vector_load %arg20[%swap3A_1354, %swap3A_1355] {strides = array<i32>} : memref<256x64xf32, #tpu.memory_space<vmem>>, vector<16xf32>,
        tpu.vector_store %arg20[%swap3A_1354, %swap3A_1355], %add3A_1353 {strides = array<i32>} : memref<256x64xf32, #tpu.memory_space<vmem>>, vector<16xf32>,
        %get3A_1357 = arith.index_cast %add3A_1323 : i32 to index
        %get3A_1358 = arith.constant 32 : index
        %get3A_1359 = tpu.vector_load %arg14[%get3A_1357, %get3A_1358] {strides = array<i32>} : memref<256x64xbf16, #tpu.memory_space<vmem>>, vector<32xbf16>,
        %get3A_1360 = arith.index_cast %add3A_1323 : i32 to index
        %get3A_1361 = arith.constant 32 : index
        %get3A_1362 = tpu.vector_load %arg16[%get3A_1360, %get3A_1361] {strides = array<i32>} : memref<256x64xbf16, #tpu.memory_space<vmem>>, vector<32xbf16>,
        %get3A_1363 = arith.index_cast %add3A_1323 : i32 to index
        %get3A_1364 = arith.constant 32 : index
        %get3A_1365 = tpu.vector_load %arg18[%get3A_1363, %get3A_1364] {strides = array<i32>} : memref<256x64xbf16, #tpu.memory_space<vmem>>, vector<32xbf16>,
        %unpack3A_1366 = tpu.unpack_subelements %get3A_1359, 0 {pack_format = #tpu.pack_format<interleaved>} : vector<32xbf16> -> vector<16xf32>
        %unpack3A_1367 = tpu.unpack_subelements %get3A_1359, 1 {pack_format = #tpu.pack_format<interleaved>} : vector<32xbf16> -> vector<16xf32>
        %unpack3A_1368 = tpu.unpack_subelements %get3A_1362, 0 {pack_format = #tpu.pack_format<interleaved>} : vector<32xbf16> -> vector<16xf32>
        %unpack3A_1369 = tpu.unpack_subelements %get3A_1362, 1 {pack_format = #tpu.pack_format<interleaved>} : vector<32xbf16> -> vector<16xf32>
        %unpack3A_1370 = tpu.unpack_subelements %get3A_1365, 0 {pack_format = #tpu.pack_format<interleaved>} : vector<32xbf16> -> vector<16xf32>
        %unpack3A_1371 = tpu.unpack_subelements %get3A_1365, 1 {pack_format = #tpu.pack_format<interleaved>} : vector<32xbf16> -> vector<16xf32>
        %add3A_1372 = arith.addf %unpack3A_1366, %unpack3A_1368 : vector<16xf32>
        %add3A_1373 = arith.addf %add3A_1372, %unpack3A_1370 : vector<16xf32>
        %mul3A_1374 = arith.mulf %gather3A_1327, %get3A_5 : vector<16xf32>
        %add3A_1375 = arith.addf %add3A_1373, %mul3A_1374 : vector<16xf32>
        %swap3A_1376 = arith.index_cast %add3A_1323 : i32 to index
        %swap3A_1377 = arith.constant 32 : index
        %swap3A_1378 = tpu.vector_load %arg20[%swap3A_1376, %swap3A_1377] {strides = array<i32>} : memref<256x64xf32, #tpu.memory_space<vmem>>, vector<16xf32>,
        tpu.vector_store %arg20[%swap3A_1376, %swap3A_1377], %add3A_1375 {strides = array<i32>} : memref<256x64xf32, #tpu.memory_space<vmem>>, vector<16xf32>,
        %add3A_1379 = arith.addf %unpack3A_1367, %unpack3A_1369 : vector<16xf32>
        %add3A_1380 = arith.addf %add3A_1379, %unpack3A_1371 : vector<16xf32>
        %mul3A_1381 = arith.mulf %gather3A_1327, %get3A_7 : vector<16xf32>
        %add3A_1382 = arith.addf %add3A_1380, %mul3A_1381 : vector<16xf32>
        %swap3A_1383 = arith.index_cast %add3A_1323 : i32 to index
        %swap3A_1384 = arith.constant 48 : index
        %swap3A_1385 = tpu.vector_load %arg20[%swap3A_1383, %swap3A_1384] {strides = array<i32>} : memref<256x64xf32, #tpu.memory_space<vmem>>, vector<16xf32>,
        tpu.vector_store %arg20[%swap3A_1383, %swap3A_1384], %add3A_1382 {strides = array<i32>} : memref<256x64xf32, #tpu.memory_space<vmem>>, vector<16xf32>,
        %mul3A_1386 = arith.constant 16 : i32
        %mul3A_1387 = arith.muli %add3A_429, %mul3A_1386 : i32
        %add3A_1388 = arith.constant 14 : i32
        %add3A_1389 = arith.addi %mul3A_1387, %add3A_1388 : i32
        %broadcast_in_dim3A_1390 = arith.constant 14 : i32
        %broadcast_in_dim3A_1391 = vector.broadcast %broadcast_in_dim3A_1390 : i32 to vector<16x1xi32>
        %gather3A_1392 = vector.shape_cast %broadcast_in_dim3A_1391 : vector<16x1xi32> to vector<16xi32>
        %gather3A_1393 = tpu.dynamic_gather %get3A_465[%gather3A_1392] in [0] : vector<16xf32>, vector<16xi32> -> vector<16xf32>
        %get3A_1394 = arith.index_cast %add3A_1389 : i32 to index
        %get3A_1395 = arith.constant 0 : index
        %get3A_1396 = tpu.vector_load %arg14[%get3A_1394, %get3A_1395] {strides = array<i32>} : memref<256x64xbf16, #tpu.memory_space<vmem>>, vector<32xbf16>,
        %get3A_1397 = arith.index_cast %add3A_1389 : i32 to index
        %get3A_1398 = arith.constant 0 : index
        %get3A_1399 = tpu.vector_load %arg16[%get3A_1397, %get3A_1398] {strides = array<i32>} : memref<256x64xbf16, #tpu.memory_space<vmem>>, vector<32xbf16>,
        %get3A_1400 = arith.index_cast %add3A_1389 : i32 to index
        %get3A_1401 = arith.constant 0 : index
        %get3A_1402 = tpu.vector_load %arg18[%get3A_1400, %get3A_1401] {strides = array<i32>} : memref<256x64xbf16, #tpu.memory_space<vmem>>, vector<32xbf16>,
        %unpack3A_1403 = tpu.unpack_subelements %get3A_1396, 0 {pack_format = #tpu.pack_format<interleaved>} : vector<32xbf16> -> vector<16xf32>
        %unpack3A_1404 = tpu.unpack_subelements %get3A_1396, 1 {pack_format = #tpu.pack_format<interleaved>} : vector<32xbf16> -> vector<16xf32>
        %unpack3A_1405 = tpu.unpack_subelements %get3A_1399, 0 {pack_format = #tpu.pack_format<interleaved>} : vector<32xbf16> -> vector<16xf32>
        %unpack3A_1406 = tpu.unpack_subelements %get3A_1399, 1 {pack_format = #tpu.pack_format<interleaved>} : vector<32xbf16> -> vector<16xf32>
        %unpack3A_1407 = tpu.unpack_subelements %get3A_1402, 0 {pack_format = #tpu.pack_format<interleaved>} : vector<32xbf16> -> vector<16xf32>
        %unpack3A_1408 = tpu.unpack_subelements %get3A_1402, 1 {pack_format = #tpu.pack_format<interleaved>} : vector<32xbf16> -> vector<16xf32>
        %add3A_1409 = arith.addf %unpack3A_1403, %unpack3A_1405 : vector<16xf32>
        %add3A_1410 = arith.addf %add3A_1409, %unpack3A_1407 : vector<16xf32>
        %mul3A_1411 = arith.mulf %gather3A_1393, %get3A_1 : vector<16xf32>
        %add3A_1412 = arith.addf %add3A_1410, %mul3A_1411 : vector<16xf32>
        %swap3A_1413 = arith.index_cast %add3A_1389 : i32 to index
        %swap3A_1414 = arith.constant 0 : index
        %swap3A_1415 = tpu.vector_load %arg20[%swap3A_1413, %swap3A_1414] {strides = array<i32>} : memref<256x64xf32, #tpu.memory_space<vmem>>, vector<16xf32>,
        tpu.vector_store %arg20[%swap3A_1413, %swap3A_1414], %add3A_1412 {strides = array<i32>} : memref<256x64xf32, #tpu.memory_space<vmem>>, vector<16xf32>,
        %add3A_1416 = arith.addf %unpack3A_1404, %unpack3A_1406 : vector<16xf32>
        %add3A_1417 = arith.addf %add3A_1416, %unpack3A_1408 : vector<16xf32>
        %mul3A_1418 = arith.mulf %gather3A_1393, %get3A_3 : vector<16xf32>
        %add3A_1419 = arith.addf %add3A_1417, %mul3A_1418 : vector<16xf32>
        %swap3A_1420 = arith.index_cast %add3A_1389 : i32 to index
        %swap3A_1421 = arith.constant 16 : index
        %swap3A_1422 = tpu.vector_load %arg20[%swap3A_1420, %swap3A_1421] {strides = array<i32>} : memref<256x64xf32, #tpu.memory_space<vmem>>, vector<16xf32>,
        tpu.vector_store %arg20[%swap3A_1420, %swap3A_1421], %add3A_1419 {strides = array<i32>} : memref<256x64xf32, #tpu.memory_space<vmem>>, vector<16xf32>,
        %get3A_1423 = arith.index_cast %add3A_1389 : i32 to index
        %get3A_1424 = arith.constant 32 : index
        %get3A_1425 = tpu.vector_load %arg14[%get3A_1423, %get3A_1424] {strides = array<i32>} : memref<256x64xbf16, #tpu.memory_space<vmem>>, vector<32xbf16>,
        %get3A_1426 = arith.index_cast %add3A_1389 : i32 to index
        %get3A_1427 = arith.constant 32 : index
        %get3A_1428 = tpu.vector_load %arg16[%get3A_1426, %get3A_1427] {strides = array<i32>} : memref<256x64xbf16, #tpu.memory_space<vmem>>, vector<32xbf16>,
        %get3A_1429 = arith.index_cast %add3A_1389 : i32 to index
        %get3A_1430 = arith.constant 32 : index
        %get3A_1431 = tpu.vector_load %arg18[%get3A_1429, %get3A_1430] {strides = array<i32>} : memref<256x64xbf16, #tpu.memory_space<vmem>>, vector<32xbf16>,
        %unpack3A_1432 = tpu.unpack_subelements %get3A_1425, 0 {pack_format = #tpu.pack_format<interleaved>} : vector<32xbf16> -> vector<16xf32>
        %unpack3A_1433 = tpu.unpack_subelements %get3A_1425, 1 {pack_format = #tpu.pack_format<interleaved>} : vector<32xbf16> -> vector<16xf32>
        %unpack3A_1434 = tpu.unpack_subelements %get3A_1428, 0 {pack_format = #tpu.pack_format<interleaved>} : vector<32xbf16> -> vector<16xf32>
        %unpack3A_1435 = tpu.unpack_subelements %get3A_1428, 1 {pack_format = #tpu.pack_format<interleaved>} : vector<32xbf16> -> vector<16xf32>
        %unpack3A_1436 = tpu.unpack_subelements %get3A_1431, 0 {pack_format = #tpu.pack_format<interleaved>} : vector<32xbf16> -> vector<16xf32>
        %unpack3A_1437 = tpu.unpack_subelements %get3A_1431, 1 {pack_format = #tpu.pack_format<interleaved>} : vector<32xbf16> -> vector<16xf32>
        %add3A_1438 = arith.addf %unpack3A_1432, %unpack3A_1434 : vector<16xf32>
        %add3A_1439 = arith.addf %add3A_1438, %unpack3A_1436 : vector<16xf32>
        %mul3A_1440 = arith.mulf %gather3A_1393, %get3A_5 : vector<16xf32>
        %add3A_1441 = arith.addf %add3A_1439, %mul3A_1440 : vector<16xf32>
        %swap3A_1442 = arith.index_cast %add3A_1389 : i32 to index
        %swap3A_1443 = arith.constant 32 : index
        %swap3A_1444 = tpu.vector_load %arg20[%swap3A_1442, %swap3A_1443] {strides = array<i32>} : memref<256x64xf32, #tpu.memory_space<vmem>>, vector<16xf32>,
        tpu.vector_store %arg20[%swap3A_1442, %swap3A_1443], %add3A_1441 {strides = array<i32>} : memref<256x64xf32, #tpu.memory_space<vmem>>, vector<16xf32>,
        %add3A_1445 = arith.addf %unpack3A_1433, %unpack3A_1435 : vector<16xf32>
        %add3A_1446 = arith.addf %add3A_1445, %unpack3A_1437 : vector<16xf32>
        %mul3A_1447 = arith.mulf %gather3A_1393, %get3A_7 : vector<16xf32>
        %add3A_1448 = arith.addf %add3A_1446, %mul3A_1447 : vector<16xf32>
        %swap3A_1449 = arith.index_cast %add3A_1389 : i32 to index
        %swap3A_1450 = arith.constant 48 : index
        %swap3A_1451 = tpu.vector_load %arg20[%swap3A_1449, %swap3A_1450] {strides = array<i32>} : memref<256x64xf32, #tpu.memory_space<vmem>>, vector<16xf32>,
        tpu.vector_store %arg20[%swap3A_1449, %swap3A_1450], %add3A_1448 {strides = array<i32>} : memref<256x64xf32, #tpu.memory_space<vmem>>, vector<16xf32>,
        %mul3A_1452 = arith.constant 16 : i32
        %mul3A_1453 = arith.muli %add3A_429, %mul3A_1452 : i32
        %add3A_1454 = arith.constant 15 : i32
        %add3A_1455 = arith.addi %mul3A_1453, %add3A_1454 : i32
        %broadcast_in_dim3A_1456 = arith.constant 15 : i32
        %broadcast_in_dim3A_1457 = vector.broadcast %broadcast_in_dim3A_1456 : i32 to vector<16x1xi32>
        %gather3A_1458 = vector.shape_cast %broadcast_in_dim3A_1457 : vector<16x1xi32> to vector<16xi32>
        %gather3A_1459 = tpu.dynamic_gather %get3A_465[%gather3A_1458] in [0] : vector<16xf32>, vector<16xi32> -> vector<16xf32>
        %get3A_1460 = arith.index_cast %add3A_1455 : i32 to index
        %get3A_1461 = arith.constant 0 : index
        %get3A_1462 = tpu.vector_load %arg14[%get3A_1460, %get3A_1461] {strides = array<i32>} : memref<256x64xbf16, #tpu.memory_space<vmem>>, vector<32xbf16>,
        %get3A_1463 = arith.index_cast %add3A_1455 : i32 to index
        %get3A_1464 = arith.constant 0 : index
        %get3A_1465 = tpu.vector_load %arg16[%get3A_1463, %get3A_1464] {strides = array<i32>} : memref<256x64xbf16, #tpu.memory_space<vmem>>, vector<32xbf16>,
        %get3A_1466 = arith.index_cast %add3A_1455 : i32 to index
        %get3A_1467 = arith.constant 0 : index
        %get3A_1468 = tpu.vector_load %arg18[%get3A_1466, %get3A_1467] {strides = array<i32>} : memref<256x64xbf16, #tpu.memory_space<vmem>>, vector<32xbf16>,
        %unpack3A_1469 = tpu.unpack_subelements %get3A_1462, 0 {pack_format = #tpu.pack_format<interleaved>} : vector<32xbf16> -> vector<16xf32>
        %unpack3A_1470 = tpu.unpack_subelements %get3A_1462, 1 {pack_format = #tpu.pack_format<interleaved>} : vector<32xbf16> -> vector<16xf32>
        %unpack3A_1471 = tpu.unpack_subelements %get3A_1465, 0 {pack_format = #tpu.pack_format<interleaved>} : vector<32xbf16> -> vector<16xf32>
        %unpack3A_1472 = tpu.unpack_subelements %get3A_1465, 1 {pack_format = #tpu.pack_format<interleaved>} : vector<32xbf16> -> vector<16xf32>
        %unpack3A_1473 = tpu.unpack_subelements %get3A_1468, 0 {pack_format = #tpu.pack_format<interleaved>} : vector<32xbf16> -> vector<16xf32>
        %unpack3A_1474 = tpu.unpack_subelements %get3A_1468, 1 {pack_format = #tpu.pack_format<interleaved>} : vector<32xbf16> -> vector<16xf32>
        %add3A_1475 = arith.addf %unpack3A_1469, %unpack3A_1471 : vector<16xf32>
        %add3A_1476 = arith.addf %add3A_1475, %unpack3A_1473 : vector<16xf32>
        %mul3A_1477 = arith.mulf %gather3A_1459, %get3A_1 : vector<16xf32>
        %add3A_1478 = arith.addf %add3A_1476, %mul3A_1477 : vector<16xf32>
        %swap3A_1479 = arith.index_cast %add3A_1455 : i32 to index
        %swap3A_1480 = arith.constant 0 : index
        %swap3A_1481 = tpu.vector_load %arg20[%swap3A_1479, %swap3A_1480] {strides = array<i32>} : memref<256x64xf32, #tpu.memory_space<vmem>>, vector<16xf32>,
        tpu.vector_store %arg20[%swap3A_1479, %swap3A_1480], %add3A_1478 {strides = array<i32>} : memref<256x64xf32, #tpu.memory_space<vmem>>, vector<16xf32>,
        %add3A_1482 = arith.addf %unpack3A_1470, %unpack3A_1472 : vector<16xf32>
        %add3A_1483 = arith.addf %add3A_1482, %unpack3A_1474 : vector<16xf32>
        %mul3A_1484 = arith.mulf %gather3A_1459, %get3A_3 : vector<16xf32>
        %add3A_1485 = arith.addf %add3A_1483, %mul3A_1484 : vector<16xf32>
        %swap3A_1486 = arith.index_cast %add3A_1455 : i32 to index
        %swap3A_1487 = arith.constant 16 : index
        %swap3A_1488 = tpu.vector_load %arg20[%swap3A_1486, %swap3A_1487] {strides = array<i32>} : memref<256x64xf32, #tpu.memory_space<vmem>>, vector<16xf32>,
        tpu.vector_store %arg20[%swap3A_1486, %swap3A_1487], %add3A_1485 {strides = array<i32>} : memref<256x64xf32, #tpu.memory_space<vmem>>, vector<16xf32>,
        %get3A_1489 = arith.index_cast %add3A_1455 : i32 to index
        %get3A_1490 = arith.constant 32 : index
        %get3A_1491 = tpu.vector_load %arg14[%get3A_1489, %get3A_1490] {strides = array<i32>} : memref<256x64xbf16, #tpu.memory_space<vmem>>, vector<32xbf16>,
        %get3A_1492 = arith.index_cast %add3A_1455 : i32 to index
        %get3A_1493 = arith.constant 32 : index
        %get3A_1494 = tpu.vector_load %arg16[%get3A_1492, %get3A_1493] {strides = array<i32>} : memref<256x64xbf16, #tpu.memory_space<vmem>>, vector<32xbf16>,
        %get3A_1495 = arith.index_cast %add3A_1455 : i32 to index
        %get3A_1496 = arith.constant 32 : index
        %get3A_1497 = tpu.vector_load %arg18[%get3A_1495, %get3A_1496] {strides = array<i32>} : memref<256x64xbf16, #tpu.memory_space<vmem>>, vector<32xbf16>,
        %unpack3A_1498 = tpu.unpack_subelements %get3A_1491, 0 {pack_format = #tpu.pack_format<interleaved>} : vector<32xbf16> -> vector<16xf32>
        %unpack3A_1499 = tpu.unpack_subelements %get3A_1491, 1 {pack_format = #tpu.pack_format<interleaved>} : vector<32xbf16> -> vector<16xf32>
        %unpack3A_1500 = tpu.unpack_subelements %get3A_1494, 0 {pack_format = #tpu.pack_format<interleaved>} : vector<32xbf16> -> vector<16xf32>
        %unpack3A_1501 = tpu.unpack_subelements %get3A_1494, 1 {pack_format = #tpu.pack_format<interleaved>} : vector<32xbf16> -> vector<16xf32>
        %unpack3A_1502 = tpu.unpack_subelements %get3A_1497, 0 {pack_format = #tpu.pack_format<interleaved>} : vector<32xbf16> -> vector<16xf32>
        %unpack3A_1503 = tpu.unpack_subelements %get3A_1497, 1 {pack_format = #tpu.pack_format<interleaved>} : vector<32xbf16> -> vector<16xf32>
        %add3A_1504 = arith.addf %unpack3A_1498, %unpack3A_1500 : vector<16xf32>
        %add3A_1505 = arith.addf %add3A_1504, %unpack3A_1502 : vector<16xf32>
        %mul3A_1506 = arith.mulf %gather3A_1459, %get3A_5 : vector<16xf32>
        %add3A_1507 = arith.addf %add3A_1505, %mul3A_1506 : vector<16xf32>
        %swap3A_1508 = arith.index_cast %add3A_1455 : i32 to index
        %swap3A_1509 = arith.constant 32 : index
        %swap3A_1510 = tpu.vector_load %arg20[%swap3A_1508, %swap3A_1509] {strides = array<i32>} : memref<256x64xf32, #tpu.memory_space<vmem>>, vector<16xf32>,
        tpu.vector_store %arg20[%swap3A_1508, %swap3A_1509], %add3A_1507 {strides = array<i32>} : memref<256x64xf32, #tpu.memory_space<vmem>>, vector<16xf32>,
        %add3A_1511 = arith.addf %unpack3A_1499, %unpack3A_1501 : vector<16xf32>
        %add3A_1512 = arith.addf %add3A_1511, %unpack3A_1503 : vector<16xf32>
        %mul3A_1513 = arith.mulf %gather3A_1459, %get3A_7 : vector<16xf32>
        %add3A_1514 = arith.addf %add3A_1512, %mul3A_1513 : vector<16xf32>
        %swap3A_1515 = arith.index_cast %add3A_1455 : i32 to index
        %swap3A_1516 = arith.constant 48 : index
        %swap3A_1517 = tpu.vector_load %arg20[%swap3A_1515, %swap3A_1516] {strides = array<i32>} : memref<256x64xf32, #tpu.memory_space<vmem>>, vector<16xf32>,
        tpu.vector_store %arg20[%swap3A_1515, %swap3A_1516], %add3A_1514 {strides = array<i32>} : memref<256x64xf32, #tpu.memory_space<vmem>>, vector<16xf32>,
      }
      %scan3A_408 = arith.constant 16 : i32
      %mul3A_409 = arith.constant 25600 : i32
      %mul3A_410 = arith.muli %add3A, %mul3A_409 : i32
      %mul3A_411 = arith.constant 256 : i32
      %mul3A_412 = arith.muli %add3A_391, %mul3A_411 : i32
      %add3A_413 = arith.addi %mul3A_410, %mul3A_412 : i32
      %dma_start3A_414 = arith.constant 0 : i32
      %dma_start3A_415 = tpu.memref_slice %arg8[%add3A_413, %dma_start3A_414] : memref<819200x64xf32, #tpu.memory_space<hbm>> -> memref<256x64xf32, #tpu.memory_space<hbm>>
      %dma_start3A_416 = arith.constant 0 : i32
      %dma_start3A_417 = tpu.memref_slice %arg8[%add3A_413, %dma_start3A_416] : memref<819200x64xf32, #tpu.memory_space<hbm>> -> memref<256x64xf32, #tpu.memory_space<hbm>>
      tpu.enqueue_dma source(%arg20 : memref<256x64xf32, #tpu.memory_space<vmem>>) target(%dma_start3A_417 : memref<256x64xf32, #tpu.memory_space<hbm>>) target_semaphore(%arg25 : memref<!tpu.dma_semaphore, #tpu.memory_space<semaphore_mem>>)
      %add3A_418 = arith.constant 3 : i32
      %add3A_419 = arith.addi %add3A_130, %add3A_418 : i32
      %lt3A_420 = arith.constant 100 : i32
      %lt3A_421 = arith.cmpi slt, %add3A_419, %lt3A_420 : i32
      %convert_element_type3A_422 = arith.extui %lt3A_421 : i1 to i32
      %cond3A_423 = arith.constant 0 : i32
      %cond3A_424 = arith.cmpi ne, %convert_element_type3A_422, %cond3A_423 : i32
      scf.if %cond3A_424 {
        %add3A_425 = arith.constant 3 : i32
        %add3A_426 = arith.addi %add3A_130, %add3A_425 : i32
        %mul3A_427 = arith.constant 2 : i32
        %mul3A_428 = arith.muli %add3A_426, %mul3A_427 : i32
        %add3A_429 = arith.addi %mul3A_9, %mul3A_428 : i32
        %dma_start3A_430 = arith.constant 0 : i32
        %dma_start3A_431 = tpu.memref_slice %arg3[%add3A_429, %dma_start3A_430] : memref<6400x128xf32, #tpu.memory_space<hbm>> -> memref<2x128xf32, #tpu.memory_space<hbm>>
        %dma_start3A_432 = arith.constant 0 : i32
        %dma_start3A_433 = tpu.memref_slice %arg3[%add3A_429, %dma_start3A_432] : memref<6400x128xf32, #tpu.memory_space<hbm>> -> memref<2x128xf32, #tpu.memory_space<hbm>>
        tpu.enqueue_dma source(%dma_start3A_433 : memref<2x128xf32, #tpu.memory_space<hbm>>) target(%arg12 : memref<2x128xf32, #tpu.memory_space<vmem>>) target_semaphore(%arg29 : memref<!tpu.dma_semaphore, #tpu.memory_space<semaphore_mem>>)
      } else {
      }
    }
    %scan3A_113 = arith.constant 50 : i32
    %dma_wait3A_114 = arith.constant 0 : i32
    %dma_wait3A_115 = arith.constant 0 : i32
    %dma_wait3A_116 = tpu.memref_slice %arg8[%dma_wait3A_114, %dma_wait3A_115] : memref<819200x64xf32, #tpu.memory_space<hbm>> -> memref<256x64xf32, #tpu.memory_space<hbm>>
    %dma_wait3A_117 = arith.constant 0 : i32
    %dma_wait3A_118 = arith.constant 0 : i32
    %dma_wait3A_119 = tpu.memref_slice %arg8[%dma_wait3A_117, %dma_wait3A_118] : memref<819200x64xf32, #tpu.memory_space<hbm>> -> memref<256x64xf32, #tpu.memory_space<hbm>>
    tpu.wait_dma2 semaphore(%arg24 : memref<!tpu.dma_semaphore, #tpu.memory_space<semaphore_mem>>) src(%arg19 : memref<256x64xf32, #tpu.memory_space<vmem>>) dst(%dma_wait3A_119 : memref<256x64xf32, #tpu.memory_space<hbm>>)
    %dma_wait3A_120 = arith.constant 0 : i32
    %dma_wait3A_121 = arith.constant 0 : i32
    %dma_wait3A_122 = tpu.memref_slice %arg8[%dma_wait3A_120, %dma_wait3A_121] : memref<819200x64xf32, #tpu.memory_space<hbm>> -> memref<256x64xf32, #tpu.memory_space<hbm>>
    %dma_wait3A_123 = arith.constant 0 : i32
    %dma_wait3A_124 = arith.constant 0 : i32
    %dma_wait3A_125 = tpu.memref_slice %arg8[%dma_wait3A_123, %dma_wait3A_124] : memref<819200x64xf32, #tpu.memory_space<hbm>> -> memref<256x64xf32, #tpu.memory_space<hbm>>
    tpu.wait_dma2 semaphore(%arg25 : memref<!tpu.dma_semaphore, #tpu.memory_space<semaphore_mem>>) src(%arg20 : memref<256x64xf32, #tpu.memory_space<vmem>>) dst(%dma_wait3A_125 : memref<256x64xf32, #tpu.memory_space<hbm>>)
    return
  }
}

module attributes {stable_mosaic.version = 14 : i64} {
  func.func @body(%arg0: memref<1000x64xf32, #tpu.memory_space<vmem>>, %arg1: memref<200x64xf32, #tpu.memory_space<vmem>>, %arg2: memref<256x64xf32, #tpu.memory_space<vmem>>, %arg3: memref<256x64xf32, #tpu.memory_space<vmem>>, %arg4: memref<1x64xf32, #tpu.memory_space<vmem>>, %arg5: memref<1x64xf32, #tpu.memory_space<vmem>>, %arg6: memref<1x64xf32, #tpu.memory_space<vmem>>, %arg7: memref<1000x64xbf16, #tpu.memory_space<vmem>>, %arg8: memref<200x64xbf16, #tpu.memory_space<vmem>>, %arg9: memref<1x64xf32, #tpu.memory_space<vmem>>) attributes {dimension_semantics = [], scalar_prefetch = 0 : i64, scratch_operands = 0 : i64, tpu.core_type = #tpu.core_type<tc>} {
    %get3A = arith.constant 0 : index
    %get3A_0 = arith.constant 0 : index
    %get3A_1 = vector.load %arg5[%get3A, %get3A_0] : memref<1x64xf32, #tpu.memory_space<vmem>>, vector<1x64xf32>
    %get3A_2 = arith.constant 192 : index
    %get3A_3 = arith.constant 0 : index
    %get3A_4 = vector.load %arg2[%get3A_2, %get3A_3] : memref<256x64xf32, #tpu.memory_space<vmem>>, vector<64x64xf32>
    %dot_general3A = arith.constant dense<0.000000e+00> : vector<1x64xf32>
    %dot_general3A_5 = tpu.matmul %get3A_1, %get3A_4, %dot_general3A {dimension_numbers = #tpu.dot_dimension_numbers<[1], [0], [0], [1], [0, 0, 1, 1], [], []>, transpose_lhs_hint = false} : vector<1x64xf32>, vector<64x64xf32>, vector<1x64xf32> -> vector<1x64xf32>
    %get3A_6 = arith.constant 0 : index
    %get3A_7 = arith.constant 0 : index
    %get3A_8 = vector.load %arg6[%get3A_6, %get3A_7] : memref<1x64xf32, #tpu.memory_space<vmem>>, vector<1x64xf32>
    %add3A = arith.addf %dot_general3A_5, %get3A_8 : vector<1x64xf32>
    %get3A_9 = arith.constant 0 : index
    %get3A_10 = arith.constant 0 : index
    %get3A_11 = vector.load %arg0[%get3A_9, %get3A_10] : memref<1000x64xf32, #tpu.memory_space<vmem>>, vector<1000x64xf32>
    %get3A_12 = arith.constant 64 : index
    %get3A_13 = arith.constant 0 : index
    %get3A_14 = vector.load %arg2[%get3A_12, %get3A_13] : memref<256x64xf32, #tpu.memory_space<vmem>>, vector<64x64xf32>
    %dot_general3A_15 = arith.constant dense<0.000000e+00> : vector<1000x64xf32>
    %dot_general3A_16 = tpu.matmul %get3A_11, %get3A_14, %dot_general3A_15 {dimension_numbers = #tpu.dot_dimension_numbers<[1], [0], [0], [1], [0, 0, 1, 1], [], []>, transpose_lhs_hint = false} : vector<1000x64xf32>, vector<64x64xf32>, vector<1000x64xf32> -> vector<1000x64xf32>
    %add3A_17 = vector.broadcast %add3A : vector<1x64xf32> to vector<1000x64xf32>
    %add3A_18 = arith.addf %dot_general3A_16, %add3A_17 : vector<1000x64xf32>
    %convert_element_type3A = arith.truncf %add3A_18 : vector<1000x64xf32> to vector<1000x64xbf16>
    %swap3A = arith.constant 0 : index
    %swap3A_19 = arith.constant 0 : index
    %swap3A_20 = vector.load %arg7[%swap3A, %swap3A_19] : memref<1000x64xbf16, #tpu.memory_space<vmem>>, vector<1000x64xbf16>
    tpu.vector_store %arg7[%swap3A, %swap3A_19], %convert_element_type3A {strides = array<i32>} : memref<1000x64xbf16, #tpu.memory_space<vmem>>, vector<1000x64xbf16>,
    %get3A_21 = arith.constant 0 : index
    %get3A_22 = arith.constant 0 : index
    %get3A_23 = vector.load %arg1[%get3A_21, %get3A_22] : memref<200x64xf32, #tpu.memory_space<vmem>>, vector<200x64xf32>
    %get3A_24 = arith.constant 128 : index
    %get3A_25 = arith.constant 0 : index
    %get3A_26 = vector.load %arg2[%get3A_24, %get3A_25] : memref<256x64xf32, #tpu.memory_space<vmem>>, vector<64x64xf32>
    %dot_general3A_27 = arith.constant dense<0.000000e+00> : vector<200x64xf32>
    %dot_general3A_28 = tpu.matmul %get3A_23, %get3A_26, %dot_general3A_27 {dimension_numbers = #tpu.dot_dimension_numbers<[1], [0], [0], [1], [0, 0, 1, 1], [], []>, transpose_lhs_hint = false} : vector<200x64xf32>, vector<64x64xf32>, vector<200x64xf32> -> vector<200x64xf32>
    %convert_element_type3A_29 = arith.truncf %dot_general3A_28 : vector<200x64xf32> to vector<200x64xbf16>
    %swap3A_30 = arith.constant 0 : index
    %swap3A_31 = arith.constant 0 : index
    %swap3A_32 = vector.load %arg8[%swap3A_30, %swap3A_31] : memref<200x64xbf16, #tpu.memory_space<vmem>>, vector<200x64xbf16>
    tpu.vector_store %arg8[%swap3A_30, %swap3A_31], %convert_element_type3A_29 {strides = array<i32>} : memref<200x64xbf16, #tpu.memory_space<vmem>>, vector<200x64xbf16>,
    %get3A_33 = arith.constant 0 : index
    %get3A_34 = arith.constant 0 : index
    %get3A_35 = vector.load %arg4[%get3A_33, %get3A_34] : memref<1x64xf32, #tpu.memory_space<vmem>>, vector<1x64xf32>
    %get3A_36 = arith.constant 192 : index
    %get3A_37 = arith.constant 0 : index
    %get3A_38 = vector.load %arg3[%get3A_36, %get3A_37] : memref<256x64xf32, #tpu.memory_space<vmem>>, vector<64x64xf32>
    %dot_general3A_39 = arith.constant dense<0.000000e+00> : vector<1x64xf32>
    %dot_general3A_40 = tpu.matmul %get3A_35, %get3A_38, %dot_general3A_39 {dimension_numbers = #tpu.dot_dimension_numbers<[1], [0], [0], [1], [0, 0, 1, 1], [], []>, transpose_lhs_hint = false} : vector<1x64xf32>, vector<64x64xf32>, vector<1x64xf32> -> vector<1x64xf32>
    %swap3A_41 = arith.constant 0 : index
    %swap3A_42 = arith.constant 0 : index
    %swap3A_43 = vector.load %arg9[%swap3A_41, %swap3A_42] : memref<1x64xf32, #tpu.memory_space<vmem>>, vector<1x64xf32>
    tpu.vector_store %arg9[%swap3A_41, %swap3A_42], %dot_general3A_40 {strides = array<i32>} : memref<1x64xf32, #tpu.memory_space<vmem>>, vector<1x64xf32>,
    return
  }
}

module attributes {stable_mosaic.version = 14 : i64} {
  func.func @body(%arg0: i32, %arg1: memref<4000x64xf32, #tpu.memory_space<vmem>>, %arg2: memref<256x64xf32, #tpu.memory_space<vmem>>, %arg3: memref<4000x64xbf16, #tpu.memory_space<vmem>>) attributes {dimension_semantics = [#tpu.dimension_semantics<arbitrary>], iteration_bounds = array<i64: 25>, scalar_prefetch = 0 : i64, scratch_operands = 0 : i64, tpu.core_type = #tpu.core_type<tc>, window_params = [{transform_indices = @transform_0, window_bounds = array<i64: 4000, 64>}, {pipeline_mode = #tpu.pipeline_mode<synchronous>, transform_indices = @transform_1, window_bounds = array<i64: 256, 64>}, {transform_indices = @transform_2, window_bounds = array<i64: 4000, 64>}]} {
    %get3A = arith.constant 0 : index
    %get3A_0 = arith.constant 0 : index
    %get3A_1 = vector.load %arg1[%get3A, %get3A_0] : memref<4000x64xf32, #tpu.memory_space<vmem>>, vector<4000x64xf32>
    %get3A_2 = arith.constant 0 : index
    %get3A_3 = arith.constant 0 : index
    %get3A_4 = vector.load %arg2[%get3A_2, %get3A_3] : memref<256x64xf32, #tpu.memory_space<vmem>>, vector<64x64xf32>
    %dot_general3A = arith.constant dense<0.000000e+00> : vector<4000x64xf32>
    %dot_general3A_5 = tpu.matmul %get3A_1, %get3A_4, %dot_general3A {dimension_numbers = #tpu.dot_dimension_numbers<[1], [0], [0], [1], [0, 0, 1, 1], [], []>, transpose_lhs_hint = false} : vector<4000x64xf32>, vector<64x64xf32>, vector<4000x64xf32> -> vector<4000x64xf32>
    %convert_element_type3A = arith.truncf %dot_general3A_5 : vector<4000x64xf32> to vector<4000x64xbf16>
    %swap3A = arith.constant 0 : index
    %swap3A_6 = arith.constant 0 : index
    %swap3A_7 = vector.load %arg3[%swap3A, %swap3A_6] : memref<4000x64xbf16, #tpu.memory_space<vmem>>, vector<4000x64xbf16>
    tpu.vector_store %arg3[%swap3A, %swap3A_6], %convert_element_type3A {strides = array<i32>} : memref<4000x64xbf16, #tpu.memory_space<vmem>>, vector<4000x64xbf16>,
    return
  }
  func.func @transform_0(%arg0: i32) -> (i32, i32) {
    %c0_i32 = arith.constant 0 : i32
    %c0_i32_0 = arith.constant 0 : i32
    return %arg0, %c0_i32 : i32, i32
  }
  func.func @transform_1(%arg0: i32) -> (i32, i32) {
    %c0_i32 = arith.constant 0 : i32
    %c0_i32_0 = arith.constant 0 : i32
    %c0_i32_1 = arith.constant 0 : i32
    return %c0_i32, %c0_i32_0 : i32, i32
  }
  func.func @transform_2(%arg0: i32) -> (i32, i32) {
    %c0_i32 = arith.constant 0 : i32
    %c0_i32_0 = arith.constant 0 : i32
    return %arg0, %c0_i32 : i32, i32
  }
}

</mosaic_0001>

<sc_bundles>
// kernel: kernel.5.cloned.1.call-start
scs
__scs_entry_jumppad:
0x0: {  	(pc) =	sbr.rel $0x88, $3  }
0x1: {  	(tag) =	ssettag $0x0;
	lr =	simm.s32 $0x1  }
0x2: {  	[smem:$0x3F96] =	sst lr;
	_ =	strace $0xD0000000  }
0x3: {  	_ = 	snop  }
0x4: {  	_ = 	snop  }
0x5: {  	_ = 	snop  }
0x6: {  	_ = 	snop  }
0x7: {  	_ = 	snop  }
__scs_overlays_trampoline_lowered:
0x8: {  	[smem:$0x3FA5] =	sst s0  }
0x9: {  	[smem:$0x3FA6] =	sst s1  }
0xa: {  	[smem:$0x3FA7] =	sst s2  }
0xb: {  	[smem:$0x3FA8] =	sst s3  }
0xc: {  	[smem:$0x3FA9] =	sst s4  }
0xd: {  	[smem:$0x3FAA] =	sst s5  }
0xe: {  	[smem:$0x3FAB] =	sst s6  }
0xf: {  	[smem:$0x3FAC] =	sst s7  }
0x10: {  	[smem:$0x3FAD] =	sst s8  }
0x11: {  	[smem:$0x3FAE] =	sst s9;
	s0 =	simm.s32 @!p0 $0x0  }
0x12: {  	s1 =	sld [smem:$0x3F94];
	s0 =	simm.s32 @p0 $0x1  }
0x13: {  	[smem:$0x3FAF] =	sst s0;
	s0 =	simm.s32 @!p1 $0x0  }
0x14: {  	s2 =	sld [smem:$0x3F93];
	s0 =	simm.s32 @p1 $0x1  }
0x15: {  	[smem:$0x3FB0] =	sst s0;
	s0 =	simm.s32 @!p2 $0x0  }
0x16: {  	s3 =	sld [smem:$0x3FDB];
	s0 =	simm.s32 @p2 $0x1  }
0x17: {  	s4 =	simm.s32 $0x1BF5;
	[smem:$0x3FB2] =	sst s0  }
0x18: {  	s0 =	sld [smem:$0x3F95];
	_ =	swait.ge [sflag:s4], $0x0  }
0x19: {  	s7 =	sld [smem:$0x3F96]  }
0x1a: {  	s8 =	sadd.s32 $0xFFFFE003, lr  }
0x1b: {  	s9 =	sadd.s32 $0xFFFFFEF7, lr;
	s5 =	simm.s32 $0xFFFFFFFF;
	p2 =	slt.u32 s8, $0xFFFFF086  }
0x1c: {  	p1 =	slt.u32 s9, $0xF7A;
	s5 =	simm.s32 @!p2 $0x0  }
0x1d: {  	s5 =	simm.s32 @p1 $0x1;
	p0 =	seq.s32 s7, s2  }
0x1e: {  	s7 =	smul.u32 @!p0 $0xF7A, s2;
	p2 =	seq.s32 @!p0 s5, $0x0  }
0x1f: {  	s9 =	smul.u32 $0xF7A, s1;
	s8 =	simm.s32 @!p0 $0x1BF5;
	p2 =	por !p2, p0  }
0x20: {  	[sflag:s8] =	ssyncset.s32 @!p0 $0xFFFFF086;
	s6 =	sadd.s32 @!p0 s3, s7;
	s7 =	simm.s32 @!p0 $0x108  }
0x21: {  	s3 =	sadd.s32 s3, s9;
	s6 =	sadd.s32 @!p0 $0x88, s6;
	s7 =	simm.s32 @p2 $0x1082  }
0x22: {  	[simem:s7], [sflag:s8] =	dma.local @!p0 [hbm:s6], $0xF7A  }
0x23: {  	s9 =	sor.u32 $0xD0000000, s2;
	s6 =	simm.s32 $0x108;
	_ =	swait.ge @!p0 [sflag:s8], $0x0  }
0x24: {  	s3 =	sadd.s32 $0x88, s3;
	s6 =	simm.s32 @!p1 $0x1082;
	[sflag:s4] =	ssyncset.s32 $0xFFFFF086  }
0x25: {  	[simem:s6], [sflag:s4] =	dma.local [hbm:s3], $0xF7A  }
0x26: {  	[smem:$0x3F96] =	sst s1;
	(tag) =	ssettag s2;
	_ =	strace s9  }
0x27: {  	s1 =	sld [smem:$0x3FA6]  }
0x28: {  	s2 =	sld [smem:$0x3FA7]  }
0x29: {  	s4 =	sld [smem:$0x3FA9]  }
0x2a: {  	p0 =	seq.s32 s5, $0x0;
	s5 =	sld [smem:$0x3FAA]  }
0x2b: {  	s6 =	sld [smem:$0x3FAB]  }
0x2c: {  	s7 =	sld [smem:$0x3FAC]  }
0x2d: {  	s3 =	simm.s32 $0x108;
	s8 =	sld [smem:$0x3FAD]  }
0x2e: {  	s3 =	simm.s32 @!p0 $0x1082;
	s9 =	sld [smem:$0x3FAE]  }
0x2f: {  	lr =	sadd.s32 s0, s3;
	s0 =	sld [smem:$0x3FA5]  }
0x30: {  	s3 =	sld [smem:$0x3FA8]  }
0x31: {  	[smem:$0x3FB1] =	sst s10  }
0x32: {  	s10 =	sld [smem:$0x3FAF];
	_ =	sdelay $0x3  }
0x33: {  	p0 =	seq.s32 s10, $0x1;
	s10 =	sld [smem:$0x3FB1];
	_ =	sdelay $0x3  }
0x34: {  	[smem:$0x3FB1] =	sst s10  }
0x35: {  	s10 =	sld [smem:$0x3FB0];
	_ =	sdelay $0x3  }
0x36: {  	p1 =	seq.s32 s10, $0x1;
	s10 =	sld [smem:$0x3FB1];
	_ =	sdelay $0x3  }
0x37: {  	[smem:$0x3FB1] =	sst s10  }
0x38: {  	s10 =	sld [smem:$0x3FB2]  }
0x39: {  	_ = 	snop;
	(pc) =	sbr.ind lr, $3  }
0x3a: {  	_ = 	snop  }
0x3b: {  	_ = 	snop  }
0x3c: {  	p2 =	seq.s32 s10, $0x1;
	s10 =	sld [smem:$0x3FB1]  }
0x3d: {  	_ =	shalt  }
0x3e: {  	_ =	shalt  }
0x3f: {  	_ =	shalt  }
0x40: {  	_ =	shalt  }
0x41: {  	_ =	shalt  }
0x42: {  	_ =	shalt  }
0x43: {  	_ =	shalt  }
0x44: {  	_ =	shalt  }
0x45: {  	_ =	shalt  }
0x46: {  	_ =	shalt  }
0x47: {  	_ =	shalt  }
0x48: {  	_ =	shalt  }
0x49: {  	_ =	shalt  }
0x4a: {  	_ =	shalt  }
0x4b: {  	_ =	shalt  }
0x4c: {  	_ =	shalt  }
0x4d: {  	_ =	shalt  }
0x4e: {  	_ =	shalt  }
0x4f: {  	_ =	shalt  }
0x50: {  	_ =	shalt  }
0x51: {  	_ =	shalt  }
0x52: {  	_ =	shalt  }
0x53: {  	_ =	shalt  }
0x54: {  	_ =	shalt  }
0x55: {  	_ =	shalt  }
0x56: {  	_ =	shalt  }
0x57: {  	_ =	shalt  }
0x58: {  	_ =	shalt  }
0x59: {  	_ =	shalt  }
0x5a: {  	_ =	shalt  }
0x5b: {  	_ =	shalt  }
0x5c: {  	_ =	shalt  }
0x5d: {  	_ =	shalt  }
0x5e: {  	_ =	shalt  }
0x5f: {  	_ =	shalt  }
0x60: {  	_ =	shalt  }
0x61: {  	_ =	shalt  }
0x62: {  	_ =	shalt  }
0x63: {  	_ =	shalt  }
0x64: {  	_ =	shalt  }
0x65: {  	_ =	shalt  }
0x66: {  	_ =	shalt  }
0x67: {  	_ =	shalt  }
0x68: {  	_ =	shalt  }
0x69: {  	_ =	shalt  }
0x6a: {  	_ =	shalt  }
0x6b: {  	_ =	shalt  }
0x6c: {  	_ =	shalt  }
0x6d: {  	_ =	shalt  }
0x6e: {  	_ =	shalt  }
0x6f: {  	_ =	shalt  }
0x70: {  	_ =	shalt  }
0x71: {  	_ =	shalt  }
0x72: {  	_ =	shalt  }
0x73: {  	_ =	shalt  }
0x74: {  	_ =	shalt  }
0x75: {  	_ =	shalt  }
0x76: {  	_ =	shalt  }
0x77: {  	_ =	shalt  }
0x78: {  	_ =	shalt  }
0x79: {  	_ =	shalt  }
0x7a: {  	_ =	shalt  }
0x7b: {  	_ =	shalt  }
0x7c: {  	_ =	shalt  }
0x7d: {  	_ =	shalt  }
0x7e: {  	_ =	shalt  }
0x7f: {  	_ =	shalt  }
0x80: {  	_ =	shalt  }
0x81: {  	_ =	shalt  }
0x82: {  	_ =	shalt  }
0x83: {  	_ =	shalt  }
0x84: {  	_ =	shalt  }
0x85: {  	_ =	shalt  }
0x86: {  	_ =	shalt  }
0x87: {  	_ =	shalt  }
.Lfunc_end0:
.L_simem_size_0:
called_computation.1_lowered:
.L_overlay_start_0:
0x88: {  	s2 =	sld [smem:$0x3FD9]  }
0x89: {  	s3 =	sld [smem:$0x3FFE];
	_ =	sdelay $0x1  }
0x8a: {  	s1 =	srdreg.scid  }
0x8b: {  	s0 =	sand.u32 $0x1, s1  }
0x8c: {  	s17 =	sshll.u32 s0, $0xA;
	s2 =	sadd.s32 s3, s2  }
0x8d: {  	s2 =	sadd.s32 s2, s17  }
0x8e: {  	[smem:$0x3FBD] =	sst s2  }
0x8f: {  	_ = 	snop  }
0x90: {  	s2 =	sld [smem:$0x3FD0];
	(tm) =	ssettm $0x1  }
0x91: {  	s18 =	sld [smem:$0x3FFB];
	_ =	sdelay $0x3  }
0x92: {  	_ =	strace s18  }
0x93: {  	s3 =	sld [smem:$0x3FFC];
	_ =	sdelay $0x3  }
0x94: {  	_ =	strace s3  }
0x95: {  	s3 =	sld [smem:$0x3FFD];
	_ =	sdelay $0x3  }
0x96: {  	_ =	strace s3  }
0x97: {  	_ =	strace $0x8FFFFFFF  }
0x98: {  	s19 =	sld [smem:$0x3FDB];
	_ =	sdelay $0x1  }
0x99: {  	s4 =	simm.s32 $_scs_section_size  }
0x9a: {  	s5 =	simm.s32 $_size__tile_overlayer_lowered;
	s6 =	simm.s32 $_tile_overlayer_lowered  }
0x9b: {  	s22 =	simm.s32 $0x1BFF;
	s21 =	sshll.u32 s6, $0x1;
	s3 =	sadd.s32 s4, s19  }
0x9c: {  	s7 =	simm.s32 $0x0;
	s20 =	sshll.u32 s5, $0x1;
	s5 =	sadd.s32 s21, s3  }
0x9d: {  	[timem:s7], [sflag:s22] =	dma.local [hbm:s5], s20  }
0x9e: {  	_ =	swait.ge [sflag:s22], s20  }
0x9f: {  	s4 =	ssub.s32 $0x0, s20;
	[sflag:s22] =	ssyncset.done $0x0  }
0xa0: {  	[sflag:s22] =	ssyncadd.s32 s4;
	_ =	sdelay $0x1  }
0xa1: {  	s23 =	simm.s32 $0x1B8B  }
0xa2: {  	_ =	swait.ge [sflag:s23], $0x1  }
0xa3: {  	[sflag:s23] =	ssyncset.done $0x0  }
0xa4: {  	s25 =	simm.s32 $0x1B8E;
	s24 =	sld [smem:$0x3FFE];
	[sflag:s23] =	ssyncadd.s32 $0xFFFFFFFF  }
0xa5: {  	s26 =	simm.s32 $execute0_lowered;
	[smem:$0x3FD2] =	sst s25  }
0xa6: {  	s5 =	sshll.u32 s26, $0x1;
	_ =	strace $0x80000046;
	[dreg:$0x1] =	wrdreg $0xFFFFFFFF  }
0xa7: {  	s28 =	simm.s32 $_size_execute0_lowered;
	s3 =	sadd.s32 s3, s5;
	[dreg:$0x0] =	wrdreg $0x0  }
0xa8: {  	s5 =	sshll.u32 s28, $0x1;
	[dreg:$0x2] =	wrdreg s3  }
0xa9: {  	[dreg:$0x3] =	wrdreg s5  }
0xaa: {  	[dreg:$0x4] =	wrdreg $0xC0  }
0xab: {  	_ =	task [dreg:s7], $0x5FFFF  }
0xac: {  	[dreg:$0x1] =	wrdreg $0xFFFFFFFF  }
0xad: {  	[dreg:$0x0] =	wrdreg $0x60  }
0xae: {  	[dreg:$0x2] =	wrdreg s24  }
0xaf: {  	[dreg:$0x3] =	wrdreg s2  }
0xb0: {  	[dreg:$0x4] =	wrdreg $0x9  }
0xb1: {  	_ =	task.clear_ibuf [dreg:s7], $0x5FFFF;
	_ =	strace $0x90000046  }
0xb2: {  	s29 =	simm.s32 $0x9;
	_ =	strace $0x80000048  }
0xb3: {  	_ =	swait.ge [sflag:s29], $0x1  }
0xb4: {  	[sflag:s29] =	ssyncadd.s32 $0xFFFFFFFF  }
0xb5: {  	_ =	strace $0x90000048  }
0xb6: {  	_ =	sfence  }
0xb7: {  	s30 =	sld [smem:$0x0];
	_ =	sdelay $0x2  }
0xb8: {  	s31 =	sshll.u32 s1, $0xD;
	s1 =	sshrl.u32 s1, $0x2  }
0xb9: {  	s3 =	sand.u32 $0x4000, s31;
	s1 =	sadd.s32 s1, s30  }
0xba: {  	s0 =	sor.u32 s3, s0;
	s1 =	sshll.u32 s1, $0x11  }
0xbb: {  	s0 =	sor.u32 s1, s0  }
0xbc: {  	s0 =	sadd.s32 $0x8F2B, s0  }
0xbd: {  	[sflag:s0] =	ssyncadd.remote.s32 $0x1  }
0xbe: {  	_ =	sfence.sel $0xFFFF  }
0xbf: {  	[dreg:$0x0] =	wrdreg $0xFFFFFFFF;
	(pc) =	sbr.abs _section_cstart, $3  }
0xc0: {  	[dreg:$0x1] =	wrdreg $0xFFFFFFFF  }
0xc1: {  	_ =	task.clear_ibuf [dreg:s7], $0x2FFFF;
	_ =	strace $0x9FFFFFFF  }
0xc2: {  	(tm) =	ssettm $0x7FFFFFFF  }
0xc3: {  	_ =	shalt  }
tec
execute0_lowered:
.L_overlay_start_1:
0x0: {  	(tag) =	ssettag $0x1  }
0x1: {  	s0 =	rddreg [dreg:$0x0]  }
0x2: {  	s11 =	rddreg [dreg:$0x1]  }
0x3: {  	s3 =	simm.s32 $0x0;
	s1 =	srdreg.scid;
	s2 =	stileid.u32  }
0x4: {  	s20 =	simm.s32 $0x100;
	s23 =	simm.s32 $0x5;
	s24 =	simm.s32 $0x80  }
0x5: {  	s22 =	simm.s32 $0x300;
	s21 =	simm.s32 $0x2;
	s13 =	simm.s32 $0x0  }
0x6: {  	[smem:$0x7FF] =	sst s3;
	s1 =	sand.u32 $0x1, s1;
	s2 =	sshll.u32 s2, $0x1  }
0x7: {  	s4 =	sadd.s32 $0x7DC00, s0;
	s5 =	sadd.s32 $0x3000, s0;
	s2 =	sor.u32 s1, s2  }
0x8: {  	s6 =	sadd.s32 $0x1C000, s0;
	s7 =	sadd.s32 $0x1C00, s0;
	s9 =	smul.u32 $0xC80, s2  }
0x9: {  	s8 =	sadd.s32 $0x2C00, s0;
	s0 =	sadd.s32 $0x1A00, s0;
	s10 =	smul.u32 $0x32000, s2  }
0xa: {  	_ =	strace $0x80000047;
	s1 =	ssub.s32 $0x2, s1;
	s14 =	smul.u32 $0x6400, s2  }
0xb: {  	[dreg:$0x3] =	wrdreg s0;
	s28 =	sshrl.u32 s1, $0x1;
	s15 =	smul.u32 $0x190000, s2  }
0xc: {  	s2 =	simm.s32 $0x7;
	s0 =	ssub.s32 s1, s28;
	s29 =	sor.u32 $0x20, s9  }
0xd: {  	v0 =	vimm.s32 $0x0;
	s12 =	sadd.s32 s4, s9;
	s9 =	sadd.s32 s5, s9;
	s31 =	sadd.s32 s10, s11  }
.Ltmp0:
0xe: {  	v1 =	vimm.s32 $0x1;
	v2 =	vimm.s32 $0x2;
	v3 =	vimm.s32 $0x3;
	s0 =	smax.u32 s0, $0x1;
	[dreg:$0x4] =	wrdreg s12;
	(pc) =	sbr.rel .LBB2_1-.Ltmp0, $4  }
0xf: {  	v4 =	vimm.s32 $0x4;
	v5 =	vimm.s32 $0x5;
	v6 =	vimm.s32 $0x6;
	s10 =	simm.s32 $0x1;
	s11 =	simm.s32 $0x6;
	[dreg:$0x5] =	wrdreg s9  }
0x10: {  	v7 =	vimm.s32 $0x7;
	v8 =	vimm.s32 $0x8;
	v9 =	vimm.s32 $0x9;
	s30 =	sadd.s32 s4, s29;
	s1 =	sadd.s32 s5, s29;
	[dreg:$0x8] =	wrdreg s0  }
0x11: {  	v10 =	vimm.s32 $0xA;
	v11 =	vimm.s32 $0xB;
	v12 =	vimm.s32 $0xC;
	s17 =	sadd.s32 $0x800, s31;
	s9 =	simm.s32 $0x4;
	[dreg:$0x6] =	wrdreg s30  }
0x12: {  	v13 =	vimm.s32 $0xD;
	v14 =	vimm.s32 $0xE;
	v15 =	vimm.s32 $0xF;
	s12 =	simm.s32 $0x10800;
	[dreg:$0x7] =	wrdreg s1;
	s1 =	simm.s32 $0x8  }
.LBB2_12:
0x13: {  	s0 =	simm.s32 $0x3  }
0x14: {  	_ =	swait.ge [sflag:s0], $0x4000  }
0x15: {  	[sflag:s0] =	ssyncset.done $0x0  }
0x16: {  	[sflag:s0] =	ssyncadd.s32 $0xFFFFC000  }
0x17: {  	_ =	swait.ge [sflag:s9], $0x4000  }
0x18: {  	s13 =	rddreg [dreg:$0x9]  }
0x19: {  	s31 =	rddreg [dreg:$0x8];
	s13 =	sadd.s32 $0x1, s13  }
0x1a: {  	p0 =	sne.s32 s13, s31  }
.Ltmp1:
0x1b: {  	_ = 	snop;
	(pc) =	sbr.rel @!p0 .LBB2_13-.Ltmp1, $3  }
0x1c: {  	_ =	sdelay $0x1  }
0x1d: {  	[sflag:s9] =	ssyncset.done $0x0  }
0x1e: {  	[sflag:s9] =	ssyncadd.s32 $0xFFFFC000  }
.LBB2_1:
0x1f: {  	[dreg:$0x9] =	wrdreg s13  }
0x20: {  	s0 =	rddreg [dreg:$0x3];
	s18 =	simm.s32 $0x14800;
	s19 =	simm.s32 $0x9  }
0x21: {  	[tilespmem:s18], [sflag:$0x9] =	stream.linear.gather [hbm4b:s0+s3], $0x40, $0x38;
	[tilespmem:$0x14840] =	vst v63  }
0x22: {  	_ =	swait.ge [sflag:s19], $0x40  }
0x23: {  	[sflag:s19] =	ssyncset.done $0x0  }
0x24: {  	[sflag:s19] =	ssyncadd.s32 $0xFFFFFFC0  }
0x25: {  	v16 =	vld [tilespmem:$0x14800]  }
0x26: {  	v17 =	vld [tilespmem:$0x14810]  }
0x27: {  	s13 =	simm.s32 $0xC8000;
	s25 =	rddreg [dreg:$0x4];
	v18 =	vld [tilespmem:$0x14820]  }
0x28: {  	v19 =	vld [tilespmem:$0x14830];
	[tilespmem:s3], [sflag:$0x5] =	stream.strided.gather [hbm4b:s25+s20], $0x300, s13, s20, $0x38  }
0x29: {  	s16 =	simm.s32 $0x600;
	s26 =	rddreg [dreg:$0x5]  }
0x2a: {  	[tilespmem:s16], [sflag:$0x7] =	stream.linear.gather [hbm4b:s26+s3], $0x100, $0x38;
	[tilespmem:$0x14840] =	vst v63  }
0x2b: {  	_ =	swait.ge [sflag:s23], $0x300  }
0x2c: {  	[sflag:s23] =	ssyncset.done $0x0  }
0x2d: {  	s28 =	simm.s32 $0x800;
	[sflag:s23] =	ssyncadd.s32 $0xFFFFFD00  }
0x2e: {  	[tilespmem:s28], [sflag:$0x1] =	stream.indirect.gather [hbm4b:s6+s24], $0x20, s3, s24, $0xb8;
	[tilespmem:$0x14840] =	vst v63  }
0x2f: {  	s29 =	simm.s32 $0x4800  }
0x30: {  	[tilespmem:s29], [sflag:$0x1] =	stream.indirect.gather [hbm4b:s7+s24], $0x20, s20, s24, $0xb8;
	[tilespmem:$0x14840] =	vst v63  }
0x31: {  	s30 =	simm.s32 $0x200;
	s31 =	simm.s32 $0x8800  }
0x32: {  	[tilespmem:s31], [sflag:$0x1] =	stream.indirect.gather [hbm4b:s8+s24], $0x20, s30, s24, $0xb8;
	[tilespmem:$0x14840] =	vst v63  }
0x33: {  	s18 =	simm.s32 $0x1800  }
0x34: {  	[tilespmem:s18], [sflag:$0x1] =	stream.indirect.gather [hbm4b:s6+s24], $0x20, s24, s24, $0xb8;
	[tilespmem:$0x14840] =	vst v63  }
0x35: {  	s19 =	simm.s32 $0x180;
	s25 =	simm.s32 $0x5800  }
0x36: {  	[tilespmem:s25], [sflag:$0x1] =	stream.indirect.gather [hbm4b:s7+s24], $0x20, s19, s24, $0xb8;
	[tilespmem:$0x14840] =	vst v63  }
0x37: {  	s26 =	simm.s32 $0x280;
	s28 =	simm.s32 $0x9800  }
0x38: {  	[tilespmem:s28], [sflag:$0x1] =	stream.indirect.gather [hbm4b:s8+s24], $0x20, s26, s24, $0xb8;
	[tilespmem:$0x14840] =	vst v63  }
0x39: {  	s29 =	rddreg [dreg:$0x6]  }
0x3a: {  	[tilespmem:s22], [sflag:$0x6] =	stream.strided.gather [hbm4b:s29+s20], $0x300, s13, s20, $0x38;
	[tilespmem:$0x14840] =	vst v63  }
0x3b: {  	s30 =	rddreg [dreg:$0x7];
	s31 =	simm.s32 $0x700;
	s13 =	simm.s32 $0x0  }
0x3c: {  	[tilespmem:s31], [sflag:$0x8] =	stream.linear.gather [hbm4b:s30+s3], $0x100, $0x38;
	[tilespmem:$0x14840] =	vst v63  }
.LBB2_2:
0x3d: {  	_ =	swait.ge [sflag:s10], $0x1000  }
0x3e: {  	[sflag:s10] =	ssyncset.done $0x0  }
0x3f: {  	[sflag:s10] =	ssyncadd.s32 $0xFFFFF000  }
0x40: {  	_ =	swait.ge [sflag:s10], $0x1000  }
0x41: {  	[sflag:s10] =	ssyncset.done $0x0  }
0x42: {  	[sflag:s10] =	ssyncadd.s32 $0xFFFFF000  }
0x43: {  	_ =	swait.ge [sflag:s10], $0x1000  }
0x44: {  	[sflag:s10] =	ssyncset.done $0x0  }
0x45: {  	[sflag:s10] =	ssyncadd.s32 $0xFFFFF000  }
0x46: {  	_ =	swait.ge [sflag:s10], $0x1000  }
0x47: {  	[sflag:s10] =	ssyncset.done $0x0  }
0x48: {  	[sflag:s10] =	ssyncadd.s32 $0xFFFFF000  }
0x49: {  	_ =	swait.ge [sflag:s10], $0x1000  }
0x4a: {  	[sflag:s10] =	ssyncset.done $0x0  }
0x4b: {  	[sflag:s10] =	ssyncadd.s32 $0xFFFFF000  }
0x4c: {  	_ =	swait.ge [sflag:s10], $0x1000  }
0x4d: {  	[sflag:s10] =	ssyncset.done $0x0  }
0x4e: {  	[sflag:s10] =	ssyncadd.s32 $0xFFFFF000  }
0x4f: {  	_ =	swait.ge [sflag:s11], $0x300  }
0x50: {  	[sflag:s11] =	ssyncset.done $0x0  }
0x51: {  	s0 =	simm.s32 $0x2800;
	[sflag:s11] =	ssyncadd.s32 $0xFFFFFD00  }
0x52: {  	[tilespmem:s0], [sflag:$0x2] =	stream.indirect.gather [hbm4b:s6+s24], $0x20, s22, s24, $0xb8;
	[tilespmem:$0x14840] =	vst v63  }
0x53: {  	s19 =	simm.s32 $0x400;
	s16 =	simm.s32 $0x6800  }
0x54: {  	[tilespmem:s16], [sflag:$0x2] =	stream.indirect.gather [hbm4b:s7+s24], $0x20, s19, s24, $0xb8;
	[tilespmem:$0x14840] =	vst v63  }
0x55: {  	s25 =	simm.s32 $0x500;
	s26 =	simm.s32 $0xA800  }
0x56: {  	[tilespmem:s26], [sflag:$0x2] =	stream.indirect.gather [hbm4b:s8+s24], $0x20, s25, s24, $0xb8;
	[tilespmem:$0x14840] =	vst v63  }
0x57: {  	s18 =	simm.s32 $0x3800;
	s16 =	simm.s32 $0x380  }
0x58: {  	[tilespmem:s18], [sflag:$0x2] =	stream.indirect.gather [hbm4b:s6+s24], $0x20, s16, s24, $0xb8;
	[tilespmem:$0x14840] =	vst v63  }
0x59: {  	s19 =	simm.s32 $0x480;
	s25 =	simm.s32 $0x7800;
	s16 =	sshll.u32 s13, $0x1  }
0x5a: {  	[tilespmem:s25], [sflag:$0x2] =	stream.indirect.gather [hbm4b:s7+s24], $0x20, s19, s24, $0xb8;
	[tilespmem:$0x14840] =	vst v63  }
0x5b: {  	p0 =	seq.s32 s13, $0x31;
	s19 =	sadd.s32 $0x2, s16  }
0x5c: {  	s26 =	simm.s32 $0x580;
	s18 =	simm.s32 $0xB800;
	s19 =	sshll.u32 @!p0 s19, $0x8  }
0x5d: {  	[tilespmem:s18], [sflag:$0x2] =	stream.indirect.gather [hbm4b:s8+s24], $0x20, s26, s24, $0xb8;
	[tilespmem:$0x14840] =	vst v63  }
0x5e: {  	s19 =	sadd.s32 @!p0 s14, s19  }
0x5f: {  	s28 =	simm.s32 @!p0 $0xC8000;
	s19 =	sshrl.u32 @!p0 s19, $0x3  }
0x60: {  	s29 =	simm.s32 @!p0 $0x0;
	s26 =	simm.s32 @!p0 $0x100;
	s25 =	sadd.s32 @!p0 s4, s19  }
0x61: {  	[tilespmem:s29], [sflag:$0x5] =	stream.strided.gather @!p0 [hbm4b:s25+s26], $0x300, s28, s26, $0x38;
	[tilespmem:$0x14840] =	vst v63  }
0x62: {  	_ =	swait.ge [sflag:s2], $0x100  }
0x63: {  	p1 =	seq.s32 s13, $0x0;
	[sflag:s2] =	ssyncset.done $0x0  }
0x64: {  	s25 =	simm.s32 @!p1 $0x3;
	[sflag:s2] =	ssyncadd.s32 $0xFFFFFF00  }
0x65: {  	s30 =	simm.s32 $0xCA00;
	s31 =	simm.s32 $0x0;
	_ =	swait.ge @!p1 [sflag:s25], $0x4000  }
0x66: {  	s26 =	simm.s32 $0x900;
	s28 =	simm.s32 $0x4900;
	[sflag:s25] =	ssyncset.done @!p1 $0x0  }
0x67: {  	s29 =	simm.s32 $0x8900;
	[sflag:s25] =	ssyncadd.s32 @!p1 $0xFFFFC000;
	s25 =	simm.s32 $0x0  }
.LBB2_3:
0x68: {  	s0 =	sand.u32 $0x200, s31  }
0x69: {  	s18 =	sand.u32 $0x70, s25;
	v21 =	vld [tilespmem:s26+$0xFFFFFF00];
	s0 =	sshrl.u32 s0, $0x2  }
0x6a: {  	v22 =	vld [tilespmem:s28+$0xFFFFFF00];
	s0 =	sor.u32 s18, s0  }
0x6b: {  	v20 =	vld [tilespmem:s0+$0x600]  }
0x6c: {  	v23 =	vld [tilespmem:s29+$0xFFFFFF00];
	_ =	sdelay $0x2  }
0x6d: {  	v25 =	vunpack.i.l.bf16.f32 v21;
	v26 =	vunpack.i.l.bf16.f32 v22;
	v21 =	vunpack.i.u.bf16.f32 v21  }
0x6e: {  	v22 =	vunpack.i.u.bf16.f32 v22;
	v25 =	vadd.f32 v26, v25;
	v24 =	vperm.xlane v20, v0  }
0x6f: {  	v49 =	vunpack.i.l.bf16.f32 v23;
	v21 =	vadd.f32 v22, v21  }
0x70: {  	v50 =	vunpack.i.u.bf16.f32 v23;
	v51 =	vadd.f32 v49, v25;
	v52 =	vmul.f32 v24, v16  }
0x71: {  	v21 =	vadd.f32 v50, v21;
	v53 =	vmul.f32 v24, v17  }
0x72: {  	v23 =	vadd.f32 v51, v52  }
0x73: {  	v21 =	vadd.f32 v21, v53  }
0x74: {  	[tilespmem:s30+$0xFFFFFE00] =	vst v23  }
0x75: {  	[tilespmem:s30+$0xFFFFFE10] =	vst v21  }
0x76: {  	v21 =	vld [tilespmem:s26+$0xFFFFFF10]  }
0x77: {  	v54 =	vld [tilespmem:s28+$0xFFFFFF10];
	_ =	sdelay $0x1  }
0x78: {  	v23 =	vld [tilespmem:s29+$0xFFFFFF10];
	_ =	sdelay $0x2  }
0x79: {  	v55 =	vunpack.i.l.bf16.f32 v21;
	v56 =	vunpack.i.l.bf16.f32 v54  }
0x7a: {  	v21 =	vunpack.i.u.bf16.f32 v21;
	v22 =	vunpack.i.u.bf16.f32 v54;
	v25 =	vadd.f32 v56, v55  }
0x7b: {  	v57 =	vunpack.i.l.bf16.f32 v23;
	v21 =	vadd.f32 v22, v21  }
0x7c: {  	v60 =	vmul.f32 v24, v18;
	v58 =	vunpack.i.u.bf16.f32 v23;
	v59 =	vadd.f32 v57, v25  }
0x7d: {  	v61 =	vmul.f32 v24, v19;
	v21 =	vadd.f32 v58, v21  }
0x7e: {  	v23 =	vadd.f32 v59, v60  }
0x7f: {  	v21 =	vadd.f32 v21, v61  }
0x80: {  	[tilespmem:s30+$0xFFFFFE20] =	vst v23  }
0x81: {  	[tilespmem:s30+$0xFFFFFE30] =	vst v21  }
0x82: {  	v21 =	vld [tilespmem:s26+$0xFFFFFF20]  }
0x83: {  	v62 =	vld [tilespmem:s28+$0xFFFFFF20];
	_ =	sdelay $0x1  }
0x84: {  	v23 =	vld [tilespmem:s29+$0xFFFFFF20];
	_ =	sdelay $0x2  }
0x85: {  	v63 =	vperm.xlane v20, v1;
	v28 =	vunpack.i.l.bf16.f32 v21;
	v29 =	vunpack.i.l.bf16.f32 v62  }
0x86: {  	v21 =	vunpack.i.u.bf16.f32 v21;
	v22 =	vunpack.i.u.bf16.f32 v62;
	v25 =	vadd.f32 v29, v28  }
0x87: {  	v30 =	vunpack.i.l.bf16.f32 v23;
	v21 =	vadd.f32 v22, v21  }
0x88: {  	v33 =	vmul.f32 v63, v16;
	v31 =	vunpack.i.u.bf16.f32 v23;
	v32 =	vadd.f32 v30, v25  }
0x89: {  	v34 =	vmul.f32 v63, v17;
	v21 =	vadd.f32 v31, v21  }
0x8a: {  	v23 =	vadd.f32 v32, v33  }
0x8b: {  	v21 =	vadd.f32 v21, v34  }
0x8c: {  	[tilespmem:s30+$0xFFFFFE40] =	vst v23  }
0x8d: {  	[tilespmem:s30+$0xFFFFFE50] =	vst v21  }
0x8e: {  	v21 =	vld [tilespmem:s26+$0xFFFFFF30]  }
0x8f: {  	v35 =	vld [tilespmem:s28+$0xFFFFFF30];
	_ =	sdelay $0x1  }
0x90: {  	v23 =	vld [tilespmem:s29+$0xFFFFFF30];
	_ =	sdelay $0x2  }
0x91: {  	v36 =	vunpack.i.l.bf16.f32 v21;
	v37 =	vunpack.i.l.bf16.f32 v35  }
0x92: {  	v21 =	vunpack.i.u.bf16.f32 v21;
	v22 =	vunpack.i.u.bf16.f32 v35;
	v25 =	vadd.f32 v37, v36  }
0x93: {  	v38 =	vunpack.i.l.bf16.f32 v23;
	v21 =	vadd.f32 v22, v21  }
0x94: {  	v41 =	vmul.f32 v63, v18;
	v39 =	vunpack.i.u.bf16.f32 v23;
	v40 =	vadd.f32 v38, v25  }
0x95: {  	v42 =	vmul.f32 v63, v19;
	v21 =	vadd.f32 v39, v21  }
0x96: {  	v23 =	vadd.f32 v40, v41  }
0x97: {  	v21 =	vadd.f32 v21, v42  }
0x98: {  	[tilespmem:s30+$0xFFFFFE60] =	vst v23  }
0x99: {  	[tilespmem:s30+$0xFFFFFE70] =	vst v21  }
0x9a: {  	v21 =	vld [tilespmem:s26+$0xFFFFFF40]  }
0x9b: {  	v43 =	vld [tilespmem:s28+$0xFFFFFF40];
	_ =	sdelay $0x1  }
0x9c: {  	v23 =	vld [tilespmem:s29+$0xFFFFFF40];
	_ =	sdelay $0x2  }
0x9d: {  	v44 =	vperm.xlane v20, v2;
	v45 =	vunpack.i.l.bf16.f32 v21;
	v46 =	vunpack.i.l.bf16.f32 v43  }
0x9e: {  	v21 =	vunpack.i.u.bf16.f32 v21;
	v22 =	vunpack.i.u.bf16.f32 v43;
	v25 =	vadd.f32 v46, v45  }
0x9f: {  	v47 =	vunpack.i.l.bf16.f32 v23;
	v21 =	vadd.f32 v22, v21  }
0xa0: {  	v50 =	vmul.f32 v44, v16;
	v48 =	vunpack.i.u.bf16.f32 v23;
	v49 =	vadd.f32 v47, v25  }
0xa1: {  	v51 =	vmul.f32 v44, v17;
	v21 =	vadd.f32 v48, v21  }
0xa2: {  	v23 =	vadd.f32 v49, v50  }
0xa3: {  	v21 =	vadd.f32 v21, v51  }
0xa4: {  	[tilespmem:s30+$0xFFFFFE80] =	vst v23  }
0xa5: {  	[tilespmem:s30+$0xFFFFFE90] =	vst v21  }
0xa6: {  	v21 =	vld [tilespmem:s26+$0xFFFFFF50]  }
0xa7: {  	v52 =	vld [tilespmem:s28+$0xFFFFFF50];
	_ =	sdelay $0x1  }
0xa8: {  	v23 =	vld [tilespmem:s29+$0xFFFFFF50];
	_ =	sdelay $0x2  }
0xa9: {  	v53 =	vunpack.i.l.bf16.f32 v21;
	v54 =	vunpack.i.l.bf16.f32 v52  }
0xaa: {  	v21 =	vunpack.i.u.bf16.f32 v21;
	v22 =	vunpack.i.u.bf16.f32 v52;
	v25 =	vadd.f32 v54, v53  }
0xab: {  	v55 =	vunpack.i.l.bf16.f32 v23;
	v21 =	vadd.f32 v22, v21  }
0xac: {  	v58 =	vmul.f32 v44, v18;
	v56 =	vunpack.i.u.bf16.f32 v23;
	v57 =	vadd.f32 v55, v25  }
0xad: {  	v59 =	vmul.f32 v44, v19;
	v21 =	vadd.f32 v56, v21  }
0xae: {  	v23 =	vadd.f32 v57, v58  }
0xaf: {  	v21 =	vadd.f32 v21, v59  }
0xb0: {  	[tilespmem:s30+$0xFFFFFEA0] =	vst v23  }
0xb1: {  	[tilespmem:s30+$0xFFFFFEB0] =	vst v21  }
0xb2: {  	v21 =	vld [tilespmem:s26+$0xFFFFFF60]  }
0xb3: {  	v60 =	vld [tilespmem:s28+$0xFFFFFF60];
	_ =	sdelay $0x1  }
0xb4: {  	v23 =	vld [tilespmem:s29+$0xFFFFFF60];
	_ =	sdelay $0x2  }
0xb5: {  	v61 =	vperm.xlane v20, v3;
	v62 =	vunpack.i.l.bf16.f32 v21;
	v63 =	vunpack.i.l.bf16.f32 v60  }
0xb6: {  	v21 =	vunpack.i.u.bf16.f32 v21;
	v22 =	vunpack.i.u.bf16.f32 v60;
	v25 =	vadd.f32 v63, v62  }
0xb7: {  	v28 =	vunpack.i.l.bf16.f32 v23;
	v21 =	vadd.f32 v22, v21  }
0xb8: {  	v31 =	vmul.f32 v61, v16;
	v29 =	vunpack.i.u.bf16.f32 v23;
	v30 =	vadd.f32 v28, v25  }
0xb9: {  	v32 =	vmul.f32 v61, v17;
	v21 =	vadd.f32 v29, v21  }
0xba: {  	v23 =	vadd.f32 v30, v31  }
0xbb: {  	v21 =	vadd.f32 v21, v32  }
0xbc: {  	[tilespmem:s30+$0xFFFFFEC0] =	vst v23  }
0xbd: {  	[tilespmem:s30+$0xFFFFFED0] =	vst v21  }
0xbe: {  	v21 =	vld [tilespmem:s26+$0xFFFFFF70]  }
0xbf: {  	v33 =	vld [tilespmem:s28+$0xFFFFFF70];
	_ =	sdelay $0x1  }
0xc0: {  	v23 =	vld [tilespmem:s29+$0xFFFFFF70];
	_ =	sdelay $0x2  }
0xc1: {  	v34 =	vunpack.i.l.bf16.f32 v21;
	v35 =	vunpack.i.l.bf16.f32 v33  }
0xc2: {  	v21 =	vunpack.i.u.bf16.f32 v21;
	v22 =	vunpack.i.u.bf16.f32 v33;
	v25 =	vadd.f32 v35, v34  }
0xc3: {  	v36 =	vunpack.i.l.bf16.f32 v23;
	v21 =	vadd.f32 v22, v21  }
0xc4: {  	v39 =	vmul.f32 v61, v18;
	v37 =	vunpack.i.u.bf16.f32 v23;
	v38 =	vadd.f32 v36, v25  }
0xc5: {  	v40 =	vmul.f32 v61, v19;
	v21 =	vadd.f32 v37, v21  }
0xc6: {  	v23 =	vadd.f32 v38, v39  }
0xc7: {  	v21 =	vadd.f32 v21, v40  }
0xc8: {  	[tilespmem:s30+$0xFFFFFEE0] =	vst v23  }
0xc9: {  	[tilespmem:s30+$0xFFFFFEF0] =	vst v21  }
0xca: {  	v21 =	vld [tilespmem:s26+$0xFFFFFF80]  }
0xcb: {  	v41 =	vld [tilespmem:s28+$0xFFFFFF80];
	_ =	sdelay $0x1  }
0xcc: {  	v23 =	vld [tilespmem:s29+$0xFFFFFF80];
	_ =	sdelay $0x2  }
0xcd: {  	v42 =	vperm.xlane v20, v4;
	v43 =	vunpack.i.l.bf16.f32 v21;
	v44 =	vunpack.i.l.bf16.f32 v41  }
0xce: {  	v21 =	vunpack.i.u.bf16.f32 v21;
	v22 =	vunpack.i.u.bf16.f32 v41;
	v25 =	vadd.f32 v44, v43  }
0xcf: {  	v45 =	vunpack.i.l.bf16.f32 v23;
	v21 =	vadd.f32 v22, v21  }
0xd0: {  	v48 =	vmul.f32 v42, v16;
	v46 =	vunpack.i.u.bf16.f32 v23;
	v47 =	vadd.f32 v45, v25  }
0xd1: {  	v49 =	vmul.f32 v42, v17;
	v21 =	vadd.f32 v46, v21  }
0xd2: {  	v23 =	vadd.f32 v47, v48  }
0xd3: {  	v21 =	vadd.f32 v21, v49  }
0xd4: {  	[tilespmem:s30+$0xFFFFFF00] =	vst v23  }
0xd5: {  	[tilespmem:s30+$0xFFFFFF10] =	vst v21  }
0xd6: {  	v21 =	vld [tilespmem:s26+$0xFFFFFF90]  }
0xd7: {  	v50 =	vld [tilespmem:s28+$0xFFFFFF90];
	_ =	sdelay $0x1  }
0xd8: {  	v23 =	vld [tilespmem:s29+$0xFFFFFF90];
	_ =	sdelay $0x2  }
0xd9: {  	v51 =	vunpack.i.l.bf16.f32 v21;
	v52 =	vunpack.i.l.bf16.f32 v50  }
0xda: {  	v21 =	vunpack.i.u.bf16.f32 v21;
	v22 =	vunpack.i.u.bf16.f32 v50;
	v25 =	vadd.f32 v52, v51  }
0xdb: {  	v53 =	vunpack.i.l.bf16.f32 v23;
	v21 =	vadd.f32 v22, v21  }
0xdc: {  	v56 =	vmul.f32 v42, v18;
	v54 =	vunpack.i.u.bf16.f32 v23;
	v55 =	vadd.f32 v53, v25  }
0xdd: {  	v57 =	vmul.f32 v42, v19;
	v21 =	vadd.f32 v54, v21  }
0xde: {  	v23 =	vadd.f32 v55, v56  }
0xdf: {  	v21 =	vadd.f32 v21, v57  }
0xe0: {  	[tilespmem:s30+$0xFFFFFF20] =	vst v23  }
0xe1: {  	[tilespmem:s30+$0xFFFFFF30] =	vst v21  }
0xe2: {  	v21 =	vld [tilespmem:s26+$0xFFFFFFA0]  }
0xe3: {  	v58 =	vld [tilespmem:s28+$0xFFFFFFA0];
	_ =	sdelay $0x1  }
0xe4: {  	v23 =	vld [tilespmem:s29+$0xFFFFFFA0];
	_ =	sdelay $0x2  }
0xe5: {  	v59 =	vperm.xlane v20, v5;
	v60 =	vunpack.i.l.bf16.f32 v21;
	v61 =	vunpack.i.l.bf16.f32 v58  }
0xe6: {  	v21 =	vunpack.i.u.bf16.f32 v21;
	v22 =	vunpack.i.u.bf16.f32 v58;
	v25 =	vadd.f32 v61, v60  }
0xe7: {  	v62 =	vunpack.i.l.bf16.f32 v23;
	v21 =	vadd.f32 v22, v21  }
0xe8: {  	v29 =	vmul.f32 v59, v16;
	v63 =	vunpack.i.u.bf16.f32 v23;
	v28 =	vadd.f32 v62, v25  }
0xe9: {  	v30 =	vmul.f32 v59, v17;
	v21 =	vadd.f32 v63, v21  }
0xea: {  	v23 =	vadd.f32 v28, v29  }
0xeb: {  	v21 =	vadd.f32 v21, v30  }
0xec: {  	[tilespmem:s30+$0xFFFFFF40] =	vst v23  }
0xed: {  	[tilespmem:s30+$0xFFFFFF50] =	vst v21  }
0xee: {  	v21 =	vld [tilespmem:s26+$0xFFFFFFB0]  }
0xef: {  	v31 =	vld [tilespmem:s28+$0xFFFFFFB0];
	_ =	sdelay $0x1  }
0xf0: {  	v23 =	vld [tilespmem:s29+$0xFFFFFFB0];
	_ =	sdelay $0x2  }
0xf1: {  	v32 =	vunpack.i.l.bf16.f32 v21;
	v33 =	vunpack.i.l.bf16.f32 v31  }
0xf2: {  	v21 =	vunpack.i.u.bf16.f32 v21;
	v22 =	vunpack.i.u.bf16.f32 v31;
	v25 =	vadd.f32 v33, v32  }
0xf3: {  	v34 =	vunpack.i.l.bf16.f32 v23;
	v21 =	vadd.f32 v22, v21  }
0xf4: {  	v37 =	vmul.f32 v59, v18;
	v35 =	vunpack.i.u.bf16.f32 v23;
	v36 =	vadd.f32 v34, v25  }
0xf5: {  	v38 =	vmul.f32 v59, v19;
	v21 =	vadd.f32 v35, v21  }
0xf6: {  	v23 =	vadd.f32 v36, v37  }
0xf7: {  	v21 =	vadd.f32 v21, v38  }
0xf8: {  	[tilespmem:s30+$0xFFFFFF60] =	vst v23  }
0xf9: {  	[tilespmem:s30+$0xFFFFFF70] =	vst v21  }
0xfa: {  	v21 =	vld [tilespmem:s26+$0xFFFFFFC0]  }
0xfb: {  	v39 =	vld [tilespmem:s28+$0xFFFFFFC0];
	_ =	sdelay $0x1  }
0xfc: {  	v23 =	vld [tilespmem:s29+$0xFFFFFFC0];
	_ =	sdelay $0x2  }
0xfd: {  	v40 =	vperm.xlane v20, v6;
	v41 =	vunpack.i.l.bf16.f32 v21;
	v42 =	vunpack.i.l.bf16.f32 v39  }
0xfe: {  	v21 =	vunpack.i.u.bf16.f32 v21;
	v22 =	vunpack.i.u.bf16.f32 v39;
	v25 =	vadd.f32 v42, v41  }
0xff: {  	v43 =	vunpack.i.l.bf16.f32 v23;
	v21 =	vadd.f32 v22, v21  }
0x100: {  	v46 =	vmul.f32 v40, v16;
	v44 =	vunpack.i.u.bf16.f32 v23;
	v45 =	vadd.f32 v43, v25  }
0x101: {  	v47 =	vmul.f32 v40, v17;
	v21 =	vadd.f32 v44, v21  }
0x102: {  	v23 =	vadd.f32 v45, v46  }
0x103: {  	v21 =	vadd.f32 v21, v47  }
0x104: {  	[tilespmem:s30+$0xFFFFFF80] =	vst v23  }
0x105: {  	[tilespmem:s30+$0xFFFFFF90] =	vst v21  }
0x106: {  	v21 =	vld [tilespmem:s26+$0xFFFFFFD0]  }
0x107: {  	v48 =	vld [tilespmem:s28+$0xFFFFFFD0];
	_ =	sdelay $0x1  }
0x108: {  	v23 =	vld [tilespmem:s29+$0xFFFFFFD0];
	_ =	sdelay $0x2  }
0x109: {  	v49 =	vunpack.i.l.bf16.f32 v21;
	v50 =	vunpack.i.l.bf16.f32 v48  }
0x10a: {  	v21 =	vunpack.i.u.bf16.f32 v21;
	v22 =	vunpack.i.u.bf16.f32 v48;
	v25 =	vadd.f32 v50, v49  }
0x10b: {  	v51 =	vunpack.i.l.bf16.f32 v23;
	v21 =	vadd.f32 v22, v21  }
0x10c: {  	v54 =	vmul.f32 v40, v18;
	v52 =	vunpack.i.u.bf16.f32 v23;
	v53 =	vadd.f32 v51, v25  }
0x10d: {  	v55 =	vmul.f32 v40, v19;
	v21 =	vadd.f32 v52, v21  }
0x10e: {  	v23 =	vadd.f32 v53, v54  }
0x10f: {  	v21 =	vadd.f32 v21, v55  }
0x110: {  	[tilespmem:s30+$0xFFFFFFA0] =	vst v23  }
0x111: {  	[tilespmem:s30+$0xFFFFFFB0] =	vst v21  }
0x112: {  	v21 =	vld [tilespmem:s26+$0xFFFFFFE0]  }
0x113: {  	v56 =	vld [tilespmem:s28+$0xFFFFFFE0];
	_ =	sdelay $0x1  }
0x114: {  	v23 =	vld [tilespmem:s29+$0xFFFFFFE0];
	_ =	sdelay $0x2  }
0x115: {  	v57 =	vperm.xlane v20, v7;
	v58 =	vunpack.i.l.bf16.f32 v21;
	v59 =	vunpack.i.l.bf16.f32 v56  }
0x116: {  	v21 =	vunpack.i.u.bf16.f32 v21;
	v22 =	vunpack.i.u.bf16.f32 v56;
	v25 =	vadd.f32 v59, v58  }
0x117: {  	v60 =	vunpack.i.l.bf16.f32 v23;
	v21 =	vadd.f32 v22, v21  }
0x118: {  	v63 =	vmul.f32 v57, v16;
	v61 =	vunpack.i.u.bf16.f32 v23;
	v62 =	vadd.f32 v60, v25  }
0x119: {  	v28 =	vmul.f32 v57, v17;
	v21 =	vadd.f32 v61, v21  }
0x11a: {  	v23 =	vadd.f32 v62, v63  }
0x11b: {  	v21 =	vadd.f32 v21, v28  }
0x11c: {  	[tilespmem:s30+$0xFFFFFFC0] =	vst v23  }
0x11d: {  	[tilespmem:s30+$0xFFFFFFD0] =	vst v21  }
0x11e: {  	v21 =	vld [tilespmem:s26+$0xFFFFFFF0]  }
0x11f: {  	v29 =	vld [tilespmem:s28+$0xFFFFFFF0];
	_ =	sdelay $0x1  }
0x120: {  	v23 =	vld [tilespmem:s29+$0xFFFFFFF0];
	_ =	sdelay $0x2  }
0x121: {  	v30 =	vunpack.i.l.bf16.f32 v21;
	v31 =	vunpack.i.l.bf16.f32 v29  }
0x122: {  	v21 =	vunpack.i.u.bf16.f32 v21;
	v22 =	vunpack.i.u.bf16.f32 v29;
	v25 =	vadd.f32 v31, v30  }
0x123: {  	v32 =	vunpack.i.l.bf16.f32 v23;
	v21 =	vadd.f32 v22, v21  }
0x124: {  	v35 =	vmul.f32 v57, v18;
	v33 =	vunpack.i.u.bf16.f32 v23;
	v34 =	vadd.f32 v32, v25  }
0x125: {  	v36 =	vmul.f32 v57, v19;
	v21 =	vadd.f32 v33, v21  }
0x126: {  	v23 =	vadd.f32 v34, v35  }
0x127: {  	v21 =	vadd.f32 v21, v36  }
0x128: {  	[tilespmem:s30+$0xFFFFFFE0] =	vst v23  }
0x129: {  	[tilespmem:s30+$0xFFFFFFF0] =	vst v21  }
0x12a: {  	v21 =	vld [tilespmem:s26+$0x0]  }
0x12b: {  	v37 =	vld [tilespmem:s28+$0x0];
	_ =	sdelay $0x1  }
0x12c: {  	v23 =	vld [tilespmem:s29+$0x0];
	_ =	sdelay $0x2  }
0x12d: {  	v38 =	vperm.xlane v20, v8;
	v39 =	vunpack.i.l.bf16.f32 v21;
	v40 =	vunpack.i.l.bf16.f32 v37  }
0x12e: {  	v21 =	vunpack.i.u.bf16.f32 v21;
	v22 =	vunpack.i.u.bf16.f32 v37;
	v25 =	vadd.f32 v40, v39  }
0x12f: {  	v41 =	vunpack.i.l.bf16.f32 v23;
	v21 =	vadd.f32 v22, v21  }
0x130: {  	v44 =	vmul.f32 v38, v16;
	v42 =	vunpack.i.u.bf16.f32 v23;
	v43 =	vadd.f32 v41, v25  }
0x131: {  	v45 =	vmul.f32 v38, v17;
	v21 =	vadd.f32 v42, v21  }
0x132: {  	v23 =	vadd.f32 v43, v44  }
0x133: {  	v21 =	vadd.f32 v21, v45  }
0x134: {  	[tilespmem:s30+$0x0] =	vst v23  }
0x135: {  	[tilespmem:s30+$0x10] =	vst v21  }
0x136: {  	v21 =	vld [tilespmem:s26+$0x10]  }
0x137: {  	v46 =	vld [tilespmem:s28+$0x10];
	_ =	sdelay $0x1  }
0x138: {  	v23 =	vld [tilespmem:s29+$0x10];
	_ =	sdelay $0x2  }
0x139: {  	v47 =	vunpack.i.l.bf16.f32 v21;
	v48 =	vunpack.i.l.bf16.f32 v46  }
0x13a: {  	v21 =	vunpack.i.u.bf16.f32 v21;
	v22 =	vunpack.i.u.bf16.f32 v46;
	v25 =	vadd.f32 v48, v47  }
0x13b: {  	v49 =	vunpack.i.l.bf16.f32 v23;
	v21 =	vadd.f32 v22, v21  }
0x13c: {  	v52 =	vmul.f32 v38, v18;
	v50 =	vunpack.i.u.bf16.f32 v23;
	v51 =	vadd.f32 v49, v25  }
0x13d: {  	v53 =	vmul.f32 v38, v19;
	v21 =	vadd.f32 v50, v21  }
0x13e: {  	v23 =	vadd.f32 v51, v52  }
0x13f: {  	v21 =	vadd.f32 v21, v53  }
0x140: {  	[tilespmem:s30+$0x20] =	vst v23  }
0x141: {  	[tilespmem:s30+$0x30] =	vst v21  }
0x142: {  	v21 =	vld [tilespmem:s26+$0x20]  }
0x143: {  	v54 =	vld [tilespmem:s28+$0x20];
	_ =	sdelay $0x1  }
0x144: {  	v23 =	vld [tilespmem:s29+$0x20];
	_ =	sdelay $0x2  }
0x145: {  	v55 =	vperm.xlane v20, v9;
	v56 =	vunpack.i.l.bf16.f32 v21;
	v57 =	vunpack.i.l.bf16.f32 v54  }
0x146: {  	v21 =	vunpack.i.u.bf16.f32 v21;
	v22 =	vunpack.i.u.bf16.f32 v54;
	v25 =	vadd.f32 v57, v56  }
0x147: {  	v58 =	vunpack.i.l.bf16.f32 v23;
	v21 =	vadd.f32 v22, v21  }
0x148: {  	v61 =	vmul.f32 v55, v16;
	v59 =	vunpack.i.u.bf16.f32 v23;
	v60 =	vadd.f32 v58, v25  }
0x149: {  	v62 =	vmul.f32 v55, v17;
	v21 =	vadd.f32 v59, v21  }
0x14a: {  	v23 =	vadd.f32 v60, v61  }
0x14b: {  	v21 =	vadd.f32 v21, v62  }
0x14c: {  	[tilespmem:s30+$0x40] =	vst v23  }
0x14d: {  	[tilespmem:s30+$0x50] =	vst v21  }
0x14e: {  	v21 =	vld [tilespmem:s26+$0x30]  }
0x14f: {  	v63 =	vld [tilespmem:s28+$0x30];
	_ =	sdelay $0x1  }
0x150: {  	v23 =	vld [tilespmem:s29+$0x30];
	_ =	sdelay $0x2  }
0x151: {  	v28 =	vunpack.i.l.bf16.f32 v21;
	v29 =	vunpack.i.l.bf16.f32 v63  }
0x152: {  	v21 =	vunpack.i.u.bf16.f32 v21;
	v22 =	vunpack.i.u.bf16.f32 v63;
	v25 =	vadd.f32 v29, v28  }
0x153: {  	v30 =	vunpack.i.l.bf16.f32 v23;
	v21 =	vadd.f32 v22, v21  }
0x154: {  	v33 =	vmul.f32 v55, v18;
	v31 =	vunpack.i.u.bf16.f32 v23;
	v32 =	vadd.f32 v30, v25  }
0x155: {  	v34 =	vmul.f32 v55, v19;
	v21 =	vadd.f32 v31, v21  }
0x156: {  	v23 =	vadd.f32 v32, v33  }
0x157: {  	v21 =	vadd.f32 v21, v34  }
0x158: {  	[tilespmem:s30+$0x60] =	vst v23  }
0x159: {  	[tilespmem:s30+$0x70] =	vst v21  }
0x15a: {  	v21 =	vld [tilespmem:s26+$0x40]  }
0x15b: {  	v35 =	vld [tilespmem:s28+$0x40];
	_ =	sdelay $0x1  }
0x15c: {  	v23 =	vld [tilespmem:s29+$0x40];
	_ =	sdelay $0x2  }
0x15d: {  	v36 =	vperm.xlane v20, v10;
	v37 =	vunpack.i.l.bf16.f32 v21;
	v38 =	vunpack.i.l.bf16.f32 v35  }
0x15e: {  	v21 =	vunpack.i.u.bf16.f32 v21;
	v22 =	vunpack.i.u.bf16.f32 v35;
	v25 =	vadd.f32 v38, v37  }
0x15f: {  	v39 =	vunpack.i.l.bf16.f32 v23;
	v21 =	vadd.f32 v22, v21  }
0x160: {  	v42 =	vmul.f32 v36, v16;
	v40 =	vunpack.i.u.bf16.f32 v23;
	v41 =	vadd.f32 v39, v25  }
0x161: {  	v43 =	vmul.f32 v36, v17;
	v21 =	vadd.f32 v40, v21  }
0x162: {  	v23 =	vadd.f32 v41, v42  }
0x163: {  	v21 =	vadd.f32 v21, v43  }
0x164: {  	[tilespmem:s30+$0x80] =	vst v23  }
0x165: {  	[tilespmem:s30+$0x90] =	vst v21  }
0x166: {  	v21 =	vld [tilespmem:s26+$0x50]  }
0x167: {  	v44 =	vld [tilespmem:s28+$0x50];
	_ =	sdelay $0x1  }
0x168: {  	v23 =	vld [tilespmem:s29+$0x50];
	_ =	sdelay $0x2  }
0x169: {  	v45 =	vunpack.i.l.bf16.f32 v21;
	v46 =	vunpack.i.l.bf16.f32 v44  }
0x16a: {  	v21 =	vunpack.i.u.bf16.f32 v21;
	v22 =	vunpack.i.u.bf16.f32 v44;
	v25 =	vadd.f32 v46, v45  }
0x16b: {  	v47 =	vunpack.i.l.bf16.f32 v23;
	v21 =	vadd.f32 v22, v21  }
0x16c: {  	v50 =	vmul.f32 v36, v18;
	v48 =	vunpack.i.u.bf16.f32 v23;
	v49 =	vadd.f32 v47, v25  }
0x16d: {  	v51 =	vmul.f32 v36, v19;
	v21 =	vadd.f32 v48, v21  }
0x16e: {  	v23 =	vadd.f32 v49, v50  }
0x16f: {  	v21 =	vadd.f32 v21, v51  }
0x170: {  	[tilespmem:s30+$0xA0] =	vst v23  }
0x171: {  	[tilespmem:s30+$0xB0] =	vst v21  }
0x172: {  	v21 =	vld [tilespmem:s26+$0x60]  }
0x173: {  	v52 =	vld [tilespmem:s28+$0x60];
	_ =	sdelay $0x1  }
0x174: {  	v23 =	vld [tilespmem:s29+$0x60];
	_ =	sdelay $0x2  }
0x175: {  	v53 =	vperm.xlane v20, v11;
	v54 =	vunpack.i.l.bf16.f32 v21;
	v55 =	vunpack.i.l.bf16.f32 v52  }
0x176: {  	v21 =	vunpack.i.u.bf16.f32 v21;
	v22 =	vunpack.i.u.bf16.f32 v52;
	v25 =	vadd.f32 v55, v54  }
0x177: {  	v56 =	vunpack.i.l.bf16.f32 v23;
	v21 =	vadd.f32 v22, v21  }
0x178: {  	v59 =	vmul.f32 v53, v16;
	v57 =	vunpack.i.u.bf16.f32 v23;
	v58 =	vadd.f32 v56, v25  }
0x179: {  	v60 =	vmul.f32 v53, v17;
	v21 =	vadd.f32 v57, v21  }
0x17a: {  	v23 =	vadd.f32 v58, v59  }
0x17b: {  	v21 =	vadd.f32 v21, v60  }
0x17c: {  	[tilespmem:s30+$0xC0] =	vst v23  }
0x17d: {  	[tilespmem:s30+$0xD0] =	vst v21  }
0x17e: {  	v21 =	vld [tilespmem:s26+$0x70]  }
0x17f: {  	v61 =	vld [tilespmem:s28+$0x70];
	_ =	sdelay $0x1  }
0x180: {  	v23 =	vld [tilespmem:s29+$0x70];
	_ =	sdelay $0x2  }
0x181: {  	v62 =	vunpack.i.l.bf16.f32 v21;
	v63 =	vunpack.i.l.bf16.f32 v61  }
0x182: {  	v21 =	vunpack.i.u.bf16.f32 v21;
	v22 =	vunpack.i.u.bf16.f32 v61;
	v25 =	vadd.f32 v63, v62  }
0x183: {  	v28 =	vunpack.i.l.bf16.f32 v23;
	v21 =	vadd.f32 v22, v21  }
0x184: {  	v31 =	vmul.f32 v53, v18;
	v29 =	vunpack.i.u.bf16.f32 v23;
	v30 =	vadd.f32 v28, v25  }
0x185: {  	v32 =	vmul.f32 v53, v19;
	v21 =	vadd.f32 v29, v21  }
0x186: {  	v23 =	vadd.f32 v30, v31  }
0x187: {  	v21 =	vadd.f32 v21, v32  }
0x188: {  	[tilespmem:s30+$0xE0] =	vst v23  }
0x189: {  	[tilespmem:s30+$0xF0] =	vst v21  }
0x18a: {  	v21 =	vld [tilespmem:s26+$0x80]  }
0x18b: {  	v33 =	vld [tilespmem:s28+$0x80];
	_ =	sdelay $0x1  }
0x18c: {  	v23 =	vld [tilespmem:s29+$0x80];
	_ =	sdelay $0x2  }
0x18d: {  	v34 =	vperm.xlane v20, v12;
	v35 =	vunpack.i.l.bf16.f32 v21;
	v36 =	vunpack.i.l.bf16.f32 v33  }
0x18e: {  	v21 =	vunpack.i.u.bf16.f32 v21;
	v22 =	vunpack.i.u.bf16.f32 v33;
	v25 =	vadd.f32 v36, v35  }
0x18f: {  	v37 =	vunpack.i.l.bf16.f32 v23;
	v21 =	vadd.f32 v22, v21  }
0x190: {  	v40 =	vmul.f32 v34, v16;
	v38 =	vunpack.i.u.bf16.f32 v23;
	v39 =	vadd.f32 v37, v25  }
0x191: {  	v41 =	vmul.f32 v34, v17;
	v21 =	vadd.f32 v38, v21  }
0x192: {  	v23 =	vadd.f32 v39, v40  }
0x193: {  	v21 =	vadd.f32 v21, v41  }
0x194: {  	[tilespmem:s30+$0x100] =	vst v23  }
0x195: {  	[tilespmem:s30+$0x110] =	vst v21  }
0x196: {  	v21 =	vld [tilespmem:s26+$0x90]  }
0x197: {  	v42 =	vld [tilespmem:s28+$0x90];
	_ =	sdelay $0x1  }
0x198: {  	v23 =	vld [tilespmem:s29+$0x90];
	_ =	sdelay $0x2  }
0x199: {  	v43 =	vunpack.i.l.bf16.f32 v21;
	v44 =	vunpack.i.l.bf16.f32 v42  }
0x19a: {  	v21 =	vunpack.i.u.bf16.f32 v21;
	v22 =	vunpack.i.u.bf16.f32 v42;
	v25 =	vadd.f32 v44, v43  }
0x19b: {  	v45 =	vunpack.i.l.bf16.f32 v23;
	v21 =	vadd.f32 v22, v21  }
0x19c: {  	v48 =	vmul.f32 v34, v18;
	v46 =	vunpack.i.u.bf16.f32 v23;
	v47 =	vadd.f32 v45, v25  }
0x19d: {  	v49 =	vmul.f32 v34, v19;
	v21 =	vadd.f32 v46, v21  }
0x19e: {  	v23 =	vadd.f32 v47, v48  }
0x19f: {  	v21 =	vadd.f32 v21, v49  }
0x1a0: {  	[tilespmem:s30+$0x120] =	vst v23  }
0x1a1: {  	[tilespmem:s30+$0x130] =	vst v21  }
0x1a2: {  	v21 =	vld [tilespmem:s26+$0xA0]  }
0x1a3: {  	v50 =	vld [tilespmem:s28+$0xA0];
	_ =	sdelay $0x1  }
0x1a4: {  	v23 =	vld [tilespmem:s29+$0xA0];
	_ =	sdelay $0x2  }
0x1a5: {  	v51 =	vperm.xlane v20, v13;
	v52 =	vunpack.i.l.bf16.f32 v21;
	v53 =	vunpack.i.l.bf16.f32 v50  }
0x1a6: {  	v21 =	vunpack.i.u.bf16.f32 v21;
	v22 =	vunpack.i.u.bf16.f32 v50;
	v25 =	vadd.f32 v53, v52  }
0x1a7: {  	v54 =	vunpack.i.l.bf16.f32 v23;
	v21 =	vadd.f32 v22, v21  }
0x1a8: {  	v57 =	vmul.f32 v51, v16;
	v55 =	vunpack.i.u.bf16.f32 v23;
	v56 =	vadd.f32 v54, v25  }
0x1a9: {  	v58 =	vmul.f32 v51, v17;
	v21 =	vadd.f32 v55, v21  }
0x1aa: {  	v23 =	vadd.f32 v56, v57  }
0x1ab: {  	v21 =	vadd.f32 v21, v58  }
0x1ac: {  	[tilespmem:s30+$0x140] =	vst v23  }
0x1ad: {  	[tilespmem:s30+$0x150] =	vst v21  }
0x1ae: {  	v21 =	vld [tilespmem:s26+$0xB0]  }
0x1af: {  	v59 =	vld [tilespmem:s28+$0xB0];
	_ =	sdelay $0x1  }
0x1b0: {  	v23 =	vld [tilespmem:s29+$0xB0];
	_ =	sdelay $0x2  }
0x1b1: {  	v60 =	vunpack.i.l.bf16.f32 v21;
	v61 =	vunpack.i.l.bf16.f32 v59  }
0x1b2: {  	v21 =	vunpack.i.u.bf16.f32 v21;
	v22 =	vunpack.i.u.bf16.f32 v59;
	v25 =	vadd.f32 v61, v60  }
0x1b3: {  	v62 =	vunpack.i.l.bf16.f32 v23;
	v21 =	vadd.f32 v22, v21  }
0x1b4: {  	v29 =	vmul.f32 v51, v18;
	v63 =	vunpack.i.u.bf16.f32 v23;
	v28 =	vadd.f32 v62, v25  }
0x1b5: {  	v30 =	vmul.f32 v51, v19;
	v21 =	vadd.f32 v63, v21  }
0x1b6: {  	v23 =	vadd.f32 v28, v29  }
0x1b7: {  	v21 =	vadd.f32 v21, v30  }
0x1b8: {  	[tilespmem:s30+$0x160] =	vst v23  }
0x1b9: {  	[tilespmem:s30+$0x170] =	vst v21  }
0x1ba: {  	v21 =	vld [tilespmem:s26+$0xC0]  }
0x1bb: {  	v31 =	vld [tilespmem:s28+$0xC0];
	_ =	sdelay $0x1  }
0x1bc: {  	v23 =	vld [tilespmem:s29+$0xC0];
	_ =	sdelay $0x2  }
0x1bd: {  	v32 =	vperm.xlane v20, v14;
	v33 =	vunpack.i.l.bf16.f32 v21;
	v34 =	vunpack.i.l.bf16.f32 v31  }
0x1be: {  	v21 =	vunpack.i.u.bf16.f32 v21;
	v22 =	vunpack.i.u.bf16.f32 v31;
	v25 =	vadd.f32 v34, v33  }
0x1bf: {  	v35 =	vunpack.i.l.bf16.f32 v23;
	v21 =	vadd.f32 v22, v21  }
0x1c0: {  	v38 =	vmul.f32 v32, v16;
	v36 =	vunpack.i.u.bf16.f32 v23;
	v37 =	vadd.f32 v35, v25  }
0x1c1: {  	v39 =	vmul.f32 v32, v17;
	v21 =	vadd.f32 v36, v21  }
0x1c2: {  	v23 =	vadd.f32 v37, v38  }
0x1c3: {  	v21 =	vadd.f32 v21, v39  }
0x1c4: {  	[tilespmem:s30+$0x180] =	vst v23  }
0x1c5: {  	[tilespmem:s30+$0x190] =	vst v21  }
0x1c6: {  	v21 =	vld [tilespmem:s26+$0xD0]  }
0x1c7: {  	v40 =	vld [tilespmem:s28+$0xD0];
	_ =	sdelay $0x1  }
0x1c8: {  	v23 =	vld [tilespmem:s29+$0xD0];
	_ =	sdelay $0x2  }
0x1c9: {  	v41 =	vunpack.i.l.bf16.f32 v21;
	v42 =	vunpack.i.l.bf16.f32 v40  }
0x1ca: {  	v21 =	vunpack.i.u.bf16.f32 v21;
	v22 =	vunpack.i.u.bf16.f32 v40;
	v25 =	vadd.f32 v42, v41  }
0x1cb: {  	v43 =	vunpack.i.l.bf16.f32 v23;
	v21 =	vadd.f32 v22, v21  }
0x1cc: {  	v46 =	vmul.f32 v32, v18;
	v44 =	vunpack.i.u.bf16.f32 v23;
	v45 =	vadd.f32 v43, v25  }
0x1cd: {  	v47 =	vmul.f32 v32, v19;
	v21 =	vadd.f32 v44, v21  }
0x1ce: {  	v23 =	vadd.f32 v45, v46  }
0x1cf: {  	v21 =	vadd.f32 v21, v47  }
0x1d0: {  	[tilespmem:s30+$0x1A0] =	vst v23  }
0x1d1: {  	[tilespmem:s30+$0x1B0] =	vst v21  }
0x1d2: {  	v21 =	vld [tilespmem:s26+$0xE0]  }
0x1d3: {  	v48 =	vld [tilespmem:s28+$0xE0];
	_ =	sdelay $0x1  }
0x1d4: {  	v23 =	vld [tilespmem:s29+$0xE0];
	_ =	sdelay $0x2  }
0x1d5: {  	v20 =	vperm.xlane v20, v15;
	v49 =	vunpack.i.l.bf16.f32 v21;
	v50 =	vunpack.i.l.bf16.f32 v48  }
0x1d6: {  	v21 =	vunpack.i.u.bf16.f32 v21;
	v22 =	vunpack.i.u.bf16.f32 v48;
	v24 =	vadd.f32 v50, v49  }
0x1d7: {  	v51 =	vunpack.i.l.bf16.f32 v23;
	v21 =	vadd.f32 v22, v21  }
0x1d8: {  	v54 =	vmul.f32 v20, v16;
	v52 =	vunpack.i.u.bf16.f32 v23;
	v53 =	vadd.f32 v51, v24  }
0x1d9: {  	v55 =	vmul.f32 v20, v17;
	v21 =	vadd.f32 v52, v21  }
0x1da: {  	v23 =	vadd.f32 v53, v54  }
0x1db: {  	v21 =	vadd.f32 v21, v55  }
0x1dc: {  	[tilespmem:s30+$0x1C0] =	vst v23  }
0x1dd: {  	[tilespmem:s30+$0x1D0] =	vst v21  }
0x1de: {  	v21 =	vld [tilespmem:s26+$0xF0]  }
0x1df: {  	v56 =	vld [tilespmem:s28+$0xF0];
	_ =	sdelay $0x1  }
0x1e0: {  	v23 =	vld [tilespmem:s29+$0xF0];
	_ =	sdelay $0x2  }
0x1e1: {  	v57 =	vunpack.i.l.bf16.f32 v21;
	v58 =	vunpack.i.l.bf16.f32 v56  }
0x1e2: {  	v21 =	vunpack.i.u.bf16.f32 v21;
	v22 =	vunpack.i.u.bf16.f32 v56;
	v24 =	vadd.f32 v58, v57  }
0x1e3: {  	v59 =	vunpack.i.l.bf16.f32 v23;
	v21 =	vadd.f32 v22, v21  }
0x1e4: {  	p2 =	sne.s32 s31, $0x3C0;
	v62 =	vmul.f32 v20, v18;
	v60 =	vunpack.i.u.bf16.f32 v23;
	v61 =	vadd.f32 v59, v24  }
.Ltmp2:
0x1e5: {  	v20 =	vmul.f32 v20, v19;
	v21 =	vadd.f32 v60, v21;
	(pc) =	sbr.rel @p2 .LBB2_3-.Ltmp2, $4  }
0x1e6: {  	v63 =	vadd.f32 v61, v62  }
0x1e7: {  	v20 =	vadd.f32 v21, v20  }
0x1e8: {  	s25 =	sadd.s32 $0x10, s25;
	s31 =	sadd.s32 $0x40, s31;
	s26 =	sadd.s32 $0x200, s26;
	[tilespmem:s30+$0x1E0] =	vst v63  }
0x1e9: {  	s28 =	sadd.s32 $0x200, s28;
	s29 =	sadd.s32 $0x200, s29;
	[tilespmem:s30+$0x1F0] =	vst v20;
	s30 =	sadd.s32 $0x400, s30  }
0x1ea: {  	s0 =	sshll.u32 s13, $0xF  }
0x1eb: {  	s0 =	sadd.s32 s15, s0  }
0x1ec: {  	s18 =	rddreg [dreg:$0x1];
	s0 =	sshrl.u32 s0, $0x3  }
0x1ed: {  	s31 =	simm.s32 $0xC800;
	s0 =	sadd.s32 s18, s0  }
0x1ee: {  	[hbm4b:s0+s3] =	stream.linear.scatter [tilespmem:s31], [sflag:$0x3], $0x4000, $0x38;
	[tilespmem:$0x14840] =	vst v63  }
0x1ef: {  	s18 =	simm.s32 @!p0 $0x0;
	s0 =	sadd.s32 @!p0 s5, s19;
	s19 =	simm.s32 @!p0 $0x600  }
0x1f0: {  	[tilespmem:s19], [sflag:$0x7] =	stream.linear.gather @!p0 [hbm4b:s0+s18], $0x100, $0x38;
	[tilespmem:$0x14840] =	vst v63  }
0x1f1: {  	_ =	swait.ge [sflag:s21], $0x1000  }
0x1f2: {  	[sflag:s21] =	ssyncset.done $0x0  }
0x1f3: {  	[sflag:s21] =	ssyncadd.s32 $0xFFFFF000  }
0x1f4: {  	_ =	swait.ge [sflag:s21], $0x1000  }
0x1f5: {  	[sflag:s21] =	ssyncset.done $0x0  }
0x1f6: {  	[sflag:s21] =	ssyncadd.s32 $0xFFFFF000  }
0x1f7: {  	_ =	swait.ge [sflag:s21], $0x1000  }
0x1f8: {  	[sflag:s21] =	ssyncset.done $0x0  }
0x1f9: {  	[sflag:s21] =	ssyncadd.s32 $0xFFFFF000  }
0x1fa: {  	_ =	swait.ge [sflag:s21], $0x1000  }
0x1fb: {  	[sflag:s21] =	ssyncset.done $0x0  }
0x1fc: {  	[sflag:s21] =	ssyncadd.s32 $0xFFFFF000  }
0x1fd: {  	p2 =	sne.s32 s13, $0x31;
	_ =	swait.ge [sflag:s21], $0x1000  }
.Ltmp3:
0x1fe: {  	[sflag:s21] =	ssyncset.done $0x0;
	(pc) =	sbr.rel @p2 .LBB2_6-.Ltmp3, $4  }
0x1ff: {  	[sflag:s21] =	ssyncadd.s32 $0xFFFFF000  }
0x200: {  	_ =	swait.ge [sflag:s21], $0x1000  }
0x201: {  	[sflag:s21] =	ssyncset.done $0x0  }
0x202: {  	[sflag:s21] =	ssyncadd.s32 $0xFFFFF000  }
.Ltmp4:
0x203: {  	(pc) =	sbr.rel .LBB2_7-.Ltmp4, $4  }
0x204: {  	_ = 	snop  }
0x205: {  	_ =	swait.ge [sflag:s1], $0x100  }
0x206: {  	[sflag:s1] =	ssyncset.done $0x0  }
0x207: {  	s16 =	simm.s32 $0x65;
	[sflag:s1] =	ssyncadd.s32 $0xFFFFFF00  }
.LBB2_6:
0x208: {  	_ =	swait.ge [sflag:s23], $0x300  }
0x209: {  	[sflag:s23] =	ssyncset.done $0x0  }
0x20a: {  	s0 =	simm.s32 $0x800;
	[sflag:s23] =	ssyncadd.s32 $0xFFFFFD00  }
0x20b: {  	[tilespmem:s0], [sflag:$0x1] =	stream.indirect.gather [hbm4b:s6+s24], $0x20, s3, s24, $0xb8;
	[tilespmem:$0x14840] =	vst v63  }
0x20c: {  	s30 =	simm.s32 $0x4800  }
0x20d: {  	[tilespmem:s30], [sflag:$0x1] =	stream.indirect.gather [hbm4b:s7+s24], $0x20, s20, s24, $0xb8;
	[tilespmem:$0x14840] =	vst v63  }
0x20e: {  	s31 =	simm.s32 $0x200;
	s18 =	simm.s32 $0x8800;
	s16 =	sadd.s32 $0x3, s16  }
0x20f: {  	[tilespmem:s18], [sflag:$0x1] =	stream.indirect.gather [hbm4b:s8+s24], $0x20, s31, s24, $0xb8;
	[tilespmem:$0x14840] =	vst v63  }
0x210: {  	s19 =	simm.s32 $0x1800;
	s30 =	sshll.u32 s16, $0x8  }
0x211: {  	[tilespmem:s19], [sflag:$0x1] =	stream.indirect.gather [hbm4b:s6+s24], $0x20, s24, s24, $0xb8;
	[tilespmem:$0x14840] =	vst v63  }
0x212: {  	s25 =	simm.s32 $0x180;
	s26 =	simm.s32 $0x5800;
	s0 =	sadd.s32 s14, s30  }
0x213: {  	[tilespmem:s26], [sflag:$0x1] =	stream.indirect.gather [hbm4b:s7+s24], $0x20, s25, s24, $0xb8;
	[tilespmem:$0x14840] =	vst v63  }
0x214: {  	s28 =	simm.s32 $0x280;
	s29 =	simm.s32 $0x9800;
	s0 =	sshrl.u32 s0, $0x3  }
0x215: {  	[tilespmem:s29], [sflag:$0x1] =	stream.indirect.gather [hbm4b:s8+s24], $0x20, s28, s24, $0xb8;
	[tilespmem:$0x14840] =	vst v63  }
.Ltmp5:
0x216: {  	s31 =	simm.s32 $0xC8000;
	s0 =	sadd.s32 s4, s0;
	(pc) =	sbr.rel @p1 .LBB2_8-.Ltmp5, $4  }
0x217: {  	[tilespmem:s22], [sflag:$0x6] =	stream.strided.gather [hbm4b:s0+s20], $0x300, s31, s20, $0x38;
	[tilespmem:$0x14840] =	vst v63  }
0x218: {  	_ =	swait.ge [sflag:s1], $0x100  }
0x219: {  	[sflag:s1] =	ssyncset.done $0x0  }
0x21a: {  	[sflag:s1] =	ssyncadd.s32 $0xFFFFFF00  }
.LBB2_7:
0x21b: {  	_ =	swait.ge [sflag:s9], $0x4000  }
0x21c: {  	[sflag:s9] =	ssyncset.done $0x0  }
0x21d: {  	[sflag:s9] =	ssyncadd.s32 $0xFFFFC000  }
.LBB2_8:
0x21e: {  	s19 =	simm.s32 $0x0;
	s25 =	simm.s32 $0x2900;
	s26 =	simm.s32 $0x6900  }
0x21f: {  	s28 =	simm.s32 $0xA900;
	s29 =	simm.s32 $0x10A00;
	s30 =	simm.s32 $0x0  }
.LBB2_9:
0x220: {  	s0 =	sand.u32 $0x200, s30  }
0x221: {  	s18 =	sand.u32 $0x70, s19;
	v21 =	vld [tilespmem:s25+$0xFFFFFF00];
	s0 =	sshrl.u32 s0, $0x2  }
0x222: {  	v22 =	vld [tilespmem:s26+$0xFFFFFF00];
	s0 =	sor.u32 s18, s0  }
0x223: {  	v20 =	vld [tilespmem:s0+$0x700]  }
0x224: {  	v23 =	vld [tilespmem:s28+$0xFFFFFF00];
	_ =	sdelay $0x2  }
0x225: {  	v25 =	vunpack.i.l.bf16.f32 v21;
	v26 =	vunpack.i.l.bf16.f32 v22;
	v21 =	vunpack.i.u.bf16.f32 v21  }
0x226: {  	v22 =	vunpack.i.u.bf16.f32 v22;
	v25 =	vadd.f32 v26, v25;
	v24 =	vperm.xlane v20, v0  }
0x227: {  	v49 =	vunpack.i.l.bf16.f32 v23;
	v21 =	vadd.f32 v22, v21  }
0x228: {  	v50 =	vunpack.i.u.bf16.f32 v23;
	v51 =	vadd.f32 v49, v25;
	v52 =	vmul.f32 v24, v16  }
0x229: {  	v21 =	vadd.f32 v50, v21;
	v53 =	vmul.f32 v24, v17  }
0x22a: {  	v23 =	vadd.f32 v51, v52  }
0x22b: {  	v21 =	vadd.f32 v21, v53  }
0x22c: {  	[tilespmem:s29+$0xFFFFFE00] =	vst v23  }
0x22d: {  	[tilespmem:s29+$0xFFFFFE10] =	vst v21  }
0x22e: {  	v21 =	vld [tilespmem:s25+$0xFFFFFF10]  }
0x22f: {  	v54 =	vld [tilespmem:s26+$0xFFFFFF10];
	_ =	sdelay $0x1  }
0x230: {  	v23 =	vld [tilespmem:s28+$0xFFFFFF10];
	_ =	sdelay $0x2  }
0x231: {  	v55 =	vunpack.i.l.bf16.f32 v21;
	v56 =	vunpack.i.l.bf16.f32 v54  }
0x232: {  	v21 =	vunpack.i.u.bf16.f32 v21;
	v22 =	vunpack.i.u.bf16.f32 v54;
	v25 =	vadd.f32 v56, v55  }
0x233: {  	v57 =	vunpack.i.l.bf16.f32 v23;
	v21 =	vadd.f32 v22, v21  }
0x234: {  	v60 =	vmul.f32 v24, v18;
	v58 =	vunpack.i.u.bf16.f32 v23;
	v59 =	vadd.f32 v57, v25  }
0x235: {  	v61 =	vmul.f32 v24, v19;
	v21 =	vadd.f32 v58, v21  }
0x236: {  	v23 =	vadd.f32 v59, v60  }
0x237: {  	v21 =	vadd.f32 v21, v61  }
0x238: {  	[tilespmem:s29+$0xFFFFFE20] =	vst v23  }
0x239: {  	[tilespmem:s29+$0xFFFFFE30] =	vst v21  }
0x23a: {  	v21 =	vld [tilespmem:s25+$0xFFFFFF20]  }
0x23b: {  	v62 =	vld [tilespmem:s26+$0xFFFFFF20];
	_ =	sdelay $0x1  }
0x23c: {  	v23 =	vld [tilespmem:s28+$0xFFFFFF20];
	_ =	sdelay $0x2  }
0x23d: {  	v63 =	vperm.xlane v20, v1;
	v28 =	vunpack.i.l.bf16.f32 v21;
	v29 =	vunpack.i.l.bf16.f32 v62  }
0x23e: {  	v21 =	vunpack.i.u.bf16.f32 v21;
	v22 =	vunpack.i.u.bf16.f32 v62;
	v25 =	vadd.f32 v29, v28  }
0x23f: {  	v30 =	vunpack.i.l.bf16.f32 v23;
	v21 =	vadd.f32 v22, v21  }
0x240: {  	v33 =	vmul.f32 v63, v16;
	v31 =	vunpack.i.u.bf16.f32 v23;
	v32 =	vadd.f32 v30, v25  }
0x241: {  	v34 =	vmul.f32 v63, v17;
	v21 =	vadd.f32 v31, v21  }
0x242: {  	v23 =	vadd.f32 v32, v33  }
0x243: {  	v21 =	vadd.f32 v21, v34  }
0x244: {  	[tilespmem:s29+$0xFFFFFE40] =	vst v23  }
0x245: {  	[tilespmem:s29+$0xFFFFFE50] =	vst v21  }
0x246: {  	v21 =	vld [tilespmem:s25+$0xFFFFFF30]  }
0x247: {  	v35 =	vld [tilespmem:s26+$0xFFFFFF30];
	_ =	sdelay $0x1  }
0x248: {  	v23 =	vld [tilespmem:s28+$0xFFFFFF30];
	_ =	sdelay $0x2  }
0x249: {  	v36 =	vunpack.i.l.bf16.f32 v21;
	v37 =	vunpack.i.l.bf16.f32 v35  }
0x24a: {  	v21 =	vunpack.i.u.bf16.f32 v21;
	v22 =	vunpack.i.u.bf16.f32 v35;
	v25 =	vadd.f32 v37, v36  }
0x24b: {  	v38 =	vunpack.i.l.bf16.f32 v23;
	v21 =	vadd.f32 v22, v21  }
0x24c: {  	v41 =	vmul.f32 v63, v18;
	v39 =	vunpack.i.u.bf16.f32 v23;
	v40 =	vadd.f32 v38, v25  }
0x24d: {  	v42 =	vmul.f32 v63, v19;
	v21 =	vadd.f32 v39, v21  }
0x24e: {  	v23 =	vadd.f32 v40, v41  }
0x24f: {  	v21 =	vadd.f32 v21, v42  }
0x250: {  	[tilespmem:s29+$0xFFFFFE60] =	vst v23  }
0x251: {  	[tilespmem:s29+$0xFFFFFE70] =	vst v21  }
0x252: {  	v21 =	vld [tilespmem:s25+$0xFFFFFF40]  }
0x253: {  	v43 =	vld [tilespmem:s26+$0xFFFFFF40];
	_ =	sdelay $0x1  }
0x254: {  	v23 =	vld [tilespmem:s28+$0xFFFFFF40];
	_ =	sdelay $0x2  }
0x255: {  	v44 =	vperm.xlane v20, v2;
	v45 =	vunpack.i.l.bf16.f32 v21;
	v46 =	vunpack.i.l.bf16.f32 v43  }
0x256: {  	v21 =	vunpack.i.u.bf16.f32 v21;
	v22 =	vunpack.i.u.bf16.f32 v43;
	v25 =	vadd.f32 v46, v45  }
0x257: {  	v47 =	vunpack.i.l.bf16.f32 v23;
	v21 =	vadd.f32 v22, v21  }
0x258: {  	v50 =	vmul.f32 v44, v16;
	v48 =	vunpack.i.u.bf16.f32 v23;
	v49 =	vadd.f32 v47, v25  }
0x259: {  	v51 =	vmul.f32 v44, v17;
	v21 =	vadd.f32 v48, v21  }
0x25a: {  	v23 =	vadd.f32 v49, v50  }
0x25b: {  	v21 =	vadd.f32 v21, v51  }
0x25c: {  	[tilespmem:s29+$0xFFFFFE80] =	vst v23  }
0x25d: {  	[tilespmem:s29+$0xFFFFFE90] =	vst v21  }
0x25e: {  	v21 =	vld [tilespmem:s25+$0xFFFFFF50]  }
0x25f: {  	v52 =	vld [tilespmem:s26+$0xFFFFFF50];
	_ =	sdelay $0x1  }
0x260: {  	v23 =	vld [tilespmem:s28+$0xFFFFFF50];
	_ =	sdelay $0x2  }
0x261: {  	v53 =	vunpack.i.l.bf16.f32 v21;
	v54 =	vunpack.i.l.bf16.f32 v52  }
0x262: {  	v21 =	vunpack.i.u.bf16.f32 v21;
	v22 =	vunpack.i.u.bf16.f32 v52;
	v25 =	vadd.f32 v54, v53  }
0x263: {  	v55 =	vunpack.i.l.bf16.f32 v23;
	v21 =	vadd.f32 v22, v21  }
0x264: {  	v58 =	vmul.f32 v44, v18;
	v56 =	vunpack.i.u.bf16.f32 v23;
	v57 =	vadd.f32 v55, v25  }
0x265: {  	v59 =	vmul.f32 v44, v19;
	v21 =	vadd.f32 v56, v21  }
0x266: {  	v23 =	vadd.f32 v57, v58  }
0x267: {  	v21 =	vadd.f32 v21, v59  }
0x268: {  	[tilespmem:s29+$0xFFFFFEA0] =	vst v23  }
0x269: {  	[tilespmem:s29+$0xFFFFFEB0] =	vst v21  }
0x26a: {  	v21 =	vld [tilespmem:s25+$0xFFFFFF60]  }
0x26b: {  	v60 =	vld [tilespmem:s26+$0xFFFFFF60];
	_ =	sdelay $0x1  }
0x26c: {  	v23 =	vld [tilespmem:s28+$0xFFFFFF60];
	_ =	sdelay $0x2  }
0x26d: {  	v61 =	vperm.xlane v20, v3;
	v62 =	vunpack.i.l.bf16.f32 v21;
	v63 =	vunpack.i.l.bf16.f32 v60  }
0x26e: {  	v21 =	vunpack.i.u.bf16.f32 v21;
	v22 =	vunpack.i.u.bf16.f32 v60;
	v25 =	vadd.f32 v63, v62  }
0x26f: {  	v28 =	vunpack.i.l.bf16.f32 v23;
	v21 =	vadd.f32 v22, v21  }
0x270: {  	v31 =	vmul.f32 v61, v16;
	v29 =	vunpack.i.u.bf16.f32 v23;
	v30 =	vadd.f32 v28, v25  }
0x271: {  	v32 =	vmul.f32 v61, v17;
	v21 =	vadd.f32 v29, v21  }
0x272: {  	v23 =	vadd.f32 v30, v31  }
0x273: {  	v21 =	vadd.f32 v21, v32  }
0x274: {  	[tilespmem:s29+$0xFFFFFEC0] =	vst v23  }
0x275: {  	[tilespmem:s29+$0xFFFFFED0] =	vst v21  }
0x276: {  	v21 =	vld [tilespmem:s25+$0xFFFFFF70]  }
0x277: {  	v33 =	vld [tilespmem:s26+$0xFFFFFF70];
	_ =	sdelay $0x1  }
0x278: {  	v23 =	vld [tilespmem:s28+$0xFFFFFF70];
	_ =	sdelay $0x2  }
0x279: {  	v34 =	vunpack.i.l.bf16.f32 v21;
	v35 =	vunpack.i.l.bf16.f32 v33  }
0x27a: {  	v21 =	vunpack.i.u.bf16.f32 v21;
	v22 =	vunpack.i.u.bf16.f32 v33;
	v25 =	vadd.f32 v35, v34  }
0x27b: {  	v36 =	vunpack.i.l.bf16.f32 v23;
	v21 =	vadd.f32 v22, v21  }
0x27c: {  	v39 =	vmul.f32 v61, v18;
	v37 =	vunpack.i.u.bf16.f32 v23;
	v38 =	vadd.f32 v36, v25  }
0x27d: {  	v40 =	vmul.f32 v61, v19;
	v21 =	vadd.f32 v37, v21  }
0x27e: {  	v23 =	vadd.f32 v38, v39  }
0x27f: {  	v21 =	vadd.f32 v21, v40  }
0x280: {  	[tilespmem:s29+$0xFFFFFEE0] =	vst v23  }
0x281: {  	[tilespmem:s29+$0xFFFFFEF0] =	vst v21  }
0x282: {  	v21 =	vld [tilespmem:s25+$0xFFFFFF80]  }
0x283: {  	v41 =	vld [tilespmem:s26+$0xFFFFFF80];
	_ =	sdelay $0x1  }
0x284: {  	v23 =	vld [tilespmem:s28+$0xFFFFFF80];
	_ =	sdelay $0x2  }
0x285: {  	v42 =	vperm.xlane v20, v4;
	v43 =	vunpack.i.l.bf16.f32 v21;
	v44 =	vunpack.i.l.bf16.f32 v41  }
0x286: {  	v21 =	vunpack.i.u.bf16.f32 v21;
	v22 =	vunpack.i.u.bf16.f32 v41;
	v25 =	vadd.f32 v44, v43  }
0x287: {  	v45 =	vunpack.i.l.bf16.f32 v23;
	v21 =	vadd.f32 v22, v21  }
0x288: {  	v48 =	vmul.f32 v42, v16;
	v46 =	vunpack.i.u.bf16.f32 v23;
	v47 =	vadd.f32 v45, v25  }
0x289: {  	v49 =	vmul.f32 v42, v17;
	v21 =	vadd.f32 v46, v21  }
0x28a: {  	v23 =	vadd.f32 v47, v48  }
0x28b: {  	v21 =	vadd.f32 v21, v49  }
0x28c: {  	[tilespmem:s29+$0xFFFFFF00] =	vst v23  }
0x28d: {  	[tilespmem:s29+$0xFFFFFF10] =	vst v21  }
0x28e: {  	v21 =	vld [tilespmem:s25+$0xFFFFFF90]  }
0x28f: {  	v50 =	vld [tilespmem:s26+$0xFFFFFF90];
	_ =	sdelay $0x1  }
0x290: {  	v23 =	vld [tilespmem:s28+$0xFFFFFF90];
	_ =	sdelay $0x2  }
0x291: {  	v51 =	vunpack.i.l.bf16.f32 v21;
	v52 =	vunpack.i.l.bf16.f32 v50  }
0x292: {  	v21 =	vunpack.i.u.bf16.f32 v21;
	v22 =	vunpack.i.u.bf16.f32 v50;
	v25 =	vadd.f32 v52, v51  }
0x293: {  	v53 =	vunpack.i.l.bf16.f32 v23;
	v21 =	vadd.f32 v22, v21  }
0x294: {  	v56 =	vmul.f32 v42, v18;
	v54 =	vunpack.i.u.bf16.f32 v23;
	v55 =	vadd.f32 v53, v25  }
0x295: {  	v57 =	vmul.f32 v42, v19;
	v21 =	vadd.f32 v54, v21  }
0x296: {  	v23 =	vadd.f32 v55, v56  }
0x297: {  	v21 =	vadd.f32 v21, v57  }
0x298: {  	[tilespmem:s29+$0xFFFFFF20] =	vst v23  }
0x299: {  	[tilespmem:s29+$0xFFFFFF30] =	vst v21  }
0x29a: {  	v21 =	vld [tilespmem:s25+$0xFFFFFFA0]  }
0x29b: {  	v58 =	vld [tilespmem:s26+$0xFFFFFFA0];
	_ =	sdelay $0x1  }
0x29c: {  	v23 =	vld [tilespmem:s28+$0xFFFFFFA0];
	_ =	sdelay $0x2  }
0x29d: {  	v59 =	vperm.xlane v20, v5;
	v60 =	vunpack.i.l.bf16.f32 v21;
	v61 =	vunpack.i.l.bf16.f32 v58  }
0x29e: {  	v21 =	vunpack.i.u.bf16.f32 v21;
	v22 =	vunpack.i.u.bf16.f32 v58;
	v25 =	vadd.f32 v61, v60  }
0x29f: {  	v62 =	vunpack.i.l.bf16.f32 v23;
	v21 =	vadd.f32 v22, v21  }
0x2a0: {  	v29 =	vmul.f32 v59, v16;
	v63 =	vunpack.i.u.bf16.f32 v23;
	v28 =	vadd.f32 v62, v25  }
0x2a1: {  	v30 =	vmul.f32 v59, v17;
	v21 =	vadd.f32 v63, v21  }
0x2a2: {  	v23 =	vadd.f32 v28, v29  }
0x2a3: {  	v21 =	vadd.f32 v21, v30  }
0x2a4: {  	[tilespmem:s29+$0xFFFFFF40] =	vst v23  }
0x2a5: {  	[tilespmem:s29+$0xFFFFFF50] =	vst v21  }
0x2a6: {  	v21 =	vld [tilespmem:s25+$0xFFFFFFB0]  }
0x2a7: {  	v31 =	vld [tilespmem:s26+$0xFFFFFFB0];
	_ =	sdelay $0x1  }
0x2a8: {  	v23 =	vld [tilespmem:s28+$0xFFFFFFB0];
	_ =	sdelay $0x2  }
0x2a9: {  	v32 =	vunpack.i.l.bf16.f32 v21;
	v33 =	vunpack.i.l.bf16.f32 v31  }
0x2aa: {  	v21 =	vunpack.i.u.bf16.f32 v21;
	v22 =	vunpack.i.u.bf16.f32 v31;
	v25 =	vadd.f32 v33, v32  }
0x2ab: {  	v34 =	vunpack.i.l.bf16.f32 v23;
	v21 =	vadd.f32 v22, v21  }
0x2ac: {  	v37 =	vmul.f32 v59, v18;
	v35 =	vunpack.i.u.bf16.f32 v23;
	v36 =	vadd.f32 v34, v25  }
0x2ad: {  	v38 =	vmul.f32 v59, v19;
	v21 =	vadd.f32 v35, v21  }
0x2ae: {  	v23 =	vadd.f32 v36, v37  }
0x2af: {  	v21 =	vadd.f32 v21, v38  }
0x2b0: {  	[tilespmem:s29+$0xFFFFFF60] =	vst v23  }
0x2b1: {  	[tilespmem:s29+$0xFFFFFF70] =	vst v21  }
0x2b2: {  	v21 =	vld [tilespmem:s25+$0xFFFFFFC0]  }
0x2b3: {  	v39 =	vld [tilespmem:s26+$0xFFFFFFC0];
	_ =	sdelay $0x1  }
0x2b4: {  	v23 =	vld [tilespmem:s28+$0xFFFFFFC0];
	_ =	sdelay $0x2  }
0x2b5: {  	v40 =	vperm.xlane v20, v6;
	v41 =	vunpack.i.l.bf16.f32 v21;
	v42 =	vunpack.i.l.bf16.f32 v39  }
0x2b6: {  	v21 =	vunpack.i.u.bf16.f32 v21;
	v22 =	vunpack.i.u.bf16.f32 v39;
	v25 =	vadd.f32 v42, v41  }
0x2b7: {  	v43 =	vunpack.i.l.bf16.f32 v23;
	v21 =	vadd.f32 v22, v21  }
0x2b8: {  	v46 =	vmul.f32 v40, v16;
	v44 =	vunpack.i.u.bf16.f32 v23;
	v45 =	vadd.f32 v43, v25  }
0x2b9: {  	v47 =	vmul.f32 v40, v17;
	v21 =	vadd.f32 v44, v21  }
0x2ba: {  	v23 =	vadd.f32 v45, v46  }
0x2bb: {  	v21 =	vadd.f32 v21, v47  }
0x2bc: {  	[tilespmem:s29+$0xFFFFFF80] =	vst v23  }
0x2bd: {  	[tilespmem:s29+$0xFFFFFF90] =	vst v21  }
0x2be: {  	v21 =	vld [tilespmem:s25+$0xFFFFFFD0]  }
0x2bf: {  	v48 =	vld [tilespmem:s26+$0xFFFFFFD0];
	_ =	sdelay $0x1  }
0x2c0: {  	v23 =	vld [tilespmem:s28+$0xFFFFFFD0];
	_ =	sdelay $0x2  }
0x2c1: {  	v49 =	vunpack.i.l.bf16.f32 v21;
	v50 =	vunpack.i.l.bf16.f32 v48  }
0x2c2: {  	v21 =	vunpack.i.u.bf16.f32 v21;
	v22 =	vunpack.i.u.bf16.f32 v48;
	v25 =	vadd.f32 v50, v49  }
0x2c3: {  	v51 =	vunpack.i.l.bf16.f32 v23;
	v21 =	vadd.f32 v22, v21  }
0x2c4: {  	v54 =	vmul.f32 v40, v18;
	v52 =	vunpack.i.u.bf16.f32 v23;
	v53 =	vadd.f32 v51, v25  }
0x2c5: {  	v55 =	vmul.f32 v40, v19;
	v21 =	vadd.f32 v52, v21  }
0x2c6: {  	v23 =	vadd.f32 v53, v54  }
0x2c7: {  	v21 =	vadd.f32 v21, v55  }
0x2c8: {  	[tilespmem:s29+$0xFFFFFFA0] =	vst v23  }
0x2c9: {  	[tilespmem:s29+$0xFFFFFFB0] =	vst v21  }
0x2ca: {  	v21 =	vld [tilespmem:s25+$0xFFFFFFE0]  }
0x2cb: {  	v56 =	vld [tilespmem:s26+$0xFFFFFFE0];
	_ =	sdelay $0x1  }
0x2cc: {  	v23 =	vld [tilespmem:s28+$0xFFFFFFE0];
	_ =	sdelay $0x2  }
0x2cd: {  	v57 =	vperm.xlane v20, v7;
	v58 =	vunpack.i.l.bf16.f32 v21;
	v59 =	vunpack.i.l.bf16.f32 v56  }
0x2ce: {  	v21 =	vunpack.i.u.bf16.f32 v21;
	v22 =	vunpack.i.u.bf16.f32 v56;
	v25 =	vadd.f32 v59, v58  }
0x2cf: {  	v60 =	vunpack.i.l.bf16.f32 v23;
	v21 =	vadd.f32 v22, v21  }
0x2d0: {  	v63 =	vmul.f32 v57, v16;
	v61 =	vunpack.i.u.bf16.f32 v23;
	v62 =	vadd.f32 v60, v25  }
0x2d1: {  	v28 =	vmul.f32 v57, v17;
	v21 =	vadd.f32 v61, v21  }
0x2d2: {  	v23 =	vadd.f32 v62, v63  }
0x2d3: {  	v21 =	vadd.f32 v21, v28  }
0x2d4: {  	[tilespmem:s29+$0xFFFFFFC0] =	vst v23  }
0x2d5: {  	[tilespmem:s29+$0xFFFFFFD0] =	vst v21  }
0x2d6: {  	v21 =	vld [tilespmem:s25+$0xFFFFFFF0]  }
0x2d7: {  	v29 =	vld [tilespmem:s26+$0xFFFFFFF0];
	_ =	sdelay $0x1  }
0x2d8: {  	v23 =	vld [tilespmem:s28+$0xFFFFFFF0];
	_ =	sdelay $0x2  }
0x2d9: {  	v30 =	vunpack.i.l.bf16.f32 v21;
	v31 =	vunpack.i.l.bf16.f32 v29  }
0x2da: {  	v21 =	vunpack.i.u.bf16.f32 v21;
	v22 =	vunpack.i.u.bf16.f32 v29;
	v25 =	vadd.f32 v31, v30  }
0x2db: {  	v32 =	vunpack.i.l.bf16.f32 v23;
	v21 =	vadd.f32 v22, v21  }
0x2dc: {  	v35 =	vmul.f32 v57, v18;
	v33 =	vunpack.i.u.bf16.f32 v23;
	v34 =	vadd.f32 v32, v25  }
0x2dd: {  	v36 =	vmul.f32 v57, v19;
	v21 =	vadd.f32 v33, v21  }
0x2de: {  	v23 =	vadd.f32 v34, v35  }
0x2df: {  	v21 =	vadd.f32 v21, v36  }
0x2e0: {  	[tilespmem:s29+$0xFFFFFFE0] =	vst v23  }
0x2e1: {  	[tilespmem:s29+$0xFFFFFFF0] =	vst v21  }
0x2e2: {  	v21 =	vld [tilespmem:s25+$0x0]  }
0x2e3: {  	v37 =	vld [tilespmem:s26+$0x0];
	_ =	sdelay $0x1  }
0x2e4: {  	v23 =	vld [tilespmem:s28+$0x0];
	_ =	sdelay $0x2  }
0x2e5: {  	v38 =	vperm.xlane v20, v8;
	v39 =	vunpack.i.l.bf16.f32 v21;
	v40 =	vunpack.i.l.bf16.f32 v37  }
0x2e6: {  	v21 =	vunpack.i.u.bf16.f32 v21;
	v22 =	vunpack.i.u.bf16.f32 v37;
	v25 =	vadd.f32 v40, v39  }
0x2e7: {  	v41 =	vunpack.i.l.bf16.f32 v23;
	v21 =	vadd.f32 v22, v21  }
0x2e8: {  	v44 =	vmul.f32 v38, v16;
	v42 =	vunpack.i.u.bf16.f32 v23;
	v43 =	vadd.f32 v41, v25  }
0x2e9: {  	v45 =	vmul.f32 v38, v17;
	v21 =	vadd.f32 v42, v21  }
0x2ea: {  	v23 =	vadd.f32 v43, v44  }
0x2eb: {  	v21 =	vadd.f32 v21, v45  }
0x2ec: {  	[tilespmem:s29+$0x0] =	vst v23  }
0x2ed: {  	[tilespmem:s29+$0x10] =	vst v21  }
0x2ee: {  	v21 =	vld [tilespmem:s25+$0x10]  }
0x2ef: {  	v46 =	vld [tilespmem:s26+$0x10];
	_ =	sdelay $0x1  }
0x2f0: {  	v23 =	vld [tilespmem:s28+$0x10];
	_ =	sdelay $0x2  }
0x2f1: {  	v47 =	vunpack.i.l.bf16.f32 v21;
	v48 =	vunpack.i.l.bf16.f32 v46  }
0x2f2: {  	v21 =	vunpack.i.u.bf16.f32 v21;
	v22 =	vunpack.i.u.bf16.f32 v46;
	v25 =	vadd.f32 v48, v47  }
0x2f3: {  	v49 =	vunpack.i.l.bf16.f32 v23;
	v21 =	vadd.f32 v22, v21  }
0x2f4: {  	v52 =	vmul.f32 v38, v18;
	v50 =	vunpack.i.u.bf16.f32 v23;
	v51 =	vadd.f32 v49, v25  }
0x2f5: {  	v53 =	vmul.f32 v38, v19;
	v21 =	vadd.f32 v50, v21  }
0x2f6: {  	v23 =	vadd.f32 v51, v52  }
0x2f7: {  	v21 =	vadd.f32 v21, v53  }
0x2f8: {  	[tilespmem:s29+$0x20] =	vst v23  }
0x2f9: {  	[tilespmem:s29+$0x30] =	vst v21  }
0x2fa: {  	v21 =	vld [tilespmem:s25+$0x20]  }
0x2fb: {  	v54 =	vld [tilespmem:s26+$0x20];
	_ =	sdelay $0x1  }
0x2fc: {  	v23 =	vld [tilespmem:s28+$0x20];
	_ =	sdelay $0x2  }
0x2fd: {  	v55 =	vperm.xlane v20, v9;
	v56 =	vunpack.i.l.bf16.f32 v21;
	v57 =	vunpack.i.l.bf16.f32 v54  }
0x2fe: {  	v21 =	vunpack.i.u.bf16.f32 v21;
	v22 =	vunpack.i.u.bf16.f32 v54;
	v25 =	vadd.f32 v57, v56  }
0x2ff: {  	v58 =	vunpack.i.l.bf16.f32 v23;
	v21 =	vadd.f32 v22, v21  }
0x300: {  	v61 =	vmul.f32 v55, v16;
	v59 =	vunpack.i.u.bf16.f32 v23;
	v60 =	vadd.f32 v58, v25  }
0x301: {  	v62 =	vmul.f32 v55, v17;
	v21 =	vadd.f32 v59, v21  }
0x302: {  	v23 =	vadd.f32 v60, v61  }
0x303: {  	v21 =	vadd.f32 v21, v62  }
0x304: {  	[tilespmem:s29+$0x40] =	vst v23  }
0x305: {  	[tilespmem:s29+$0x50] =	vst v21  }
0x306: {  	v21 =	vld [tilespmem:s25+$0x30]  }
0x307: {  	v63 =	vld [tilespmem:s26+$0x30];
	_ =	sdelay $0x1  }
0x308: {  	v23 =	vld [tilespmem:s28+$0x30];
	_ =	sdelay $0x2  }
0x309: {  	v28 =	vunpack.i.l.bf16.f32 v21;
	v29 =	vunpack.i.l.bf16.f32 v63  }
0x30a: {  	v21 =	vunpack.i.u.bf16.f32 v21;
	v22 =	vunpack.i.u.bf16.f32 v63;
	v25 =	vadd.f32 v29, v28  }
0x30b: {  	v30 =	vunpack.i.l.bf16.f32 v23;
	v21 =	vadd.f32 v22, v21  }
0x30c: {  	v33 =	vmul.f32 v55, v18;
	v31 =	vunpack.i.u.bf16.f32 v23;
	v32 =	vadd.f32 v30, v25  }
0x30d: {  	v34 =	vmul.f32 v55, v19;
	v21 =	vadd.f32 v31, v21  }
0x30e: {  	v23 =	vadd.f32 v32, v33  }
0x30f: {  	v21 =	vadd.f32 v21, v34  }
0x310: {  	[tilespmem:s29+$0x60] =	vst v23  }
0x311: {  	[tilespmem:s29+$0x70] =	vst v21  }
0x312: {  	v21 =	vld [tilespmem:s25+$0x40]  }
0x313: {  	v35 =	vld [tilespmem:s26+$0x40];
	_ =	sdelay $0x1  }
0x314: {  	v23 =	vld [tilespmem:s28+$0x40];
	_ =	sdelay $0x2  }
0x315: {  	v36 =	vperm.xlane v20, v10;
	v37 =	vunpack.i.l.bf16.f32 v21;
	v38 =	vunpack.i.l.bf16.f32 v35  }
0x316: {  	v21 =	vunpack.i.u.bf16.f32 v21;
	v22 =	vunpack.i.u.bf16.f32 v35;
	v25 =	vadd.f32 v38, v37  }
0x317: {  	v39 =	vunpack.i.l.bf16.f32 v23;
	v21 =	vadd.f32 v22, v21  }
0x318: {  	v42 =	vmul.f32 v36, v16;
	v40 =	vunpack.i.u.bf16.f32 v23;
	v41 =	vadd.f32 v39, v25  }
0x319: {  	v43 =	vmul.f32 v36, v17;
	v21 =	vadd.f32 v40, v21  }
0x31a: {  	v23 =	vadd.f32 v41, v42  }
0x31b: {  	v21 =	vadd.f32 v21, v43  }
0x31c: {  	[tilespmem:s29+$0x80] =	vst v23  }
0x31d: {  	[tilespmem:s29+$0x90] =	vst v21  }
0x31e: {  	v21 =	vld [tilespmem:s25+$0x50]  }
0x31f: {  	v44 =	vld [tilespmem:s26+$0x50];
	_ =	sdelay $0x1  }
0x320: {  	v23 =	vld [tilespmem:s28+$0x50];
	_ =	sdelay $0x2  }
0x321: {  	v45 =	vunpack.i.l.bf16.f32 v21;
	v46 =	vunpack.i.l.bf16.f32 v44  }
0x322: {  	v21 =	vunpack.i.u.bf16.f32 v21;
	v22 =	vunpack.i.u.bf16.f32 v44;
	v25 =	vadd.f32 v46, v45  }
0x323: {  	v47 =	vunpack.i.l.bf16.f32 v23;
	v21 =	vadd.f32 v22, v21  }
0x324: {  	v50 =	vmul.f32 v36, v18;
	v48 =	vunpack.i.u.bf16.f32 v23;
	v49 =	vadd.f32 v47, v25  }
0x325: {  	v51 =	vmul.f32 v36, v19;
	v21 =	vadd.f32 v48, v21  }
0x326: {  	v23 =	vadd.f32 v49, v50  }
0x327: {  	v21 =	vadd.f32 v21, v51  }
0x328: {  	[tilespmem:s29+$0xA0] =	vst v23  }
0x329: {  	[tilespmem:s29+$0xB0] =	vst v21  }
0x32a: {  	v21 =	vld [tilespmem:s25+$0x60]  }
0x32b: {  	v52 =	vld [tilespmem:s26+$0x60];
	_ =	sdelay $0x1  }
0x32c: {  	v23 =	vld [tilespmem:s28+$0x60];
	_ =	sdelay $0x2  }
0x32d: {  	v53 =	vperm.xlane v20, v11;
	v54 =	vunpack.i.l.bf16.f32 v21;
	v55 =	vunpack.i.l.bf16.f32 v52  }
0x32e: {  	v21 =	vunpack.i.u.bf16.f32 v21;
	v22 =	vunpack.i.u.bf16.f32 v52;
	v25 =	vadd.f32 v55, v54  }
0x32f: {  	v56 =	vunpack.i.l.bf16.f32 v23;
	v21 =	vadd.f32 v22, v21  }
0x330: {  	v59 =	vmul.f32 v53, v16;
	v57 =	vunpack.i.u.bf16.f32 v23;
	v58 =	vadd.f32 v56, v25  }
0x331: {  	v60 =	vmul.f32 v53, v17;
	v21 =	vadd.f32 v57, v21  }
0x332: {  	v23 =	vadd.f32 v58, v59  }
0x333: {  	v21 =	vadd.f32 v21, v60  }
0x334: {  	[tilespmem:s29+$0xC0] =	vst v23  }
0x335: {  	[tilespmem:s29+$0xD0] =	vst v21  }
0x336: {  	v21 =	vld [tilespmem:s25+$0x70]  }
0x337: {  	v61 =	vld [tilespmem:s26+$0x70];
	_ =	sdelay $0x1  }
0x338: {  	v23 =	vld [tilespmem:s28+$0x70];
	_ =	sdelay $0x2  }
0x339: {  	v62 =	vunpack.i.l.bf16.f32 v21;
	v63 =	vunpack.i.l.bf16.f32 v61  }
0x33a: {  	v21 =	vunpack.i.u.bf16.f32 v21;
	v22 =	vunpack.i.u.bf16.f32 v61;
	v25 =	vadd.f32 v63, v62  }
0x33b: {  	v28 =	vunpack.i.l.bf16.f32 v23;
	v21 =	vadd.f32 v22, v21  }
0x33c: {  	v31 =	vmul.f32 v53, v18;
	v29 =	vunpack.i.u.bf16.f32 v23;
	v30 =	vadd.f32 v28, v25  }
0x33d: {  	v32 =	vmul.f32 v53, v19;
	v21 =	vadd.f32 v29, v21  }
0x33e: {  	v23 =	vadd.f32 v30, v31  }
0x33f: {  	v21 =	vadd.f32 v21, v32  }
0x340: {  	[tilespmem:s29+$0xE0] =	vst v23  }
0x341: {  	[tilespmem:s29+$0xF0] =	vst v21  }
0x342: {  	v21 =	vld [tilespmem:s25+$0x80]  }
0x343: {  	v33 =	vld [tilespmem:s26+$0x80];
	_ =	sdelay $0x1  }
0x344: {  	v23 =	vld [tilespmem:s28+$0x80];
	_ =	sdelay $0x2  }
0x345: {  	v34 =	vperm.xlane v20, v12;
	v35 =	vunpack.i.l.bf16.f32 v21;
	v36 =	vunpack.i.l.bf16.f32 v33  }
0x346: {  	v21 =	vunpack.i.u.bf16.f32 v21;
	v22 =	vunpack.i.u.bf16.f32 v33;
	v25 =	vadd.f32 v36, v35  }
0x347: {  	v37 =	vunpack.i.l.bf16.f32 v23;
	v21 =	vadd.f32 v22, v21  }
0x348: {  	v40 =	vmul.f32 v34, v16;
	v38 =	vunpack.i.u.bf16.f32 v23;
	v39 =	vadd.f32 v37, v25  }
0x349: {  	v41 =	vmul.f32 v34, v17;
	v21 =	vadd.f32 v38, v21  }
0x34a: {  	v23 =	vadd.f32 v39, v40  }
0x34b: {  	v21 =	vadd.f32 v21, v41  }
0x34c: {  	[tilespmem:s29+$0x100] =	vst v23  }
0x34d: {  	[tilespmem:s29+$0x110] =	vst v21  }
0x34e: {  	v21 =	vld [tilespmem:s25+$0x90]  }
0x34f: {  	v42 =	vld [tilespmem:s26+$0x90];
	_ =	sdelay $0x1  }
0x350: {  	v23 =	vld [tilespmem:s28+$0x90];
	_ =	sdelay $0x2  }
0x351: {  	v43 =	vunpack.i.l.bf16.f32 v21;
	v44 =	vunpack.i.l.bf16.f32 v42  }
0x352: {  	v21 =	vunpack.i.u.bf16.f32 v21;
	v22 =	vunpack.i.u.bf16.f32 v42;
	v25 =	vadd.f32 v44, v43  }
0x353: {  	v45 =	vunpack.i.l.bf16.f32 v23;
	v21 =	vadd.f32 v22, v21  }
0x354: {  	v48 =	vmul.f32 v34, v18;
	v46 =	vunpack.i.u.bf16.f32 v23;
	v47 =	vadd.f32 v45, v25  }
0x355: {  	v49 =	vmul.f32 v34, v19;
	v21 =	vadd.f32 v46, v21  }
0x356: {  	v23 =	vadd.f32 v47, v48  }
0x357: {  	v21 =	vadd.f32 v21, v49  }
0x358: {  	[tilespmem:s29+$0x120] =	vst v23  }
0x359: {  	[tilespmem:s29+$0x130] =	vst v21  }
0x35a: {  	v21 =	vld [tilespmem:s25+$0xA0]  }
0x35b: {  	v50 =	vld [tilespmem:s26+$0xA0];
	_ =	sdelay $0x1  }
0x35c: {  	v23 =	vld [tilespmem:s28+$0xA0];
	_ =	sdelay $0x2  }
0x35d: {  	v51 =	vperm.xlane v20, v13;
	v52 =	vunpack.i.l.bf16.f32 v21;
	v53 =	vunpack.i.l.bf16.f32 v50  }
0x35e: {  	v21 =	vunpack.i.u.bf16.f32 v21;
	v22 =	vunpack.i.u.bf16.f32 v50;
	v25 =	vadd.f32 v53, v52  }
0x35f: {  	v54 =	vunpack.i.l.bf16.f32 v23;
	v21 =	vadd.f32 v22, v21  }
0x360: {  	v57 =	vmul.f32 v51, v16;
	v55 =	vunpack.i.u.bf16.f32 v23;
	v56 =	vadd.f32 v54, v25  }
0x361: {  	v58 =	vmul.f32 v51, v17;
	v21 =	vadd.f32 v55, v21  }
0x362: {  	v23 =	vadd.f32 v56, v57  }
0x363: {  	v21 =	vadd.f32 v21, v58  }
0x364: {  	[tilespmem:s29+$0x140] =	vst v23  }
0x365: {  	[tilespmem:s29+$0x150] =	vst v21  }
0x366: {  	v21 =	vld [tilespmem:s25+$0xB0]  }
0x367: {  	v59 =	vld [tilespmem:s26+$0xB0];
	_ =	sdelay $0x1  }
0x368: {  	v23 =	vld [tilespmem:s28+$0xB0];
	_ =	sdelay $0x2  }
0x369: {  	v60 =	vunpack.i.l.bf16.f32 v21;
	v61 =	vunpack.i.l.bf16.f32 v59  }
0x36a: {  	v21 =	vunpack.i.u.bf16.f32 v21;
	v22 =	vunpack.i.u.bf16.f32 v59;
	v25 =	vadd.f32 v61, v60  }
0x36b: {  	v62 =	vunpack.i.l.bf16.f32 v23;
	v21 =	vadd.f32 v22, v21  }
0x36c: {  	v29 =	vmul.f32 v51, v18;
	v63 =	vunpack.i.u.bf16.f32 v23;
	v28 =	vadd.f32 v62, v25  }
0x36d: {  	v30 =	vmul.f32 v51, v19;
	v21 =	vadd.f32 v63, v21  }
0x36e: {  	v23 =	vadd.f32 v28, v29  }
0x36f: {  	v21 =	vadd.f32 v21, v30  }
0x370: {  	[tilespmem:s29+$0x160] =	vst v23  }
0x371: {  	[tilespmem:s29+$0x170] =	vst v21  }
0x372: {  	v21 =	vld [tilespmem:s25+$0xC0]  }
0x373: {  	v31 =	vld [tilespmem:s26+$0xC0];
	_ =	sdelay $0x1  }
0x374: {  	v23 =	vld [tilespmem:s28+$0xC0];
	_ =	sdelay $0x2  }
0x375: {  	v32 =	vperm.xlane v20, v14;
	v33 =	vunpack.i.l.bf16.f32 v21;
	v34 =	vunpack.i.l.bf16.f32 v31  }
0x376: {  	v21 =	vunpack.i.u.bf16.f32 v21;
	v22 =	vunpack.i.u.bf16.f32 v31;
	v25 =	vadd.f32 v34, v33  }
0x377: {  	v35 =	vunpack.i.l.bf16.f32 v23;
	v21 =	vadd.f32 v22, v21  }
0x378: {  	v38 =	vmul.f32 v32, v16;
	v36 =	vunpack.i.u.bf16.f32 v23;
	v37 =	vadd.f32 v35, v25  }
0x379: {  	v39 =	vmul.f32 v32, v17;
	v21 =	vadd.f32 v36, v21  }
0x37a: {  	v23 =	vadd.f32 v37, v38  }
0x37b: {  	v21 =	vadd.f32 v21, v39  }
0x37c: {  	[tilespmem:s29+$0x180] =	vst v23  }
0x37d: {  	[tilespmem:s29+$0x190] =	vst v21  }
0x37e: {  	v21 =	vld [tilespmem:s25+$0xD0]  }
0x37f: {  	v40 =	vld [tilespmem:s26+$0xD0];
	_ =	sdelay $0x1  }
0x380: {  	v23 =	vld [tilespmem:s28+$0xD0];
	_ =	sdelay $0x2  }
0x381: {  	v41 =	vunpack.i.l.bf16.f32 v21;
	v42 =	vunpack.i.l.bf16.f32 v40  }
0x382: {  	v21 =	vunpack.i.u.bf16.f32 v21;
	v22 =	vunpack.i.u.bf16.f32 v40;
	v25 =	vadd.f32 v42, v41  }
0x383: {  	v43 =	vunpack.i.l.bf16.f32 v23;
	v21 =	vadd.f32 v22, v21  }
0x384: {  	v46 =	vmul.f32 v32, v18;
	v44 =	vunpack.i.u.bf16.f32 v23;
	v45 =	vadd.f32 v43, v25  }
0x385: {  	v47 =	vmul.f32 v32, v19;
	v21 =	vadd.f32 v44, v21  }
0x386: {  	v23 =	vadd.f32 v45, v46  }
0x387: {  	v21 =	vadd.f32 v21, v47  }
0x388: {  	[tilespmem:s29+$0x1A0] =	vst v23  }
0x389: {  	[tilespmem:s29+$0x1B0] =	vst v21  }
0x38a: {  	v21 =	vld [tilespmem:s25+$0xE0]  }
0x38b: {  	v48 =	vld [tilespmem:s26+$0xE0];
	_ =	sdelay $0x1  }
0x38c: {  	v23 =	vld [tilespmem:s28+$0xE0];
	_ =	sdelay $0x2  }
0x38d: {  	v20 =	vperm.xlane v20, v15;
	v49 =	vunpack.i.l.bf16.f32 v21;
	v50 =	vunpack.i.l.bf16.f32 v48  }
0x38e: {  	v21 =	vunpack.i.u.bf16.f32 v21;
	v22 =	vunpack.i.u.bf16.f32 v48;
	v24 =	vadd.f32 v50, v49  }
0x38f: {  	v51 =	vunpack.i.l.bf16.f32 v23;
	v21 =	vadd.f32 v22, v21  }
0x390: {  	v54 =	vmul.f32 v20, v16;
	v52 =	vunpack.i.u.bf16.f32 v23;
	v53 =	vadd.f32 v51, v24  }
0x391: {  	v55 =	vmul.f32 v20, v17;
	v21 =	vadd.f32 v52, v21  }
0x392: {  	v23 =	vadd.f32 v53, v54  }
0x393: {  	v21 =	vadd.f32 v21, v55  }
0x394: {  	[tilespmem:s29+$0x1C0] =	vst v23  }
0x395: {  	[tilespmem:s29+$0x1D0] =	vst v21  }
0x396: {  	v21 =	vld [tilespmem:s25+$0xF0]  }
0x397: {  	v56 =	vld [tilespmem:s26+$0xF0];
	_ =	sdelay $0x1  }
0x398: {  	v23 =	vld [tilespmem:s28+$0xF0];
	_ =	sdelay $0x2  }
0x399: {  	v57 =	vunpack.i.l.bf16.f32 v21;
	v58 =	vunpack.i.l.bf16.f32 v56  }
0x39a: {  	v21 =	vunpack.i.u.bf16.f32 v21;
	v22 =	vunpack.i.u.bf16.f32 v56;
	v24 =	vadd.f32 v58, v57  }
0x39b: {  	v59 =	vunpack.i.l.bf16.f32 v23;
	v21 =	vadd.f32 v22, v21  }
0x39c: {  	p1 =	sne.s32 s30, $0x3C0;
	v62 =	vmul.f32 v20, v18;
	v60 =	vunpack.i.u.bf16.f32 v23;
	v61 =	vadd.f32 v59, v24  }
.Ltmp6:
0x39d: {  	v20 =	vmul.f32 v20, v19;
	v21 =	vadd.f32 v60, v21;
	(pc) =	sbr.rel @p1 .LBB2_9-.Ltmp6, $4  }
0x39e: {  	v63 =	vadd.f32 v61, v62  }
0x39f: {  	v20 =	vadd.f32 v21, v20  }
0x3a0: {  	s19 =	sadd.s32 $0x10, s19;
	s30 =	sadd.s32 $0x40, s30;
	s25 =	sadd.s32 $0x200, s25;
	[tilespmem:s29+$0x1E0] =	vst v63  }
0x3a1: {  	s26 =	sadd.s32 $0x200, s26;
	s28 =	sadd.s32 $0x200, s28;
	[tilespmem:s29+$0x1F0] =	vst v20;
	s29 =	sadd.s32 $0x400, s29  }
.Ltmp7:
0x3a2: {  	(pc) =	sbr.rel @p0 .LBB2_12-.Ltmp7, $4  }
0x3a3: {  	_ = 	snop  }
0x3a4: {  	s0 =	sshll.u32 s13, $0xC  }
0x3a5: {  	s0 =	sadd.s32 s17, s0  }
0x3a6: {  	[hbm4b:s0+s3] =	stream.linear.scatter [tilespmem:s12], [sflag:$0x4], $0x4000, $0x38;
	[tilespmem:$0x14840] =	vst v63  }
.Ltmp8:
0x3a7: {  	s0 =	sshll.u32 s16, $0x8;
	(pc) =	sbr.rel .LBB2_2-.Ltmp8, $4  }
0x3a8: {  	s0 =	sadd.s32 s14, s0  }
0x3a9: {  	s0 =	sshrl.u32 s0, $0x3  }
0x3aa: {  	s31 =	simm.s32 $0x700;
	s13 =	sadd.s32 $0x1, s13;
	s0 =	sadd.s32 s5, s0  }
0x3ab: {  	[tilespmem:s31], [sflag:$0x8] =	stream.linear.gather [hbm4b:s0+s3], $0x100, $0x38;
	[tilespmem:$0x14840] =	vst v63  }
.LBB2_13:
0x3ac: {  	_ =	sfence.sel $0x180000  }
0x3ad: {  	[bflag:$0x0] =	sbarrier.arrive $0xFFFF  }
0x3ae: {  	_ =	strace $0x90000047  }
0x3af: {  	s0 =	stileid.u32;
	[bflag:$0x2] =	sbarrier.arrive $0xFFFF  }
0x3b0: {  	p0 =	sne.s32 s0, $0x0;
	s0 =	rddreg [dreg:$0x2]  }
0x3b1: {  	s0 =	sadd.s32 @!p0 $0x100000, s0  }
0x3b2: {  	[sflag:s0] =	ssyncadd.tile.s32 @!p0 $0x1;
	_ =	shalt  }
.Lfunc_end2:
_tile_overlayer_lowered:
.L_overlay_start_2:
0x3b3: {  	(tag) =	ssettag $0x2  }
0x3b4: {  	s0 =	rddreg [dreg:$0x0];
	s2 =	stileid.u32  }
0x3b5: {  	s1 =	rddreg [dreg:$0x1];
	p0 =	sne.s32 s2, $0x0  }
0x3b6: {  	s3 =	rddreg [dreg:$0x2];
	[bflag:$0x3] =	sbarrier.arrive $0xFFFF;
	s2 =	simm.s32 @!p0 $0x1C09  }
0x3b7: {  	[timem:s3], [sflag:s2] =	dma.local @!p0 [hbm:s0], s1  }
0x3b8: {  	s0 =	simm.s32 @!p0 $0x9  }
0x3b9: {  	_ =	swait.ge @!p0 [sflag:s0], s1  }
0x3ba: {  	s1 =	ssub.s32 @!p0 $0x0, s1;
	[sflag:s0] =	ssyncset.done @!p0 $0x0  }
0x3bb: {  	[sflag:s0] =	ssyncadd.s32 @!p0 s1  }
0x3bc: {  	[bflag:$0x3] =	sbarrier.arrive $0xFFFF  }
0x3bd: {  	_ =	shalt  }

// kernel: sparse-core-data-format-call.cloned.1.call-start
scs
called_computation_lowered:
.L_overlay_start_0:
0x0: {  	s2 =	sld [smem:$0x3FD9]  }
0x1: {  	s3 =	sld [smem:$0x3FFE];
	_ =	sdelay $0x1  }
0x2: {  	s1 =	srdreg.scid  }
0x3: {  	s0 =	sand.u32 $0x1, s1  }
0x4: {  	s18 =	sshll.u32 s0, $0xA;
	s2 =	sadd.s32 s3, s2  }
0x5: {  	s2 =	sadd.s32 s2, s18  }
0x6: {  	[smem:$0x3FBD] =	sst s2  }
0x7: {  	_ = 	snop  }
0x8: {  	s2 =	sld [smem:$0x3FD0];
	(tm) =	ssettm $0x1  }
0x9: {  	s19 =	sld [smem:$0x3FFB];
	_ =	sdelay $0x3  }
0xa: {  	_ =	strace s19  }
0xb: {  	s3 =	sld [smem:$0x3FFC];
	_ =	sdelay $0x3  }
0xc: {  	_ =	strace s3  }
0xd: {  	s3 =	sld [smem:$0x3FFD];
	_ =	sdelay $0x3  }
0xe: {  	_ =	strace s3  }
0xf: {  	_ =	strace $0x8FFFFFFF  }
0x10: {  	s20 =	sld [smem:$0x3FDB];
	_ =	sdelay $0x1  }
0x11: {  	s4 =	simm.s32 $_scs_section_size  }
0x12: {  	s5 =	simm.s32 $_size__tile_overlayer_lowered;
	s6 =	simm.s32 $_tile_overlayer_lowered  }
0x13: {  	s23 =	simm.s32 $0x1BFF;
	s22 =	sshll.u32 s6, $0x1;
	s3 =	sadd.s32 s4, s20  }
0x14: {  	s7 =	simm.s32 $0x0;
	s21 =	sshll.u32 s5, $0x1;
	s5 =	sadd.s32 s22, s3  }
0x15: {  	[timem:s7], [sflag:s23] =	dma.local [hbm:s5], s21  }
0x16: {  	_ =	swait.ge [sflag:s23], s21  }
0x17: {  	s4 =	ssub.s32 $0x0, s21;
	[sflag:s23] =	ssyncset.done $0x0  }
0x18: {  	[sflag:s23] =	ssyncadd.s32 s4;
	_ =	sdelay $0x1  }
0x19: {  	s24 =	simm.s32 $0x1B8B  }
0x1a: {  	_ =	swait.ge [sflag:s24], $0x1  }
0x1b: {  	[sflag:s24] =	ssyncset.done $0x0  }
0x1c: {  	s26 =	simm.s32 $0x1B8E;
	s25 =	sld [smem:$0x3FFE];
	[sflag:s24] =	ssyncadd.s32 $0xFFFFFFFF  }
0x1d: {  	s27 =	simm.s32 $execute0_lowered;
	[smem:$0x3FD2] =	sst s26  }
0x1e: {  	s5 =	sshll.u32 s27, $0x1;
	_ =	strace $0x80000049;
	[dreg:$0x1] =	wrdreg $0xFFFFFFFF  }
0x1f: {  	s28 =	simm.s32 $_size_execute0_lowered;
	s3 =	sadd.s32 s3, s5;
	[dreg:$0x0] =	wrdreg $0x0  }
0x20: {  	s5 =	sshll.u32 s28, $0x1;
	[dreg:$0x2] =	wrdreg s3  }
0x21: {  	[dreg:$0x3] =	wrdreg s5  }
0x22: {  	[dreg:$0x4] =	wrdreg $0xC0  }
0x23: {  	_ =	task [dreg:s7], $0x5FFFF  }
0x24: {  	[dreg:$0x1] =	wrdreg $0xFFFFFFFF  }
0x25: {  	[dreg:$0x0] =	wrdreg $0x60  }
0x26: {  	[dreg:$0x2] =	wrdreg s25  }
0x27: {  	[dreg:$0x3] =	wrdreg s2  }
0x28: {  	[dreg:$0x4] =	wrdreg $0x9  }
0x29: {  	_ =	task.clear_ibuf [dreg:s7], $0x5FFFF;
	_ =	strace $0x90000049  }
0x2a: {  	s29 =	simm.s32 $0x9;
	_ =	strace $0x8000004B  }
0x2b: {  	_ =	swait.ge [sflag:s29], $0x1  }
0x2c: {  	[sflag:s29] =	ssyncadd.s32 $0xFFFFFFFF  }
0x2d: {  	_ =	strace $0x9000004B  }
0x2e: {  	_ =	sfence  }
0x2f: {  	s30 =	sld [smem:$0x0];
	_ =	sdelay $0x2  }
0x30: {  	s31 =	sshll.u32 s1, $0xD;
	s1 =	sshrl.u32 s1, $0x2  }
0x31: {  	s3 =	sand.u32 $0x4000, s31;
	s1 =	sadd.s32 s1, s30  }
0x32: {  	s0 =	sor.u32 s3, s0;
	s1 =	sshll.u32 s1, $0x11  }
0x33: {  	s0 =	sor.u32 s1, s0  }
0x34: {  	s0 =	sadd.s32 $0x8F2B, s0  }
0x35: {  	[sflag:s0] =	ssyncadd.remote.s32 $0x1  }
0x36: {  	_ =	sfence.sel $0xFFFF  }
0x37: {  	[dreg:$0x0] =	wrdreg $0xFFFFFFFF;
	(pc) =	sbr.abs _section_cstart, $3  }
0x38: {  	[dreg:$0x1] =	wrdreg $0xFFFFFFFF  }
0x39: {  	_ =	task.clear_ibuf [dreg:s7], $0x2FFFF;
	_ =	strace $0x9FFFFFFF  }
0x3a: {  	(tm) =	ssettm $0x7FFFFFFF  }
0x3b: {  	_ =	shalt  }
tec
execute0_lowered:
.L_overlay_start_1:
0x0: {  	(tag) =	ssettag $0x1  }
0x1: {  	s0 =	srdreg.scid  }
0x2: {  	s1 =	sshll.u32 s0, $0x4  }
0x3: {  	s0 =	stileid.u32;
	s1 =	sand.u32 $0x10, s1  }
0x4: {  	s1 =	sor.u32 s0, s1  }
0x5: {  	s6 =	rddreg [dreg:$0x0];
	s4 =	simm.s32 $0x1;
	s2 =	sshll.u32 s1, $0x7  }
0x6: {  	s7 =	simm.s32 $0x2;
	s12 =	simm.s32 $0x0;
	s1 =	ssub.s32 $0x4000, s2  }
0x7: {  	s8 =	simm.s32 $0x20000;
	s13 =	simm.s32 $0x0;
	s3 =	sand.u32 $0xF80, s1  }
0x8: {  	s9 =	simm.s32 $0x0;
	s5 =	sshrl.u32 s1, $0xC;
	p0 =	sne.s32 s3, $0x0  }
.Ltmp0:
0x9: {  	s1 =	rddreg [dreg:$0x2];
	s4 =	simm.s32 @!p0 $0x0;
	(pc) =	sbr.rel .LBB1_1-.Ltmp0, $4  }
0xa: {  	s11 =	simm.s32 $0x0;
	s3 =	rddreg [dreg:$0x1];
	s5 =	sadd.s32 s4, s5  }
0xb: {  	_ =	strace $0x8000004A;
	s4 =	simm.s32 $0x1;
	s5 =	smul.u32 $0x32, s5  }
0xc: {  	s6 =	sadd.s32 $0x1A00, s6;
	s10 =	smov.u32 s2;
	[sflag:s4] =	ssyncpa.u1 $0x0  }
0xd: {  	p0 =	por $0x0, $0x0;
	[sflag:s7] =	ssyncpa.u1 $0x0;
	s7 =	sor.u32 $0x1, s5  }
.LBB1_4:
0xe: {  	s16 =	sshll.u32 s13, $0x3;
	s17 =	sand.u32 $0x78, s13  }
0xf: {  	s30 =	sand.u32 $0x1F800, s13;
	s12 =	sshll.u32 s12, $0x11;
	s16 =	sand.u32 $0x3C00, s16  }
0x10: {  	[tilespmem:s15+$0x810 ss:$0x81] =	vst.msk $0xffff, v2;
	s31 =	sand.u32 $0x7, s13;
	s16 =	sor.u32 s17, s16;
	s17 =	sadd.s32 s3, s30  }
0x11: {  	[tilespmem:s15+$0x1020 ss:$0x81] =	vst.msk $0xffff, v0;
	s13 =	sshll.u32 s31, $0x12;
	s12 =	sadd.s32 s12, s17;
	s16 =	sshrl.u32 s16, $0x3  }
0x12: {  	[tilespmem:s15+$0x0 ss:$0x81] =	vst.msk $0xffff, v1;
	s13 =	sor.u32 $0x400, s13;
	s12 =	sadd.s32 s16, s12  }
0x13: {  	[hbm4b:s12+s13] =	stream.strided.scatter [tilespmem:s14], [sflag:$0x2], $0x2000, s8, s13, $0x20;
	[tilespmem:$0x8080] =	vst v63  }
.LBB1_5:
0x14: {  	s14 =	sadd.s32 $0x1, s9  }
0x15: {  	s12 =	sadd.s32 $0x1000, s10;
	s16 =	smov.u32 s10;
	p2 =	sgt.s32 s14, $0x31  }
0x16: {  	s16 =	smov.u32 @p2 s12  }
0x17: {  	s14 =	simm.s32 @p2 $0x0;
	p2 =	sgt.s32 s16, $0x3FFF  }
0x18: {  	s16 =	smov.u32 @p2 s2;
	p2 =	sne.s32 s11, s7  }
.Ltmp1:
0x19: {  	p1 =	slt.u32 s11, $0x2;
	(pc) =	sbr.rel @!p2 .LBB1_6-.Ltmp1, $4  }
0x1a: {  	s15 =	simm.s32 @!p1 $0x2  }
0x1b: {  	s13 =	smov.u32 s10;
	p0 =	por !p0, !p0;
	_ =	swait.ge @!p1 [sflag:s15], $0x2000  }
0x1c: {  	s12 =	smov.u32 s9;
	[sflag:s15] =	ssyncset.done @!p1 $0x0;
	s9 =	smov.u32 s14  }
0x1d: {  	s11 =	sadd.s32 $0x1, s11;
	[sflag:s15] =	ssyncadd.s32 @!p1 $0xFFFFE000;
	s10 =	smov.u32 s16  }
.LBB1_1:
0x1e: {  	p1 =	sge.u32 s11, s5  }
0x1f: {  	s14 =	sand.u32 @!p1 $0x1FFFFFF, s9  }
0x20: {  	s15 =	smulhi.u32 @!p1 $0x4924925, s14;
	_ =	sdelay $0x1  }
0x21: {  	s15 =	smul.u32 @!p1 $0x38, s15  }
0x22: {  	s16 =	sxor.u32 @!p1 $0xFFFFFFFF, s11;
	s17 =	smul.u32 @!p1 $0x380, s10  }
0x23: {  	s31 =	sadd.s32 $0xFFFFFFFF, s11;
	s16 =	sshll.u32 @!p1 s16, $0xD;
	s14 =	ssub.s32 @!p1 s14, s15  }
0x24: {  	s15 =	sand.u32 @!p1 $0x2000, s16;
	s16 =	sadd.s32 @!p1 s6, s17;
	s14 =	sshll.u32 @!p1 s14, $0x4  }
0x25: {  	s17 =	simm.s32 @!p1 $0x1C00;
	s14 =	sadd.s32 @!p1 s14, s16;
	s16 =	simm.s32 @!p1 $0x40  }
0x26: {  	[tilespmem:s15], [sflag:$0x1] =	stream.strided.gather @!p1 [hbm4b:s14+s16], $0x2000, s17, s16, $0x38;
	[tilespmem:$0x8080] =	vst v63  }
0x27: {  	p1 =	sge.u32 s31, s5  }
.Ltmp2:
0x28: {  	_ = 	snop;
	(pc) =	sbr.rel @p1 .LBB1_5-.Ltmp2, $1  }
0x29: {  	_ =	sdelay $0x3  }
0x2a: {  	s14 =	simm.s32 $0x1  }
0x2b: {  	_ =	swait.ge [sflag:s4], $0x2000;
	s14 =	simm.s32 @!p0 $0x0  }
0x2c: {  	[sflag:s4] =	ssyncset.done $0x0;
	s15 =	sshll.u32 s14, $0xD  }
0x2d: {  	[sflag:s4] =	ssyncadd.s32 $0xFFFFE000;
	s18 =	sor.u32 $0x20, s15  }
0x2e: {  	s14 =	smul.u32 $0x8100, s14;
	v3 =	vld [tilespmem:s18+$0x10]  }
0x2f: {  	s30 =	sand.u32 $0x1, s11;
	v2 =	vld [tilespmem:s18+$0xFFFFFFF0]  }
0x30: {  	s15 =	smul.u32 $0x8100, s30;
	s14 =	sshrl.u32 s14, $0x2;
	v0 =	vld [tilespmem:s18+$0x0]  }
0x31: {  	v1 =	vld [tilespmem:s18+$0xFFFFFFE0];
	s16 =	sor.u32 $0x4000, s14  }
0x32: {  	s31 =	sshrl.u32 s15, $0x2;
	s15 =	sadd.s32 $0x0, s16  }
0x33: {  	s17 =	simm.s32 $0x4;
	s18 =	sadd.s32 $0x40, s18;
	s14 =	sor.u32 $0x4000, s31;
	[tilespmem:s15+$0x1830 ss:$0x81] =	vst.msk $0xffff, v3  }
.LBB1_3:
0x34: {  	v3 =	vld [tilespmem:s18+$0x10];
	p1 =	sne.s32 s17, $0x1FC;
	[tilespmem:s15+$0x810 ss:$0x81] =	vst.msk $0xffff, v2;
	s19 =	smov.u32 s17;
	s17 =	sadd.s32 $0x4, s17  }
.Ltmp3:
0x35: {  	v2 =	vld [tilespmem:s18+$0xFFFFFFF0];
	[tilespmem:s15+$0x1020 ss:$0x81] =	vst.msk $0xffff, v0;
	(pc) =	sbr.rel @p1 .LBB1_3-.Ltmp3, $4  }
0x36: {  	v0 =	vld [tilespmem:s18+$0x0];
	[tilespmem:s15+$0x0 ss:$0x81] =	vst.msk $0xffff, v1  }
0x37: {  	s15 =	sshra.s32 s19, $0x2;
	v1 =	vld [tilespmem:s18+$0xFFFFFFE0]  }
0x38: {  	s15 =	sadd.s32 s15, s16  }
0x39: {  	s18 =	sadd.s32 $0x40, s18;
	[tilespmem:s15+$0x1830 ss:$0x81] =	vst.msk $0xffff, v3  }
.Ltmp4:
0x3a: {  	_ = 	snop;
	(pc) =	sbr.rel .LBB1_4-.Ltmp4, $1  }
0x3b: {  	_ =	sdelay $0x3  }
.LBB1_6:
0x3c: {  	_ =	sfence.sel $0x180000  }
0x3d: {  	s2 =	simm.s32 $0x1;
	[bflag:$0x0] =	sbarrier.arrive $0xFFFF  }
0x3e: {  	s31 =	simm.s32 $0x2;
	[sflag:s2] =	ssyncpa.u1 $0x1  }
0x3f: {  	[sflag:s31] =	ssyncpa.u1 $0x1  }
0x40: {  	p0 =	sne.s32 s0, $0x0;
	_ =	strace $0x9000004A  }
0x41: {  	s0 =	sadd.s32 @!p0 $0x100000, s1;
	[bflag:$0x2] =	sbarrier.arrive $0xFFFF  }
0x42: {  	[sflag:s0] =	ssyncadd.tile.s32 @!p0 $0x1;
	_ =	shalt  }
.Lfunc_end1:
_tile_overlayer_lowered:
.L_overlay_start_2:
0x43: {  	(tag) =	ssettag $0x2  }
0x44: {  	s0 =	rddreg [dreg:$0x0];
	s2 =	stileid.u32  }
0x45: {  	s1 =	rddreg [dreg:$0x1];
	p0 =	sne.s32 s2, $0x0  }
0x46: {  	s3 =	rddreg [dreg:$0x2];
	[bflag:$0x3] =	sbarrier.arrive $0xFFFF;
	s2 =	simm.s32 @!p0 $0x1C01  }
0x47: {  	[timem:s3], [sflag:s2] =	dma.local @!p0 [hbm:s0], s1  }
0x48: {  	s0 =	simm.s32 @!p0 $0x1  }
0x49: {  	_ =	swait.ge @!p0 [sflag:s0], s1  }
0x4a: {  	s1 =	ssub.s32 @!p0 $0x0, s1;
	[sflag:s0] =	ssyncset.done @!p0 $0x0  }
0x4b: {  	[sflag:s0] =	ssyncadd.s32 @!p0 s1  }
0x4c: {  	[bflag:$0x3] =	sbarrier.arrive $0xFFFF  }
0x4d: {  	_ =	shalt  }

</sc_bundles>
